<compile_context>
chip_gen: v7x
topology: tpu7x:2x2x1
jax: 0.10.2.dev20260603
libtpu: 0.0.44.dev20260713+nightly
codegen_flags: <defaults>
</compile_context>

<pallas_src>
import functools

import jax
import jax.numpy as jnp
from jax import lax
from jax.experimental import pallas as pl
from jax.experimental.pallas import tpu as pltpu
from jax.experimental.pallas import tpu_sc as plsc

N = 100000
NP = 100096
E = 3200000
G = 512
HP = 8
NC = 2
NS = 16
NW = NC * NS
EPW = E // NW
C = 2000
NCH = EPW // C
RPT = NP // NS
NF = NP // 16
NROWS = N // 16
PPW = NP // NW

_mesh = plsc.VectorSubcoreMesh(core_axis_name="c", subcore_axis_name="s")
_sc_params = pltpu.CompilerParams(needs_layout_passes=False,
                                  use_tc_tiling_on_sc=False)


def _patterns():
    iot = lax.broadcasted_iota(jnp.int32, (16,), 0)
    return iot >> 3, iot & 7


def _zero_rows8(ref, nrows):
    rp, cp = _patterns()
    z = jnp.zeros((16,), jnp.float32)

    def st(i, _):
        plsc.store_scatter(ref, [rp + 2 * i, cp], z)
        return 0

    lax.fori_loop(0, nrows // 2, st, 0)


@functools.partial(
    pl.kernel,
    out_type=jax.ShapeDtypeStruct((2 * NP, HP), jnp.float32),
    mesh=_mesh,
    compiler_params=_sc_params,
    scratch_types=[
        pltpu.VMEM_SHARED((NP, HP), jnp.float32),
        pltpu.VMEM((C,), jnp.int32),
        pltpu.VMEM((C,), jnp.int32),
        pltpu.VMEM((C * HP // 128, 128), jnp.bfloat16),
        pltpu.VMEM((C, HP), jnp.float32),
        pltpu.VMEM((C,), jnp.int32),
        pltpu.VMEM((C,), jnp.int32),
        pltpu.VMEM((C * HP // 128, 128), jnp.bfloat16),
        pltpu.VMEM((C, HP), jnp.float32),
        pltpu.SemaphoreType.DMA,
        pltpu.SemaphoreType.DMA,
        pltpu.SemaphoreType.DMA,
        pltpu.SemaphoreType.DMA,
    ],
)
def _sc_aggr(h_hbm, src_hbm, dst_hbm, ea_hbm, out_hbm,
             acc_sp, sidx0, didx0, ebuf0, gbuf0,
             sidx1, didx1, ebuf1, gbuf1, isem0, gsem0, isem1, gsem1):
    c = lax.axis_index("c")
    s = lax.axis_index("s")
    wid = c * NS + s

    r0 = s * RPT
    _zero_rows8(gbuf0, C)
    for k in range(RPT // C):
        pltpu.sync_copy(gbuf0, acc_sp.at[pl.ds(r0 + k * C, C)])
    rem = RPT % C
    if rem:
        pltpu.sync_copy(gbuf0.at[pl.ds(0, rem)],
                        acc_sp.at[pl.ds(r0 + (RPT // C) * C, rem)])
    plsc.subcore_barrier()

    ebase = wid * EPW
    iot = lax.broadcasted_iota(jnp.int32, (16,), 0)
    rp4 = iot >> 2
    cpe = (iot & 3) * 2
    cpo = cpe + 1

    bufs = ((sidx0, didx0, ebuf0, gbuf0, isem0, gsem0),
            (sidx1, didx1, ebuf1, gbuf1, isem1, gsem1))

    def prefetch(i, bb):
        off = jnp.where(i < NCH, ebase + i * C, ebase)
        pltpu.async_copy(src_hbm.at[pl.ds(off, C)], bb[0], bb[4])
        pltpu.async_copy(dst_hbm.at[pl.ds(off, C)], bb[1], bb[4])
        pltpu.async_copy(ea_hbm.at[pl.ds(off * HP // 128, C * HP // 128)], bb[2], bb[4])

    def wait_inputs(bb):
        pltpu.make_async_copy(src_hbm.at[pl.ds(0, C)], bb[0], bb[4]).wait()
        pltpu.make_async_copy(dst_hbm.at[pl.ds(0, C)], bb[1], bb[4]).wait()
        pltpu.make_async_copy(ea_hbm.at[pl.ds(0, C * HP // 128)], bb[2], bb[4]).wait()

    def start_gather(bb):
        pltpu.async_copy(h_hbm.at[bb[0]], bb[3], bb[5])

    def wait_gather(bb):
        pltpu.make_async_copy(h_hbm.at[pl.ds(0, C)], bb[3], bb[5]).wait()

    def compute(bb):
        gbuf, ebuf = bb[3], bb[2]

        @plsc.parallel_loop(0, C // 4, unroll=4)
        def vstep(j):
            ridx = rp4 + 4 * j
            eab = ebuf[j >> 2, pl.ds((j & 3) * 32, 32)]
            ae, ao = plsc.unpack(eab, format=plsc.PackFormat.INTERLEAVED)
            ge = plsc.load_gather(gbuf, [ridx, cpe])
            go = plsc.load_gather(gbuf, [ridx, cpo])
            plsc.store_scatter(gbuf, [ridx, cpe], jnp.maximum(ge + ae, 0.0))
            plsc.store_scatter(gbuf, [ridx, cpo], jnp.maximum(go + ao, 0.0))

    prefetch(0, bufs[0])
    wait_inputs(bufs[0])
    start_gather(bufs[0])
    prefetch(1, bufs[1])

    def pair(k, _):
        for b in (0, 1):
            i = 2 * k + b
            sb, ob = bufs[b], bufs[1 - b]
            wait_inputs(ob)
            start_gather(ob)
            wait_gather(sb)
            compute(sb)
            pltpu.sync_copy(sb[3], acc_sp.at[sb[1]], add=True)
            prefetch(i + 2, sb)
        return 0

    lax.fori_loop(0, NCH // 2, pair, 0)
    wait_gather(bufs[0])
    wait_inputs(bufs[1])
    plsc.subcore_barrier()

    pltpu.sync_copy(acc_sp.at[pl.ds(r0, RPT)],
                    out_hbm.at[pl.ds(c * NP + r0, RPT)])


@functools.partial(
    pl.kernel,
    out_type=jax.ShapeDtypeStruct((2 * G, HP), jnp.float32),
    mesh=_mesh,
    compiler_params=_sc_params,
    scratch_types=[
        pltpu.VMEM_SHARED((G, HP), jnp.float32),
        pltpu.VMEM((PPW,), jnp.int32),
        pltpu.VMEM((PPW, HP), jnp.float32),
        pltpu.VMEM((G, HP), jnp.float32),
    ],
)
def _sc_pool(h_hbm, b_hbm, out_hbm, acc_sp, bidx, rows, zbuf):
    c = lax.axis_index("c")
    s = lax.axis_index("s")
    wid = c * NS + s

    @pl.when(s == 0)
    def _():
        _zero_rows8(zbuf, G)
        pltpu.sync_copy(zbuf, acc_sp)

    plsc.subcore_barrier()
    r0 = wid * PPW
    pltpu.sync_copy(b_hbm.at[pl.ds(r0, PPW)], bidx)
    pltpu.sync_copy(h_hbm.at[pl.ds(r0, PPW)], rows)
    pltpu.sync_copy(rows, acc_sp.at[bidx], add=True)
    plsc.subcore_barrier()

    @pl.when(s == 0)
    def _():
        pltpu.sync_copy(acc_sp, out_hbm.at[pl.ds(c * G, G)])


def _tc_update_body(h_ref, p_ref, w_ref, b_ref, o_ref, *, relu, ones_col):
    t = h_ref[...] + p_ref[0] + p_ref[1]
    y = jnp.dot(t, w_ref[...], preferred_element_type=jnp.float32) + b_ref[...]
    if relu:
        y = jnp.maximum(y, 0.0)
    if ones_col:
        lane = lax.broadcasted_iota(jnp.int32, (NF, 128), 1)
        row = lax.broadcasted_iota(jnp.int32, (NF, 128), 0)
        y = jnp.where(lane % HP == 6, 1.0, y)
        y = jnp.where(row < NROWS, y, 0.0)
    o_ref[...] = y


def _tc_update(hf, part, bd, bt, relu, ones_col):
    return pl.pallas_call(
        functools.partial(_tc_update_body, relu=relu, ones_col=ones_col),
        out_shape=jax.ShapeDtypeStruct((NF, 128), jnp.float32),
    )(hf, part, bd, bt)


def _tc_final_body(p_ref, wl_ref, bl_ref, o_ref):
    t = p_ref[0] + p_ref[1]
    cnt = jnp.maximum(t[:, 6:7], 1.0)
    pooled = t / cnt
    o_ref[...] = jnp.sum(pooled * wl_ref[...], axis=1, keepdims=True) + bl_ref[...]


def kernel(x, edge_index, edge_attr, batch, W1, b1, W2, b2, W3, b3, Wl, bl):
    f32 = jnp.float32
    src = edge_index[0].astype(jnp.int32)
    dst = edge_index[1].astype(jnp.int32)

    x8 = jnp.pad(x.astype(f32), ((0, NP - N), (0, HP - x.shape[1])))
    p68 = jnp.zeros((6, HP), f32).at[jnp.arange(6), jnp.arange(6)].set(1.0)
    ea = (edge_attr.astype(f32) @ p68).astype(jnp.bfloat16)
    ea = ea.reshape(E * HP // 128, 128)
    batchp = jnp.pad(batch.astype(jnp.int32), (0, NP - N))

    eye16 = jnp.eye(16, dtype=f32)

    def expand(Wk, bk):
        w8 = jnp.zeros((HP, HP), f32).at[:6, :6].set(Wk.T.astype(f32))
        bd = jnp.kron(eye16, w8)
        bt = jnp.tile(jnp.pad(bk.astype(f32), (0, HP - 6)), 16).reshape(1, 128)
        return bd, bt

    bd1, bt1 = expand(W1, b1)
    bd2, bt2 = expand(W2, b2)
    bd3, bt3 = expand(W3, b3)

    h = x8
    for bd, bt, relu, ones_col in ((bd1, bt1, True, False),
                                   (bd2, bt2, True, False),
                                   (bd3, bt3, False, True)):
        part = _sc_aggr(h, src, dst, ea)
        part = part.reshape(2, NF, 128)
        hf = h.reshape(NF, 128)
        h = _tc_update(hf, part, bd, bt, relu, ones_col).reshape(NP, HP)

    pool = _sc_pool(h, batchp).reshape(2, G, HP)

    wl8 = jnp.pad(Wl[0].astype(f32), (0, HP - 6)).reshape(1, HP)
    blr = bl.astype(f32).reshape(1, 1)
    out = pl.pallas_call(
        _tc_final_body,
        out_shape=jax.ShapeDtypeStruct((G, 1), jnp.float32),
    )(pool, wl8, blr)
    return out

# --- scband reference (transcript-rebuilt; emitter-appended) ---
"""Pipeline reference for scband-gnmodel-9844065042805 (READ-ONLY COPY).

The authoritative reference and input builder live on the scoring server;
editing this copy changes nothing except your own understanding.
"""

import jax, jax.numpy as jnp
import numpy as np

N = 100000
E = 3200000
H = 6
G = 512


def setup_inputs(seed: int = 0) -> dict:
    key = jax.random.key(seed)
    ks = jax.random.split(key, 14)
    x = jax.random.normal(ks[0], (N, H), dtype=jnp.float32)
    edge_index = jax.random.randint(ks[1], (2, E), 0, N)
    edge_attr = jax.random.normal(ks[2], (E, H), dtype=jnp.float32)
    batch = jnp.sort(jax.random.randint(ks[3], (N,), 0, G))
    s = 1.0 / np.sqrt(H)
    W1 = jax.random.uniform(ks[4], (H, H), jnp.float32, -s, s)
    b1 = jax.random.uniform(ks[5], (H,), jnp.float32, -s, s)
    W2 = jax.random.uniform(ks[6], (H, H), jnp.float32, -s, s)
    b2 = jax.random.uniform(ks[7], (H,), jnp.float32, -s, s)
    W3 = jax.random.uniform(ks[8], (H, H), jnp.float32, -s, s)
    b3 = jax.random.uniform(ks[9], (H,), jnp.float32, -s, s)
    Wl = jax.random.uniform(ks[10], (1, H), jnp.float32, -s, s)
    bl = jax.random.uniform(ks[11], (1,), jnp.float32, -s, s)
    return {"x": x, "edge_index": edge_index, "edge_attr": edge_attr, "batch": batch,
            "W1": W1, "b1": b1, "W2": W2, "b2": b2, "W3": W3, "b3": b3, "Wl": Wl, "bl": bl}


def _gine_conv(x, edge_index, edge_attr, W, b, eps=0.0):
    # PyG GINEConv: out = nn((1+eps)*x_i + sum_{j in N(i)} relu(x_j + e_ji))
    src = edge_index[0]
    dst = edge_index[1]
    m = jax.nn.relu(x[src] + edge_attr)          # gather + elementwise (memory bound)
    aggr = jax.ops.segment_sum(m, dst, num_segments=x.shape[0])  # scatter-add
    h = (1.0 + eps) * x + aggr
    return h @ W.T + b


def reference(x, edge_index, edge_attr, batch, W1, b1, W2, b2, W3, b3, Wl, bl):
    h = jax.nn.relu(_gine_conv(x, edge_index, edge_attr, W1, b1))
    h = jax.nn.relu(_gine_conv(h, edge_index, edge_attr, W2, b2))
    h = _gine_conv(h, edge_index, edge_attr, W3, b3)
    # global_mean_pool over batch ids
    sums = jax.ops.segment_sum(h, batch, num_segments=G)
    cnts = jax.ops.segment_sum(jnp.ones((h.shape[0], 1), h.dtype), batch, num_segments=G)
    pooled = sums / jnp.maximum(cnts, 1.0)
    return pooled @ Wl.T + bl

if __name__ == "__main__":
    import jax
    _d = setup_inputs()
    print(jax.jit(kernel)(*tuple(_d.values())))

</pallas_src>

<mosaic_0001>
#map = affine_map<(d0, d1) -> (0, 0)>
#map1 = affine_map<(d0, d1) -> (0)>
module attributes {stable_mosaic.version = 14 : i64} {
  func.func @_sc_aggr(%arg0: i32, %arg1: i32, %arg2: memref<100096x8xf32, #tpu.memory_space<hbm>>, %arg3: memref<3200000xi32, #tpu.memory_space<hbm>>, %arg4: memref<3200000xi32, #tpu.memory_space<hbm>>, %arg5: memref<200000x128xbf16, #tpu.memory_space<hbm>>, %arg6: memref<200192x8xf32, #tpu.memory_space<hbm>>, %arg7: memref<100096x8xf32, #tpu.memory_space<vmem_shared>>, %arg8: memref<2000xi32, #tpu.memory_space<vmem>>, %arg9: memref<2000xi32, #tpu.memory_space<vmem>>, %arg10: memref<125x128xbf16, #tpu.memory_space<vmem>>, %arg11: memref<2000x8xf32, #tpu.memory_space<vmem>>, %arg12: memref<2000xi32, #tpu.memory_space<vmem>>, %arg13: memref<2000xi32, #tpu.memory_space<vmem>>, %arg14: memref<125x128xbf16, #tpu.memory_space<vmem>>, %arg15: memref<2000x8xf32, #tpu.memory_space<vmem>>, %arg16: memref<!tpu.dma_semaphore, #tpu.memory_space<semaphore_mem>>, %arg17: memref<!tpu.dma_semaphore, #tpu.memory_space<semaphore_mem>>, %arg18: memref<!tpu.dma_semaphore, #tpu.memory_space<semaphore_mem>>, %arg19: memref<!tpu.dma_semaphore, #tpu.memory_space<semaphore_mem>>) attributes {dimension_semantics = [#tpu.dimension_semantics<core_parallel>, #tpu.dimension_semantics<subcore_parallel>], iteration_bounds = array<i64: 2, 16>, scalar_prefetch = 0 : i64, scratch_operands = 13 : i64, tpu.core_type = #tpu.core_type<sc_vector_subcore>, window_params = [{transform_indices = #map}, {transform_indices = #map1}, {transform_indices = #map1}, {transform_indices = #map}, {transform_indices = #map}]} {
    %mul3A = arith.constant 16 : i32
    %mul3A_0 = arith.muli %arg0, %mul3A : i32
    %add3A = arith.addi %mul3A_0, %arg1 : i32
    %mul3A_1 = arith.constant 6256 : i32
    %mul3A_2 = arith.muli %arg1, %mul3A_1 : i32
    %iota3A = tpu.iota {dimensions = array<i32: 0>} : vector<16xi32>
    %shift_right_arithmetic3A = arith.constant 3 : i32
    %shift_right_arithmetic3A_3 = vector.broadcast %shift_right_arithmetic3A : i32 to vector<16xi32>
    %shift_right_arithmetic3A_4 = arith.shrsi %iota3A, %shift_right_arithmetic3A_3 : vector<16xi32>
    %and3A = arith.constant 7 : i32
    %and3A_5 = vector.broadcast %and3A : i32 to vector<16xi32>
    %and3A_6 = arith.andi %iota3A, %and3A_5 : vector<16xi32>
    %broadcast_in_dim3A = arith.constant 0.000000e+00 : f32
    %broadcast_in_dim3A_7 = vector.broadcast %broadcast_in_dim3A : f32 to vector<16xf32>
    %scan3A = arith.constant 0 : i32
    %scan3A_8 = arith.constant 0 : i32
    %scan3A_9 = arith.constant 1000 : i32
    %scan3A_10 = arith.addi %scan3A_8, %scan3A_9 : i32
    %scan3A_11 = arith.constant 1 : i32
    %scan3A_12 = scf.for %scan3A_152 = %scan3A_8 to %scan3A_10 step %scan3A_11 iter_args(%scan3A_153 = %scan3A) -> (i32)  : i32 {
      %mul3A_154 = arith.constant 2 : i32
      %mul3A_155 = arith.muli %mul3A_154, %scan3A_152 : i32
      %add3A_156 = vector.broadcast %mul3A_155 : i32 to vector<16xi32>
      %add3A_157 = arith.addi %shift_right_arithmetic3A_4, %add3A_156 : vector<16xi32>
      tpu.vector_store_idx %arg11[%add3A_157, %and3A_6], %broadcast_in_dim3A_7 : memref<2000x8xf32, #tpu.memory_space<vmem>>[vector<16xi32>, vector<16xi32>], vector<16xf32>,
      %scan3A_158 = arith.constant 0 : i32
      scf.yield %scan3A_158 : i32
    }
    %scan3A_13 = arith.constant 1000 : i32
    %add3A_14 = arith.constant 0 : i32
    %add3A_15 = arith.addi %mul3A_2, %add3A_14 : i32
    "tpu.region"() ({
      %run_scoped3A = tpu.sem_alloc : memref<!tpu.dma_semaphore, #tpu.memory_space<semaphore_mem>>
      %dma_start3A_152 = arith.constant 0 : i32
      %dma_start3A_153 = tpu.memref_slice %arg7[%add3A_15, %dma_start3A_152] : memref<100096x8xf32, #tpu.memory_space<vmem_shared>> -> memref<2000x8xf32, #tpu.memory_space<vmem_shared>>
      %dma_start3A_154 = arith.constant 0 : i32
      %dma_start3A_155 = tpu.memref_slice %arg7[%add3A_15, %dma_start3A_154] : memref<100096x8xf32, #tpu.memory_space<vmem_shared>> -> memref<2000x8xf32, #tpu.memory_space<vmem_shared>>
      tpu.enqueue_dma source(%arg11 : memref<2000x8xf32, #tpu.memory_space<vmem>>) target(%dma_start3A_155 : memref<2000x8xf32, #tpu.memory_space<vmem_shared>>) target_semaphore(%run_scoped3A : memref<!tpu.dma_semaphore, #tpu.memory_space<semaphore_mem>>)
      %dma_wait3A_156 = arith.constant 0 : i32
      %dma_wait3A_157 = tpu.memref_slice %arg7[%add3A_15, %dma_wait3A_156] : memref<100096x8xf32, #tpu.memory_space<vmem_shared>> -> memref<2000x8xf32, #tpu.memory_space<vmem_shared>>
      %dma_wait3A_158 = arith.constant 0 : i32
      %dma_wait3A_159 = tpu.memref_slice %arg7[%add3A_15, %dma_wait3A_158] : memref<100096x8xf32, #tpu.memory_space<vmem_shared>> -> memref<2000x8xf32, #tpu.memory_space<vmem_shared>>
      tpu.wait_dma2 semaphore(%run_scoped3A : memref<!tpu.dma_semaphore, #tpu.memory_space<semaphore_mem>>) src(%arg11 : memref<2000x8xf32, #tpu.memory_space<vmem>>) dst(%dma_wait3A_159 : memref<2000x8xf32, #tpu.memory_space<vmem_shared>>)
      tpu.yield
    }) : () -> ()
    %add3A_16 = arith.constant 2000 : i32
    %add3A_17 = arith.addi %mul3A_2, %add3A_16 : i32
    "tpu.region"() ({
      %run_scoped3A = tpu.sem_alloc : memref<!tpu.dma_semaphore, #tpu.memory_space<semaphore_mem>>
      %dma_start3A_152 = arith.constant 0 : i32
      %dma_start3A_153 = tpu.memref_slice %arg7[%add3A_17, %dma_start3A_152] : memref<100096x8xf32, #tpu.memory_space<vmem_shared>> -> memref<2000x8xf32, #tpu.memory_space<vmem_shared>>
      %dma_start3A_154 = arith.constant 0 : i32
      %dma_start3A_155 = tpu.memref_slice %arg7[%add3A_17, %dma_start3A_154] : memref<100096x8xf32, #tpu.memory_space<vmem_shared>> -> memref<2000x8xf32, #tpu.memory_space<vmem_shared>>
      tpu.enqueue_dma source(%arg11 : memref<2000x8xf32, #tpu.memory_space<vmem>>) target(%dma_start3A_155 : memref<2000x8xf32, #tpu.memory_space<vmem_shared>>) target_semaphore(%run_scoped3A : memref<!tpu.dma_semaphore, #tpu.memory_space<semaphore_mem>>)
      %dma_wait3A_156 = arith.constant 0 : i32
      %dma_wait3A_157 = tpu.memref_slice %arg7[%add3A_17, %dma_wait3A_156] : memref<100096x8xf32, #tpu.memory_space<vmem_shared>> -> memref<2000x8xf32, #tpu.memory_space<vmem_shared>>
      %dma_wait3A_158 = arith.constant 0 : i32
      %dma_wait3A_159 = tpu.memref_slice %arg7[%add3A_17, %dma_wait3A_158] : memref<100096x8xf32, #tpu.memory_space<vmem_shared>> -> memref<2000x8xf32, #tpu.memory_space<vmem_shared>>
      tpu.wait_dma2 semaphore(%run_scoped3A : memref<!tpu.dma_semaphore, #tpu.memory_space<semaphore_mem>>) src(%arg11 : memref<2000x8xf32, #tpu.memory_space<vmem>>) dst(%dma_wait3A_159 : memref<2000x8xf32, #tpu.memory_space<vmem_shared>>)
      tpu.yield
    }) : () -> ()
    %add3A_18 = arith.constant 4000 : i32
    %add3A_19 = arith.addi %mul3A_2, %add3A_18 : i32
    "tpu.region"() ({
      %run_scoped3A = tpu.sem_alloc : memref<!tpu.dma_semaphore, #tpu.memory_space<semaphore_mem>>
      %dma_start3A_152 = arith.constant 0 : i32
      %dma_start3A_153 = tpu.memref_slice %arg7[%add3A_19, %dma_start3A_152] : memref<100096x8xf32, #tpu.memory_space<vmem_shared>> -> memref<2000x8xf32, #tpu.memory_space<vmem_shared>>
      %dma_start3A_154 = arith.constant 0 : i32
      %dma_start3A_155 = tpu.memref_slice %arg7[%add3A_19, %dma_start3A_154] : memref<100096x8xf32, #tpu.memory_space<vmem_shared>> -> memref<2000x8xf32, #tpu.memory_space<vmem_shared>>
      tpu.enqueue_dma source(%arg11 : memref<2000x8xf32, #tpu.memory_space<vmem>>) target(%dma_start3A_155 : memref<2000x8xf32, #tpu.memory_space<vmem_shared>>) target_semaphore(%run_scoped3A : memref<!tpu.dma_semaphore, #tpu.memory_space<semaphore_mem>>)
      %dma_wait3A_156 = arith.constant 0 : i32
      %dma_wait3A_157 = tpu.memref_slice %arg7[%add3A_19, %dma_wait3A_156] : memref<100096x8xf32, #tpu.memory_space<vmem_shared>> -> memref<2000x8xf32, #tpu.memory_space<vmem_shared>>
      %dma_wait3A_158 = arith.constant 0 : i32
      %dma_wait3A_159 = tpu.memref_slice %arg7[%add3A_19, %dma_wait3A_158] : memref<100096x8xf32, #tpu.memory_space<vmem_shared>> -> memref<2000x8xf32, #tpu.memory_space<vmem_shared>>
      tpu.wait_dma2 semaphore(%run_scoped3A : memref<!tpu.dma_semaphore, #tpu.memory_space<semaphore_mem>>) src(%arg11 : memref<2000x8xf32, #tpu.memory_space<vmem>>) dst(%dma_wait3A_159 : memref<2000x8xf32, #tpu.memory_space<vmem_shared>>)
      tpu.yield
    }) : () -> ()
    %add3A_20 = arith.constant 6000 : i32
    %add3A_21 = arith.addi %mul3A_2, %add3A_20 : i32
    "tpu.region"() ({
      %run_scoped3A = tpu.sem_alloc : memref<!tpu.dma_semaphore, #tpu.memory_space<semaphore_mem>>
      %dma_start3A_152 = arith.constant 0 : i32
      %dma_start3A_153 = arith.constant 0 : i32
      %dma_start3A_154 = tpu.memref_slice %arg11[%dma_start3A_152, %dma_start3A_153] : memref<2000x8xf32, #tpu.memory_space<vmem>> -> memref<256x8xf32, #tpu.memory_space<vmem>>
      %dma_start3A_155 = arith.constant 0 : i32
      %dma_start3A_156 = tpu.memref_slice %arg7[%add3A_21, %dma_start3A_155] : memref<100096x8xf32, #tpu.memory_space<vmem_shared>> -> memref<256x8xf32, #tpu.memory_space<vmem_shared>>
      %dma_start3A_157 = arith.constant 0 : i32
      %dma_start3A_158 = tpu.memref_slice %arg7[%add3A_21, %dma_start3A_157] : memref<100096x8xf32, #tpu.memory_space<vmem_shared>> -> memref<256x8xf32, #tpu.memory_space<vmem_shared>>
      %dma_start3A_159 = arith.constant 0 : i32
      %dma_start3A_160 = arith.constant 0 : i32
      %dma_start3A_161 = tpu.memref_slice %arg11[%dma_start3A_159, %dma_start3A_160] : memref<2000x8xf32, #tpu.memory_space<vmem>> -> memref<256x8xf32, #tpu.memory_space<vmem>>
      tpu.enqueue_dma source(%dma_start3A_161 : memref<256x8xf32, #tpu.memory_space<vmem>>) target(%dma_start3A_158 : memref<256x8xf32, #tpu.memory_space<vmem_shared>>) target_semaphore(%run_scoped3A : memref<!tpu.dma_semaphore, #tpu.memory_space<semaphore_mem>>)
      %dma_wait3A_162 = arith.constant 0 : i32
      %dma_wait3A_163 = arith.constant 0 : i32
      %dma_wait3A_164 = tpu.memref_slice %arg11[%dma_wait3A_162, %dma_wait3A_163] : memref<2000x8xf32, #tpu.memory_space<vmem>> -> memref<256x8xf32, #tpu.memory_space<vmem>>
      %dma_wait3A_165 = arith.constant 0 : i32
      %dma_wait3A_166 = tpu.memref_slice %arg7[%add3A_21, %dma_wait3A_165] : memref<100096x8xf32, #tpu.memory_space<vmem_shared>> -> memref<256x8xf32, #tpu.memory_space<vmem_shared>>
      %dma_wait3A_167 = arith.constant 0 : i32
      %dma_wait3A_168 = tpu.memref_slice %arg7[%add3A_21, %dma_wait3A_167] : memref<100096x8xf32, #tpu.memory_space<vmem_shared>> -> memref<256x8xf32, #tpu.memory_space<vmem_shared>>
      %dma_wait3A_169 = arith.constant 0 : i32
      %dma_wait3A_170 = arith.constant 0 : i32
      %dma_wait3A_171 = tpu.memref_slice %arg11[%dma_wait3A_169, %dma_wait3A_170] : memref<2000x8xf32, #tpu.memory_space<vmem>> -> memref<256x8xf32, #tpu.memory_space<vmem>>
      tpu.wait_dma2 semaphore(%run_scoped3A : memref<!tpu.dma_semaphore, #tpu.memory_space<semaphore_mem>>) src(%dma_wait3A_171 : memref<256x8xf32, #tpu.memory_space<vmem>>) dst(%dma_wait3A_168 : memref<256x8xf32, #tpu.memory_space<vmem_shared>>)
      tpu.yield
    }) : () -> ()
    %barrier3A = arith.constant 0 : index
    tpu.barrier barrier_id(%barrier3A)
    %mul3A_22 = arith.constant 100000 : i32
    %mul3A_23 = arith.muli %add3A, %mul3A_22 : i32
    %iota3A_24 = tpu.iota {dimensions = array<i32: 0>} : vector<16xi32>
    %shift_right_arithmetic3A_25 = arith.constant 2 : i32
    %shift_right_arithmetic3A_26 = vector.broadcast %shift_right_arithmetic3A_25 : i32 to vector<16xi32>
    %shift_right_arithmetic3A_27 = arith.shrsi %iota3A_24, %shift_right_arithmetic3A_26 : vector<16xi32>
    %and3A_28 = arith.constant 3 : i32
    %and3A_29 = vector.broadcast %and3A_28 : i32 to vector<16xi32>
    %and3A_30 = arith.andi %iota3A_24, %and3A_29 : vector<16xi32>
    %mul3A_31 = arith.constant 2 : i32
    %mul3A_32 = vector.broadcast %mul3A_31 : i32 to vector<16xi32>
    %mul3A_33 = arith.muli %and3A_30, %mul3A_32 : vector<16xi32>
    %add3A_34 = arith.constant 1 : i32
    %add3A_35 = vector.broadcast %add3A_34 : i32 to vector<16xi32>
    %add3A_36 = arith.addi %mul3A_33, %add3A_35 : vector<16xi32>
    %add3A_37 = arith.constant 0 : i32
    %add3A_38 = arith.addi %mul3A_23, %add3A_37 : i32
    %jit3A = arith.constant true
    %select_n3A = arith.select %jit3A, %add3A_38, %mul3A_23 : i32
    %dma_start3A = tpu.memref_slice %arg3[%select_n3A] : memref<3200000xi32, #tpu.memory_space<hbm>> -> memref<2000xi32, #tpu.memory_space<hbm>>
    %dma_start3A_39 = tpu.memref_slice %arg3[%select_n3A] : memref<3200000xi32, #tpu.memory_space<hbm>> -> memref<2000xi32, #tpu.memory_space<hbm>>
    tpu.enqueue_dma source(%dma_start3A_39 : memref<2000xi32, #tpu.memory_space<hbm>>) target(%arg8 : memref<2000xi32, #tpu.memory_space<vmem>>) target_semaphore(%arg16 : memref<!tpu.dma_semaphore, #tpu.memory_space<semaphore_mem>>)
    %dma_start3A_40 = tpu.memref_slice %arg4[%select_n3A] : memref<3200000xi32, #tpu.memory_space<hbm>> -> memref<2000xi32, #tpu.memory_space<hbm>>
    %dma_start3A_41 = tpu.memref_slice %arg4[%select_n3A] : memref<3200000xi32, #tpu.memory_space<hbm>> -> memref<2000xi32, #tpu.memory_space<hbm>>
    tpu.enqueue_dma source(%dma_start3A_41 : memref<2000xi32, #tpu.memory_space<hbm>>) target(%arg9 : memref<2000xi32, #tpu.memory_space<vmem>>) target_semaphore(%arg16 : memref<!tpu.dma_semaphore, #tpu.memory_space<semaphore_mem>>)
    %mul3A_42 = arith.constant 8 : i32
    %mul3A_43 = arith.muli %select_n3A, %mul3A_42 : i32
    %jit3A_44 = arith.constant 128 : i32
    %div3A = arith.divsi %mul3A_43, %jit3A_44 : i32
    %sign3A = arith.constant 0 : i32
    %sign3A_45 = arith.cmpi sgt, %mul3A_43, %sign3A : i32
    %sign3A_46 = arith.extui %sign3A_45 : i1 to i32
    %sign3A_47 = arith.constant 0 : i32
    %sign3A_48 = arith.cmpi slt, %mul3A_43, %sign3A_47 : i32
    %sign3A_49 = arith.extui %sign3A_48 : i1 to i32
    %sign3A_50 = arith.subi %sign3A_46, %sign3A_49 : i32
    %sign3A_51 = arith.constant 0 : i32
    %sign3A_52 = arith.cmpi sgt, %jit3A_44, %sign3A_51 : i32
    %sign3A_53 = arith.extui %sign3A_52 : i1 to i32
    %sign3A_54 = arith.constant 0 : i32
    %sign3A_55 = arith.cmpi slt, %jit3A_44, %sign3A_54 : i32
    %sign3A_56 = arith.extui %sign3A_55 : i1 to i32
    %sign3A_57 = arith.subi %sign3A_53, %sign3A_56 : i32
    %ne3A = arith.cmpi ne, %sign3A_50, %sign3A_57 : i32
    %rem3A = arith.remsi %mul3A_43, %jit3A_44 : i32
    %ne3A_58 = arith.constant 0 : i32
    %ne3A_59 = arith.cmpi ne, %rem3A, %ne3A_58 : i32
    %and3A_60 = arith.andi %ne3A, %ne3A_59 : i1
    %sub3A = arith.constant 1 : i32
    %sub3A_61 = arith.subi %div3A, %sub3A : i32
    %select_n3A_62 = arith.select %and3A_60, %sub3A_61, %div3A : i32
    %dma_start3A_63 = arith.constant 0 : i32
    %dma_start3A_64 = tpu.memref_slice %arg5[%select_n3A_62, %dma_start3A_63] : memref<200000x128xbf16, #tpu.memory_space<hbm>> -> memref<125x128xbf16, #tpu.memory_space<hbm>>
    %dma_start3A_65 = arith.constant 0 : i32
    %dma_start3A_66 = tpu.memref_slice %arg5[%select_n3A_62, %dma_start3A_65] : memref<200000x128xbf16, #tpu.memory_space<hbm>> -> memref<125x128xbf16, #tpu.memory_space<hbm>>
    tpu.enqueue_dma source(%dma_start3A_66 : memref<125x128xbf16, #tpu.memory_space<hbm>>) target(%arg10 : memref<125x128xbf16, #tpu.memory_space<vmem>>) target_semaphore(%arg16 : memref<!tpu.dma_semaphore, #tpu.memory_space<semaphore_mem>>)
    %dma_wait3A = arith.constant 0 : i32
    %dma_wait3A_67 = tpu.memref_slice %arg3[%dma_wait3A] : memref<3200000xi32, #tpu.memory_space<hbm>> -> memref<2000xi32, #tpu.memory_space<hbm>>
    %dma_wait3A_68 = arith.constant 0 : i32
    %dma_wait3A_69 = tpu.memref_slice %arg3[%dma_wait3A_68] : memref<3200000xi32, #tpu.memory_space<hbm>> -> memref<2000xi32, #tpu.memory_space<hbm>>
    tpu.wait_dma2 semaphore(%arg16 : memref<!tpu.dma_semaphore, #tpu.memory_space<semaphore_mem>>) src(%dma_wait3A_69 : memref<2000xi32, #tpu.memory_space<hbm>>) dst(%arg8 : memref<2000xi32, #tpu.memory_space<vmem>>)
    %dma_wait3A_70 = arith.constant 0 : i32
    %dma_wait3A_71 = tpu.memref_slice %arg4[%dma_wait3A_70] : memref<3200000xi32, #tpu.memory_space<hbm>> -> memref<2000xi32, #tpu.memory_space<hbm>>
    %dma_wait3A_72 = arith.constant 0 : i32
    %dma_wait3A_73 = tpu.memref_slice %arg4[%dma_wait3A_72] : memref<3200000xi32, #tpu.memory_space<hbm>> -> memref<2000xi32, #tpu.memory_space<hbm>>
    tpu.wait_dma2 semaphore(%arg16 : memref<!tpu.dma_semaphore, #tpu.memory_space<semaphore_mem>>) src(%dma_wait3A_73 : memref<2000xi32, #tpu.memory_space<hbm>>) dst(%arg9 : memref<2000xi32, #tpu.memory_space<vmem>>)
    %dma_wait3A_74 = arith.constant 0 : i32
    %dma_wait3A_75 = arith.constant 0 : i32
    %dma_wait3A_76 = tpu.memref_slice %arg5[%dma_wait3A_74, %dma_wait3A_75] : memref<200000x128xbf16, #tpu.memory_space<hbm>> -> memref<125x128xbf16, #tpu.memory_space<hbm>>
    %dma_wait3A_77 = arith.constant 0 : i32
    %dma_wait3A_78 = arith.constant 0 : i32
    %dma_wait3A_79 = tpu.memref_slice %arg5[%dma_wait3A_77, %dma_wait3A_78] : memref<200000x128xbf16, #tpu.memory_space<hbm>> -> memref<125x128xbf16, #tpu.memory_space<hbm>>
    tpu.wait_dma2 semaphore(%arg16 : memref<!tpu.dma_semaphore, #tpu.memory_space<semaphore_mem>>) src(%dma_wait3A_79 : memref<125x128xbf16, #tpu.memory_space<hbm>>) dst(%arg10 : memref<125x128xbf16, #tpu.memory_space<vmem>>)
    %dma_start3A_80 = arith.constant 0 : i32
    %dma_start3A_81 = arith.constant 0 : i32
    %dma_start3A_82 = tpu.memref_slice %arg2[%dma_start3A_80, %dma_start3A_81] : memref<100096x8xf32, #tpu.memory_space<hbm>> -> memref<100096x8xf32, #tpu.memory_space<hbm>>
    tpu.enqueue_indirect_dma source(%dma_start3A_82 : memref<100096x8xf32, #tpu.memory_space<hbm>>) target(%arg11 : memref<2000x8xf32, #tpu.memory_space<vmem>>) offsets(%arg8 : memref<2000xi32, #tpu.memory_space<vmem>>) semaphore(%arg17 : memref<!tpu.dma_semaphore, #tpu.memory_space<semaphore_mem>>)
    %add3A_83 = arith.constant 2000 : i32
    %add3A_84 = arith.addi %mul3A_23, %add3A_83 : i32
    %jit3A_85 = arith.constant true
    %select_n3A_86 = arith.select %jit3A_85, %add3A_84, %mul3A_23 : i32
    %dma_start3A_87 = tpu.memref_slice %arg3[%select_n3A_86] : memref<3200000xi32, #tpu.memory_space<hbm>> -> memref<2000xi32, #tpu.memory_space<hbm>>
    %dma_start3A_88 = tpu.memref_slice %arg3[%select_n3A_86] : memref<3200000xi32, #tpu.memory_space<hbm>> -> memref<2000xi32, #tpu.memory_space<hbm>>
    tpu.enqueue_dma source(%dma_start3A_88 : memref<2000xi32, #tpu.memory_space<hbm>>) target(%arg12 : memref<2000xi32, #tpu.memory_space<vmem>>) target_semaphore(%arg18 : memref<!tpu.dma_semaphore, #tpu.memory_space<semaphore_mem>>)
    %dma_start3A_89 = tpu.memref_slice %arg4[%select_n3A_86] : memref<3200000xi32, #tpu.memory_space<hbm>> -> memref<2000xi32, #tpu.memory_space<hbm>>
    %dma_start3A_90 = tpu.memref_slice %arg4[%select_n3A_86] : memref<3200000xi32, #tpu.memory_space<hbm>> -> memref<2000xi32, #tpu.memory_space<hbm>>
    tpu.enqueue_dma source(%dma_start3A_90 : memref<2000xi32, #tpu.memory_space<hbm>>) target(%arg13 : memref<2000xi32, #tpu.memory_space<vmem>>) target_semaphore(%arg18 : memref<!tpu.dma_semaphore, #tpu.memory_space<semaphore_mem>>)
    %mul3A_91 = arith.constant 8 : i32
    %mul3A_92 = arith.muli %select_n3A_86, %mul3A_91 : i32
    %jit3A_93 = arith.constant 128 : i32
    %div3A_94 = arith.divsi %mul3A_92, %jit3A_93 : i32
    %sign3A_95 = arith.constant 0 : i32
    %sign3A_96 = arith.cmpi sgt, %mul3A_92, %sign3A_95 : i32
    %sign3A_97 = arith.extui %sign3A_96 : i1 to i32
    %sign3A_98 = arith.constant 0 : i32
    %sign3A_99 = arith.cmpi slt, %mul3A_92, %sign3A_98 : i32
    %sign3A_100 = arith.extui %sign3A_99 : i1 to i32
    %sign3A_101 = arith.subi %sign3A_97, %sign3A_100 : i32
    %sign3A_102 = arith.constant 0 : i32
    %sign3A_103 = arith.cmpi sgt, %jit3A_93, %sign3A_102 : i32
    %sign3A_104 = arith.extui %sign3A_103 : i1 to i32
    %sign3A_105 = arith.constant 0 : i32
    %sign3A_106 = arith.cmpi slt, %jit3A_93, %sign3A_105 : i32
    %sign3A_107 = arith.extui %sign3A_106 : i1 to i32
    %sign3A_108 = arith.subi %sign3A_104, %sign3A_107 : i32
    %ne3A_109 = arith.cmpi ne, %sign3A_101, %sign3A_108 : i32
    %rem3A_110 = arith.remsi %mul3A_92, %jit3A_93 : i32
    %ne3A_111 = arith.constant 0 : i32
    %ne3A_112 = arith.cmpi ne, %rem3A_110, %ne3A_111 : i32
    %and3A_113 = arith.andi %ne3A_109, %ne3A_112 : i1
    %sub3A_114 = arith.constant 1 : i32
    %sub3A_115 = arith.subi %div3A_94, %sub3A_114 : i32
    %select_n3A_116 = arith.select %and3A_113, %sub3A_115, %div3A_94 : i32
    %dma_start3A_117 = arith.constant 0 : i32
    %dma_start3A_118 = tpu.memref_slice %arg5[%select_n3A_116, %dma_start3A_117] : memref<200000x128xbf16, #tpu.memory_space<hbm>> -> memref<125x128xbf16, #tpu.memory_space<hbm>>
    %dma_start3A_119 = arith.constant 0 : i32
    %dma_start3A_120 = tpu.memref_slice %arg5[%select_n3A_116, %dma_start3A_119] : memref<200000x128xbf16, #tpu.memory_space<hbm>> -> memref<125x128xbf16, #tpu.memory_space<hbm>>
    tpu.enqueue_dma source(%dma_start3A_120 : memref<125x128xbf16, #tpu.memory_space<hbm>>) target(%arg14 : memref<125x128xbf16, #tpu.memory_space<vmem>>) target_semaphore(%arg18 : memref<!tpu.dma_semaphore, #tpu.memory_space<semaphore_mem>>)
    %scan3A_121 = arith.constant 0 : i32
    %scan3A_122 = arith.constant 0 : i32
    %scan3A_123 = arith.constant 25 : i32
    %scan3A_124 = arith.addi %scan3A_122, %scan3A_123 : i32
    %scan3A_125 = arith.constant 1 : i32
    %scan3A_126 = scf.for %scan3A_152 = %scan3A_122 to %scan3A_124 step %scan3A_125 iter_args(%scan3A_153 = %scan3A_121) -> (i32)  : i32 {
      %mul3A_154 = arith.constant 2 : i32
      %mul3A_155 = arith.muli %mul3A_154, %scan3A_152 : i32
      %add3A_156 = arith.constant 0 : i32
      %add3A_157 = arith.addi %mul3A_155, %add3A_156 : i32
      %dma_wait3A_158 = arith.constant 0 : i32
      %dma_wait3A_159 = tpu.memref_slice %arg3[%dma_wait3A_158] : memref<3200000xi32, #tpu.memory_space<hbm>> -> memref<2000xi32, #tpu.memory_space<hbm>>
      %dma_wait3A_160 = arith.constant 0 : i32
      %dma_wait3A_161 = tpu.memref_slice %arg3[%dma_wait3A_160] : memref<3200000xi32, #tpu.memory_space<hbm>> -> memref<2000xi32, #tpu.memory_space<hbm>>
      tpu.wait_dma2 semaphore(%arg18 : memref<!tpu.dma_semaphore, #tpu.memory_space<semaphore_mem>>) src(%dma_wait3A_161 : memref<2000xi32, #tpu.memory_space<hbm>>) dst(%arg12 : memref<2000xi32, #tpu.memory_space<vmem>>)
      %dma_wait3A_162 = arith.constant 0 : i32
      %dma_wait3A_163 = tpu.memref_slice %arg4[%dma_wait3A_162] : memref<3200000xi32, #tpu.memory_space<hbm>> -> memref<2000xi32, #tpu.memory_space<hbm>>
      %dma_wait3A_164 = arith.constant 0 : i32
      %dma_wait3A_165 = tpu.memref_slice %arg4[%dma_wait3A_164] : memref<3200000xi32, #tpu.memory_space<hbm>> -> memref<2000xi32, #tpu.memory_space<hbm>>
      tpu.wait_dma2 semaphore(%arg18 : memref<!tpu.dma_semaphore, #tpu.memory_space<semaphore_mem>>) src(%dma_wait3A_165 : memref<2000xi32, #tpu.memory_space<hbm>>) dst(%arg13 : memref<2000xi32, #tpu.memory_space<vmem>>)
      %dma_wait3A_166 = arith.constant 0 : i32
      %dma_wait3A_167 = arith.constant 0 : i32
      %dma_wait3A_168 = tpu.memref_slice %arg5[%dma_wait3A_166, %dma_wait3A_167] : memref<200000x128xbf16, #tpu.memory_space<hbm>> -> memref<125x128xbf16, #tpu.memory_space<hbm>>
      %dma_wait3A_169 = arith.constant 0 : i32
      %dma_wait3A_170 = arith.constant 0 : i32
      %dma_wait3A_171 = tpu.memref_slice %arg5[%dma_wait3A_169, %dma_wait3A_170] : memref<200000x128xbf16, #tpu.memory_space<hbm>> -> memref<125x128xbf16, #tpu.memory_space<hbm>>
      tpu.wait_dma2 semaphore(%arg18 : memref<!tpu.dma_semaphore, #tpu.memory_space<semaphore_mem>>) src(%dma_wait3A_171 : memref<125x128xbf16, #tpu.memory_space<hbm>>) dst(%arg14 : memref<125x128xbf16, #tpu.memory_space<vmem>>)
      %dma_start3A_172 = arith.constant 0 : i32
      %dma_start3A_173 = arith.constant 0 : i32
      %dma_start3A_174 = tpu.memref_slice %arg2[%dma_start3A_172, %dma_start3A_173] : memref<100096x8xf32, #tpu.memory_space<hbm>> -> memref<100096x8xf32, #tpu.memory_space<hbm>>
      tpu.enqueue_indirect_dma source(%dma_start3A_174 : memref<100096x8xf32, #tpu.memory_space<hbm>>) target(%arg15 : memref<2000x8xf32, #tpu.memory_space<vmem>>) offsets(%arg12 : memref<2000xi32, #tpu.memory_space<vmem>>) semaphore(%arg19 : memref<!tpu.dma_semaphore, #tpu.memory_space<semaphore_mem>>)
      %dma_wait3A_175 = arith.constant 0 : i32
      %dma_wait3A_176 = arith.constant 0 : i32
      %dma_wait3A_177 = tpu.memref_slice %arg2[%dma_wait3A_175, %dma_wait3A_176] : memref<100096x8xf32, #tpu.memory_space<hbm>> -> memref<2000x8xf32, #tpu.memory_space<hbm>>
      %dma_wait3A_178 = arith.constant 0 : i32
      %dma_wait3A_179 = arith.constant 0 : i32
      %dma_wait3A_180 = tpu.memref_slice %arg2[%dma_wait3A_178, %dma_wait3A_179] : memref<100096x8xf32, #tpu.memory_space<hbm>> -> memref<2000x8xf32, #tpu.memory_space<hbm>>
      tpu.wait_dma2 semaphore(%arg17 : memref<!tpu.dma_semaphore, #tpu.memory_space<semaphore_mem>>) src(%dma_wait3A_180 : memref<2000x8xf32, #tpu.memory_space<hbm>>) dst(%arg11 : memref<2000x8xf32, #tpu.memory_space<vmem>>)
      %parallel_loop3A = arith.constant 0 : i32
      %parallel_loop3A_181 = arith.constant 500 : i32
      %parallel_loop3A_182 = arith.constant 1 : i32
      scf.for %parallel_loop3A_297 = %parallel_loop3A to %parallel_loop3A_181 step %parallel_loop3A_182  : i32 {
        %parallel_loop3A_298 = arith.constant 4 : i32
        %parallel_loop3A_299 = arith.muli %parallel_loop3A_298, %parallel_loop3A_297 : i32
        %parallel_loop3A_300 = vector.broadcast %parallel_loop3A_299 : i32 to vector<16xi32>
        %parallel_loop3A_301 = arith.addi %shift_right_arithmetic3A_27, %parallel_loop3A_300 : vector<16xi32>
        %parallel_loop3A_302 = arith.constant 2 : i32
        %parallel_loop3A_303 = arith.shrsi %parallel_loop3A_297, %parallel_loop3A_302 : i32
        %parallel_loop3A_304 = arith.constant 3 : i32
        %parallel_loop3A_305 = arith.andi %parallel_loop3A_297, %parallel_loop3A_304 : i32
        %parallel_loop3A_306 = arith.constant 32 : i32
        %parallel_loop3A_307 = arith.muli %parallel_loop3A_305, %parallel_loop3A_306 : i32
        %parallel_loop3A_308 = arith.index_cast %parallel_loop3A_303 : i32 to index
        %parallel_loop3A_309 = arith.index_cast %parallel_loop3A_307 : i32 to index
        %parallel_loop3A_310 = tpu.vector_load %arg10[%parallel_loop3A_308, %parallel_loop3A_309] {strides = array<i32>} : memref<125x128xbf16, #tpu.memory_space<vmem>>, vector<32xbf16>,
        %parallel_loop3A_311 = tpu.unpack_subelements %parallel_loop3A_310, 0 {pack_format = #tpu.pack_format<interleaved>} : vector<32xbf16> -> vector<16xf32>
        %parallel_loop3A_312 = tpu.unpack_subelements %parallel_loop3A_310, 1 {pack_format = #tpu.pack_format<interleaved>} : vector<32xbf16> -> vector<16xf32>
        %parallel_loop3A_313 = tpu.vector_load_idx %arg11[%parallel_loop3A_301, %mul3A_33] : memref<2000x8xf32, #tpu.memory_space<vmem>>[vector<16xi32>, vector<16xi32>], vector<16xf32>,
        %parallel_loop3A_314 = tpu.vector_load_idx %arg11[%parallel_loop3A_301, %add3A_36] : memref<2000x8xf32, #tpu.memory_space<vmem>>[vector<16xi32>, vector<16xi32>], vector<16xf32>,
        %parallel_loop3A_315 = arith.addf %parallel_loop3A_313, %parallel_loop3A_311 : vector<16xf32>
        %parallel_loop3A_316 = arith.constant 0.000000e+00 : f32
        %parallel_loop3A_317 = vector.broadcast %parallel_loop3A_316 : f32 to vector<16xf32>
        %parallel_loop3A_318 = arith.maximumf %parallel_loop3A_315, %parallel_loop3A_317 : vector<16xf32>
        tpu.vector_store_idx %arg11[%parallel_loop3A_301, %mul3A_33], %parallel_loop3A_318 : memref<2000x8xf32, #tpu.memory_space<vmem>>[vector<16xi32>, vector<16xi32>], vector<16xf32>,
        %parallel_loop3A_319 = arith.addf %parallel_loop3A_314, %parallel_loop3A_312 : vector<16xf32>
        %parallel_loop3A_320 = arith.constant 0.000000e+00 : f32
        %parallel_loop3A_321 = vector.broadcast %parallel_loop3A_320 : f32 to vector<16xf32>
        %parallel_loop3A_322 = arith.maximumf %parallel_loop3A_319, %parallel_loop3A_321 : vector<16xf32>
        tpu.vector_store_idx %arg11[%parallel_loop3A_301, %add3A_36], %parallel_loop3A_322 : memref<2000x8xf32, #tpu.memory_space<vmem>>[vector<16xi32>, vector<16xi32>], vector<16xf32>,
      } {sc.loop_unroll_factor = 4 : i64, sc.parallel_access}
      "tpu.region"() ({
        %run_scoped3A = tpu.sem_alloc : memref<!tpu.dma_semaphore, #tpu.memory_space<semaphore_mem>>
        %dma_start3A_297 = arith.constant 0 : i32
        %dma_start3A_298 = arith.constant 0 : i32
        %dma_start3A_299 = tpu.memref_slice %arg7[%dma_start3A_297, %dma_start3A_298] : memref<100096x8xf32, #tpu.memory_space<vmem_shared>> -> memref<100096x8xf32, #tpu.memory_space<vmem_shared>>
        tpu.enqueue_indirect_dma source(%arg11 : memref<2000x8xf32, #tpu.memory_space<vmem>>) target(%dma_start3A_299 : memref<100096x8xf32, #tpu.memory_space<vmem_shared>>) offsets(%arg9 : memref<2000xi32, #tpu.memory_space<vmem>>) semaphore(%run_scoped3A : memref<!tpu.dma_semaphore, #tpu.memory_space<semaphore_mem>>) {add = true}
        %dma_wait3A_300 = arith.constant 0 : i32
        %dma_wait3A_301 = arith.constant 0 : i32
        %dma_wait3A_302 = tpu.memref_slice %arg7[%dma_wait3A_300, %dma_wait3A_301] : memref<100096x8xf32, #tpu.memory_space<vmem_shared>> -> memref<100096x8xf32, #tpu.memory_space<vmem_shared>>
        tpu.wait_indirect_dma semaphore(%run_scoped3A : memref<!tpu.dma_semaphore, #tpu.memory_space<semaphore_mem>>) src(%arg11 : memref<2000x8xf32, #tpu.memory_space<vmem>>) dst(%dma_wait3A_302 : memref<100096x8xf32, #tpu.memory_space<vmem_shared>>)
        tpu.yield
      }) : () -> ()
      %add3A_183 = arith.constant 2 : i32
      %add3A_184 = arith.addi %add3A_157, %add3A_183 : i32
      %lt3A = arith.constant 50 : i32
      %lt3A_185 = arith.cmpi slt, %add3A_184, %lt3A : i32
      %mul3A_186 = arith.constant 2000 : i32
      %mul3A_187 = arith.muli %add3A_184, %mul3A_186 : i32
      %add3A_188 = arith.addi %mul3A_23, %mul3A_187 : i32
      %select_n3A_189 = arith.select %lt3A_185, %add3A_188, %mul3A_23 : i32
      %dma_start3A_190 = tpu.memref_slice %arg3[%select_n3A_189] : memref<3200000xi32, #tpu.memory_space<hbm>> -> memref<2000xi32, #tpu.memory_space<hbm>>
      %dma_start3A_191 = tpu.memref_slice %arg3[%select_n3A_189] : memref<3200000xi32, #tpu.memory_space<hbm>> -> memref<2000xi32, #tpu.memory_space<hbm>>
      tpu.enqueue_dma source(%dma_start3A_191 : memref<2000xi32, #tpu.memory_space<hbm>>) target(%arg8 : memref<2000xi32, #tpu.memory_space<vmem>>) target_semaphore(%arg16 : memref<!tpu.dma_semaphore, #tpu.memory_space<semaphore_mem>>)
      %dma_start3A_192 = tpu.memref_slice %arg4[%select_n3A_189] : memref<3200000xi32, #tpu.memory_space<hbm>> -> memref<2000xi32, #tpu.memory_space<hbm>>
      %dma_start3A_193 = tpu.memref_slice %arg4[%select_n3A_189] : memref<3200000xi32, #tpu.memory_space<hbm>> -> memref<2000xi32, #tpu.memory_space<hbm>>
      tpu.enqueue_dma source(%dma_start3A_193 : memref<2000xi32, #tpu.memory_space<hbm>>) target(%arg9 : memref<2000xi32, #tpu.memory_space<vmem>>) target_semaphore(%arg16 : memref<!tpu.dma_semaphore, #tpu.memory_space<semaphore_mem>>)
      %mul3A_194 = arith.constant 8 : i32
      %mul3A_195 = arith.muli %select_n3A_189, %mul3A_194 : i32
      %jit3A_196 = arith.constant 128 : i32
      %div3A_197 = arith.divsi %mul3A_195, %jit3A_196 : i32
      %sign3A_198 = arith.constant 0 : i32
      %sign3A_199 = arith.cmpi sgt, %mul3A_195, %sign3A_198 : i32
      %sign3A_200 = arith.extui %sign3A_199 : i1 to i32
      %sign3A_201 = arith.constant 0 : i32
      %sign3A_202 = arith.cmpi slt, %mul3A_195, %sign3A_201 : i32
      %sign3A_203 = arith.extui %sign3A_202 : i1 to i32
      %sign3A_204 = arith.subi %sign3A_200, %sign3A_203 : i32
      %sign3A_205 = arith.constant 0 : i32
      %sign3A_206 = arith.cmpi sgt, %jit3A_196, %sign3A_205 : i32
      %sign3A_207 = arith.extui %sign3A_206 : i1 to i32
      %sign3A_208 = arith.constant 0 : i32
      %sign3A_209 = arith.cmpi slt, %jit3A_196, %sign3A_208 : i32
      %sign3A_210 = arith.extui %sign3A_209 : i1 to i32
      %sign3A_211 = arith.subi %sign3A_207, %sign3A_210 : i32
      %ne3A_212 = arith.cmpi ne, %sign3A_204, %sign3A_211 : i32
      %rem3A_213 = arith.remsi %mul3A_195, %jit3A_196 : i32
      %ne3A_214 = arith.constant 0 : i32
      %ne3A_215 = arith.cmpi ne, %rem3A_213, %ne3A_214 : i32
      %and3A_216 = arith.andi %ne3A_212, %ne3A_215 : i1
      %sub3A_217 = arith.constant 1 : i32
      %sub3A_218 = arith.subi %div3A_197, %sub3A_217 : i32
      %select_n3A_219 = arith.select %and3A_216, %sub3A_218, %div3A_197 : i32
      %dma_start3A_220 = arith.constant 0 : i32
      %dma_start3A_221 = tpu.memref_slice %arg5[%select_n3A_219, %dma_start3A_220] : memref<200000x128xbf16, #tpu.memory_space<hbm>> -> memref<125x128xbf16, #tpu.memory_space<hbm>>
      %dma_start3A_222 = arith.constant 0 : i32
      %dma_start3A_223 = tpu.memref_slice %arg5[%select_n3A_219, %dma_start3A_222] : memref<200000x128xbf16, #tpu.memory_space<hbm>> -> memref<125x128xbf16, #tpu.memory_space<hbm>>
      tpu.enqueue_dma source(%dma_start3A_223 : memref<125x128xbf16, #tpu.memory_space<hbm>>) target(%arg10 : memref<125x128xbf16, #tpu.memory_space<vmem>>) target_semaphore(%arg16 : memref<!tpu.dma_semaphore, #tpu.memory_space<semaphore_mem>>)
      %mul3A_224 = arith.constant 2 : i32
      %mul3A_225 = arith.muli %mul3A_224, %scan3A_152 : i32
      %add3A_226 = arith.constant 1 : i32
      %add3A_227 = arith.addi %mul3A_225, %add3A_226 : i32
      %dma_wait3A_228 = arith.constant 0 : i32
      %dma_wait3A_229 = tpu.memref_slice %arg3[%dma_wait3A_228] : memref<3200000xi32, #tpu.memory_space<hbm>> -> memref<2000xi32, #tpu.memory_space<hbm>>
      %dma_wait3A_230 = arith.constant 0 : i32
      %dma_wait3A_231 = tpu.memref_slice %arg3[%dma_wait3A_230] : memref<3200000xi32, #tpu.memory_space<hbm>> -> memref<2000xi32, #tpu.memory_space<hbm>>
      tpu.wait_dma2 semaphore(%arg16 : memref<!tpu.dma_semaphore, #tpu.memory_space<semaphore_mem>>) src(%dma_wait3A_231 : memref<2000xi32, #tpu.memory_space<hbm>>) dst(%arg8 : memref<2000xi32, #tpu.memory_space<vmem>>)
      %dma_wait3A_232 = arith.constant 0 : i32
      %dma_wait3A_233 = tpu.memref_slice %arg4[%dma_wait3A_232] : memref<3200000xi32, #tpu.memory_space<hbm>> -> memref<2000xi32, #tpu.memory_space<hbm>>
      %dma_wait3A_234 = arith.constant 0 : i32
      %dma_wait3A_235 = tpu.memref_slice %arg4[%dma_wait3A_234] : memref<3200000xi32, #tpu.memory_space<hbm>> -> memref<2000xi32, #tpu.memory_space<hbm>>
      tpu.wait_dma2 semaphore(%arg16 : memref<!tpu.dma_semaphore, #tpu.memory_space<semaphore_mem>>) src(%dma_wait3A_235 : memref<2000xi32, #tpu.memory_space<hbm>>) dst(%arg9 : memref<2000xi32, #tpu.memory_space<vmem>>)
      %dma_wait3A_236 = arith.constant 0 : i32
      %dma_wait3A_237 = arith.constant 0 : i32
      %dma_wait3A_238 = tpu.memref_slice %arg5[%dma_wait3A_236, %dma_wait3A_237] : memref<200000x128xbf16, #tpu.memory_space<hbm>> -> memref<125x128xbf16, #tpu.memory_space<hbm>>
      %dma_wait3A_239 = arith.constant 0 : i32
      %dma_wait3A_240 = arith.constant 0 : i32
      %dma_wait3A_241 = tpu.memref_slice %arg5[%dma_wait3A_239, %dma_wait3A_240] : memref<200000x128xbf16, #tpu.memory_space<hbm>> -> memref<125x128xbf16, #tpu.memory_space<hbm>>
      tpu.wait_dma2 semaphore(%arg16 : memref<!tpu.dma_semaphore, #tpu.memory_space<semaphore_mem>>) src(%dma_wait3A_241 : memref<125x128xbf16, #tpu.memory_space<hbm>>) dst(%arg10 : memref<125x128xbf16, #tpu.memory_space<vmem>>)
      %dma_start3A_242 = arith.constant 0 : i32
      %dma_start3A_243 = arith.constant 0 : i32
      %dma_start3A_244 = tpu.memref_slice %arg2[%dma_start3A_242, %dma_start3A_243] : memref<100096x8xf32, #tpu.memory_space<hbm>> -> memref<100096x8xf32, #tpu.memory_space<hbm>>
      tpu.enqueue_indirect_dma source(%dma_start3A_244 : memref<100096x8xf32, #tpu.memory_space<hbm>>) target(%arg11 : memref<2000x8xf32, #tpu.memory_space<vmem>>) offsets(%arg8 : memref<2000xi32, #tpu.memory_space<vmem>>) semaphore(%arg17 : memref<!tpu.dma_semaphore, #tpu.memory_space<semaphore_mem>>)
      %dma_wait3A_245 = arith.constant 0 : i32
      %dma_wait3A_246 = arith.constant 0 : i32
      %dma_wait3A_247 = tpu.memref_slice %arg2[%dma_wait3A_245, %dma_wait3A_246] : memref<100096x8xf32, #tpu.memory_space<hbm>> -> memref<2000x8xf32, #tpu.memory_space<hbm>>
      %dma_wait3A_248 = arith.constant 0 : i32
      %dma_wait3A_249 = arith.constant 0 : i32
      %dma_wait3A_250 = tpu.memref_slice %arg2[%dma_wait3A_248, %dma_wait3A_249] : memref<100096x8xf32, #tpu.memory_space<hbm>> -> memref<2000x8xf32, #tpu.memory_space<hbm>>
      tpu.wait_dma2 semaphore(%arg19 : memref<!tpu.dma_semaphore, #tpu.memory_space<semaphore_mem>>) src(%dma_wait3A_250 : memref<2000x8xf32, #tpu.memory_space<hbm>>) dst(%arg15 : memref<2000x8xf32, #tpu.memory_space<vmem>>)
      %parallel_loop3A_251 = arith.constant 0 : i32
      %parallel_loop3A_252 = arith.constant 500 : i32
      %parallel_loop3A_253 = arith.constant 1 : i32
      scf.for %parallel_loop3A_297 = %parallel_loop3A_251 to %parallel_loop3A_252 step %parallel_loop3A_253  : i32 {
        %parallel_loop3A_298 = arith.constant 4 : i32
        %parallel_loop3A_299 = arith.muli %parallel_loop3A_298, %parallel_loop3A_297 : i32
        %parallel_loop3A_300 = vector.broadcast %parallel_loop3A_299 : i32 to vector<16xi32>
        %parallel_loop3A_301 = arith.addi %shift_right_arithmetic3A_27, %parallel_loop3A_300 : vector<16xi32>
        %parallel_loop3A_302 = arith.constant 2 : i32
        %parallel_loop3A_303 = arith.shrsi %parallel_loop3A_297, %parallel_loop3A_302 : i32
        %parallel_loop3A_304 = arith.constant 3 : i32
        %parallel_loop3A_305 = arith.andi %parallel_loop3A_297, %parallel_loop3A_304 : i32
        %parallel_loop3A_306 = arith.constant 32 : i32
        %parallel_loop3A_307 = arith.muli %parallel_loop3A_305, %parallel_loop3A_306 : i32
        %parallel_loop3A_308 = arith.index_cast %parallel_loop3A_303 : i32 to index
        %parallel_loop3A_309 = arith.index_cast %parallel_loop3A_307 : i32 to index
        %parallel_loop3A_310 = tpu.vector_load %arg14[%parallel_loop3A_308, %parallel_loop3A_309] {strides = array<i32>} : memref<125x128xbf16, #tpu.memory_space<vmem>>, vector<32xbf16>,
        %parallel_loop3A_311 = tpu.unpack_subelements %parallel_loop3A_310, 0 {pack_format = #tpu.pack_format<interleaved>} : vector<32xbf16> -> vector<16xf32>
        %parallel_loop3A_312 = tpu.unpack_subelements %parallel_loop3A_310, 1 {pack_format = #tpu.pack_format<interleaved>} : vector<32xbf16> -> vector<16xf32>
        %parallel_loop3A_313 = tpu.vector_load_idx %arg15[%parallel_loop3A_301, %mul3A_33] : memref<2000x8xf32, #tpu.memory_space<vmem>>[vector<16xi32>, vector<16xi32>], vector<16xf32>,
        %parallel_loop3A_314 = tpu.vector_load_idx %arg15[%parallel_loop3A_301, %add3A_36] : memref<2000x8xf32, #tpu.memory_space<vmem>>[vector<16xi32>, vector<16xi32>], vector<16xf32>,
        %parallel_loop3A_315 = arith.addf %parallel_loop3A_313, %parallel_loop3A_311 : vector<16xf32>
        %parallel_loop3A_316 = arith.constant 0.000000e+00 : f32
        %parallel_loop3A_317 = vector.broadcast %parallel_loop3A_316 : f32 to vector<16xf32>
        %parallel_loop3A_318 = arith.maximumf %parallel_loop3A_315, %parallel_loop3A_317 : vector<16xf32>
        tpu.vector_store_idx %arg15[%parallel_loop3A_301, %mul3A_33], %parallel_loop3A_318 : memref<2000x8xf32, #tpu.memory_space<vmem>>[vector<16xi32>, vector<16xi32>], vector<16xf32>,
        %parallel_loop3A_319 = arith.addf %parallel_loop3A_314, %parallel_loop3A_312 : vector<16xf32>
        %parallel_loop3A_320 = arith.constant 0.000000e+00 : f32
        %parallel_loop3A_321 = vector.broadcast %parallel_loop3A_320 : f32 to vector<16xf32>
        %parallel_loop3A_322 = arith.maximumf %parallel_loop3A_319, %parallel_loop3A_321 : vector<16xf32>
        tpu.vector_store_idx %arg15[%parallel_loop3A_301, %add3A_36], %parallel_loop3A_322 : memref<2000x8xf32, #tpu.memory_space<vmem>>[vector<16xi32>, vector<16xi32>], vector<16xf32>,
      } {sc.loop_unroll_factor = 4 : i64, sc.parallel_access}
      "tpu.region"() ({
        %run_scoped3A = tpu.sem_alloc : memref<!tpu.dma_semaphore, #tpu.memory_space<semaphore_mem>>
        %dma_start3A_297 = arith.constant 0 : i32
        %dma_start3A_298 = arith.constant 0 : i32
        %dma_start3A_299 = tpu.memref_slice %arg7[%dma_start3A_297, %dma_start3A_298] : memref<100096x8xf32, #tpu.memory_space<vmem_shared>> -> memref<100096x8xf32, #tpu.memory_space<vmem_shared>>
        tpu.enqueue_indirect_dma source(%arg15 : memref<2000x8xf32, #tpu.memory_space<vmem>>) target(%dma_start3A_299 : memref<100096x8xf32, #tpu.memory_space<vmem_shared>>) offsets(%arg13 : memref<2000xi32, #tpu.memory_space<vmem>>) semaphore(%run_scoped3A : memref<!tpu.dma_semaphore, #tpu.memory_space<semaphore_mem>>) {add = true}
        %dma_wait3A_300 = arith.constant 0 : i32
        %dma_wait3A_301 = arith.constant 0 : i32
        %dma_wait3A_302 = tpu.memref_slice %arg7[%dma_wait3A_300, %dma_wait3A_301] : memref<100096x8xf32, #tpu.memory_space<vmem_shared>> -> memref<100096x8xf32, #tpu.memory_space<vmem_shared>>
        tpu.wait_indirect_dma semaphore(%run_scoped3A : memref<!tpu.dma_semaphore, #tpu.memory_space<semaphore_mem>>) src(%arg15 : memref<2000x8xf32, #tpu.memory_space<vmem>>) dst(%dma_wait3A_302 : memref<100096x8xf32, #tpu.memory_space<vmem_shared>>)
        tpu.yield
      }) : () -> ()
      %add3A_254 = arith.constant 2 : i32
      %add3A_255 = arith.addi %add3A_227, %add3A_254 : i32
      %lt3A_256 = arith.constant 50 : i32
      %lt3A_257 = arith.cmpi slt, %add3A_255, %lt3A_256 : i32
      %mul3A_258 = arith.constant 2000 : i32
      %mul3A_259 = arith.muli %add3A_255, %mul3A_258 : i32
      %add3A_260 = arith.addi %mul3A_23, %mul3A_259 : i32
      %select_n3A_261 = arith.select %lt3A_257, %add3A_260, %mul3A_23 : i32
      %dma_start3A_262 = tpu.memref_slice %arg3[%select_n3A_261] : memref<3200000xi32, #tpu.memory_space<hbm>> -> memref<2000xi32, #tpu.memory_space<hbm>>
      %dma_start3A_263 = tpu.memref_slice %arg3[%select_n3A_261] : memref<3200000xi32, #tpu.memory_space<hbm>> -> memref<2000xi32, #tpu.memory_space<hbm>>
      tpu.enqueue_dma source(%dma_start3A_263 : memref<2000xi32, #tpu.memory_space<hbm>>) target(%arg12 : memref<2000xi32, #tpu.memory_space<vmem>>) target_semaphore(%arg18 : memref<!tpu.dma_semaphore, #tpu.memory_space<semaphore_mem>>)
      %dma_start3A_264 = tpu.memref_slice %arg4[%select_n3A_261] : memref<3200000xi32, #tpu.memory_space<hbm>> -> memref<2000xi32, #tpu.memory_space<hbm>>
      %dma_start3A_265 = tpu.memref_slice %arg4[%select_n3A_261] : memref<3200000xi32, #tpu.memory_space<hbm>> -> memref<2000xi32, #tpu.memory_space<hbm>>
      tpu.enqueue_dma source(%dma_start3A_265 : memref<2000xi32, #tpu.memory_space<hbm>>) target(%arg13 : memref<2000xi32, #tpu.memory_space<vmem>>) target_semaphore(%arg18 : memref<!tpu.dma_semaphore, #tpu.memory_space<semaphore_mem>>)
      %mul3A_266 = arith.constant 8 : i32
      %mul3A_267 = arith.muli %select_n3A_261, %mul3A_266 : i32
      %jit3A_268 = arith.constant 128 : i32
      %div3A_269 = arith.divsi %mul3A_267, %jit3A_268 : i32
      %sign3A_270 = arith.constant 0 : i32
      %sign3A_271 = arith.cmpi sgt, %mul3A_267, %sign3A_270 : i32
      %sign3A_272 = arith.extui %sign3A_271 : i1 to i32
      %sign3A_273 = arith.constant 0 : i32
      %sign3A_274 = arith.cmpi slt, %mul3A_267, %sign3A_273 : i32
      %sign3A_275 = arith.extui %sign3A_274 : i1 to i32
      %sign3A_276 = arith.subi %sign3A_272, %sign3A_275 : i32
      %sign3A_277 = arith.constant 0 : i32
      %sign3A_278 = arith.cmpi sgt, %jit3A_268, %sign3A_277 : i32
      %sign3A_279 = arith.extui %sign3A_278 : i1 to i32
      %sign3A_280 = arith.constant 0 : i32
      %sign3A_281 = arith.cmpi slt, %jit3A_268, %sign3A_280 : i32
      %sign3A_282 = arith.extui %sign3A_281 : i1 to i32
      %sign3A_283 = arith.subi %sign3A_279, %sign3A_282 : i32
      %ne3A_284 = arith.cmpi ne, %sign3A_276, %sign3A_283 : i32
      %rem3A_285 = arith.remsi %mul3A_267, %jit3A_268 : i32
      %ne3A_286 = arith.constant 0 : i32
      %ne3A_287 = arith.cmpi ne, %rem3A_285, %ne3A_286 : i32
      %and3A_288 = arith.andi %ne3A_284, %ne3A_287 : i1
      %sub3A_289 = arith.constant 1 : i32
      %sub3A_290 = arith.subi %div3A_269, %sub3A_289 : i32
      %select_n3A_291 = arith.select %and3A_288, %sub3A_290, %div3A_269 : i32
      %dma_start3A_292 = arith.constant 0 : i32
      %dma_start3A_293 = tpu.memref_slice %arg5[%select_n3A_291, %dma_start3A_292] : memref<200000x128xbf16, #tpu.memory_space<hbm>> -> memref<125x128xbf16, #tpu.memory_space<hbm>>
      %dma_start3A_294 = arith.constant 0 : i32
      %dma_start3A_295 = tpu.memref_slice %arg5[%select_n3A_291, %dma_start3A_294] : memref<200000x128xbf16, #tpu.memory_space<hbm>> -> memref<125x128xbf16, #tpu.memory_space<hbm>>
      tpu.enqueue_dma source(%dma_start3A_295 : memref<125x128xbf16, #tpu.memory_space<hbm>>) target(%arg14 : memref<125x128xbf16, #tpu.memory_space<vmem>>) target_semaphore(%arg18 : memref<!tpu.dma_semaphore, #tpu.memory_space<semaphore_mem>>)
      %scan3A_296 = arith.constant 0 : i32
      scf.yield %scan3A_296 : i32
    }
    %scan3A_127 = arith.constant 25 : i32
    %dma_wait3A_128 = arith.constant 0 : i32
    %dma_wait3A_129 = arith.constant 0 : i32
    %dma_wait3A_130 = tpu.memref_slice %arg2[%dma_wait3A_128, %dma_wait3A_129] : memref<100096x8xf32, #tpu.memory_space<hbm>> -> memref<2000x8xf32, #tpu.memory_space<hbm>>
    %dma_wait3A_131 = arith.constant 0 : i32
    %dma_wait3A_132 = arith.constant 0 : i32
    %dma_wait3A_133 = tpu.memref_slice %arg2[%dma_wait3A_131, %dma_wait3A_132] : memref<100096x8xf32, #tpu.memory_space<hbm>> -> memref<2000x8xf32, #tpu.memory_space<hbm>>
    tpu.wait_dma2 semaphore(%arg17 : memref<!tpu.dma_semaphore, #tpu.memory_space<semaphore_mem>>) src(%dma_wait3A_133 : memref<2000x8xf32, #tpu.memory_space<hbm>>) dst(%arg11 : memref<2000x8xf32, #tpu.memory_space<vmem>>)
    %dma_wait3A_134 = arith.constant 0 : i32
    %dma_wait3A_135 = tpu.memref_slice %arg3[%dma_wait3A_134] : memref<3200000xi32, #tpu.memory_space<hbm>> -> memref<2000xi32, #tpu.memory_space<hbm>>
    %dma_wait3A_136 = arith.constant 0 : i32
    %dma_wait3A_137 = tpu.memref_slice %arg3[%dma_wait3A_136] : memref<3200000xi32, #tpu.memory_space<hbm>> -> memref<2000xi32, #tpu.memory_space<hbm>>
    tpu.wait_dma2 semaphore(%arg18 : memref<!tpu.dma_semaphore, #tpu.memory_space<semaphore_mem>>) src(%dma_wait3A_137 : memref<2000xi32, #tpu.memory_space<hbm>>) dst(%arg12 : memref<2000xi32, #tpu.memory_space<vmem>>)
    %dma_wait3A_138 = arith.constant 0 : i32
    %dma_wait3A_139 = tpu.memref_slice %arg4[%dma_wait3A_138] : memref<3200000xi32, #tpu.memory_space<hbm>> -> memref<2000xi32, #tpu.memory_space<hbm>>
    %dma_wait3A_140 = arith.constant 0 : i32
    %dma_wait3A_141 = tpu.memref_slice %arg4[%dma_wait3A_140] : memref<3200000xi32, #tpu.memory_space<hbm>> -> memref<2000xi32, #tpu.memory_space<hbm>>
    tpu.wait_dma2 semaphore(%arg18 : memref<!tpu.dma_semaphore, #tpu.memory_space<semaphore_mem>>) src(%dma_wait3A_141 : memref<2000xi32, #tpu.memory_space<hbm>>) dst(%arg13 : memref<2000xi32, #tpu.memory_space<vmem>>)
    %dma_wait3A_142 = arith.constant 0 : i32
    %dma_wait3A_143 = arith.constant 0 : i32
    %dma_wait3A_144 = tpu.memref_slice %arg5[%dma_wait3A_142, %dma_wait3A_143] : memref<200000x128xbf16, #tpu.memory_space<hbm>> -> memref<125x128xbf16, #tpu.memory_space<hbm>>
    %dma_wait3A_145 = arith.constant 0 : i32
    %dma_wait3A_146 = arith.constant 0 : i32
    %dma_wait3A_147 = tpu.memref_slice %arg5[%dma_wait3A_145, %dma_wait3A_146] : memref<200000x128xbf16, #tpu.memory_space<hbm>> -> memref<125x128xbf16, #tpu.memory_space<hbm>>
    tpu.wait_dma2 semaphore(%arg18 : memref<!tpu.dma_semaphore, #tpu.memory_space<semaphore_mem>>) src(%dma_wait3A_147 : memref<125x128xbf16, #tpu.memory_space<hbm>>) dst(%arg14 : memref<125x128xbf16, #tpu.memory_space<vmem>>)
    %barrier3A_148 = arith.constant 0 : index
    tpu.barrier barrier_id(%barrier3A_148)
    %mul3A_149 = arith.constant 100096 : i32
    %mul3A_150 = arith.muli %arg0, %mul3A_149 : i32
    %add3A_151 = arith.addi %mul3A_150, %mul3A_2 : i32
    "tpu.region"() ({
      %run_scoped3A = tpu.sem_alloc : memref<!tpu.dma_semaphore, #tpu.memory_space<semaphore_mem>>
      %dma_start3A_152 = arith.constant 0 : i32
      %dma_start3A_153 = tpu.memref_slice %arg6[%add3A_151, %dma_start3A_152] : memref<200192x8xf32, #tpu.memory_space<hbm>> -> memref<6256x8xf32, #tpu.memory_space<hbm>>
      %dma_start3A_154 = arith.constant 0 : i32
      %dma_start3A_155 = tpu.memref_slice %arg7[%mul3A_2, %dma_start3A_154] : memref<100096x8xf32, #tpu.memory_space<vmem_shared>> -> memref<6256x8xf32, #tpu.memory_space<vmem_shared>>
      tpu.enqueue_dma source(%dma_start3A_155 : memref<6256x8xf32, #tpu.memory_space<vmem_shared>>) target(%dma_start3A_153 : memref<6256x8xf32, #tpu.memory_space<hbm>>) target_semaphore(%run_scoped3A : memref<!tpu.dma_semaphore, #tpu.memory_space<semaphore_mem>>)
      %dma_wait3A_156 = arith.constant 0 : i32
      %dma_wait3A_157 = tpu.memref_slice %arg6[%add3A_151, %dma_wait3A_156] : memref<200192x8xf32, #tpu.memory_space<hbm>> -> memref<6256x8xf32, #tpu.memory_space<hbm>>
      %dma_wait3A_158 = arith.constant 0 : i32
      %dma_wait3A_159 = tpu.memref_slice %arg7[%mul3A_2, %dma_wait3A_158] : memref<100096x8xf32, #tpu.memory_space<vmem_shared>> -> memref<6256x8xf32, #tpu.memory_space<vmem_shared>>
      tpu.wait_dma2 semaphore(%run_scoped3A : memref<!tpu.dma_semaphore, #tpu.memory_space<semaphore_mem>>) src(%dma_wait3A_159 : memref<6256x8xf32, #tpu.memory_space<vmem_shared>>) dst(%dma_wait3A_157 : memref<6256x8xf32, #tpu.memory_space<hbm>>)
      tpu.yield
    }) : () -> ()
    return
  }
}

#map = affine_map<(d0, d1) -> (0, 0)>
#map1 = affine_map<(d0, d1) -> (0)>
module attributes {stable_mosaic.version = 14 : i64} {
  func.func @_sc_aggr(%arg0: i32, %arg1: i32, %arg2: memref<100096x8xf32, #tpu.memory_space<hbm>>, %arg3: memref<3200000xi32, #tpu.memory_space<hbm>>, %arg4: memref<3200000xi32, #tpu.memory_space<hbm>>, %arg5: memref<200000x128xbf16, #tpu.memory_space<hbm>>, %arg6: memref<200192x8xf32, #tpu.memory_space<hbm>>, %arg7: memref<100096x8xf32, #tpu.memory_space<vmem_shared>>, %arg8: memref<2000xi32, #tpu.memory_space<vmem>>, %arg9: memref<2000xi32, #tpu.memory_space<vmem>>, %arg10: memref<125x128xbf16, #tpu.memory_space<vmem>>, %arg11: memref<2000x8xf32, #tpu.memory_space<vmem>>, %arg12: memref<2000xi32, #tpu.memory_space<vmem>>, %arg13: memref<2000xi32, #tpu.memory_space<vmem>>, %arg14: memref<125x128xbf16, #tpu.memory_space<vmem>>, %arg15: memref<2000x8xf32, #tpu.memory_space<vmem>>, %arg16: memref<!tpu.dma_semaphore, #tpu.memory_space<semaphore_mem>>, %arg17: memref<!tpu.dma_semaphore, #tpu.memory_space<semaphore_mem>>, %arg18: memref<!tpu.dma_semaphore, #tpu.memory_space<semaphore_mem>>, %arg19: memref<!tpu.dma_semaphore, #tpu.memory_space<semaphore_mem>>) attributes {dimension_semantics = [#tpu.dimension_semantics<core_parallel>, #tpu.dimension_semantics<subcore_parallel>], iteration_bounds = array<i64: 2, 16>, scalar_prefetch = 0 : i64, scratch_operands = 13 : i64, tpu.core_type = #tpu.core_type<sc_vector_subcore>, window_params = [{transform_indices = #map}, {transform_indices = #map1}, {transform_indices = #map1}, {transform_indices = #map}, {transform_indices = #map}]} {
    %mul3A = arith.constant 16 : i32
    %mul3A_0 = arith.muli %arg0, %mul3A : i32
    %add3A = arith.addi %mul3A_0, %arg1 : i32
    %mul3A_1 = arith.constant 6256 : i32
    %mul3A_2 = arith.muli %arg1, %mul3A_1 : i32
    %iota3A = tpu.iota {dimensions = array<i32: 0>} : vector<16xi32>
    %shift_right_arithmetic3A = arith.constant 3 : i32
    %shift_right_arithmetic3A_3 = vector.broadcast %shift_right_arithmetic3A : i32 to vector<16xi32>
    %shift_right_arithmetic3A_4 = arith.shrsi %iota3A, %shift_right_arithmetic3A_3 : vector<16xi32>
    %and3A = arith.constant 7 : i32
    %and3A_5 = vector.broadcast %and3A : i32 to vector<16xi32>
    %and3A_6 = arith.andi %iota3A, %and3A_5 : vector<16xi32>
    %broadcast_in_dim3A = arith.constant 0.000000e+00 : f32
    %broadcast_in_dim3A_7 = vector.broadcast %broadcast_in_dim3A : f32 to vector<16xf32>
    %scan3A = arith.constant 0 : i32
    %scan3A_8 = arith.constant 0 : i32
    %scan3A_9 = arith.constant 1000 : i32
    %scan3A_10 = arith.addi %scan3A_8, %scan3A_9 : i32
    %scan3A_11 = arith.constant 1 : i32
    %scan3A_12 = scf.for %scan3A_152 = %scan3A_8 to %scan3A_10 step %scan3A_11 iter_args(%scan3A_153 = %scan3A) -> (i32)  : i32 {
      %mul3A_154 = arith.constant 2 : i32
      %mul3A_155 = arith.muli %mul3A_154, %scan3A_152 : i32
      %add3A_156 = vector.broadcast %mul3A_155 : i32 to vector<16xi32>
      %add3A_157 = arith.addi %shift_right_arithmetic3A_4, %add3A_156 : vector<16xi32>
      tpu.vector_store_idx %arg11[%add3A_157, %and3A_6], %broadcast_in_dim3A_7 : memref<2000x8xf32, #tpu.memory_space<vmem>>[vector<16xi32>, vector<16xi32>], vector<16xf32>,
      %scan3A_158 = arith.constant 0 : i32
      scf.yield %scan3A_158 : i32
    }
    %scan3A_13 = arith.constant 1000 : i32
    %add3A_14 = arith.constant 0 : i32
    %add3A_15 = arith.addi %mul3A_2, %add3A_14 : i32
    "tpu.region"() ({
      %run_scoped3A = tpu.sem_alloc : memref<!tpu.dma_semaphore, #tpu.memory_space<semaphore_mem>>
      %dma_start3A_152 = arith.constant 0 : i32
      %dma_start3A_153 = tpu.memref_slice %arg7[%add3A_15, %dma_start3A_152] : memref<100096x8xf32, #tpu.memory_space<vmem_shared>> -> memref<2000x8xf32, #tpu.memory_space<vmem_shared>>
      %dma_start3A_154 = arith.constant 0 : i32
      %dma_start3A_155 = tpu.memref_slice %arg7[%add3A_15, %dma_start3A_154] : memref<100096x8xf32, #tpu.memory_space<vmem_shared>> -> memref<2000x8xf32, #tpu.memory_space<vmem_shared>>
      tpu.enqueue_dma source(%arg11 : memref<2000x8xf32, #tpu.memory_space<vmem>>) target(%dma_start3A_155 : memref<2000x8xf32, #tpu.memory_space<vmem_shared>>) target_semaphore(%run_scoped3A : memref<!tpu.dma_semaphore, #tpu.memory_space<semaphore_mem>>)
      %dma_wait3A_156 = arith.constant 0 : i32
      %dma_wait3A_157 = tpu.memref_slice %arg7[%add3A_15, %dma_wait3A_156] : memref<100096x8xf32, #tpu.memory_space<vmem_shared>> -> memref<2000x8xf32, #tpu.memory_space<vmem_shared>>
      %dma_wait3A_158 = arith.constant 0 : i32
      %dma_wait3A_159 = tpu.memref_slice %arg7[%add3A_15, %dma_wait3A_158] : memref<100096x8xf32, #tpu.memory_space<vmem_shared>> -> memref<2000x8xf32, #tpu.memory_space<vmem_shared>>
      tpu.wait_dma2 semaphore(%run_scoped3A : memref<!tpu.dma_semaphore, #tpu.memory_space<semaphore_mem>>) src(%arg11 : memref<2000x8xf32, #tpu.memory_space<vmem>>) dst(%dma_wait3A_159 : memref<2000x8xf32, #tpu.memory_space<vmem_shared>>)
      tpu.yield
    }) : () -> ()
    %add3A_16 = arith.constant 2000 : i32
    %add3A_17 = arith.addi %mul3A_2, %add3A_16 : i32
    "tpu.region"() ({
      %run_scoped3A = tpu.sem_alloc : memref<!tpu.dma_semaphore, #tpu.memory_space<semaphore_mem>>
      %dma_start3A_152 = arith.constant 0 : i32
      %dma_start3A_153 = tpu.memref_slice %arg7[%add3A_17, %dma_start3A_152] : memref<100096x8xf32, #tpu.memory_space<vmem_shared>> -> memref<2000x8xf32, #tpu.memory_space<vmem_shared>>
      %dma_start3A_154 = arith.constant 0 : i32
      %dma_start3A_155 = tpu.memref_slice %arg7[%add3A_17, %dma_start3A_154] : memref<100096x8xf32, #tpu.memory_space<vmem_shared>> -> memref<2000x8xf32, #tpu.memory_space<vmem_shared>>
      tpu.enqueue_dma source(%arg11 : memref<2000x8xf32, #tpu.memory_space<vmem>>) target(%dma_start3A_155 : memref<2000x8xf32, #tpu.memory_space<vmem_shared>>) target_semaphore(%run_scoped3A : memref<!tpu.dma_semaphore, #tpu.memory_space<semaphore_mem>>)
      %dma_wait3A_156 = arith.constant 0 : i32
      %dma_wait3A_157 = tpu.memref_slice %arg7[%add3A_17, %dma_wait3A_156] : memref<100096x8xf32, #tpu.memory_space<vmem_shared>> -> memref<2000x8xf32, #tpu.memory_space<vmem_shared>>
      %dma_wait3A_158 = arith.constant 0 : i32
      %dma_wait3A_159 = tpu.memref_slice %arg7[%add3A_17, %dma_wait3A_158] : memref<100096x8xf32, #tpu.memory_space<vmem_shared>> -> memref<2000x8xf32, #tpu.memory_space<vmem_shared>>
      tpu.wait_dma2 semaphore(%run_scoped3A : memref<!tpu.dma_semaphore, #tpu.memory_space<semaphore_mem>>) src(%arg11 : memref<2000x8xf32, #tpu.memory_space<vmem>>) dst(%dma_wait3A_159 : memref<2000x8xf32, #tpu.memory_space<vmem_shared>>)
      tpu.yield
    }) : () -> ()
    %add3A_18 = arith.constant 4000 : i32
    %add3A_19 = arith.addi %mul3A_2, %add3A_18 : i32
    "tpu.region"() ({
      %run_scoped3A = tpu.sem_alloc : memref<!tpu.dma_semaphore, #tpu.memory_space<semaphore_mem>>
      %dma_start3A_152 = arith.constant 0 : i32
      %dma_start3A_153 = tpu.memref_slice %arg7[%add3A_19, %dma_start3A_152] : memref<100096x8xf32, #tpu.memory_space<vmem_shared>> -> memref<2000x8xf32, #tpu.memory_space<vmem_shared>>
      %dma_start3A_154 = arith.constant 0 : i32
      %dma_start3A_155 = tpu.memref_slice %arg7[%add3A_19, %dma_start3A_154] : memref<100096x8xf32, #tpu.memory_space<vmem_shared>> -> memref<2000x8xf32, #tpu.memory_space<vmem_shared>>
      tpu.enqueue_dma source(%arg11 : memref<2000x8xf32, #tpu.memory_space<vmem>>) target(%dma_start3A_155 : memref<2000x8xf32, #tpu.memory_space<vmem_shared>>) target_semaphore(%run_scoped3A : memref<!tpu.dma_semaphore, #tpu.memory_space<semaphore_mem>>)
      %dma_wait3A_156 = arith.constant 0 : i32
      %dma_wait3A_157 = tpu.memref_slice %arg7[%add3A_19, %dma_wait3A_156] : memref<100096x8xf32, #tpu.memory_space<vmem_shared>> -> memref<2000x8xf32, #tpu.memory_space<vmem_shared>>
      %dma_wait3A_158 = arith.constant 0 : i32
      %dma_wait3A_159 = tpu.memref_slice %arg7[%add3A_19, %dma_wait3A_158] : memref<100096x8xf32, #tpu.memory_space<vmem_shared>> -> memref<2000x8xf32, #tpu.memory_space<vmem_shared>>
      tpu.wait_dma2 semaphore(%run_scoped3A : memref<!tpu.dma_semaphore, #tpu.memory_space<semaphore_mem>>) src(%arg11 : memref<2000x8xf32, #tpu.memory_space<vmem>>) dst(%dma_wait3A_159 : memref<2000x8xf32, #tpu.memory_space<vmem_shared>>)
      tpu.yield
    }) : () -> ()
    %add3A_20 = arith.constant 6000 : i32
    %add3A_21 = arith.addi %mul3A_2, %add3A_20 : i32
    "tpu.region"() ({
      %run_scoped3A = tpu.sem_alloc : memref<!tpu.dma_semaphore, #tpu.memory_space<semaphore_mem>>
      %dma_start3A_152 = arith.constant 0 : i32
      %dma_start3A_153 = arith.constant 0 : i32
      %dma_start3A_154 = tpu.memref_slice %arg11[%dma_start3A_152, %dma_start3A_153] : memref<2000x8xf32, #tpu.memory_space<vmem>> -> memref<256x8xf32, #tpu.memory_space<vmem>>
      %dma_start3A_155 = arith.constant 0 : i32
      %dma_start3A_156 = tpu.memref_slice %arg7[%add3A_21, %dma_start3A_155] : memref<100096x8xf32, #tpu.memory_space<vmem_shared>> -> memref<256x8xf32, #tpu.memory_space<vmem_shared>>
      %dma_start3A_157 = arith.constant 0 : i32
      %dma_start3A_158 = tpu.memref_slice %arg7[%add3A_21, %dma_start3A_157] : memref<100096x8xf32, #tpu.memory_space<vmem_shared>> -> memref<256x8xf32, #tpu.memory_space<vmem_shared>>
      %dma_start3A_159 = arith.constant 0 : i32
      %dma_start3A_160 = arith.constant 0 : i32
      %dma_start3A_161 = tpu.memref_slice %arg11[%dma_start3A_159, %dma_start3A_160] : memref<2000x8xf32, #tpu.memory_space<vmem>> -> memref<256x8xf32, #tpu.memory_space<vmem>>
      tpu.enqueue_dma source(%dma_start3A_161 : memref<256x8xf32, #tpu.memory_space<vmem>>) target(%dma_start3A_158 : memref<256x8xf32, #tpu.memory_space<vmem_shared>>) target_semaphore(%run_scoped3A : memref<!tpu.dma_semaphore, #tpu.memory_space<semaphore_mem>>)
      %dma_wait3A_162 = arith.constant 0 : i32
      %dma_wait3A_163 = arith.constant 0 : i32
      %dma_wait3A_164 = tpu.memref_slice %arg11[%dma_wait3A_162, %dma_wait3A_163] : memref<2000x8xf32, #tpu.memory_space<vmem>> -> memref<256x8xf32, #tpu.memory_space<vmem>>
      %dma_wait3A_165 = arith.constant 0 : i32
      %dma_wait3A_166 = tpu.memref_slice %arg7[%add3A_21, %dma_wait3A_165] : memref<100096x8xf32, #tpu.memory_space<vmem_shared>> -> memref<256x8xf32, #tpu.memory_space<vmem_shared>>
      %dma_wait3A_167 = arith.constant 0 : i32
      %dma_wait3A_168 = tpu.memref_slice %arg7[%add3A_21, %dma_wait3A_167] : memref<100096x8xf32, #tpu.memory_space<vmem_shared>> -> memref<256x8xf32, #tpu.memory_space<vmem_shared>>
      %dma_wait3A_169 = arith.constant 0 : i32
      %dma_wait3A_170 = arith.constant 0 : i32
      %dma_wait3A_171 = tpu.memref_slice %arg11[%dma_wait3A_169, %dma_wait3A_170] : memref<2000x8xf32, #tpu.memory_space<vmem>> -> memref<256x8xf32, #tpu.memory_space<vmem>>
      tpu.wait_dma2 semaphore(%run_scoped3A : memref<!tpu.dma_semaphore, #tpu.memory_space<semaphore_mem>>) src(%dma_wait3A_171 : memref<256x8xf32, #tpu.memory_space<vmem>>) dst(%dma_wait3A_168 : memref<256x8xf32, #tpu.memory_space<vmem_shared>>)
      tpu.yield
    }) : () -> ()
    %barrier3A = arith.constant 0 : index
    tpu.barrier barrier_id(%barrier3A)
    %mul3A_22 = arith.constant 100000 : i32
    %mul3A_23 = arith.muli %add3A, %mul3A_22 : i32
    %iota3A_24 = tpu.iota {dimensions = array<i32: 0>} : vector<16xi32>
    %shift_right_arithmetic3A_25 = arith.constant 2 : i32
    %shift_right_arithmetic3A_26 = vector.broadcast %shift_right_arithmetic3A_25 : i32 to vector<16xi32>
    %shift_right_arithmetic3A_27 = arith.shrsi %iota3A_24, %shift_right_arithmetic3A_26 : vector<16xi32>
    %and3A_28 = arith.constant 3 : i32
    %and3A_29 = vector.broadcast %and3A_28 : i32 to vector<16xi32>
    %and3A_30 = arith.andi %iota3A_24, %and3A_29 : vector<16xi32>
    %mul3A_31 = arith.constant 2 : i32
    %mul3A_32 = vector.broadcast %mul3A_31 : i32 to vector<16xi32>
    %mul3A_33 = arith.muli %and3A_30, %mul3A_32 : vector<16xi32>
    %add3A_34 = arith.constant 1 : i32
    %add3A_35 = vector.broadcast %add3A_34 : i32 to vector<16xi32>
    %add3A_36 = arith.addi %mul3A_33, %add3A_35 : vector<16xi32>
    %add3A_37 = arith.constant 0 : i32
    %add3A_38 = arith.addi %mul3A_23, %add3A_37 : i32
    %jit3A = arith.constant true
    %select_n3A = arith.select %jit3A, %add3A_38, %mul3A_23 : i32
    %dma_start3A = tpu.memref_slice %arg3[%select_n3A] : memref<3200000xi32, #tpu.memory_space<hbm>> -> memref<2000xi32, #tpu.memory_space<hbm>>
    %dma_start3A_39 = tpu.memref_slice %arg3[%select_n3A] : memref<3200000xi32, #tpu.memory_space<hbm>> -> memref<2000xi32, #tpu.memory_space<hbm>>
    tpu.enqueue_dma source(%dma_start3A_39 : memref<2000xi32, #tpu.memory_space<hbm>>) target(%arg8 : memref<2000xi32, #tpu.memory_space<vmem>>) target_semaphore(%arg16 : memref<!tpu.dma_semaphore, #tpu.memory_space<semaphore_mem>>)
    %dma_start3A_40 = tpu.memref_slice %arg4[%select_n3A] : memref<3200000xi32, #tpu.memory_space<hbm>> -> memref<2000xi32, #tpu.memory_space<hbm>>
    %dma_start3A_41 = tpu.memref_slice %arg4[%select_n3A] : memref<3200000xi32, #tpu.memory_space<hbm>> -> memref<2000xi32, #tpu.memory_space<hbm>>
    tpu.enqueue_dma source(%dma_start3A_41 : memref<2000xi32, #tpu.memory_space<hbm>>) target(%arg9 : memref<2000xi32, #tpu.memory_space<vmem>>) target_semaphore(%arg16 : memref<!tpu.dma_semaphore, #tpu.memory_space<semaphore_mem>>)
    %mul3A_42 = arith.constant 8 : i32
    %mul3A_43 = arith.muli %select_n3A, %mul3A_42 : i32
    %jit3A_44 = arith.constant 128 : i32
    %div3A = arith.divsi %mul3A_43, %jit3A_44 : i32
    %sign3A = arith.constant 0 : i32
    %sign3A_45 = arith.cmpi sgt, %mul3A_43, %sign3A : i32
    %sign3A_46 = arith.extui %sign3A_45 : i1 to i32
    %sign3A_47 = arith.constant 0 : i32
    %sign3A_48 = arith.cmpi slt, %mul3A_43, %sign3A_47 : i32
    %sign3A_49 = arith.extui %sign3A_48 : i1 to i32
    %sign3A_50 = arith.subi %sign3A_46, %sign3A_49 : i32
    %sign3A_51 = arith.constant 0 : i32
    %sign3A_52 = arith.cmpi sgt, %jit3A_44, %sign3A_51 : i32
    %sign3A_53 = arith.extui %sign3A_52 : i1 to i32
    %sign3A_54 = arith.constant 0 : i32
    %sign3A_55 = arith.cmpi slt, %jit3A_44, %sign3A_54 : i32
    %sign3A_56 = arith.extui %sign3A_55 : i1 to i32
    %sign3A_57 = arith.subi %sign3A_53, %sign3A_56 : i32
    %ne3A = arith.cmpi ne, %sign3A_50, %sign3A_57 : i32
    %rem3A = arith.remsi %mul3A_43, %jit3A_44 : i32
    %ne3A_58 = arith.constant 0 : i32
    %ne3A_59 = arith.cmpi ne, %rem3A, %ne3A_58 : i32
    %and3A_60 = arith.andi %ne3A, %ne3A_59 : i1
    %sub3A = arith.constant 1 : i32
    %sub3A_61 = arith.subi %div3A, %sub3A : i32
    %select_n3A_62 = arith.select %and3A_60, %sub3A_61, %div3A : i32
    %dma_start3A_63 = arith.constant 0 : i32
    %dma_start3A_64 = tpu.memref_slice %arg5[%select_n3A_62, %dma_start3A_63] : memref<200000x128xbf16, #tpu.memory_space<hbm>> -> memref<125x128xbf16, #tpu.memory_space<hbm>>
    %dma_start3A_65 = arith.constant 0 : i32
    %dma_start3A_66 = tpu.memref_slice %arg5[%select_n3A_62, %dma_start3A_65] : memref<200000x128xbf16, #tpu.memory_space<hbm>> -> memref<125x128xbf16, #tpu.memory_space<hbm>>
    tpu.enqueue_dma source(%dma_start3A_66 : memref<125x128xbf16, #tpu.memory_space<hbm>>) target(%arg10 : memref<125x128xbf16, #tpu.memory_space<vmem>>) target_semaphore(%arg16 : memref<!tpu.dma_semaphore, #tpu.memory_space<semaphore_mem>>)
    %dma_wait3A = arith.constant 0 : i32
    %dma_wait3A_67 = tpu.memref_slice %arg3[%dma_wait3A] : memref<3200000xi32, #tpu.memory_space<hbm>> -> memref<2000xi32, #tpu.memory_space<hbm>>
    %dma_wait3A_68 = arith.constant 0 : i32
    %dma_wait3A_69 = tpu.memref_slice %arg3[%dma_wait3A_68] : memref<3200000xi32, #tpu.memory_space<hbm>> -> memref<2000xi32, #tpu.memory_space<hbm>>
    tpu.wait_dma2 semaphore(%arg16 : memref<!tpu.dma_semaphore, #tpu.memory_space<semaphore_mem>>) src(%dma_wait3A_69 : memref<2000xi32, #tpu.memory_space<hbm>>) dst(%arg8 : memref<2000xi32, #tpu.memory_space<vmem>>)
    %dma_wait3A_70 = arith.constant 0 : i32
    %dma_wait3A_71 = tpu.memref_slice %arg4[%dma_wait3A_70] : memref<3200000xi32, #tpu.memory_space<hbm>> -> memref<2000xi32, #tpu.memory_space<hbm>>
    %dma_wait3A_72 = arith.constant 0 : i32
    %dma_wait3A_73 = tpu.memref_slice %arg4[%dma_wait3A_72] : memref<3200000xi32, #tpu.memory_space<hbm>> -> memref<2000xi32, #tpu.memory_space<hbm>>
    tpu.wait_dma2 semaphore(%arg16 : memref<!tpu.dma_semaphore, #tpu.memory_space<semaphore_mem>>) src(%dma_wait3A_73 : memref<2000xi32, #tpu.memory_space<hbm>>) dst(%arg9 : memref<2000xi32, #tpu.memory_space<vmem>>)
    %dma_wait3A_74 = arith.constant 0 : i32
    %dma_wait3A_75 = arith.constant 0 : i32
    %dma_wait3A_76 = tpu.memref_slice %arg5[%dma_wait3A_74, %dma_wait3A_75] : memref<200000x128xbf16, #tpu.memory_space<hbm>> -> memref<125x128xbf16, #tpu.memory_space<hbm>>
    %dma_wait3A_77 = arith.constant 0 : i32
    %dma_wait3A_78 = arith.constant 0 : i32
    %dma_wait3A_79 = tpu.memref_slice %arg5[%dma_wait3A_77, %dma_wait3A_78] : memref<200000x128xbf16, #tpu.memory_space<hbm>> -> memref<125x128xbf16, #tpu.memory_space<hbm>>
    tpu.wait_dma2 semaphore(%arg16 : memref<!tpu.dma_semaphore, #tpu.memory_space<semaphore_mem>>) src(%dma_wait3A_79 : memref<125x128xbf16, #tpu.memory_space<hbm>>) dst(%arg10 : memref<125x128xbf16, #tpu.memory_space<vmem>>)
    %dma_start3A_80 = arith.constant 0 : i32
    %dma_start3A_81 = arith.constant 0 : i32
    %dma_start3A_82 = tpu.memref_slice %arg2[%dma_start3A_80, %dma_start3A_81] : memref<100096x8xf32, #tpu.memory_space<hbm>> -> memref<100096x8xf32, #tpu.memory_space<hbm>>
    tpu.enqueue_indirect_dma source(%dma_start3A_82 : memref<100096x8xf32, #tpu.memory_space<hbm>>) target(%arg11 : memref<2000x8xf32, #tpu.memory_space<vmem>>) offsets(%arg8 : memref<2000xi32, #tpu.memory_space<vmem>>) semaphore(%arg17 : memref<!tpu.dma_semaphore, #tpu.memory_space<semaphore_mem>>)
    %add3A_83 = arith.constant 2000 : i32
    %add3A_84 = arith.addi %mul3A_23, %add3A_83 : i32
    %jit3A_85 = arith.constant true
    %select_n3A_86 = arith.select %jit3A_85, %add3A_84, %mul3A_23 : i32
    %dma_start3A_87 = tpu.memref_slice %arg3[%select_n3A_86] : memref<3200000xi32, #tpu.memory_space<hbm>> -> memref<2000xi32, #tpu.memory_space<hbm>>
    %dma_start3A_88 = tpu.memref_slice %arg3[%select_n3A_86] : memref<3200000xi32, #tpu.memory_space<hbm>> -> memref<2000xi32, #tpu.memory_space<hbm>>
    tpu.enqueue_dma source(%dma_start3A_88 : memref<2000xi32, #tpu.memory_space<hbm>>) target(%arg12 : memref<2000xi32, #tpu.memory_space<vmem>>) target_semaphore(%arg18 : memref<!tpu.dma_semaphore, #tpu.memory_space<semaphore_mem>>)
    %dma_start3A_89 = tpu.memref_slice %arg4[%select_n3A_86] : memref<3200000xi32, #tpu.memory_space<hbm>> -> memref<2000xi32, #tpu.memory_space<hbm>>
    %dma_start3A_90 = tpu.memref_slice %arg4[%select_n3A_86] : memref<3200000xi32, #tpu.memory_space<hbm>> -> memref<2000xi32, #tpu.memory_space<hbm>>
    tpu.enqueue_dma source(%dma_start3A_90 : memref<2000xi32, #tpu.memory_space<hbm>>) target(%arg13 : memref<2000xi32, #tpu.memory_space<vmem>>) target_semaphore(%arg18 : memref<!tpu.dma_semaphore, #tpu.memory_space<semaphore_mem>>)
    %mul3A_91 = arith.constant 8 : i32
    %mul3A_92 = arith.muli %select_n3A_86, %mul3A_91 : i32
    %jit3A_93 = arith.constant 128 : i32
    %div3A_94 = arith.divsi %mul3A_92, %jit3A_93 : i32
    %sign3A_95 = arith.constant 0 : i32
    %sign3A_96 = arith.cmpi sgt, %mul3A_92, %sign3A_95 : i32
    %sign3A_97 = arith.extui %sign3A_96 : i1 to i32
    %sign3A_98 = arith.constant 0 : i32
    %sign3A_99 = arith.cmpi slt, %mul3A_92, %sign3A_98 : i32
    %sign3A_100 = arith.extui %sign3A_99 : i1 to i32
    %sign3A_101 = arith.subi %sign3A_97, %sign3A_100 : i32
    %sign3A_102 = arith.constant 0 : i32
    %sign3A_103 = arith.cmpi sgt, %jit3A_93, %sign3A_102 : i32
    %sign3A_104 = arith.extui %sign3A_103 : i1 to i32
    %sign3A_105 = arith.constant 0 : i32
    %sign3A_106 = arith.cmpi slt, %jit3A_93, %sign3A_105 : i32
    %sign3A_107 = arith.extui %sign3A_106 : i1 to i32
    %sign3A_108 = arith.subi %sign3A_104, %sign3A_107 : i32
    %ne3A_109 = arith.cmpi ne, %sign3A_101, %sign3A_108 : i32
    %rem3A_110 = arith.remsi %mul3A_92, %jit3A_93 : i32
    %ne3A_111 = arith.constant 0 : i32
    %ne3A_112 = arith.cmpi ne, %rem3A_110, %ne3A_111 : i32
    %and3A_113 = arith.andi %ne3A_109, %ne3A_112 : i1
    %sub3A_114 = arith.constant 1 : i32
    %sub3A_115 = arith.subi %div3A_94, %sub3A_114 : i32
    %select_n3A_116 = arith.select %and3A_113, %sub3A_115, %div3A_94 : i32
    %dma_start3A_117 = arith.constant 0 : i32
    %dma_start3A_118 = tpu.memref_slice %arg5[%select_n3A_116, %dma_start3A_117] : memref<200000x128xbf16, #tpu.memory_space<hbm>> -> memref<125x128xbf16, #tpu.memory_space<hbm>>
    %dma_start3A_119 = arith.constant 0 : i32
    %dma_start3A_120 = tpu.memref_slice %arg5[%select_n3A_116, %dma_start3A_119] : memref<200000x128xbf16, #tpu.memory_space<hbm>> -> memref<125x128xbf16, #tpu.memory_space<hbm>>
    tpu.enqueue_dma source(%dma_start3A_120 : memref<125x128xbf16, #tpu.memory_space<hbm>>) target(%arg14 : memref<125x128xbf16, #tpu.memory_space<vmem>>) target_semaphore(%arg18 : memref<!tpu.dma_semaphore, #tpu.memory_space<semaphore_mem>>)
    %scan3A_121 = arith.constant 0 : i32
    %scan3A_122 = arith.constant 0 : i32
    %scan3A_123 = arith.constant 25 : i32
    %scan3A_124 = arith.addi %scan3A_122, %scan3A_123 : i32
    %scan3A_125 = arith.constant 1 : i32
    %scan3A_126 = scf.for %scan3A_152 = %scan3A_122 to %scan3A_124 step %scan3A_125 iter_args(%scan3A_153 = %scan3A_121) -> (i32)  : i32 {
      %mul3A_154 = arith.constant 2 : i32
      %mul3A_155 = arith.muli %mul3A_154, %scan3A_152 : i32
      %add3A_156 = arith.constant 0 : i32
      %add3A_157 = arith.addi %mul3A_155, %add3A_156 : i32
      %dma_wait3A_158 = arith.constant 0 : i32
      %dma_wait3A_159 = tpu.memref_slice %arg3[%dma_wait3A_158] : memref<3200000xi32, #tpu.memory_space<hbm>> -> memref<2000xi32, #tpu.memory_space<hbm>>
      %dma_wait3A_160 = arith.constant 0 : i32
      %dma_wait3A_161 = tpu.memref_slice %arg3[%dma_wait3A_160] : memref<3200000xi32, #tpu.memory_space<hbm>> -> memref<2000xi32, #tpu.memory_space<hbm>>
      tpu.wait_dma2 semaphore(%arg18 : memref<!tpu.dma_semaphore, #tpu.memory_space<semaphore_mem>>) src(%dma_wait3A_161 : memref<2000xi32, #tpu.memory_space<hbm>>) dst(%arg12 : memref<2000xi32, #tpu.memory_space<vmem>>)
      %dma_wait3A_162 = arith.constant 0 : i32
      %dma_wait3A_163 = tpu.memref_slice %arg4[%dma_wait3A_162] : memref<3200000xi32, #tpu.memory_space<hbm>> -> memref<2000xi32, #tpu.memory_space<hbm>>
      %dma_wait3A_164 = arith.constant 0 : i32
      %dma_wait3A_165 = tpu.memref_slice %arg4[%dma_wait3A_164] : memref<3200000xi32, #tpu.memory_space<hbm>> -> memref<2000xi32, #tpu.memory_space<hbm>>
      tpu.wait_dma2 semaphore(%arg18 : memref<!tpu.dma_semaphore, #tpu.memory_space<semaphore_mem>>) src(%dma_wait3A_165 : memref<2000xi32, #tpu.memory_space<hbm>>) dst(%arg13 : memref<2000xi32, #tpu.memory_space<vmem>>)
      %dma_wait3A_166 = arith.constant 0 : i32
      %dma_wait3A_167 = arith.constant 0 : i32
      %dma_wait3A_168 = tpu.memref_slice %arg5[%dma_wait3A_166, %dma_wait3A_167] : memref<200000x128xbf16, #tpu.memory_space<hbm>> -> memref<125x128xbf16, #tpu.memory_space<hbm>>
      %dma_wait3A_169 = arith.constant 0 : i32
      %dma_wait3A_170 = arith.constant 0 : i32
      %dma_wait3A_171 = tpu.memref_slice %arg5[%dma_wait3A_169, %dma_wait3A_170] : memref<200000x128xbf16, #tpu.memory_space<hbm>> -> memref<125x128xbf16, #tpu.memory_space<hbm>>
      tpu.wait_dma2 semaphore(%arg18 : memref<!tpu.dma_semaphore, #tpu.memory_space<semaphore_mem>>) src(%dma_wait3A_171 : memref<125x128xbf16, #tpu.memory_space<hbm>>) dst(%arg14 : memref<125x128xbf16, #tpu.memory_space<vmem>>)
      %dma_start3A_172 = arith.constant 0 : i32
      %dma_start3A_173 = arith.constant 0 : i32
      %dma_start3A_174 = tpu.memref_slice %arg2[%dma_start3A_172, %dma_start3A_173] : memref<100096x8xf32, #tpu.memory_space<hbm>> -> memref<100096x8xf32, #tpu.memory_space<hbm>>
      tpu.enqueue_indirect_dma source(%dma_start3A_174 : memref<100096x8xf32, #tpu.memory_space<hbm>>) target(%arg15 : memref<2000x8xf32, #tpu.memory_space<vmem>>) offsets(%arg12 : memref<2000xi32, #tpu.memory_space<vmem>>) semaphore(%arg19 : memref<!tpu.dma_semaphore, #tpu.memory_space<semaphore_mem>>)
      %dma_wait3A_175 = arith.constant 0 : i32
      %dma_wait3A_176 = arith.constant 0 : i32
      %dma_wait3A_177 = tpu.memref_slice %arg2[%dma_wait3A_175, %dma_wait3A_176] : memref<100096x8xf32, #tpu.memory_space<hbm>> -> memref<2000x8xf32, #tpu.memory_space<hbm>>
      %dma_wait3A_178 = arith.constant 0 : i32
      %dma_wait3A_179 = arith.constant 0 : i32
      %dma_wait3A_180 = tpu.memref_slice %arg2[%dma_wait3A_178, %dma_wait3A_179] : memref<100096x8xf32, #tpu.memory_space<hbm>> -> memref<2000x8xf32, #tpu.memory_space<hbm>>
      tpu.wait_dma2 semaphore(%arg17 : memref<!tpu.dma_semaphore, #tpu.memory_space<semaphore_mem>>) src(%dma_wait3A_180 : memref<2000x8xf32, #tpu.memory_space<hbm>>) dst(%arg11 : memref<2000x8xf32, #tpu.memory_space<vmem>>)
      %parallel_loop3A = arith.constant 0 : i32
      %parallel_loop3A_181 = arith.constant 500 : i32
      %parallel_loop3A_182 = arith.constant 1 : i32
      scf.for %parallel_loop3A_297 = %parallel_loop3A to %parallel_loop3A_181 step %parallel_loop3A_182  : i32 {
        %parallel_loop3A_298 = arith.constant 4 : i32
        %parallel_loop3A_299 = arith.muli %parallel_loop3A_298, %parallel_loop3A_297 : i32
        %parallel_loop3A_300 = vector.broadcast %parallel_loop3A_299 : i32 to vector<16xi32>
        %parallel_loop3A_301 = arith.addi %shift_right_arithmetic3A_27, %parallel_loop3A_300 : vector<16xi32>
        %parallel_loop3A_302 = arith.constant 2 : i32
        %parallel_loop3A_303 = arith.shrsi %parallel_loop3A_297, %parallel_loop3A_302 : i32
        %parallel_loop3A_304 = arith.constant 3 : i32
        %parallel_loop3A_305 = arith.andi %parallel_loop3A_297, %parallel_loop3A_304 : i32
        %parallel_loop3A_306 = arith.constant 32 : i32
        %parallel_loop3A_307 = arith.muli %parallel_loop3A_305, %parallel_loop3A_306 : i32
        %parallel_loop3A_308 = arith.index_cast %parallel_loop3A_303 : i32 to index
        %parallel_loop3A_309 = arith.index_cast %parallel_loop3A_307 : i32 to index
        %parallel_loop3A_310 = tpu.vector_load %arg10[%parallel_loop3A_308, %parallel_loop3A_309] {strides = array<i32>} : memref<125x128xbf16, #tpu.memory_space<vmem>>, vector<32xbf16>,
        %parallel_loop3A_311 = tpu.unpack_subelements %parallel_loop3A_310, 0 {pack_format = #tpu.pack_format<interleaved>} : vector<32xbf16> -> vector<16xf32>
        %parallel_loop3A_312 = tpu.unpack_subelements %parallel_loop3A_310, 1 {pack_format = #tpu.pack_format<interleaved>} : vector<32xbf16> -> vector<16xf32>
        %parallel_loop3A_313 = tpu.vector_load_idx %arg11[%parallel_loop3A_301, %mul3A_33] : memref<2000x8xf32, #tpu.memory_space<vmem>>[vector<16xi32>, vector<16xi32>], vector<16xf32>,
        %parallel_loop3A_314 = tpu.vector_load_idx %arg11[%parallel_loop3A_301, %add3A_36] : memref<2000x8xf32, #tpu.memory_space<vmem>>[vector<16xi32>, vector<16xi32>], vector<16xf32>,
        %parallel_loop3A_315 = arith.addf %parallel_loop3A_313, %parallel_loop3A_311 : vector<16xf32>
        %parallel_loop3A_316 = arith.constant 0.000000e+00 : f32
        %parallel_loop3A_317 = vector.broadcast %parallel_loop3A_316 : f32 to vector<16xf32>
        %parallel_loop3A_318 = arith.maximumf %parallel_loop3A_315, %parallel_loop3A_317 : vector<16xf32>
        tpu.vector_store_idx %arg11[%parallel_loop3A_301, %mul3A_33], %parallel_loop3A_318 : memref<2000x8xf32, #tpu.memory_space<vmem>>[vector<16xi32>, vector<16xi32>], vector<16xf32>,
        %parallel_loop3A_319 = arith.addf %parallel_loop3A_314, %parallel_loop3A_312 : vector<16xf32>
        %parallel_loop3A_320 = arith.constant 0.000000e+00 : f32
        %parallel_loop3A_321 = vector.broadcast %parallel_loop3A_320 : f32 to vector<16xf32>
        %parallel_loop3A_322 = arith.maximumf %parallel_loop3A_319, %parallel_loop3A_321 : vector<16xf32>
        tpu.vector_store_idx %arg11[%parallel_loop3A_301, %add3A_36], %parallel_loop3A_322 : memref<2000x8xf32, #tpu.memory_space<vmem>>[vector<16xi32>, vector<16xi32>], vector<16xf32>,
      } {sc.loop_unroll_factor = 4 : i64, sc.parallel_access}
      "tpu.region"() ({
        %run_scoped3A = tpu.sem_alloc : memref<!tpu.dma_semaphore, #tpu.memory_space<semaphore_mem>>
        %dma_start3A_297 = arith.constant 0 : i32
        %dma_start3A_298 = arith.constant 0 : i32
        %dma_start3A_299 = tpu.memref_slice %arg7[%dma_start3A_297, %dma_start3A_298] : memref<100096x8xf32, #tpu.memory_space<vmem_shared>> -> memref<100096x8xf32, #tpu.memory_space<vmem_shared>>
        tpu.enqueue_indirect_dma source(%arg11 : memref<2000x8xf32, #tpu.memory_space<vmem>>) target(%dma_start3A_299 : memref<100096x8xf32, #tpu.memory_space<vmem_shared>>) offsets(%arg9 : memref<2000xi32, #tpu.memory_space<vmem>>) semaphore(%run_scoped3A : memref<!tpu.dma_semaphore, #tpu.memory_space<semaphore_mem>>) {add = true}
        %dma_wait3A_300 = arith.constant 0 : i32
        %dma_wait3A_301 = arith.constant 0 : i32
        %dma_wait3A_302 = tpu.memref_slice %arg7[%dma_wait3A_300, %dma_wait3A_301] : memref<100096x8xf32, #tpu.memory_space<vmem_shared>> -> memref<100096x8xf32, #tpu.memory_space<vmem_shared>>
        tpu.wait_indirect_dma semaphore(%run_scoped3A : memref<!tpu.dma_semaphore, #tpu.memory_space<semaphore_mem>>) src(%arg11 : memref<2000x8xf32, #tpu.memory_space<vmem>>) dst(%dma_wait3A_302 : memref<100096x8xf32, #tpu.memory_space<vmem_shared>>)
        tpu.yield
      }) : () -> ()
      %add3A_183 = arith.constant 2 : i32
      %add3A_184 = arith.addi %add3A_157, %add3A_183 : i32
      %lt3A = arith.constant 50 : i32
      %lt3A_185 = arith.cmpi slt, %add3A_184, %lt3A : i32
      %mul3A_186 = arith.constant 2000 : i32
      %mul3A_187 = arith.muli %add3A_184, %mul3A_186 : i32
      %add3A_188 = arith.addi %mul3A_23, %mul3A_187 : i32
      %select_n3A_189 = arith.select %lt3A_185, %add3A_188, %mul3A_23 : i32
      %dma_start3A_190 = tpu.memref_slice %arg3[%select_n3A_189] : memref<3200000xi32, #tpu.memory_space<hbm>> -> memref<2000xi32, #tpu.memory_space<hbm>>
      %dma_start3A_191 = tpu.memref_slice %arg3[%select_n3A_189] : memref<3200000xi32, #tpu.memory_space<hbm>> -> memref<2000xi32, #tpu.memory_space<hbm>>
      tpu.enqueue_dma source(%dma_start3A_191 : memref<2000xi32, #tpu.memory_space<hbm>>) target(%arg8 : memref<2000xi32, #tpu.memory_space<vmem>>) target_semaphore(%arg16 : memref<!tpu.dma_semaphore, #tpu.memory_space<semaphore_mem>>)
      %dma_start3A_192 = tpu.memref_slice %arg4[%select_n3A_189] : memref<3200000xi32, #tpu.memory_space<hbm>> -> memref<2000xi32, #tpu.memory_space<hbm>>
      %dma_start3A_193 = tpu.memref_slice %arg4[%select_n3A_189] : memref<3200000xi32, #tpu.memory_space<hbm>> -> memref<2000xi32, #tpu.memory_space<hbm>>
      tpu.enqueue_dma source(%dma_start3A_193 : memref<2000xi32, #tpu.memory_space<hbm>>) target(%arg9 : memref<2000xi32, #tpu.memory_space<vmem>>) target_semaphore(%arg16 : memref<!tpu.dma_semaphore, #tpu.memory_space<semaphore_mem>>)
      %mul3A_194 = arith.constant 8 : i32
      %mul3A_195 = arith.muli %select_n3A_189, %mul3A_194 : i32
      %jit3A_196 = arith.constant 128 : i32
      %div3A_197 = arith.divsi %mul3A_195, %jit3A_196 : i32
      %sign3A_198 = arith.constant 0 : i32
      %sign3A_199 = arith.cmpi sgt, %mul3A_195, %sign3A_198 : i32
      %sign3A_200 = arith.extui %sign3A_199 : i1 to i32
      %sign3A_201 = arith.constant 0 : i32
      %sign3A_202 = arith.cmpi slt, %mul3A_195, %sign3A_201 : i32
      %sign3A_203 = arith.extui %sign3A_202 : i1 to i32
      %sign3A_204 = arith.subi %sign3A_200, %sign3A_203 : i32
      %sign3A_205 = arith.constant 0 : i32
      %sign3A_206 = arith.cmpi sgt, %jit3A_196, %sign3A_205 : i32
      %sign3A_207 = arith.extui %sign3A_206 : i1 to i32
      %sign3A_208 = arith.constant 0 : i32
      %sign3A_209 = arith.cmpi slt, %jit3A_196, %sign3A_208 : i32
      %sign3A_210 = arith.extui %sign3A_209 : i1 to i32
      %sign3A_211 = arith.subi %sign3A_207, %sign3A_210 : i32
      %ne3A_212 = arith.cmpi ne, %sign3A_204, %sign3A_211 : i32
      %rem3A_213 = arith.remsi %mul3A_195, %jit3A_196 : i32
      %ne3A_214 = arith.constant 0 : i32
      %ne3A_215 = arith.cmpi ne, %rem3A_213, %ne3A_214 : i32
      %and3A_216 = arith.andi %ne3A_212, %ne3A_215 : i1
      %sub3A_217 = arith.constant 1 : i32
      %sub3A_218 = arith.subi %div3A_197, %sub3A_217 : i32
      %select_n3A_219 = arith.select %and3A_216, %sub3A_218, %div3A_197 : i32
      %dma_start3A_220 = arith.constant 0 : i32
      %dma_start3A_221 = tpu.memref_slice %arg5[%select_n3A_219, %dma_start3A_220] : memref<200000x128xbf16, #tpu.memory_space<hbm>> -> memref<125x128xbf16, #tpu.memory_space<hbm>>
      %dma_start3A_222 = arith.constant 0 : i32
      %dma_start3A_223 = tpu.memref_slice %arg5[%select_n3A_219, %dma_start3A_222] : memref<200000x128xbf16, #tpu.memory_space<hbm>> -> memref<125x128xbf16, #tpu.memory_space<hbm>>
      tpu.enqueue_dma source(%dma_start3A_223 : memref<125x128xbf16, #tpu.memory_space<hbm>>) target(%arg10 : memref<125x128xbf16, #tpu.memory_space<vmem>>) target_semaphore(%arg16 : memref<!tpu.dma_semaphore, #tpu.memory_space<semaphore_mem>>)
      %mul3A_224 = arith.constant 2 : i32
      %mul3A_225 = arith.muli %mul3A_224, %scan3A_152 : i32
      %add3A_226 = arith.constant 1 : i32
      %add3A_227 = arith.addi %mul3A_225, %add3A_226 : i32
      %dma_wait3A_228 = arith.constant 0 : i32
      %dma_wait3A_229 = tpu.memref_slice %arg3[%dma_wait3A_228] : memref<3200000xi32, #tpu.memory_space<hbm>> -> memref<2000xi32, #tpu.memory_space<hbm>>
      %dma_wait3A_230 = arith.constant 0 : i32
      %dma_wait3A_231 = tpu.memref_slice %arg3[%dma_wait3A_230] : memref<3200000xi32, #tpu.memory_space<hbm>> -> memref<2000xi32, #tpu.memory_space<hbm>>
      tpu.wait_dma2 semaphore(%arg16 : memref<!tpu.dma_semaphore, #tpu.memory_space<semaphore_mem>>) src(%dma_wait3A_231 : memref<2000xi32, #tpu.memory_space<hbm>>) dst(%arg8 : memref<2000xi32, #tpu.memory_space<vmem>>)
      %dma_wait3A_232 = arith.constant 0 : i32
      %dma_wait3A_233 = tpu.memref_slice %arg4[%dma_wait3A_232] : memref<3200000xi32, #tpu.memory_space<hbm>> -> memref<2000xi32, #tpu.memory_space<hbm>>
      %dma_wait3A_234 = arith.constant 0 : i32
      %dma_wait3A_235 = tpu.memref_slice %arg4[%dma_wait3A_234] : memref<3200000xi32, #tpu.memory_space<hbm>> -> memref<2000xi32, #tpu.memory_space<hbm>>
      tpu.wait_dma2 semaphore(%arg16 : memref<!tpu.dma_semaphore, #tpu.memory_space<semaphore_mem>>) src(%dma_wait3A_235 : memref<2000xi32, #tpu.memory_space<hbm>>) dst(%arg9 : memref<2000xi32, #tpu.memory_space<vmem>>)
      %dma_wait3A_236 = arith.constant 0 : i32
      %dma_wait3A_237 = arith.constant 0 : i32
      %dma_wait3A_238 = tpu.memref_slice %arg5[%dma_wait3A_236, %dma_wait3A_237] : memref<200000x128xbf16, #tpu.memory_space<hbm>> -> memref<125x128xbf16, #tpu.memory_space<hbm>>
      %dma_wait3A_239 = arith.constant 0 : i32
      %dma_wait3A_240 = arith.constant 0 : i32
      %dma_wait3A_241 = tpu.memref_slice %arg5[%dma_wait3A_239, %dma_wait3A_240] : memref<200000x128xbf16, #tpu.memory_space<hbm>> -> memref<125x128xbf16, #tpu.memory_space<hbm>>
      tpu.wait_dma2 semaphore(%arg16 : memref<!tpu.dma_semaphore, #tpu.memory_space<semaphore_mem>>) src(%dma_wait3A_241 : memref<125x128xbf16, #tpu.memory_space<hbm>>) dst(%arg10 : memref<125x128xbf16, #tpu.memory_space<vmem>>)
      %dma_start3A_242 = arith.constant 0 : i32
      %dma_start3A_243 = arith.constant 0 : i32
      %dma_start3A_244 = tpu.memref_slice %arg2[%dma_start3A_242, %dma_start3A_243] : memref<100096x8xf32, #tpu.memory_space<hbm>> -> memref<100096x8xf32, #tpu.memory_space<hbm>>
      tpu.enqueue_indirect_dma source(%dma_start3A_244 : memref<100096x8xf32, #tpu.memory_space<hbm>>) target(%arg11 : memref<2000x8xf32, #tpu.memory_space<vmem>>) offsets(%arg8 : memref<2000xi32, #tpu.memory_space<vmem>>) semaphore(%arg17 : memref<!tpu.dma_semaphore, #tpu.memory_space<semaphore_mem>>)
      %dma_wait3A_245 = arith.constant 0 : i32
      %dma_wait3A_246 = arith.constant 0 : i32
      %dma_wait3A_247 = tpu.memref_slice %arg2[%dma_wait3A_245, %dma_wait3A_246] : memref<100096x8xf32, #tpu.memory_space<hbm>> -> memref<2000x8xf32, #tpu.memory_space<hbm>>
      %dma_wait3A_248 = arith.constant 0 : i32
      %dma_wait3A_249 = arith.constant 0 : i32
      %dma_wait3A_250 = tpu.memref_slice %arg2[%dma_wait3A_248, %dma_wait3A_249] : memref<100096x8xf32, #tpu.memory_space<hbm>> -> memref<2000x8xf32, #tpu.memory_space<hbm>>
      tpu.wait_dma2 semaphore(%arg19 : memref<!tpu.dma_semaphore, #tpu.memory_space<semaphore_mem>>) src(%dma_wait3A_250 : memref<2000x8xf32, #tpu.memory_space<hbm>>) dst(%arg15 : memref<2000x8xf32, #tpu.memory_space<vmem>>)
      %parallel_loop3A_251 = arith.constant 0 : i32
      %parallel_loop3A_252 = arith.constant 500 : i32
      %parallel_loop3A_253 = arith.constant 1 : i32
      scf.for %parallel_loop3A_297 = %parallel_loop3A_251 to %parallel_loop3A_252 step %parallel_loop3A_253  : i32 {
        %parallel_loop3A_298 = arith.constant 4 : i32
        %parallel_loop3A_299 = arith.muli %parallel_loop3A_298, %parallel_loop3A_297 : i32
        %parallel_loop3A_300 = vector.broadcast %parallel_loop3A_299 : i32 to vector<16xi32>
        %parallel_loop3A_301 = arith.addi %shift_right_arithmetic3A_27, %parallel_loop3A_300 : vector<16xi32>
        %parallel_loop3A_302 = arith.constant 2 : i32
        %parallel_loop3A_303 = arith.shrsi %parallel_loop3A_297, %parallel_loop3A_302 : i32
        %parallel_loop3A_304 = arith.constant 3 : i32
        %parallel_loop3A_305 = arith.andi %parallel_loop3A_297, %parallel_loop3A_304 : i32
        %parallel_loop3A_306 = arith.constant 32 : i32
        %parallel_loop3A_307 = arith.muli %parallel_loop3A_305, %parallel_loop3A_306 : i32
        %parallel_loop3A_308 = arith.index_cast %parallel_loop3A_303 : i32 to index
        %parallel_loop3A_309 = arith.index_cast %parallel_loop3A_307 : i32 to index
        %parallel_loop3A_310 = tpu.vector_load %arg14[%parallel_loop3A_308, %parallel_loop3A_309] {strides = array<i32>} : memref<125x128xbf16, #tpu.memory_space<vmem>>, vector<32xbf16>,
        %parallel_loop3A_311 = tpu.unpack_subelements %parallel_loop3A_310, 0 {pack_format = #tpu.pack_format<interleaved>} : vector<32xbf16> -> vector<16xf32>
        %parallel_loop3A_312 = tpu.unpack_subelements %parallel_loop3A_310, 1 {pack_format = #tpu.pack_format<interleaved>} : vector<32xbf16> -> vector<16xf32>
        %parallel_loop3A_313 = tpu.vector_load_idx %arg15[%parallel_loop3A_301, %mul3A_33] : memref<2000x8xf32, #tpu.memory_space<vmem>>[vector<16xi32>, vector<16xi32>], vector<16xf32>,
        %parallel_loop3A_314 = tpu.vector_load_idx %arg15[%parallel_loop3A_301, %add3A_36] : memref<2000x8xf32, #tpu.memory_space<vmem>>[vector<16xi32>, vector<16xi32>], vector<16xf32>,
        %parallel_loop3A_315 = arith.addf %parallel_loop3A_313, %parallel_loop3A_311 : vector<16xf32>
        %parallel_loop3A_316 = arith.constant 0.000000e+00 : f32
        %parallel_loop3A_317 = vector.broadcast %parallel_loop3A_316 : f32 to vector<16xf32>
        %parallel_loop3A_318 = arith.maximumf %parallel_loop3A_315, %parallel_loop3A_317 : vector<16xf32>
        tpu.vector_store_idx %arg15[%parallel_loop3A_301, %mul3A_33], %parallel_loop3A_318 : memref<2000x8xf32, #tpu.memory_space<vmem>>[vector<16xi32>, vector<16xi32>], vector<16xf32>,
        %parallel_loop3A_319 = arith.addf %parallel_loop3A_314, %parallel_loop3A_312 : vector<16xf32>
        %parallel_loop3A_320 = arith.constant 0.000000e+00 : f32
        %parallel_loop3A_321 = vector.broadcast %parallel_loop3A_320 : f32 to vector<16xf32>
        %parallel_loop3A_322 = arith.maximumf %parallel_loop3A_319, %parallel_loop3A_321 : vector<16xf32>
        tpu.vector_store_idx %arg15[%parallel_loop3A_301, %add3A_36], %parallel_loop3A_322 : memref<2000x8xf32, #tpu.memory_space<vmem>>[vector<16xi32>, vector<16xi32>], vector<16xf32>,
      } {sc.loop_unroll_factor = 4 : i64, sc.parallel_access}
      "tpu.region"() ({
        %run_scoped3A = tpu.sem_alloc : memref<!tpu.dma_semaphore, #tpu.memory_space<semaphore_mem>>
        %dma_start3A_297 = arith.constant 0 : i32
        %dma_start3A_298 = arith.constant 0 : i32
        %dma_start3A_299 = tpu.memref_slice %arg7[%dma_start3A_297, %dma_start3A_298] : memref<100096x8xf32, #tpu.memory_space<vmem_shared>> -> memref<100096x8xf32, #tpu.memory_space<vmem_shared>>
        tpu.enqueue_indirect_dma source(%arg15 : memref<2000x8xf32, #tpu.memory_space<vmem>>) target(%dma_start3A_299 : memref<100096x8xf32, #tpu.memory_space<vmem_shared>>) offsets(%arg13 : memref<2000xi32, #tpu.memory_space<vmem>>) semaphore(%run_scoped3A : memref<!tpu.dma_semaphore, #tpu.memory_space<semaphore_mem>>) {add = true}
        %dma_wait3A_300 = arith.constant 0 : i32
        %dma_wait3A_301 = arith.constant 0 : i32
        %dma_wait3A_302 = tpu.memref_slice %arg7[%dma_wait3A_300, %dma_wait3A_301] : memref<100096x8xf32, #tpu.memory_space<vmem_shared>> -> memref<100096x8xf32, #tpu.memory_space<vmem_shared>>
        tpu.wait_indirect_dma semaphore(%run_scoped3A : memref<!tpu.dma_semaphore, #tpu.memory_space<semaphore_mem>>) src(%arg15 : memref<2000x8xf32, #tpu.memory_space<vmem>>) dst(%dma_wait3A_302 : memref<100096x8xf32, #tpu.memory_space<vmem_shared>>)
        tpu.yield
      }) : () -> ()
      %add3A_254 = arith.constant 2 : i32
      %add3A_255 = arith.addi %add3A_227, %add3A_254 : i32
      %lt3A_256 = arith.constant 50 : i32
      %lt3A_257 = arith.cmpi slt, %add3A_255, %lt3A_256 : i32
      %mul3A_258 = arith.constant 2000 : i32
      %mul3A_259 = arith.muli %add3A_255, %mul3A_258 : i32
      %add3A_260 = arith.addi %mul3A_23, %mul3A_259 : i32
      %select_n3A_261 = arith.select %lt3A_257, %add3A_260, %mul3A_23 : i32
      %dma_start3A_262 = tpu.memref_slice %arg3[%select_n3A_261] : memref<3200000xi32, #tpu.memory_space<hbm>> -> memref<2000xi32, #tpu.memory_space<hbm>>
      %dma_start3A_263 = tpu.memref_slice %arg3[%select_n3A_261] : memref<3200000xi32, #tpu.memory_space<hbm>> -> memref<2000xi32, #tpu.memory_space<hbm>>
      tpu.enqueue_dma source(%dma_start3A_263 : memref<2000xi32, #tpu.memory_space<hbm>>) target(%arg12 : memref<2000xi32, #tpu.memory_space<vmem>>) target_semaphore(%arg18 : memref<!tpu.dma_semaphore, #tpu.memory_space<semaphore_mem>>)
      %dma_start3A_264 = tpu.memref_slice %arg4[%select_n3A_261] : memref<3200000xi32, #tpu.memory_space<hbm>> -> memref<2000xi32, #tpu.memory_space<hbm>>
      %dma_start3A_265 = tpu.memref_slice %arg4[%select_n3A_261] : memref<3200000xi32, #tpu.memory_space<hbm>> -> memref<2000xi32, #tpu.memory_space<hbm>>
      tpu.enqueue_dma source(%dma_start3A_265 : memref<2000xi32, #tpu.memory_space<hbm>>) target(%arg13 : memref<2000xi32, #tpu.memory_space<vmem>>) target_semaphore(%arg18 : memref<!tpu.dma_semaphore, #tpu.memory_space<semaphore_mem>>)
      %mul3A_266 = arith.constant 8 : i32
      %mul3A_267 = arith.muli %select_n3A_261, %mul3A_266 : i32
      %jit3A_268 = arith.constant 128 : i32
      %div3A_269 = arith.divsi %mul3A_267, %jit3A_268 : i32
      %sign3A_270 = arith.constant 0 : i32
      %sign3A_271 = arith.cmpi sgt, %mul3A_267, %sign3A_270 : i32
      %sign3A_272 = arith.extui %sign3A_271 : i1 to i32
      %sign3A_273 = arith.constant 0 : i32
      %sign3A_274 = arith.cmpi slt, %mul3A_267, %sign3A_273 : i32
      %sign3A_275 = arith.extui %sign3A_274 : i1 to i32
      %sign3A_276 = arith.subi %sign3A_272, %sign3A_275 : i32
      %sign3A_277 = arith.constant 0 : i32
      %sign3A_278 = arith.cmpi sgt, %jit3A_268, %sign3A_277 : i32
      %sign3A_279 = arith.extui %sign3A_278 : i1 to i32
      %sign3A_280 = arith.constant 0 : i32
      %sign3A_281 = arith.cmpi slt, %jit3A_268, %sign3A_280 : i32
      %sign3A_282 = arith.extui %sign3A_281 : i1 to i32
      %sign3A_283 = arith.subi %sign3A_279, %sign3A_282 : i32
      %ne3A_284 = arith.cmpi ne, %sign3A_276, %sign3A_283 : i32
      %rem3A_285 = arith.remsi %mul3A_267, %jit3A_268 : i32
      %ne3A_286 = arith.constant 0 : i32
      %ne3A_287 = arith.cmpi ne, %rem3A_285, %ne3A_286 : i32
      %and3A_288 = arith.andi %ne3A_284, %ne3A_287 : i1
      %sub3A_289 = arith.constant 1 : i32
      %sub3A_290 = arith.subi %div3A_269, %sub3A_289 : i32
      %select_n3A_291 = arith.select %and3A_288, %sub3A_290, %div3A_269 : i32
      %dma_start3A_292 = arith.constant 0 : i32
      %dma_start3A_293 = tpu.memref_slice %arg5[%select_n3A_291, %dma_start3A_292] : memref<200000x128xbf16, #tpu.memory_space<hbm>> -> memref<125x128xbf16, #tpu.memory_space<hbm>>
      %dma_start3A_294 = arith.constant 0 : i32
      %dma_start3A_295 = tpu.memref_slice %arg5[%select_n3A_291, %dma_start3A_294] : memref<200000x128xbf16, #tpu.memory_space<hbm>> -> memref<125x128xbf16, #tpu.memory_space<hbm>>
      tpu.enqueue_dma source(%dma_start3A_295 : memref<125x128xbf16, #tpu.memory_space<hbm>>) target(%arg14 : memref<125x128xbf16, #tpu.memory_space<vmem>>) target_semaphore(%arg18 : memref<!tpu.dma_semaphore, #tpu.memory_space<semaphore_mem>>)
      %scan3A_296 = arith.constant 0 : i32
      scf.yield %scan3A_296 : i32
    }
    %scan3A_127 = arith.constant 25 : i32
    %dma_wait3A_128 = arith.constant 0 : i32
    %dma_wait3A_129 = arith.constant 0 : i32
    %dma_wait3A_130 = tpu.memref_slice %arg2[%dma_wait3A_128, %dma_wait3A_129] : memref<100096x8xf32, #tpu.memory_space<hbm>> -> memref<2000x8xf32, #tpu.memory_space<hbm>>
    %dma_wait3A_131 = arith.constant 0 : i32
    %dma_wait3A_132 = arith.constant 0 : i32
    %dma_wait3A_133 = tpu.memref_slice %arg2[%dma_wait3A_131, %dma_wait3A_132] : memref<100096x8xf32, #tpu.memory_space<hbm>> -> memref<2000x8xf32, #tpu.memory_space<hbm>>
    tpu.wait_dma2 semaphore(%arg17 : memref<!tpu.dma_semaphore, #tpu.memory_space<semaphore_mem>>) src(%dma_wait3A_133 : memref<2000x8xf32, #tpu.memory_space<hbm>>) dst(%arg11 : memref<2000x8xf32, #tpu.memory_space<vmem>>)
    %dma_wait3A_134 = arith.constant 0 : i32
    %dma_wait3A_135 = tpu.memref_slice %arg3[%dma_wait3A_134] : memref<3200000xi32, #tpu.memory_space<hbm>> -> memref<2000xi32, #tpu.memory_space<hbm>>
    %dma_wait3A_136 = arith.constant 0 : i32
    %dma_wait3A_137 = tpu.memref_slice %arg3[%dma_wait3A_136] : memref<3200000xi32, #tpu.memory_space<hbm>> -> memref<2000xi32, #tpu.memory_space<hbm>>
    tpu.wait_dma2 semaphore(%arg18 : memref<!tpu.dma_semaphore, #tpu.memory_space<semaphore_mem>>) src(%dma_wait3A_137 : memref<2000xi32, #tpu.memory_space<hbm>>) dst(%arg12 : memref<2000xi32, #tpu.memory_space<vmem>>)
    %dma_wait3A_138 = arith.constant 0 : i32
    %dma_wait3A_139 = tpu.memref_slice %arg4[%dma_wait3A_138] : memref<3200000xi32, #tpu.memory_space<hbm>> -> memref<2000xi32, #tpu.memory_space<hbm>>
    %dma_wait3A_140 = arith.constant 0 : i32
    %dma_wait3A_141 = tpu.memref_slice %arg4[%dma_wait3A_140] : memref<3200000xi32, #tpu.memory_space<hbm>> -> memref<2000xi32, #tpu.memory_space<hbm>>
    tpu.wait_dma2 semaphore(%arg18 : memref<!tpu.dma_semaphore, #tpu.memory_space<semaphore_mem>>) src(%dma_wait3A_141 : memref<2000xi32, #tpu.memory_space<hbm>>) dst(%arg13 : memref<2000xi32, #tpu.memory_space<vmem>>)
    %dma_wait3A_142 = arith.constant 0 : i32
    %dma_wait3A_143 = arith.constant 0 : i32
    %dma_wait3A_144 = tpu.memref_slice %arg5[%dma_wait3A_142, %dma_wait3A_143] : memref<200000x128xbf16, #tpu.memory_space<hbm>> -> memref<125x128xbf16, #tpu.memory_space<hbm>>
    %dma_wait3A_145 = arith.constant 0 : i32
    %dma_wait3A_146 = arith.constant 0 : i32
    %dma_wait3A_147 = tpu.memref_slice %arg5[%dma_wait3A_145, %dma_wait3A_146] : memref<200000x128xbf16, #tpu.memory_space<hbm>> -> memref<125x128xbf16, #tpu.memory_space<hbm>>
    tpu.wait_dma2 semaphore(%arg18 : memref<!tpu.dma_semaphore, #tpu.memory_space<semaphore_mem>>) src(%dma_wait3A_147 : memref<125x128xbf16, #tpu.memory_space<hbm>>) dst(%arg14 : memref<125x128xbf16, #tpu.memory_space<vmem>>)
    %barrier3A_148 = arith.constant 0 : index
    tpu.barrier barrier_id(%barrier3A_148)
    %mul3A_149 = arith.constant 100096 : i32
    %mul3A_150 = arith.muli %arg0, %mul3A_149 : i32
    %add3A_151 = arith.addi %mul3A_150, %mul3A_2 : i32
    "tpu.region"() ({
      %run_scoped3A = tpu.sem_alloc : memref<!tpu.dma_semaphore, #tpu.memory_space<semaphore_mem>>
      %dma_start3A_152 = arith.constant 0 : i32
      %dma_start3A_153 = tpu.memref_slice %arg6[%add3A_151, %dma_start3A_152] : memref<200192x8xf32, #tpu.memory_space<hbm>> -> memref<6256x8xf32, #tpu.memory_space<hbm>>
      %dma_start3A_154 = arith.constant 0 : i32
      %dma_start3A_155 = tpu.memref_slice %arg7[%mul3A_2, %dma_start3A_154] : memref<100096x8xf32, #tpu.memory_space<vmem_shared>> -> memref<6256x8xf32, #tpu.memory_space<vmem_shared>>
      tpu.enqueue_dma source(%dma_start3A_155 : memref<6256x8xf32, #tpu.memory_space<vmem_shared>>) target(%dma_start3A_153 : memref<6256x8xf32, #tpu.memory_space<hbm>>) target_semaphore(%run_scoped3A : memref<!tpu.dma_semaphore, #tpu.memory_space<semaphore_mem>>)
      %dma_wait3A_156 = arith.constant 0 : i32
      %dma_wait3A_157 = tpu.memref_slice %arg6[%add3A_151, %dma_wait3A_156] : memref<200192x8xf32, #tpu.memory_space<hbm>> -> memref<6256x8xf32, #tpu.memory_space<hbm>>
      %dma_wait3A_158 = arith.constant 0 : i32
      %dma_wait3A_159 = tpu.memref_slice %arg7[%mul3A_2, %dma_wait3A_158] : memref<100096x8xf32, #tpu.memory_space<vmem_shared>> -> memref<6256x8xf32, #tpu.memory_space<vmem_shared>>
      tpu.wait_dma2 semaphore(%run_scoped3A : memref<!tpu.dma_semaphore, #tpu.memory_space<semaphore_mem>>) src(%dma_wait3A_159 : memref<6256x8xf32, #tpu.memory_space<vmem_shared>>) dst(%dma_wait3A_157 : memref<6256x8xf32, #tpu.memory_space<hbm>>)
      tpu.yield
    }) : () -> ()
    return
  }
}

#map = affine_map<(d0, d1) -> (0, 0)>
#map1 = affine_map<(d0, d1) -> (0)>
module attributes {stable_mosaic.version = 14 : i64} {
  func.func @_sc_aggr(%arg0: i32, %arg1: i32, %arg2: memref<100096x8xf32, #tpu.memory_space<hbm>>, %arg3: memref<3200000xi32, #tpu.memory_space<hbm>>, %arg4: memref<3200000xi32, #tpu.memory_space<hbm>>, %arg5: memref<200000x128xbf16, #tpu.memory_space<hbm>>, %arg6: memref<200192x8xf32, #tpu.memory_space<hbm>>, %arg7: memref<100096x8xf32, #tpu.memory_space<vmem_shared>>, %arg8: memref<2000xi32, #tpu.memory_space<vmem>>, %arg9: memref<2000xi32, #tpu.memory_space<vmem>>, %arg10: memref<125x128xbf16, #tpu.memory_space<vmem>>, %arg11: memref<2000x8xf32, #tpu.memory_space<vmem>>, %arg12: memref<2000xi32, #tpu.memory_space<vmem>>, %arg13: memref<2000xi32, #tpu.memory_space<vmem>>, %arg14: memref<125x128xbf16, #tpu.memory_space<vmem>>, %arg15: memref<2000x8xf32, #tpu.memory_space<vmem>>, %arg16: memref<!tpu.dma_semaphore, #tpu.memory_space<semaphore_mem>>, %arg17: memref<!tpu.dma_semaphore, #tpu.memory_space<semaphore_mem>>, %arg18: memref<!tpu.dma_semaphore, #tpu.memory_space<semaphore_mem>>, %arg19: memref<!tpu.dma_semaphore, #tpu.memory_space<semaphore_mem>>) attributes {dimension_semantics = [#tpu.dimension_semantics<core_parallel>, #tpu.dimension_semantics<subcore_parallel>], iteration_bounds = array<i64: 2, 16>, scalar_prefetch = 0 : i64, scratch_operands = 13 : i64, tpu.core_type = #tpu.core_type<sc_vector_subcore>, window_params = [{transform_indices = #map}, {transform_indices = #map1}, {transform_indices = #map1}, {transform_indices = #map}, {transform_indices = #map}]} {
    %mul3A = arith.constant 16 : i32
    %mul3A_0 = arith.muli %arg0, %mul3A : i32
    %add3A = arith.addi %mul3A_0, %arg1 : i32
    %mul3A_1 = arith.constant 6256 : i32
    %mul3A_2 = arith.muli %arg1, %mul3A_1 : i32
    %iota3A = tpu.iota {dimensions = array<i32: 0>} : vector<16xi32>
    %shift_right_arithmetic3A = arith.constant 3 : i32
    %shift_right_arithmetic3A_3 = vector.broadcast %shift_right_arithmetic3A : i32 to vector<16xi32>
    %shift_right_arithmetic3A_4 = arith.shrsi %iota3A, %shift_right_arithmetic3A_3 : vector<16xi32>
    %and3A = arith.constant 7 : i32
    %and3A_5 = vector.broadcast %and3A : i32 to vector<16xi32>
    %and3A_6 = arith.andi %iota3A, %and3A_5 : vector<16xi32>
    %broadcast_in_dim3A = arith.constant 0.000000e+00 : f32
    %broadcast_in_dim3A_7 = vector.broadcast %broadcast_in_dim3A : f32 to vector<16xf32>
    %scan3A = arith.constant 0 : i32
    %scan3A_8 = arith.constant 0 : i32
    %scan3A_9 = arith.constant 1000 : i32
    %scan3A_10 = arith.addi %scan3A_8, %scan3A_9 : i32
    %scan3A_11 = arith.constant 1 : i32
    %scan3A_12 = scf.for %scan3A_152 = %scan3A_8 to %scan3A_10 step %scan3A_11 iter_args(%scan3A_153 = %scan3A) -> (i32)  : i32 {
      %mul3A_154 = arith.constant 2 : i32
      %mul3A_155 = arith.muli %mul3A_154, %scan3A_152 : i32
      %add3A_156 = vector.broadcast %mul3A_155 : i32 to vector<16xi32>
      %add3A_157 = arith.addi %shift_right_arithmetic3A_4, %add3A_156 : vector<16xi32>
      tpu.vector_store_idx %arg11[%add3A_157, %and3A_6], %broadcast_in_dim3A_7 : memref<2000x8xf32, #tpu.memory_space<vmem>>[vector<16xi32>, vector<16xi32>], vector<16xf32>,
      %scan3A_158 = arith.constant 0 : i32
      scf.yield %scan3A_158 : i32
    }
    %scan3A_13 = arith.constant 1000 : i32
    %add3A_14 = arith.constant 0 : i32
    %add3A_15 = arith.addi %mul3A_2, %add3A_14 : i32
    "tpu.region"() ({
      %run_scoped3A = tpu.sem_alloc : memref<!tpu.dma_semaphore, #tpu.memory_space<semaphore_mem>>
      %dma_start3A_152 = arith.constant 0 : i32
      %dma_start3A_153 = tpu.memref_slice %arg7[%add3A_15, %dma_start3A_152] : memref<100096x8xf32, #tpu.memory_space<vmem_shared>> -> memref<2000x8xf32, #tpu.memory_space<vmem_shared>>
      %dma_start3A_154 = arith.constant 0 : i32
      %dma_start3A_155 = tpu.memref_slice %arg7[%add3A_15, %dma_start3A_154] : memref<100096x8xf32, #tpu.memory_space<vmem_shared>> -> memref<2000x8xf32, #tpu.memory_space<vmem_shared>>
      tpu.enqueue_dma source(%arg11 : memref<2000x8xf32, #tpu.memory_space<vmem>>) target(%dma_start3A_155 : memref<2000x8xf32, #tpu.memory_space<vmem_shared>>) target_semaphore(%run_scoped3A : memref<!tpu.dma_semaphore, #tpu.memory_space<semaphore_mem>>)
      %dma_wait3A_156 = arith.constant 0 : i32
      %dma_wait3A_157 = tpu.memref_slice %arg7[%add3A_15, %dma_wait3A_156] : memref<100096x8xf32, #tpu.memory_space<vmem_shared>> -> memref<2000x8xf32, #tpu.memory_space<vmem_shared>>
      %dma_wait3A_158 = arith.constant 0 : i32
      %dma_wait3A_159 = tpu.memref_slice %arg7[%add3A_15, %dma_wait3A_158] : memref<100096x8xf32, #tpu.memory_space<vmem_shared>> -> memref<2000x8xf32, #tpu.memory_space<vmem_shared>>
      tpu.wait_dma2 semaphore(%run_scoped3A : memref<!tpu.dma_semaphore, #tpu.memory_space<semaphore_mem>>) src(%arg11 : memref<2000x8xf32, #tpu.memory_space<vmem>>) dst(%dma_wait3A_159 : memref<2000x8xf32, #tpu.memory_space<vmem_shared>>)
      tpu.yield
    }) : () -> ()
    %add3A_16 = arith.constant 2000 : i32
    %add3A_17 = arith.addi %mul3A_2, %add3A_16 : i32
    "tpu.region"() ({
      %run_scoped3A = tpu.sem_alloc : memref<!tpu.dma_semaphore, #tpu.memory_space<semaphore_mem>>
      %dma_start3A_152 = arith.constant 0 : i32
      %dma_start3A_153 = tpu.memref_slice %arg7[%add3A_17, %dma_start3A_152] : memref<100096x8xf32, #tpu.memory_space<vmem_shared>> -> memref<2000x8xf32, #tpu.memory_space<vmem_shared>>
      %dma_start3A_154 = arith.constant 0 : i32
      %dma_start3A_155 = tpu.memref_slice %arg7[%add3A_17, %dma_start3A_154] : memref<100096x8xf32, #tpu.memory_space<vmem_shared>> -> memref<2000x8xf32, #tpu.memory_space<vmem_shared>>
      tpu.enqueue_dma source(%arg11 : memref<2000x8xf32, #tpu.memory_space<vmem>>) target(%dma_start3A_155 : memref<2000x8xf32, #tpu.memory_space<vmem_shared>>) target_semaphore(%run_scoped3A : memref<!tpu.dma_semaphore, #tpu.memory_space<semaphore_mem>>)
      %dma_wait3A_156 = arith.constant 0 : i32
      %dma_wait3A_157 = tpu.memref_slice %arg7[%add3A_17, %dma_wait3A_156] : memref<100096x8xf32, #tpu.memory_space<vmem_shared>> -> memref<2000x8xf32, #tpu.memory_space<vmem_shared>>
      %dma_wait3A_158 = arith.constant 0 : i32
      %dma_wait3A_159 = tpu.memref_slice %arg7[%add3A_17, %dma_wait3A_158] : memref<100096x8xf32, #tpu.memory_space<vmem_shared>> -> memref<2000x8xf32, #tpu.memory_space<vmem_shared>>
      tpu.wait_dma2 semaphore(%run_scoped3A : memref<!tpu.dma_semaphore, #tpu.memory_space<semaphore_mem>>) src(%arg11 : memref<2000x8xf32, #tpu.memory_space<vmem>>) dst(%dma_wait3A_159 : memref<2000x8xf32, #tpu.memory_space<vmem_shared>>)
      tpu.yield
    }) : () -> ()
    %add3A_18 = arith.constant 4000 : i32
    %add3A_19 = arith.addi %mul3A_2, %add3A_18 : i32
    "tpu.region"() ({
      %run_scoped3A = tpu.sem_alloc : memref<!tpu.dma_semaphore, #tpu.memory_space<semaphore_mem>>
      %dma_start3A_152 = arith.constant 0 : i32
      %dma_start3A_153 = tpu.memref_slice %arg7[%add3A_19, %dma_start3A_152] : memref<100096x8xf32, #tpu.memory_space<vmem_shared>> -> memref<2000x8xf32, #tpu.memory_space<vmem_shared>>
      %dma_start3A_154 = arith.constant 0 : i32
      %dma_start3A_155 = tpu.memref_slice %arg7[%add3A_19, %dma_start3A_154] : memref<100096x8xf32, #tpu.memory_space<vmem_shared>> -> memref<2000x8xf32, #tpu.memory_space<vmem_shared>>
      tpu.enqueue_dma source(%arg11 : memref<2000x8xf32, #tpu.memory_space<vmem>>) target(%dma_start3A_155 : memref<2000x8xf32, #tpu.memory_space<vmem_shared>>) target_semaphore(%run_scoped3A : memref<!tpu.dma_semaphore, #tpu.memory_space<semaphore_mem>>)
      %dma_wait3A_156 = arith.constant 0 : i32
      %dma_wait3A_157 = tpu.memref_slice %arg7[%add3A_19, %dma_wait3A_156] : memref<100096x8xf32, #tpu.memory_space<vmem_shared>> -> memref<2000x8xf32, #tpu.memory_space<vmem_shared>>
      %dma_wait3A_158 = arith.constant 0 : i32
      %dma_wait3A_159 = tpu.memref_slice %arg7[%add3A_19, %dma_wait3A_158] : memref<100096x8xf32, #tpu.memory_space<vmem_shared>> -> memref<2000x8xf32, #tpu.memory_space<vmem_shared>>
      tpu.wait_dma2 semaphore(%run_scoped3A : memref<!tpu.dma_semaphore, #tpu.memory_space<semaphore_mem>>) src(%arg11 : memref<2000x8xf32, #tpu.memory_space<vmem>>) dst(%dma_wait3A_159 : memref<2000x8xf32, #tpu.memory_space<vmem_shared>>)
      tpu.yield
    }) : () -> ()
    %add3A_20 = arith.constant 6000 : i32
    %add3A_21 = arith.addi %mul3A_2, %add3A_20 : i32
    "tpu.region"() ({
      %run_scoped3A = tpu.sem_alloc : memref<!tpu.dma_semaphore, #tpu.memory_space<semaphore_mem>>
      %dma_start3A_152 = arith.constant 0 : i32
      %dma_start3A_153 = arith.constant 0 : i32
      %dma_start3A_154 = tpu.memref_slice %arg11[%dma_start3A_152, %dma_start3A_153] : memref<2000x8xf32, #tpu.memory_space<vmem>> -> memref<256x8xf32, #tpu.memory_space<vmem>>
      %dma_start3A_155 = arith.constant 0 : i32
      %dma_start3A_156 = tpu.memref_slice %arg7[%add3A_21, %dma_start3A_155] : memref<100096x8xf32, #tpu.memory_space<vmem_shared>> -> memref<256x8xf32, #tpu.memory_space<vmem_shared>>
      %dma_start3A_157 = arith.constant 0 : i32
      %dma_start3A_158 = tpu.memref_slice %arg7[%add3A_21, %dma_start3A_157] : memref<100096x8xf32, #tpu.memory_space<vmem_shared>> -> memref<256x8xf32, #tpu.memory_space<vmem_shared>>
      %dma_start3A_159 = arith.constant 0 : i32
      %dma_start3A_160 = arith.constant 0 : i32
      %dma_start3A_161 = tpu.memref_slice %arg11[%dma_start3A_159, %dma_start3A_160] : memref<2000x8xf32, #tpu.memory_space<vmem>> -> memref<256x8xf32, #tpu.memory_space<vmem>>
      tpu.enqueue_dma source(%dma_start3A_161 : memref<256x8xf32, #tpu.memory_space<vmem>>) target(%dma_start3A_158 : memref<256x8xf32, #tpu.memory_space<vmem_shared>>) target_semaphore(%run_scoped3A : memref<!tpu.dma_semaphore, #tpu.memory_space<semaphore_mem>>)
      %dma_wait3A_162 = arith.constant 0 : i32
      %dma_wait3A_163 = arith.constant 0 : i32
      %dma_wait3A_164 = tpu.memref_slice %arg11[%dma_wait3A_162, %dma_wait3A_163] : memref<2000x8xf32, #tpu.memory_space<vmem>> -> memref<256x8xf32, #tpu.memory_space<vmem>>
      %dma_wait3A_165 = arith.constant 0 : i32
      %dma_wait3A_166 = tpu.memref_slice %arg7[%add3A_21, %dma_wait3A_165] : memref<100096x8xf32, #tpu.memory_space<vmem_shared>> -> memref<256x8xf32, #tpu.memory_space<vmem_shared>>
      %dma_wait3A_167 = arith.constant 0 : i32
      %dma_wait3A_168 = tpu.memref_slice %arg7[%add3A_21, %dma_wait3A_167] : memref<100096x8xf32, #tpu.memory_space<vmem_shared>> -> memref<256x8xf32, #tpu.memory_space<vmem_shared>>
      %dma_wait3A_169 = arith.constant 0 : i32
      %dma_wait3A_170 = arith.constant 0 : i32
      %dma_wait3A_171 = tpu.memref_slice %arg11[%dma_wait3A_169, %dma_wait3A_170] : memref<2000x8xf32, #tpu.memory_space<vmem>> -> memref<256x8xf32, #tpu.memory_space<vmem>>
      tpu.wait_dma2 semaphore(%run_scoped3A : memref<!tpu.dma_semaphore, #tpu.memory_space<semaphore_mem>>) src(%dma_wait3A_171 : memref<256x8xf32, #tpu.memory_space<vmem>>) dst(%dma_wait3A_168 : memref<256x8xf32, #tpu.memory_space<vmem_shared>>)
      tpu.yield
    }) : () -> ()
    %barrier3A = arith.constant 0 : index
    tpu.barrier barrier_id(%barrier3A)
    %mul3A_22 = arith.constant 100000 : i32
    %mul3A_23 = arith.muli %add3A, %mul3A_22 : i32
    %iota3A_24 = tpu.iota {dimensions = array<i32: 0>} : vector<16xi32>
    %shift_right_arithmetic3A_25 = arith.constant 2 : i32
    %shift_right_arithmetic3A_26 = vector.broadcast %shift_right_arithmetic3A_25 : i32 to vector<16xi32>
    %shift_right_arithmetic3A_27 = arith.shrsi %iota3A_24, %shift_right_arithmetic3A_26 : vector<16xi32>
    %and3A_28 = arith.constant 3 : i32
    %and3A_29 = vector.broadcast %and3A_28 : i32 to vector<16xi32>
    %and3A_30 = arith.andi %iota3A_24, %and3A_29 : vector<16xi32>
    %mul3A_31 = arith.constant 2 : i32
    %mul3A_32 = vector.broadcast %mul3A_31 : i32 to vector<16xi32>
    %mul3A_33 = arith.muli %and3A_30, %mul3A_32 : vector<16xi32>
    %add3A_34 = arith.constant 1 : i32
    %add3A_35 = vector.broadcast %add3A_34 : i32 to vector<16xi32>
    %add3A_36 = arith.addi %mul3A_33, %add3A_35 : vector<16xi32>
    %add3A_37 = arith.constant 0 : i32
    %add3A_38 = arith.addi %mul3A_23, %add3A_37 : i32
    %jit3A = arith.constant true
    %select_n3A = arith.select %jit3A, %add3A_38, %mul3A_23 : i32
    %dma_start3A = tpu.memref_slice %arg3[%select_n3A] : memref<3200000xi32, #tpu.memory_space<hbm>> -> memref<2000xi32, #tpu.memory_space<hbm>>
    %dma_start3A_39 = tpu.memref_slice %arg3[%select_n3A] : memref<3200000xi32, #tpu.memory_space<hbm>> -> memref<2000xi32, #tpu.memory_space<hbm>>
    tpu.enqueue_dma source(%dma_start3A_39 : memref<2000xi32, #tpu.memory_space<hbm>>) target(%arg8 : memref<2000xi32, #tpu.memory_space<vmem>>) target_semaphore(%arg16 : memref<!tpu.dma_semaphore, #tpu.memory_space<semaphore_mem>>)
    %dma_start3A_40 = tpu.memref_slice %arg4[%select_n3A] : memref<3200000xi32, #tpu.memory_space<hbm>> -> memref<2000xi32, #tpu.memory_space<hbm>>
    %dma_start3A_41 = tpu.memref_slice %arg4[%select_n3A] : memref<3200000xi32, #tpu.memory_space<hbm>> -> memref<2000xi32, #tpu.memory_space<hbm>>
    tpu.enqueue_dma source(%dma_start3A_41 : memref<2000xi32, #tpu.memory_space<hbm>>) target(%arg9 : memref<2000xi32, #tpu.memory_space<vmem>>) target_semaphore(%arg16 : memref<!tpu.dma_semaphore, #tpu.memory_space<semaphore_mem>>)
    %mul3A_42 = arith.constant 8 : i32
    %mul3A_43 = arith.muli %select_n3A, %mul3A_42 : i32
    %jit3A_44 = arith.constant 128 : i32
    %div3A = arith.divsi %mul3A_43, %jit3A_44 : i32
    %sign3A = arith.constant 0 : i32
    %sign3A_45 = arith.cmpi sgt, %mul3A_43, %sign3A : i32
    %sign3A_46 = arith.extui %sign3A_45 : i1 to i32
    %sign3A_47 = arith.constant 0 : i32
    %sign3A_48 = arith.cmpi slt, %mul3A_43, %sign3A_47 : i32
    %sign3A_49 = arith.extui %sign3A_48 : i1 to i32
    %sign3A_50 = arith.subi %sign3A_46, %sign3A_49 : i32
    %sign3A_51 = arith.constant 0 : i32
    %sign3A_52 = arith.cmpi sgt, %jit3A_44, %sign3A_51 : i32
    %sign3A_53 = arith.extui %sign3A_52 : i1 to i32
    %sign3A_54 = arith.constant 0 : i32
    %sign3A_55 = arith.cmpi slt, %jit3A_44, %sign3A_54 : i32
    %sign3A_56 = arith.extui %sign3A_55 : i1 to i32
    %sign3A_57 = arith.subi %sign3A_53, %sign3A_56 : i32
    %ne3A = arith.cmpi ne, %sign3A_50, %sign3A_57 : i32
    %rem3A = arith.remsi %mul3A_43, %jit3A_44 : i32
    %ne3A_58 = arith.constant 0 : i32
    %ne3A_59 = arith.cmpi ne, %rem3A, %ne3A_58 : i32
    %and3A_60 = arith.andi %ne3A, %ne3A_59 : i1
    %sub3A = arith.constant 1 : i32
    %sub3A_61 = arith.subi %div3A, %sub3A : i32
    %select_n3A_62 = arith.select %and3A_60, %sub3A_61, %div3A : i32
    %dma_start3A_63 = arith.constant 0 : i32
    %dma_start3A_64 = tpu.memref_slice %arg5[%select_n3A_62, %dma_start3A_63] : memref<200000x128xbf16, #tpu.memory_space<hbm>> -> memref<125x128xbf16, #tpu.memory_space<hbm>>
    %dma_start3A_65 = arith.constant 0 : i32
    %dma_start3A_66 = tpu.memref_slice %arg5[%select_n3A_62, %dma_start3A_65] : memref<200000x128xbf16, #tpu.memory_space<hbm>> -> memref<125x128xbf16, #tpu.memory_space<hbm>>
    tpu.enqueue_dma source(%dma_start3A_66 : memref<125x128xbf16, #tpu.memory_space<hbm>>) target(%arg10 : memref<125x128xbf16, #tpu.memory_space<vmem>>) target_semaphore(%arg16 : memref<!tpu.dma_semaphore, #tpu.memory_space<semaphore_mem>>)
    %dma_wait3A = arith.constant 0 : i32
    %dma_wait3A_67 = tpu.memref_slice %arg3[%dma_wait3A] : memref<3200000xi32, #tpu.memory_space<hbm>> -> memref<2000xi32, #tpu.memory_space<hbm>>
    %dma_wait3A_68 = arith.constant 0 : i32
    %dma_wait3A_69 = tpu.memref_slice %arg3[%dma_wait3A_68] : memref<3200000xi32, #tpu.memory_space<hbm>> -> memref<2000xi32, #tpu.memory_space<hbm>>
    tpu.wait_dma2 semaphore(%arg16 : memref<!tpu.dma_semaphore, #tpu.memory_space<semaphore_mem>>) src(%dma_wait3A_69 : memref<2000xi32, #tpu.memory_space<hbm>>) dst(%arg8 : memref<2000xi32, #tpu.memory_space<vmem>>)
    %dma_wait3A_70 = arith.constant 0 : i32
    %dma_wait3A_71 = tpu.memref_slice %arg4[%dma_wait3A_70] : memref<3200000xi32, #tpu.memory_space<hbm>> -> memref<2000xi32, #tpu.memory_space<hbm>>
    %dma_wait3A_72 = arith.constant 0 : i32
    %dma_wait3A_73 = tpu.memref_slice %arg4[%dma_wait3A_72] : memref<3200000xi32, #tpu.memory_space<hbm>> -> memref<2000xi32, #tpu.memory_space<hbm>>
    tpu.wait_dma2 semaphore(%arg16 : memref<!tpu.dma_semaphore, #tpu.memory_space<semaphore_mem>>) src(%dma_wait3A_73 : memref<2000xi32, #tpu.memory_space<hbm>>) dst(%arg9 : memref<2000xi32, #tpu.memory_space<vmem>>)
    %dma_wait3A_74 = arith.constant 0 : i32
    %dma_wait3A_75 = arith.constant 0 : i32
    %dma_wait3A_76 = tpu.memref_slice %arg5[%dma_wait3A_74, %dma_wait3A_75] : memref<200000x128xbf16, #tpu.memory_space<hbm>> -> memref<125x128xbf16, #tpu.memory_space<hbm>>
    %dma_wait3A_77 = arith.constant 0 : i32
    %dma_wait3A_78 = arith.constant 0 : i32
    %dma_wait3A_79 = tpu.memref_slice %arg5[%dma_wait3A_77, %dma_wait3A_78] : memref<200000x128xbf16, #tpu.memory_space<hbm>> -> memref<125x128xbf16, #tpu.memory_space<hbm>>
    tpu.wait_dma2 semaphore(%arg16 : memref<!tpu.dma_semaphore, #tpu.memory_space<semaphore_mem>>) src(%dma_wait3A_79 : memref<125x128xbf16, #tpu.memory_space<hbm>>) dst(%arg10 : memref<125x128xbf16, #tpu.memory_space<vmem>>)
    %dma_start3A_80 = arith.constant 0 : i32
    %dma_start3A_81 = arith.constant 0 : i32
    %dma_start3A_82 = tpu.memref_slice %arg2[%dma_start3A_80, %dma_start3A_81] : memref<100096x8xf32, #tpu.memory_space<hbm>> -> memref<100096x8xf32, #tpu.memory_space<hbm>>
    tpu.enqueue_indirect_dma source(%dma_start3A_82 : memref<100096x8xf32, #tpu.memory_space<hbm>>) target(%arg11 : memref<2000x8xf32, #tpu.memory_space<vmem>>) offsets(%arg8 : memref<2000xi32, #tpu.memory_space<vmem>>) semaphore(%arg17 : memref<!tpu.dma_semaphore, #tpu.memory_space<semaphore_mem>>)
    %add3A_83 = arith.constant 2000 : i32
    %add3A_84 = arith.addi %mul3A_23, %add3A_83 : i32
    %jit3A_85 = arith.constant true
    %select_n3A_86 = arith.select %jit3A_85, %add3A_84, %mul3A_23 : i32
    %dma_start3A_87 = tpu.memref_slice %arg3[%select_n3A_86] : memref<3200000xi32, #tpu.memory_space<hbm>> -> memref<2000xi32, #tpu.memory_space<hbm>>
    %dma_start3A_88 = tpu.memref_slice %arg3[%select_n3A_86] : memref<3200000xi32, #tpu.memory_space<hbm>> -> memref<2000xi32, #tpu.memory_space<hbm>>
    tpu.enqueue_dma source(%dma_start3A_88 : memref<2000xi32, #tpu.memory_space<hbm>>) target(%arg12 : memref<2000xi32, #tpu.memory_space<vmem>>) target_semaphore(%arg18 : memref<!tpu.dma_semaphore, #tpu.memory_space<semaphore_mem>>)
    %dma_start3A_89 = tpu.memref_slice %arg4[%select_n3A_86] : memref<3200000xi32, #tpu.memory_space<hbm>> -> memref<2000xi32, #tpu.memory_space<hbm>>
    %dma_start3A_90 = tpu.memref_slice %arg4[%select_n3A_86] : memref<3200000xi32, #tpu.memory_space<hbm>> -> memref<2000xi32, #tpu.memory_space<hbm>>
    tpu.enqueue_dma source(%dma_start3A_90 : memref<2000xi32, #tpu.memory_space<hbm>>) target(%arg13 : memref<2000xi32, #tpu.memory_space<vmem>>) target_semaphore(%arg18 : memref<!tpu.dma_semaphore, #tpu.memory_space<semaphore_mem>>)
    %mul3A_91 = arith.constant 8 : i32
    %mul3A_92 = arith.muli %select_n3A_86, %mul3A_91 : i32
    %jit3A_93 = arith.constant 128 : i32
    %div3A_94 = arith.divsi %mul3A_92, %jit3A_93 : i32
    %sign3A_95 = arith.constant 0 : i32
    %sign3A_96 = arith.cmpi sgt, %mul3A_92, %sign3A_95 : i32
    %sign3A_97 = arith.extui %sign3A_96 : i1 to i32
    %sign3A_98 = arith.constant 0 : i32
    %sign3A_99 = arith.cmpi slt, %mul3A_92, %sign3A_98 : i32
    %sign3A_100 = arith.extui %sign3A_99 : i1 to i32
    %sign3A_101 = arith.subi %sign3A_97, %sign3A_100 : i32
    %sign3A_102 = arith.constant 0 : i32
    %sign3A_103 = arith.cmpi sgt, %jit3A_93, %sign3A_102 : i32
    %sign3A_104 = arith.extui %sign3A_103 : i1 to i32
    %sign3A_105 = arith.constant 0 : i32
    %sign3A_106 = arith.cmpi slt, %jit3A_93, %sign3A_105 : i32
    %sign3A_107 = arith.extui %sign3A_106 : i1 to i32
    %sign3A_108 = arith.subi %sign3A_104, %sign3A_107 : i32
    %ne3A_109 = arith.cmpi ne, %sign3A_101, %sign3A_108 : i32
    %rem3A_110 = arith.remsi %mul3A_92, %jit3A_93 : i32
    %ne3A_111 = arith.constant 0 : i32
    %ne3A_112 = arith.cmpi ne, %rem3A_110, %ne3A_111 : i32
    %and3A_113 = arith.andi %ne3A_109, %ne3A_112 : i1
    %sub3A_114 = arith.constant 1 : i32
    %sub3A_115 = arith.subi %div3A_94, %sub3A_114 : i32
    %select_n3A_116 = arith.select %and3A_113, %sub3A_115, %div3A_94 : i32
    %dma_start3A_117 = arith.constant 0 : i32
    %dma_start3A_118 = tpu.memref_slice %arg5[%select_n3A_116, %dma_start3A_117] : memref<200000x128xbf16, #tpu.memory_space<hbm>> -> memref<125x128xbf16, #tpu.memory_space<hbm>>
    %dma_start3A_119 = arith.constant 0 : i32
    %dma_start3A_120 = tpu.memref_slice %arg5[%select_n3A_116, %dma_start3A_119] : memref<200000x128xbf16, #tpu.memory_space<hbm>> -> memref<125x128xbf16, #tpu.memory_space<hbm>>
    tpu.enqueue_dma source(%dma_start3A_120 : memref<125x128xbf16, #tpu.memory_space<hbm>>) target(%arg14 : memref<125x128xbf16, #tpu.memory_space<vmem>>) target_semaphore(%arg18 : memref<!tpu.dma_semaphore, #tpu.memory_space<semaphore_mem>>)
    %scan3A_121 = arith.constant 0 : i32
    %scan3A_122 = arith.constant 0 : i32
    %scan3A_123 = arith.constant 25 : i32
    %scan3A_124 = arith.addi %scan3A_122, %scan3A_123 : i32
    %scan3A_125 = arith.constant 1 : i32
    %scan3A_126 = scf.for %scan3A_152 = %scan3A_122 to %scan3A_124 step %scan3A_125 iter_args(%scan3A_153 = %scan3A_121) -> (i32)  : i32 {
      %mul3A_154 = arith.constant 2 : i32
      %mul3A_155 = arith.muli %mul3A_154, %scan3A_152 : i32
      %add3A_156 = arith.constant 0 : i32
      %add3A_157 = arith.addi %mul3A_155, %add3A_156 : i32
      %dma_wait3A_158 = arith.constant 0 : i32
      %dma_wait3A_159 = tpu.memref_slice %arg3[%dma_wait3A_158] : memref<3200000xi32, #tpu.memory_space<hbm>> -> memref<2000xi32, #tpu.memory_space<hbm>>
      %dma_wait3A_160 = arith.constant 0 : i32
      %dma_wait3A_161 = tpu.memref_slice %arg3[%dma_wait3A_160] : memref<3200000xi32, #tpu.memory_space<hbm>> -> memref<2000xi32, #tpu.memory_space<hbm>>
      tpu.wait_dma2 semaphore(%arg18 : memref<!tpu.dma_semaphore, #tpu.memory_space<semaphore_mem>>) src(%dma_wait3A_161 : memref<2000xi32, #tpu.memory_space<hbm>>) dst(%arg12 : memref<2000xi32, #tpu.memory_space<vmem>>)
      %dma_wait3A_162 = arith.constant 0 : i32
      %dma_wait3A_163 = tpu.memref_slice %arg4[%dma_wait3A_162] : memref<3200000xi32, #tpu.memory_space<hbm>> -> memref<2000xi32, #tpu.memory_space<hbm>>
      %dma_wait3A_164 = arith.constant 0 : i32
      %dma_wait3A_165 = tpu.memref_slice %arg4[%dma_wait3A_164] : memref<3200000xi32, #tpu.memory_space<hbm>> -> memref<2000xi32, #tpu.memory_space<hbm>>
      tpu.wait_dma2 semaphore(%arg18 : memref<!tpu.dma_semaphore, #tpu.memory_space<semaphore_mem>>) src(%dma_wait3A_165 : memref<2000xi32, #tpu.memory_space<hbm>>) dst(%arg13 : memref<2000xi32, #tpu.memory_space<vmem>>)
      %dma_wait3A_166 = arith.constant 0 : i32
      %dma_wait3A_167 = arith.constant 0 : i32
      %dma_wait3A_168 = tpu.memref_slice %arg5[%dma_wait3A_166, %dma_wait3A_167] : memref<200000x128xbf16, #tpu.memory_space<hbm>> -> memref<125x128xbf16, #tpu.memory_space<hbm>>
      %dma_wait3A_169 = arith.constant 0 : i32
      %dma_wait3A_170 = arith.constant 0 : i32
      %dma_wait3A_171 = tpu.memref_slice %arg5[%dma_wait3A_169, %dma_wait3A_170] : memref<200000x128xbf16, #tpu.memory_space<hbm>> -> memref<125x128xbf16, #tpu.memory_space<hbm>>
      tpu.wait_dma2 semaphore(%arg18 : memref<!tpu.dma_semaphore, #tpu.memory_space<semaphore_mem>>) src(%dma_wait3A_171 : memref<125x128xbf16, #tpu.memory_space<hbm>>) dst(%arg14 : memref<125x128xbf16, #tpu.memory_space<vmem>>)
      %dma_start3A_172 = arith.constant 0 : i32
      %dma_start3A_173 = arith.constant 0 : i32
      %dma_start3A_174 = tpu.memref_slice %arg2[%dma_start3A_172, %dma_start3A_173] : memref<100096x8xf32, #tpu.memory_space<hbm>> -> memref<100096x8xf32, #tpu.memory_space<hbm>>
      tpu.enqueue_indirect_dma source(%dma_start3A_174 : memref<100096x8xf32, #tpu.memory_space<hbm>>) target(%arg15 : memref<2000x8xf32, #tpu.memory_space<vmem>>) offsets(%arg12 : memref<2000xi32, #tpu.memory_space<vmem>>) semaphore(%arg19 : memref<!tpu.dma_semaphore, #tpu.memory_space<semaphore_mem>>)
      %dma_wait3A_175 = arith.constant 0 : i32
      %dma_wait3A_176 = arith.constant 0 : i32
      %dma_wait3A_177 = tpu.memref_slice %arg2[%dma_wait3A_175, %dma_wait3A_176] : memref<100096x8xf32, #tpu.memory_space<hbm>> -> memref<2000x8xf32, #tpu.memory_space<hbm>>
      %dma_wait3A_178 = arith.constant 0 : i32
      %dma_wait3A_179 = arith.constant 0 : i32
      %dma_wait3A_180 = tpu.memref_slice %arg2[%dma_wait3A_178, %dma_wait3A_179] : memref<100096x8xf32, #tpu.memory_space<hbm>> -> memref<2000x8xf32, #tpu.memory_space<hbm>>
      tpu.wait_dma2 semaphore(%arg17 : memref<!tpu.dma_semaphore, #tpu.memory_space<semaphore_mem>>) src(%dma_wait3A_180 : memref<2000x8xf32, #tpu.memory_space<hbm>>) dst(%arg11 : memref<2000x8xf32, #tpu.memory_space<vmem>>)
      %parallel_loop3A = arith.constant 0 : i32
      %parallel_loop3A_181 = arith.constant 500 : i32
      %parallel_loop3A_182 = arith.constant 1 : i32
      scf.for %parallel_loop3A_297 = %parallel_loop3A to %parallel_loop3A_181 step %parallel_loop3A_182  : i32 {
        %parallel_loop3A_298 = arith.constant 4 : i32
        %parallel_loop3A_299 = arith.muli %parallel_loop3A_298, %parallel_loop3A_297 : i32
        %parallel_loop3A_300 = vector.broadcast %parallel_loop3A_299 : i32 to vector<16xi32>
        %parallel_loop3A_301 = arith.addi %shift_right_arithmetic3A_27, %parallel_loop3A_300 : vector<16xi32>
        %parallel_loop3A_302 = arith.constant 2 : i32
        %parallel_loop3A_303 = arith.shrsi %parallel_loop3A_297, %parallel_loop3A_302 : i32
        %parallel_loop3A_304 = arith.constant 3 : i32
        %parallel_loop3A_305 = arith.andi %parallel_loop3A_297, %parallel_loop3A_304 : i32
        %parallel_loop3A_306 = arith.constant 32 : i32
        %parallel_loop3A_307 = arith.muli %parallel_loop3A_305, %parallel_loop3A_306 : i32
        %parallel_loop3A_308 = arith.index_cast %parallel_loop3A_303 : i32 to index
        %parallel_loop3A_309 = arith.index_cast %parallel_loop3A_307 : i32 to index
        %parallel_loop3A_310 = tpu.vector_load %arg10[%parallel_loop3A_308, %parallel_loop3A_309] {strides = array<i32>} : memref<125x128xbf16, #tpu.memory_space<vmem>>, vector<32xbf16>,
        %parallel_loop3A_311 = tpu.unpack_subelements %parallel_loop3A_310, 0 {pack_format = #tpu.pack_format<interleaved>} : vector<32xbf16> -> vector<16xf32>
        %parallel_loop3A_312 = tpu.unpack_subelements %parallel_loop3A_310, 1 {pack_format = #tpu.pack_format<interleaved>} : vector<32xbf16> -> vector<16xf32>
        %parallel_loop3A_313 = tpu.vector_load_idx %arg11[%parallel_loop3A_301, %mul3A_33] : memref<2000x8xf32, #tpu.memory_space<vmem>>[vector<16xi32>, vector<16xi32>], vector<16xf32>,
        %parallel_loop3A_314 = tpu.vector_load_idx %arg11[%parallel_loop3A_301, %add3A_36] : memref<2000x8xf32, #tpu.memory_space<vmem>>[vector<16xi32>, vector<16xi32>], vector<16xf32>,
        %parallel_loop3A_315 = arith.addf %parallel_loop3A_313, %parallel_loop3A_311 : vector<16xf32>
        %parallel_loop3A_316 = arith.constant 0.000000e+00 : f32
        %parallel_loop3A_317 = vector.broadcast %parallel_loop3A_316 : f32 to vector<16xf32>
        %parallel_loop3A_318 = arith.maximumf %parallel_loop3A_315, %parallel_loop3A_317 : vector<16xf32>
        tpu.vector_store_idx %arg11[%parallel_loop3A_301, %mul3A_33], %parallel_loop3A_318 : memref<2000x8xf32, #tpu.memory_space<vmem>>[vector<16xi32>, vector<16xi32>], vector<16xf32>,
        %parallel_loop3A_319 = arith.addf %parallel_loop3A_314, %parallel_loop3A_312 : vector<16xf32>
        %parallel_loop3A_320 = arith.constant 0.000000e+00 : f32
        %parallel_loop3A_321 = vector.broadcast %parallel_loop3A_320 : f32 to vector<16xf32>
        %parallel_loop3A_322 = arith.maximumf %parallel_loop3A_319, %parallel_loop3A_321 : vector<16xf32>
        tpu.vector_store_idx %arg11[%parallel_loop3A_301, %add3A_36], %parallel_loop3A_322 : memref<2000x8xf32, #tpu.memory_space<vmem>>[vector<16xi32>, vector<16xi32>], vector<16xf32>,
      } {sc.loop_unroll_factor = 4 : i64, sc.parallel_access}
      "tpu.region"() ({
        %run_scoped3A = tpu.sem_alloc : memref<!tpu.dma_semaphore, #tpu.memory_space<semaphore_mem>>
        %dma_start3A_297 = arith.constant 0 : i32
        %dma_start3A_298 = arith.constant 0 : i32
        %dma_start3A_299 = tpu.memref_slice %arg7[%dma_start3A_297, %dma_start3A_298] : memref<100096x8xf32, #tpu.memory_space<vmem_shared>> -> memref<100096x8xf32, #tpu.memory_space<vmem_shared>>
        tpu.enqueue_indirect_dma source(%arg11 : memref<2000x8xf32, #tpu.memory_space<vmem>>) target(%dma_start3A_299 : memref<100096x8xf32, #tpu.memory_space<vmem_shared>>) offsets(%arg9 : memref<2000xi32, #tpu.memory_space<vmem>>) semaphore(%run_scoped3A : memref<!tpu.dma_semaphore, #tpu.memory_space<semaphore_mem>>) {add = true}
        %dma_wait3A_300 = arith.constant 0 : i32
        %dma_wait3A_301 = arith.constant 0 : i32
        %dma_wait3A_302 = tpu.memref_slice %arg7[%dma_wait3A_300, %dma_wait3A_301] : memref<100096x8xf32, #tpu.memory_space<vmem_shared>> -> memref<100096x8xf32, #tpu.memory_space<vmem_shared>>
        tpu.wait_indirect_dma semaphore(%run_scoped3A : memref<!tpu.dma_semaphore, #tpu.memory_space<semaphore_mem>>) src(%arg11 : memref<2000x8xf32, #tpu.memory_space<vmem>>) dst(%dma_wait3A_302 : memref<100096x8xf32, #tpu.memory_space<vmem_shared>>)
        tpu.yield
      }) : () -> ()
      %add3A_183 = arith.constant 2 : i32
      %add3A_184 = arith.addi %add3A_157, %add3A_183 : i32
      %lt3A = arith.constant 50 : i32
      %lt3A_185 = arith.cmpi slt, %add3A_184, %lt3A : i32
      %mul3A_186 = arith.constant 2000 : i32
      %mul3A_187 = arith.muli %add3A_184, %mul3A_186 : i32
      %add3A_188 = arith.addi %mul3A_23, %mul3A_187 : i32
      %select_n3A_189 = arith.select %lt3A_185, %add3A_188, %mul3A_23 : i32
      %dma_start3A_190 = tpu.memref_slice %arg3[%select_n3A_189] : memref<3200000xi32, #tpu.memory_space<hbm>> -> memref<2000xi32, #tpu.memory_space<hbm>>
      %dma_start3A_191 = tpu.memref_slice %arg3[%select_n3A_189] : memref<3200000xi32, #tpu.memory_space<hbm>> -> memref<2000xi32, #tpu.memory_space<hbm>>
      tpu.enqueue_dma source(%dma_start3A_191 : memref<2000xi32, #tpu.memory_space<hbm>>) target(%arg8 : memref<2000xi32, #tpu.memory_space<vmem>>) target_semaphore(%arg16 : memref<!tpu.dma_semaphore, #tpu.memory_space<semaphore_mem>>)
      %dma_start3A_192 = tpu.memref_slice %arg4[%select_n3A_189] : memref<3200000xi32, #tpu.memory_space<hbm>> -> memref<2000xi32, #tpu.memory_space<hbm>>
      %dma_start3A_193 = tpu.memref_slice %arg4[%select_n3A_189] : memref<3200000xi32, #tpu.memory_space<hbm>> -> memref<2000xi32, #tpu.memory_space<hbm>>
      tpu.enqueue_dma source(%dma_start3A_193 : memref<2000xi32, #tpu.memory_space<hbm>>) target(%arg9 : memref<2000xi32, #tpu.memory_space<vmem>>) target_semaphore(%arg16 : memref<!tpu.dma_semaphore, #tpu.memory_space<semaphore_mem>>)
      %mul3A_194 = arith.constant 8 : i32
      %mul3A_195 = arith.muli %select_n3A_189, %mul3A_194 : i32
      %jit3A_196 = arith.constant 128 : i32
      %div3A_197 = arith.divsi %mul3A_195, %jit3A_196 : i32
      %sign3A_198 = arith.constant 0 : i32
      %sign3A_199 = arith.cmpi sgt, %mul3A_195, %sign3A_198 : i32
      %sign3A_200 = arith.extui %sign3A_199 : i1 to i32
      %sign3A_201 = arith.constant 0 : i32
      %sign3A_202 = arith.cmpi slt, %mul3A_195, %sign3A_201 : i32
      %sign3A_203 = arith.extui %sign3A_202 : i1 to i32
      %sign3A_204 = arith.subi %sign3A_200, %sign3A_203 : i32
      %sign3A_205 = arith.constant 0 : i32
      %sign3A_206 = arith.cmpi sgt, %jit3A_196, %sign3A_205 : i32
      %sign3A_207 = arith.extui %sign3A_206 : i1 to i32
      %sign3A_208 = arith.constant 0 : i32
      %sign3A_209 = arith.cmpi slt, %jit3A_196, %sign3A_208 : i32
      %sign3A_210 = arith.extui %sign3A_209 : i1 to i32
      %sign3A_211 = arith.subi %sign3A_207, %sign3A_210 : i32
      %ne3A_212 = arith.cmpi ne, %sign3A_204, %sign3A_211 : i32
      %rem3A_213 = arith.remsi %mul3A_195, %jit3A_196 : i32
      %ne3A_214 = arith.constant 0 : i32
      %ne3A_215 = arith.cmpi ne, %rem3A_213, %ne3A_214 : i32
      %and3A_216 = arith.andi %ne3A_212, %ne3A_215 : i1
      %sub3A_217 = arith.constant 1 : i32
      %sub3A_218 = arith.subi %div3A_197, %sub3A_217 : i32
      %select_n3A_219 = arith.select %and3A_216, %sub3A_218, %div3A_197 : i32
      %dma_start3A_220 = arith.constant 0 : i32
      %dma_start3A_221 = tpu.memref_slice %arg5[%select_n3A_219, %dma_start3A_220] : memref<200000x128xbf16, #tpu.memory_space<hbm>> -> memref<125x128xbf16, #tpu.memory_space<hbm>>
      %dma_start3A_222 = arith.constant 0 : i32
      %dma_start3A_223 = tpu.memref_slice %arg5[%select_n3A_219, %dma_start3A_222] : memref<200000x128xbf16, #tpu.memory_space<hbm>> -> memref<125x128xbf16, #tpu.memory_space<hbm>>
      tpu.enqueue_dma source(%dma_start3A_223 : memref<125x128xbf16, #tpu.memory_space<hbm>>) target(%arg10 : memref<125x128xbf16, #tpu.memory_space<vmem>>) target_semaphore(%arg16 : memref<!tpu.dma_semaphore, #tpu.memory_space<semaphore_mem>>)
      %mul3A_224 = arith.constant 2 : i32
      %mul3A_225 = arith.muli %mul3A_224, %scan3A_152 : i32
      %add3A_226 = arith.constant 1 : i32
      %add3A_227 = arith.addi %mul3A_225, %add3A_226 : i32
      %dma_wait3A_228 = arith.constant 0 : i32
      %dma_wait3A_229 = tpu.memref_slice %arg3[%dma_wait3A_228] : memref<3200000xi32, #tpu.memory_space<hbm>> -> memref<2000xi32, #tpu.memory_space<hbm>>
      %dma_wait3A_230 = arith.constant 0 : i32
      %dma_wait3A_231 = tpu.memref_slice %arg3[%dma_wait3A_230] : memref<3200000xi32, #tpu.memory_space<hbm>> -> memref<2000xi32, #tpu.memory_space<hbm>>
      tpu.wait_dma2 semaphore(%arg16 : memref<!tpu.dma_semaphore, #tpu.memory_space<semaphore_mem>>) src(%dma_wait3A_231 : memref<2000xi32, #tpu.memory_space<hbm>>) dst(%arg8 : memref<2000xi32, #tpu.memory_space<vmem>>)
      %dma_wait3A_232 = arith.constant 0 : i32
      %dma_wait3A_233 = tpu.memref_slice %arg4[%dma_wait3A_232] : memref<3200000xi32, #tpu.memory_space<hbm>> -> memref<2000xi32, #tpu.memory_space<hbm>>
      %dma_wait3A_234 = arith.constant 0 : i32
      %dma_wait3A_235 = tpu.memref_slice %arg4[%dma_wait3A_234] : memref<3200000xi32, #tpu.memory_space<hbm>> -> memref<2000xi32, #tpu.memory_space<hbm>>
      tpu.wait_dma2 semaphore(%arg16 : memref<!tpu.dma_semaphore, #tpu.memory_space<semaphore_mem>>) src(%dma_wait3A_235 : memref<2000xi32, #tpu.memory_space<hbm>>) dst(%arg9 : memref<2000xi32, #tpu.memory_space<vmem>>)
      %dma_wait3A_236 = arith.constant 0 : i32
      %dma_wait3A_237 = arith.constant 0 : i32
      %dma_wait3A_238 = tpu.memref_slice %arg5[%dma_wait3A_236, %dma_wait3A_237] : memref<200000x128xbf16, #tpu.memory_space<hbm>> -> memref<125x128xbf16, #tpu.memory_space<hbm>>
      %dma_wait3A_239 = arith.constant 0 : i32
      %dma_wait3A_240 = arith.constant 0 : i32
      %dma_wait3A_241 = tpu.memref_slice %arg5[%dma_wait3A_239, %dma_wait3A_240] : memref<200000x128xbf16, #tpu.memory_space<hbm>> -> memref<125x128xbf16, #tpu.memory_space<hbm>>
      tpu.wait_dma2 semaphore(%arg16 : memref<!tpu.dma_semaphore, #tpu.memory_space<semaphore_mem>>) src(%dma_wait3A_241 : memref<125x128xbf16, #tpu.memory_space<hbm>>) dst(%arg10 : memref<125x128xbf16, #tpu.memory_space<vmem>>)
      %dma_start3A_242 = arith.constant 0 : i32
      %dma_start3A_243 = arith.constant 0 : i32
      %dma_start3A_244 = tpu.memref_slice %arg2[%dma_start3A_242, %dma_start3A_243] : memref<100096x8xf32, #tpu.memory_space<hbm>> -> memref<100096x8xf32, #tpu.memory_space<hbm>>
      tpu.enqueue_indirect_dma source(%dma_start3A_244 : memref<100096x8xf32, #tpu.memory_space<hbm>>) target(%arg11 : memref<2000x8xf32, #tpu.memory_space<vmem>>) offsets(%arg8 : memref<2000xi32, #tpu.memory_space<vmem>>) semaphore(%arg17 : memref<!tpu.dma_semaphore, #tpu.memory_space<semaphore_mem>>)
      %dma_wait3A_245 = arith.constant 0 : i32
      %dma_wait3A_246 = arith.constant 0 : i32
      %dma_wait3A_247 = tpu.memref_slice %arg2[%dma_wait3A_245, %dma_wait3A_246] : memref<100096x8xf32, #tpu.memory_space<hbm>> -> memref<2000x8xf32, #tpu.memory_space<hbm>>
      %dma_wait3A_248 = arith.constant 0 : i32
      %dma_wait3A_249 = arith.constant 0 : i32
      %dma_wait3A_250 = tpu.memref_slice %arg2[%dma_wait3A_248, %dma_wait3A_249] : memref<100096x8xf32, #tpu.memory_space<hbm>> -> memref<2000x8xf32, #tpu.memory_space<hbm>>
      tpu.wait_dma2 semaphore(%arg19 : memref<!tpu.dma_semaphore, #tpu.memory_space<semaphore_mem>>) src(%dma_wait3A_250 : memref<2000x8xf32, #tpu.memory_space<hbm>>) dst(%arg15 : memref<2000x8xf32, #tpu.memory_space<vmem>>)
      %parallel_loop3A_251 = arith.constant 0 : i32
      %parallel_loop3A_252 = arith.constant 500 : i32
      %parallel_loop3A_253 = arith.constant 1 : i32
      scf.for %parallel_loop3A_297 = %parallel_loop3A_251 to %parallel_loop3A_252 step %parallel_loop3A_253  : i32 {
        %parallel_loop3A_298 = arith.constant 4 : i32
        %parallel_loop3A_299 = arith.muli %parallel_loop3A_298, %parallel_loop3A_297 : i32
        %parallel_loop3A_300 = vector.broadcast %parallel_loop3A_299 : i32 to vector<16xi32>
        %parallel_loop3A_301 = arith.addi %shift_right_arithmetic3A_27, %parallel_loop3A_300 : vector<16xi32>
        %parallel_loop3A_302 = arith.constant 2 : i32
        %parallel_loop3A_303 = arith.shrsi %parallel_loop3A_297, %parallel_loop3A_302 : i32
        %parallel_loop3A_304 = arith.constant 3 : i32
        %parallel_loop3A_305 = arith.andi %parallel_loop3A_297, %parallel_loop3A_304 : i32
        %parallel_loop3A_306 = arith.constant 32 : i32
        %parallel_loop3A_307 = arith.muli %parallel_loop3A_305, %parallel_loop3A_306 : i32
        %parallel_loop3A_308 = arith.index_cast %parallel_loop3A_303 : i32 to index
        %parallel_loop3A_309 = arith.index_cast %parallel_loop3A_307 : i32 to index
        %parallel_loop3A_310 = tpu.vector_load %arg14[%parallel_loop3A_308, %parallel_loop3A_309] {strides = array<i32>} : memref<125x128xbf16, #tpu.memory_space<vmem>>, vector<32xbf16>,
        %parallel_loop3A_311 = tpu.unpack_subelements %parallel_loop3A_310, 0 {pack_format = #tpu.pack_format<interleaved>} : vector<32xbf16> -> vector<16xf32>
        %parallel_loop3A_312 = tpu.unpack_subelements %parallel_loop3A_310, 1 {pack_format = #tpu.pack_format<interleaved>} : vector<32xbf16> -> vector<16xf32>
        %parallel_loop3A_313 = tpu.vector_load_idx %arg15[%parallel_loop3A_301, %mul3A_33] : memref<2000x8xf32, #tpu.memory_space<vmem>>[vector<16xi32>, vector<16xi32>], vector<16xf32>,
        %parallel_loop3A_314 = tpu.vector_load_idx %arg15[%parallel_loop3A_301, %add3A_36] : memref<2000x8xf32, #tpu.memory_space<vmem>>[vector<16xi32>, vector<16xi32>], vector<16xf32>,
        %parallel_loop3A_315 = arith.addf %parallel_loop3A_313, %parallel_loop3A_311 : vector<16xf32>
        %parallel_loop3A_316 = arith.constant 0.000000e+00 : f32
        %parallel_loop3A_317 = vector.broadcast %parallel_loop3A_316 : f32 to vector<16xf32>
        %parallel_loop3A_318 = arith.maximumf %parallel_loop3A_315, %parallel_loop3A_317 : vector<16xf32>
        tpu.vector_store_idx %arg15[%parallel_loop3A_301, %mul3A_33], %parallel_loop3A_318 : memref<2000x8xf32, #tpu.memory_space<vmem>>[vector<16xi32>, vector<16xi32>], vector<16xf32>,
        %parallel_loop3A_319 = arith.addf %parallel_loop3A_314, %parallel_loop3A_312 : vector<16xf32>
        %parallel_loop3A_320 = arith.constant 0.000000e+00 : f32
        %parallel_loop3A_321 = vector.broadcast %parallel_loop3A_320 : f32 to vector<16xf32>
        %parallel_loop3A_322 = arith.maximumf %parallel_loop3A_319, %parallel_loop3A_321 : vector<16xf32>
        tpu.vector_store_idx %arg15[%parallel_loop3A_301, %add3A_36], %parallel_loop3A_322 : memref<2000x8xf32, #tpu.memory_space<vmem>>[vector<16xi32>, vector<16xi32>], vector<16xf32>,
      } {sc.loop_unroll_factor = 4 : i64, sc.parallel_access}
      "tpu.region"() ({
        %run_scoped3A = tpu.sem_alloc : memref<!tpu.dma_semaphore, #tpu.memory_space<semaphore_mem>>
        %dma_start3A_297 = arith.constant 0 : i32
        %dma_start3A_298 = arith.constant 0 : i32
        %dma_start3A_299 = tpu.memref_slice %arg7[%dma_start3A_297, %dma_start3A_298] : memref<100096x8xf32, #tpu.memory_space<vmem_shared>> -> memref<100096x8xf32, #tpu.memory_space<vmem_shared>>
        tpu.enqueue_indirect_dma source(%arg15 : memref<2000x8xf32, #tpu.memory_space<vmem>>) target(%dma_start3A_299 : memref<100096x8xf32, #tpu.memory_space<vmem_shared>>) offsets(%arg13 : memref<2000xi32, #tpu.memory_space<vmem>>) semaphore(%run_scoped3A : memref<!tpu.dma_semaphore, #tpu.memory_space<semaphore_mem>>) {add = true}
        %dma_wait3A_300 = arith.constant 0 : i32
        %dma_wait3A_301 = arith.constant 0 : i32
        %dma_wait3A_302 = tpu.memref_slice %arg7[%dma_wait3A_300, %dma_wait3A_301] : memref<100096x8xf32, #tpu.memory_space<vmem_shared>> -> memref<100096x8xf32, #tpu.memory_space<vmem_shared>>
        tpu.wait_indirect_dma semaphore(%run_scoped3A : memref<!tpu.dma_semaphore, #tpu.memory_space<semaphore_mem>>) src(%arg15 : memref<2000x8xf32, #tpu.memory_space<vmem>>) dst(%dma_wait3A_302 : memref<100096x8xf32, #tpu.memory_space<vmem_shared>>)
        tpu.yield
      }) : () -> ()
      %add3A_254 = arith.constant 2 : i32
      %add3A_255 = arith.addi %add3A_227, %add3A_254 : i32
      %lt3A_256 = arith.constant 50 : i32
      %lt3A_257 = arith.cmpi slt, %add3A_255, %lt3A_256 : i32
      %mul3A_258 = arith.constant 2000 : i32
      %mul3A_259 = arith.muli %add3A_255, %mul3A_258 : i32
      %add3A_260 = arith.addi %mul3A_23, %mul3A_259 : i32
      %select_n3A_261 = arith.select %lt3A_257, %add3A_260, %mul3A_23 : i32
      %dma_start3A_262 = tpu.memref_slice %arg3[%select_n3A_261] : memref<3200000xi32, #tpu.memory_space<hbm>> -> memref<2000xi32, #tpu.memory_space<hbm>>
      %dma_start3A_263 = tpu.memref_slice %arg3[%select_n3A_261] : memref<3200000xi32, #tpu.memory_space<hbm>> -> memref<2000xi32, #tpu.memory_space<hbm>>
      tpu.enqueue_dma source(%dma_start3A_263 : memref<2000xi32, #tpu.memory_space<hbm>>) target(%arg12 : memref<2000xi32, #tpu.memory_space<vmem>>) target_semaphore(%arg18 : memref<!tpu.dma_semaphore, #tpu.memory_space<semaphore_mem>>)
      %dma_start3A_264 = tpu.memref_slice %arg4[%select_n3A_261] : memref<3200000xi32, #tpu.memory_space<hbm>> -> memref<2000xi32, #tpu.memory_space<hbm>>
      %dma_start3A_265 = tpu.memref_slice %arg4[%select_n3A_261] : memref<3200000xi32, #tpu.memory_space<hbm>> -> memref<2000xi32, #tpu.memory_space<hbm>>
      tpu.enqueue_dma source(%dma_start3A_265 : memref<2000xi32, #tpu.memory_space<hbm>>) target(%arg13 : memref<2000xi32, #tpu.memory_space<vmem>>) target_semaphore(%arg18 : memref<!tpu.dma_semaphore, #tpu.memory_space<semaphore_mem>>)
      %mul3A_266 = arith.constant 8 : i32
      %mul3A_267 = arith.muli %select_n3A_261, %mul3A_266 : i32
      %jit3A_268 = arith.constant 128 : i32
      %div3A_269 = arith.divsi %mul3A_267, %jit3A_268 : i32
      %sign3A_270 = arith.constant 0 : i32
      %sign3A_271 = arith.cmpi sgt, %mul3A_267, %sign3A_270 : i32
      %sign3A_272 = arith.extui %sign3A_271 : i1 to i32
      %sign3A_273 = arith.constant 0 : i32
      %sign3A_274 = arith.cmpi slt, %mul3A_267, %sign3A_273 : i32
      %sign3A_275 = arith.extui %sign3A_274 : i1 to i32
      %sign3A_276 = arith.subi %sign3A_272, %sign3A_275 : i32
      %sign3A_277 = arith.constant 0 : i32
      %sign3A_278 = arith.cmpi sgt, %jit3A_268, %sign3A_277 : i32
      %sign3A_279 = arith.extui %sign3A_278 : i1 to i32
      %sign3A_280 = arith.constant 0 : i32
      %sign3A_281 = arith.cmpi slt, %jit3A_268, %sign3A_280 : i32
      %sign3A_282 = arith.extui %sign3A_281 : i1 to i32
      %sign3A_283 = arith.subi %sign3A_279, %sign3A_282 : i32
      %ne3A_284 = arith.cmpi ne, %sign3A_276, %sign3A_283 : i32
      %rem3A_285 = arith.remsi %mul3A_267, %jit3A_268 : i32
      %ne3A_286 = arith.constant 0 : i32
      %ne3A_287 = arith.cmpi ne, %rem3A_285, %ne3A_286 : i32
      %and3A_288 = arith.andi %ne3A_284, %ne3A_287 : i1
      %sub3A_289 = arith.constant 1 : i32
      %sub3A_290 = arith.subi %div3A_269, %sub3A_289 : i32
      %select_n3A_291 = arith.select %and3A_288, %sub3A_290, %div3A_269 : i32
      %dma_start3A_292 = arith.constant 0 : i32
      %dma_start3A_293 = tpu.memref_slice %arg5[%select_n3A_291, %dma_start3A_292] : memref<200000x128xbf16, #tpu.memory_space<hbm>> -> memref<125x128xbf16, #tpu.memory_space<hbm>>
      %dma_start3A_294 = arith.constant 0 : i32
      %dma_start3A_295 = tpu.memref_slice %arg5[%select_n3A_291, %dma_start3A_294] : memref<200000x128xbf16, #tpu.memory_space<hbm>> -> memref<125x128xbf16, #tpu.memory_space<hbm>>
      tpu.enqueue_dma source(%dma_start3A_295 : memref<125x128xbf16, #tpu.memory_space<hbm>>) target(%arg14 : memref<125x128xbf16, #tpu.memory_space<vmem>>) target_semaphore(%arg18 : memref<!tpu.dma_semaphore, #tpu.memory_space<semaphore_mem>>)
      %scan3A_296 = arith.constant 0 : i32
      scf.yield %scan3A_296 : i32
    }
    %scan3A_127 = arith.constant 25 : i32
    %dma_wait3A_128 = arith.constant 0 : i32
    %dma_wait3A_129 = arith.constant 0 : i32
    %dma_wait3A_130 = tpu.memref_slice %arg2[%dma_wait3A_128, %dma_wait3A_129] : memref<100096x8xf32, #tpu.memory_space<hbm>> -> memref<2000x8xf32, #tpu.memory_space<hbm>>
    %dma_wait3A_131 = arith.constant 0 : i32
    %dma_wait3A_132 = arith.constant 0 : i32
    %dma_wait3A_133 = tpu.memref_slice %arg2[%dma_wait3A_131, %dma_wait3A_132] : memref<100096x8xf32, #tpu.memory_space<hbm>> -> memref<2000x8xf32, #tpu.memory_space<hbm>>
    tpu.wait_dma2 semaphore(%arg17 : memref<!tpu.dma_semaphore, #tpu.memory_space<semaphore_mem>>) src(%dma_wait3A_133 : memref<2000x8xf32, #tpu.memory_space<hbm>>) dst(%arg11 : memref<2000x8xf32, #tpu.memory_space<vmem>>)
    %dma_wait3A_134 = arith.constant 0 : i32
    %dma_wait3A_135 = tpu.memref_slice %arg3[%dma_wait3A_134] : memref<3200000xi32, #tpu.memory_space<hbm>> -> memref<2000xi32, #tpu.memory_space<hbm>>
    %dma_wait3A_136 = arith.constant 0 : i32
    %dma_wait3A_137 = tpu.memref_slice %arg3[%dma_wait3A_136] : memref<3200000xi32, #tpu.memory_space<hbm>> -> memref<2000xi32, #tpu.memory_space<hbm>>
    tpu.wait_dma2 semaphore(%arg18 : memref<!tpu.dma_semaphore, #tpu.memory_space<semaphore_mem>>) src(%dma_wait3A_137 : memref<2000xi32, #tpu.memory_space<hbm>>) dst(%arg12 : memref<2000xi32, #tpu.memory_space<vmem>>)
    %dma_wait3A_138 = arith.constant 0 : i32
    %dma_wait3A_139 = tpu.memref_slice %arg4[%dma_wait3A_138] : memref<3200000xi32, #tpu.memory_space<hbm>> -> memref<2000xi32, #tpu.memory_space<hbm>>
    %dma_wait3A_140 = arith.constant 0 : i32
    %dma_wait3A_141 = tpu.memref_slice %arg4[%dma_wait3A_140] : memref<3200000xi32, #tpu.memory_space<hbm>> -> memref<2000xi32, #tpu.memory_space<hbm>>
    tpu.wait_dma2 semaphore(%arg18 : memref<!tpu.dma_semaphore, #tpu.memory_space<semaphore_mem>>) src(%dma_wait3A_141 : memref<2000xi32, #tpu.memory_space<hbm>>) dst(%arg13 : memref<2000xi32, #tpu.memory_space<vmem>>)
    %dma_wait3A_142 = arith.constant 0 : i32
    %dma_wait3A_143 = arith.constant 0 : i32
    %dma_wait3A_144 = tpu.memref_slice %arg5[%dma_wait3A_142, %dma_wait3A_143] : memref<200000x128xbf16, #tpu.memory_space<hbm>> -> memref<125x128xbf16, #tpu.memory_space<hbm>>
    %dma_wait3A_145 = arith.constant 0 : i32
    %dma_wait3A_146 = arith.constant 0 : i32
    %dma_wait3A_147 = tpu.memref_slice %arg5[%dma_wait3A_145, %dma_wait3A_146] : memref<200000x128xbf16, #tpu.memory_space<hbm>> -> memref<125x128xbf16, #tpu.memory_space<hbm>>
    tpu.wait_dma2 semaphore(%arg18 : memref<!tpu.dma_semaphore, #tpu.memory_space<semaphore_mem>>) src(%dma_wait3A_147 : memref<125x128xbf16, #tpu.memory_space<hbm>>) dst(%arg14 : memref<125x128xbf16, #tpu.memory_space<vmem>>)
    %barrier3A_148 = arith.constant 0 : index
    tpu.barrier barrier_id(%barrier3A_148)
    %mul3A_149 = arith.constant 100096 : i32
    %mul3A_150 = arith.muli %arg0, %mul3A_149 : i32
    %add3A_151 = arith.addi %mul3A_150, %mul3A_2 : i32
    "tpu.region"() ({
      %run_scoped3A = tpu.sem_alloc : memref<!tpu.dma_semaphore, #tpu.memory_space<semaphore_mem>>
      %dma_start3A_152 = arith.constant 0 : i32
      %dma_start3A_153 = tpu.memref_slice %arg6[%add3A_151, %dma_start3A_152] : memref<200192x8xf32, #tpu.memory_space<hbm>> -> memref<6256x8xf32, #tpu.memory_space<hbm>>
      %dma_start3A_154 = arith.constant 0 : i32
      %dma_start3A_155 = tpu.memref_slice %arg7[%mul3A_2, %dma_start3A_154] : memref<100096x8xf32, #tpu.memory_space<vmem_shared>> -> memref<6256x8xf32, #tpu.memory_space<vmem_shared>>
      tpu.enqueue_dma source(%dma_start3A_155 : memref<6256x8xf32, #tpu.memory_space<vmem_shared>>) target(%dma_start3A_153 : memref<6256x8xf32, #tpu.memory_space<hbm>>) target_semaphore(%run_scoped3A : memref<!tpu.dma_semaphore, #tpu.memory_space<semaphore_mem>>)
      %dma_wait3A_156 = arith.constant 0 : i32
      %dma_wait3A_157 = tpu.memref_slice %arg6[%add3A_151, %dma_wait3A_156] : memref<200192x8xf32, #tpu.memory_space<hbm>> -> memref<6256x8xf32, #tpu.memory_space<hbm>>
      %dma_wait3A_158 = arith.constant 0 : i32
      %dma_wait3A_159 = tpu.memref_slice %arg7[%mul3A_2, %dma_wait3A_158] : memref<100096x8xf32, #tpu.memory_space<vmem_shared>> -> memref<6256x8xf32, #tpu.memory_space<vmem_shared>>
      tpu.wait_dma2 semaphore(%run_scoped3A : memref<!tpu.dma_semaphore, #tpu.memory_space<semaphore_mem>>) src(%dma_wait3A_159 : memref<6256x8xf32, #tpu.memory_space<vmem_shared>>) dst(%dma_wait3A_157 : memref<6256x8xf32, #tpu.memory_space<hbm>>)
      tpu.yield
    }) : () -> ()
    return
  }
}

#map = affine_map<(d0, d1) -> (0, 0)>
#map1 = affine_map<(d0, d1) -> (0)>
module attributes {stable_mosaic.version = 14 : i64} {
  func.func @_sc_pool(%arg0: i32, %arg1: i32, %arg2: memref<100096x8xf32, #tpu.memory_space<hbm>>, %arg3: memref<100096xi32, #tpu.memory_space<hbm>>, %arg4: memref<1024x8xf32, #tpu.memory_space<hbm>>, %arg5: memref<512x8xf32, #tpu.memory_space<vmem_shared>>, %arg6: memref<3128xi32, #tpu.memory_space<vmem>>, %arg7: memref<3128x8xf32, #tpu.memory_space<vmem>>, %arg8: memref<512x8xf32, #tpu.memory_space<vmem>>) attributes {dimension_semantics = [#tpu.dimension_semantics<core_parallel>, #tpu.dimension_semantics<subcore_parallel>], iteration_bounds = array<i64: 2, 16>, scalar_prefetch = 0 : i64, scratch_operands = 4 : i64, tpu.core_type = #tpu.core_type<sc_vector_subcore>, window_params = [{transform_indices = #map}, {transform_indices = #map1}, {transform_indices = #map}]} {
    %mul3A = arith.constant 16 : i32
    %mul3A_0 = arith.muli %arg0, %mul3A : i32
    %add3A = arith.addi %mul3A_0, %arg1 : i32
    %eq3A = arith.constant 0 : i32
    %eq3A_1 = arith.cmpi eq, %arg1, %eq3A : i32
    %convert_element_type3A = arith.extui %eq3A_1 : i1 to i32
    %cond3A = arith.constant 0 : i32
    %cond3A_2 = arith.cmpi ne, %convert_element_type3A, %cond3A : i32
    scf.if %cond3A_2 {
      %iota3A = tpu.iota {dimensions = array<i32: 0>} : vector<16xi32>
      %shift_right_arithmetic3A = arith.constant 3 : i32
      %shift_right_arithmetic3A_11 = vector.broadcast %shift_right_arithmetic3A : i32 to vector<16xi32>
      %shift_right_arithmetic3A_12 = arith.shrsi %iota3A, %shift_right_arithmetic3A_11 : vector<16xi32>
      %and3A = arith.constant 7 : i32
      %and3A_13 = vector.broadcast %and3A : i32 to vector<16xi32>
      %and3A_14 = arith.andi %iota3A, %and3A_13 : vector<16xi32>
      %broadcast_in_dim3A = arith.constant 0.000000e+00 : f32
      %broadcast_in_dim3A_15 = vector.broadcast %broadcast_in_dim3A : f32 to vector<16xf32>
      %scan3A = arith.constant 0 : i32
      %scan3A_16 = arith.constant 0 : i32
      %scan3A_17 = arith.constant 256 : i32
      %scan3A_18 = arith.addi %scan3A_16, %scan3A_17 : i32
      %scan3A_19 = arith.constant 1 : i32
      %scan3A_20 = scf.for %scan3A_22 = %scan3A_16 to %scan3A_18 step %scan3A_19 iter_args(%scan3A_23 = %scan3A) -> (i32)  : i32 {
        %mul3A_24 = arith.constant 2 : i32
        %mul3A_25 = arith.muli %mul3A_24, %scan3A_22 : i32
        %add3A_26 = vector.broadcast %mul3A_25 : i32 to vector<16xi32>
        %add3A_27 = arith.addi %shift_right_arithmetic3A_12, %add3A_26 : vector<16xi32>
        tpu.vector_store_idx %arg8[%add3A_27, %and3A_14], %broadcast_in_dim3A_15 : memref<512x8xf32, #tpu.memory_space<vmem>>[vector<16xi32>, vector<16xi32>], vector<16xf32>,
        %scan3A_28 = arith.constant 0 : i32
        scf.yield %scan3A_28 : i32
      }
      %scan3A_21 = arith.constant 256 : i32
      "tpu.region"() ({
        %run_scoped3A = tpu.sem_alloc : memref<!tpu.dma_semaphore, #tpu.memory_space<semaphore_mem>>
        tpu.enqueue_dma source(%arg8 : memref<512x8xf32, #tpu.memory_space<vmem>>) target(%arg5 : memref<512x8xf32, #tpu.memory_space<vmem_shared>>) target_semaphore(%run_scoped3A : memref<!tpu.dma_semaphore, #tpu.memory_space<semaphore_mem>>)
        tpu.wait_dma2 semaphore(%run_scoped3A : memref<!tpu.dma_semaphore, #tpu.memory_space<semaphore_mem>>) src(%arg8 : memref<512x8xf32, #tpu.memory_space<vmem>>) dst(%arg5 : memref<512x8xf32, #tpu.memory_space<vmem_shared>>)
        tpu.yield
      }) : () -> ()
    } else {
    }
    %barrier3A = arith.constant 0 : index
    tpu.barrier barrier_id(%barrier3A)
    %mul3A_3 = arith.constant 3128 : i32
    %mul3A_4 = arith.muli %add3A, %mul3A_3 : i32
    "tpu.region"() ({
      %run_scoped3A = tpu.sem_alloc : memref<!tpu.dma_semaphore, #tpu.memory_space<semaphore_mem>>
      %dma_start3A = tpu.memref_slice %arg3[%mul3A_4] : memref<100096xi32, #tpu.memory_space<hbm>> -> memref<3128xi32, #tpu.memory_space<hbm>>
      %dma_start3A_11 = tpu.memref_slice %arg3[%mul3A_4] : memref<100096xi32, #tpu.memory_space<hbm>> -> memref<3128xi32, #tpu.memory_space<hbm>>
      tpu.enqueue_dma source(%dma_start3A_11 : memref<3128xi32, #tpu.memory_space<hbm>>) target(%arg6 : memref<3128xi32, #tpu.memory_space<vmem>>) target_semaphore(%run_scoped3A : memref<!tpu.dma_semaphore, #tpu.memory_space<semaphore_mem>>)
      %dma_wait3A = tpu.memref_slice %arg3[%mul3A_4] : memref<100096xi32, #tpu.memory_space<hbm>> -> memref<3128xi32, #tpu.memory_space<hbm>>
      %dma_wait3A_12 = tpu.memref_slice %arg3[%mul3A_4] : memref<100096xi32, #tpu.memory_space<hbm>> -> memref<3128xi32, #tpu.memory_space<hbm>>
      tpu.wait_dma2 semaphore(%run_scoped3A : memref<!tpu.dma_semaphore, #tpu.memory_space<semaphore_mem>>) src(%dma_wait3A_12 : memref<3128xi32, #tpu.memory_space<hbm>>) dst(%arg6 : memref<3128xi32, #tpu.memory_space<vmem>>)
      tpu.yield
    }) : () -> ()
    "tpu.region"() ({
      %run_scoped3A = tpu.sem_alloc : memref<!tpu.dma_semaphore, #tpu.memory_space<semaphore_mem>>
      %dma_start3A = arith.constant 0 : i32
      %dma_start3A_11 = tpu.memref_slice %arg2[%mul3A_4, %dma_start3A] : memref<100096x8xf32, #tpu.memory_space<hbm>> -> memref<3128x8xf32, #tpu.memory_space<hbm>>
      %dma_start3A_12 = arith.constant 0 : i32
      %dma_start3A_13 = tpu.memref_slice %arg2[%mul3A_4, %dma_start3A_12] : memref<100096x8xf32, #tpu.memory_space<hbm>> -> memref<3128x8xf32, #tpu.memory_space<hbm>>
      tpu.enqueue_dma source(%dma_start3A_13 : memref<3128x8xf32, #tpu.memory_space<hbm>>) target(%arg7 : memref<3128x8xf32, #tpu.memory_space<vmem>>) target_semaphore(%run_scoped3A : memref<!tpu.dma_semaphore, #tpu.memory_space<semaphore_mem>>)
      %dma_wait3A = arith.constant 0 : i32
      %dma_wait3A_14 = tpu.memref_slice %arg2[%mul3A_4, %dma_wait3A] : memref<100096x8xf32, #tpu.memory_space<hbm>> -> memref<3128x8xf32, #tpu.memory_space<hbm>>
      %dma_wait3A_15 = arith.constant 0 : i32
      %dma_wait3A_16 = tpu.memref_slice %arg2[%mul3A_4, %dma_wait3A_15] : memref<100096x8xf32, #tpu.memory_space<hbm>> -> memref<3128x8xf32, #tpu.memory_space<hbm>>
      tpu.wait_dma2 semaphore(%run_scoped3A : memref<!tpu.dma_semaphore, #tpu.memory_space<semaphore_mem>>) src(%dma_wait3A_16 : memref<3128x8xf32, #tpu.memory_space<hbm>>) dst(%arg7 : memref<3128x8xf32, #tpu.memory_space<vmem>>)
      tpu.yield
    }) : () -> ()
    "tpu.region"() ({
      %run_scoped3A = tpu.sem_alloc : memref<!tpu.dma_semaphore, #tpu.memory_space<semaphore_mem>>
      %dma_start3A = arith.constant 0 : i32
      %dma_start3A_11 = arith.constant 0 : i32
      %dma_start3A_12 = tpu.memref_slice %arg5[%dma_start3A, %dma_start3A_11] : memref<512x8xf32, #tpu.memory_space<vmem_shared>> -> memref<512x8xf32, #tpu.memory_space<vmem_shared>>
      tpu.enqueue_indirect_dma source(%arg7 : memref<3128x8xf32, #tpu.memory_space<vmem>>) target(%dma_start3A_12 : memref<512x8xf32, #tpu.memory_space<vmem_shared>>) offsets(%arg6 : memref<3128xi32, #tpu.memory_space<vmem>>) semaphore(%run_scoped3A : memref<!tpu.dma_semaphore, #tpu.memory_space<semaphore_mem>>) {add = true}
      %dma_wait3A = arith.constant 0 : i32
      %dma_wait3A_13 = arith.constant 0 : i32
      %dma_wait3A_14 = tpu.memref_slice %arg5[%dma_wait3A, %dma_wait3A_13] : memref<512x8xf32, #tpu.memory_space<vmem_shared>> -> memref<512x8xf32, #tpu.memory_space<vmem_shared>>
      tpu.wait_indirect_dma semaphore(%run_scoped3A : memref<!tpu.dma_semaphore, #tpu.memory_space<semaphore_mem>>) src(%arg7 : memref<3128x8xf32, #tpu.memory_space<vmem>>) dst(%dma_wait3A_14 : memref<512x8xf32, #tpu.memory_space<vmem_shared>>)
      tpu.yield
    }) : () -> ()
    %barrier3A_5 = arith.constant 0 : index
    tpu.barrier barrier_id(%barrier3A_5)
    %eq3A_6 = arith.constant 0 : i32
    %eq3A_7 = arith.cmpi eq, %arg1, %eq3A_6 : i32
    %convert_element_type3A_8 = arith.extui %eq3A_7 : i1 to i32
    %cond3A_9 = arith.constant 0 : i32
    %cond3A_10 = arith.cmpi ne, %convert_element_type3A_8, %cond3A_9 : i32
    scf.if %cond3A_10 {
      %mul3A_11 = arith.constant 512 : i32
      %mul3A_12 = arith.muli %arg0, %mul3A_11 : i32
      "tpu.region"() ({
        %run_scoped3A = tpu.sem_alloc : memref<!tpu.dma_semaphore, #tpu.memory_space<semaphore_mem>>
        %dma_start3A = arith.constant 0 : i32
        %dma_start3A_13 = tpu.memref_slice %arg4[%mul3A_12, %dma_start3A] : memref<1024x8xf32, #tpu.memory_space<hbm>> -> memref<512x8xf32, #tpu.memory_space<hbm>>
        tpu.enqueue_dma source(%arg5 : memref<512x8xf32, #tpu.memory_space<vmem_shared>>) target(%dma_start3A_13 : memref<512x8xf32, #tpu.memory_space<hbm>>) target_semaphore(%run_scoped3A : memref<!tpu.dma_semaphore, #tpu.memory_space<semaphore_mem>>)
        %dma_wait3A = arith.constant 0 : i32
        %dma_wait3A_14 = tpu.memref_slice %arg4[%mul3A_12, %dma_wait3A] : memref<1024x8xf32, #tpu.memory_space<hbm>> -> memref<512x8xf32, #tpu.memory_space<hbm>>
        tpu.wait_dma2 semaphore(%run_scoped3A : memref<!tpu.dma_semaphore, #tpu.memory_space<semaphore_mem>>) src(%arg5 : memref<512x8xf32, #tpu.memory_space<vmem_shared>>) dst(%dma_wait3A_14 : memref<512x8xf32, #tpu.memory_space<hbm>>)
        tpu.yield
      }) : () -> ()
    } else {
    }
    return
  }
}

module attributes {stable_mosaic.version = 14 : i64} {
  func.func @_tc_update_body(%arg0: memref<6256x128xf32, #tpu.memory_space<vmem>>, %arg1: memref<2x6256x128xf32, #tpu.memory_space<vmem>>, %arg2: memref<128x128xf32, #tpu.memory_space<vmem>>, %arg3: memref<1x128xf32, #tpu.memory_space<vmem>>, %arg4: memref<6256x128xf32, #tpu.memory_space<vmem>>) attributes {dimension_semantics = [], scalar_prefetch = 0 : i64, scratch_operands = 0 : i64, tpu.core_type = #tpu.core_type<tc>} {
    %get3A = arith.constant 0 : index
    %get3A_0 = arith.constant 0 : index
    %get3A_1 = vector.load %arg0[%get3A, %get3A_0] : memref<6256x128xf32, #tpu.memory_space<vmem>>, vector<6256x128xf32>
    %get3A_2 = arith.constant 0 : index
    %get3A_3 = arith.constant 0 : index
    %get3A_4 = arith.constant 0 : index
    %get3A_5 = vector.load %arg1[%get3A_2, %get3A_3, %get3A_4] : memref<2x6256x128xf32, #tpu.memory_space<vmem>>, vector<1x6256x128xf32>
    %get3A_6 = vector.shape_cast %get3A_5 : vector<1x6256x128xf32> to vector<6256x128xf32>
    %add3A = arith.addf %get3A_1, %get3A_6 : vector<6256x128xf32>
    %get3A_7 = arith.constant 1 : index
    %get3A_8 = arith.constant 0 : index
    %get3A_9 = arith.constant 0 : index
    %get3A_10 = vector.load %arg1[%get3A_7, %get3A_8, %get3A_9] : memref<2x6256x128xf32, #tpu.memory_space<vmem>>, vector<1x6256x128xf32>
    %get3A_11 = vector.shape_cast %get3A_10 : vector<1x6256x128xf32> to vector<6256x128xf32>
    %add3A_12 = arith.addf %add3A, %get3A_11 : vector<6256x128xf32>
    %get3A_13 = arith.constant 0 : index
    %get3A_14 = arith.constant 0 : index
    %get3A_15 = vector.load %arg2[%get3A_13, %get3A_14] : memref<128x128xf32, #tpu.memory_space<vmem>>, vector<128x128xf32>
    %dot_general3A = arith.constant dense<0.000000e+00> : vector<6256x128xf32>
    %dot_general3A_16 = tpu.matmul %add3A_12, %get3A_15, %dot_general3A {dimension_numbers = #tpu.dot_dimension_numbers<[1], [0], [0], [1], [0, 0, 1, 1], [], []>, transpose_lhs_hint = false} : vector<6256x128xf32>, vector<128x128xf32>, vector<6256x128xf32> -> vector<6256x128xf32>
    %get3A_17 = arith.constant 0 : index
    %get3A_18 = arith.constant 0 : index
    %get3A_19 = vector.load %arg3[%get3A_17, %get3A_18] : memref<1x128xf32, #tpu.memory_space<vmem>>, vector<1x128xf32>
    %add3A_20 = vector.broadcast %get3A_19 : vector<1x128xf32> to vector<6256x128xf32>
    %add3A_21 = arith.addf %dot_general3A_16, %add3A_20 : vector<6256x128xf32>
    %max3A = arith.constant 0.000000e+00 : f32
    %max3A_22 = vector.broadcast %max3A : f32 to vector<6256x128xf32>
    %max3A_23 = arith.maximumf %add3A_21, %max3A_22 : vector<6256x128xf32>
    %swap3A = arith.constant 0 : index
    %swap3A_24 = arith.constant 0 : index
    %swap3A_25 = vector.load %arg4[%swap3A, %swap3A_24] : memref<6256x128xf32, #tpu.memory_space<vmem>>, vector<6256x128xf32>
    tpu.vector_store %arg4[%swap3A, %swap3A_24], %max3A_23 {strides = array<i32>} : memref<6256x128xf32, #tpu.memory_space<vmem>>, vector<6256x128xf32>,
    return
  }
}

module attributes {stable_mosaic.version = 14 : i64} {
  func.func @_tc_update_body(%arg0: memref<6256x128xf32, #tpu.memory_space<vmem>>, %arg1: memref<2x6256x128xf32, #tpu.memory_space<vmem>>, %arg2: memref<128x128xf32, #tpu.memory_space<vmem>>, %arg3: memref<1x128xf32, #tpu.memory_space<vmem>>, %arg4: memref<6256x128xf32, #tpu.memory_space<vmem>>) attributes {dimension_semantics = [], scalar_prefetch = 0 : i64, scratch_operands = 0 : i64, tpu.core_type = #tpu.core_type<tc>} {
    %get3A = arith.constant 0 : index
    %get3A_0 = arith.constant 0 : index
    %get3A_1 = vector.load %arg0[%get3A, %get3A_0] : memref<6256x128xf32, #tpu.memory_space<vmem>>, vector<6256x128xf32>
    %get3A_2 = arith.constant 0 : index
    %get3A_3 = arith.constant 0 : index
    %get3A_4 = arith.constant 0 : index
    %get3A_5 = vector.load %arg1[%get3A_2, %get3A_3, %get3A_4] : memref<2x6256x128xf32, #tpu.memory_space<vmem>>, vector<1x6256x128xf32>
    %get3A_6 = vector.shape_cast %get3A_5 : vector<1x6256x128xf32> to vector<6256x128xf32>
    %add3A = arith.addf %get3A_1, %get3A_6 : vector<6256x128xf32>
    %get3A_7 = arith.constant 1 : index
    %get3A_8 = arith.constant 0 : index
    %get3A_9 = arith.constant 0 : index
    %get3A_10 = vector.load %arg1[%get3A_7, %get3A_8, %get3A_9] : memref<2x6256x128xf32, #tpu.memory_space<vmem>>, vector<1x6256x128xf32>
    %get3A_11 = vector.shape_cast %get3A_10 : vector<1x6256x128xf32> to vector<6256x128xf32>
    %add3A_12 = arith.addf %add3A, %get3A_11 : vector<6256x128xf32>
    %get3A_13 = arith.constant 0 : index
    %get3A_14 = arith.constant 0 : index
    %get3A_15 = vector.load %arg2[%get3A_13, %get3A_14] : memref<128x128xf32, #tpu.memory_space<vmem>>, vector<128x128xf32>
    %dot_general3A = arith.constant dense<0.000000e+00> : vector<6256x128xf32>
    %dot_general3A_16 = tpu.matmul %add3A_12, %get3A_15, %dot_general3A {dimension_numbers = #tpu.dot_dimension_numbers<[1], [0], [0], [1], [0, 0, 1, 1], [], []>, transpose_lhs_hint = false} : vector<6256x128xf32>, vector<128x128xf32>, vector<6256x128xf32> -> vector<6256x128xf32>
    %get3A_17 = arith.constant 0 : index
    %get3A_18 = arith.constant 0 : index
    %get3A_19 = vector.load %arg3[%get3A_17, %get3A_18] : memref<1x128xf32, #tpu.memory_space<vmem>>, vector<1x128xf32>
    %add3A_20 = vector.broadcast %get3A_19 : vector<1x128xf32> to vector<6256x128xf32>
    %add3A_21 = arith.addf %dot_general3A_16, %add3A_20 : vector<6256x128xf32>
    %iota3A = tpu.iota {dimensions = array<i32: 1>} : vector<6256x128xi32>
    %iota3A_22 = tpu.iota {dimensions = array<i32: 0>} : vector<6256x128xi32>
    %jit3A = arith.constant 8 : i32
    %eq3A = arith.constant 0 : i32
    %eq3A_23 = arith.cmpi eq, %jit3A, %eq3A : i32
    %jit3A_24 = arith.constant 1 : i32
    %select_n3A = arith.select %eq3A_23, %jit3A_24, %jit3A : i32
    %rem3A = vector.broadcast %select_n3A : i32 to vector<6256x128xi32>
    %rem3A_25 = arith.remsi %iota3A, %rem3A : vector<6256x128xi32>
    %ne3A = arith.constant 0 : i32
    %ne3A_26 = vector.broadcast %ne3A : i32 to vector<6256x128xi32>
    %ne3A_27 = arith.cmpi ne, %rem3A_25, %ne3A_26 : vector<6256x128xi32>
    %lt3A = arith.constant 0 : i32
    %lt3A_28 = vector.broadcast %lt3A : i32 to vector<6256x128xi32>
    %lt3A_29 = arith.cmpi slt, %rem3A_25, %lt3A_28 : vector<6256x128xi32>
    %lt3A_30 = arith.constant 0 : i32
    %lt3A_31 = arith.cmpi slt, %select_n3A, %lt3A_30 : i32
    %ne3A_32 = vector.broadcast %lt3A_31 : i1 to vector<6256x128xi1>
    %ne3A_33 = vector.broadcast %ne3A_32 : vector<6256x128xi1> to vector<6256x128xi1>
    %ne3A_34 = arith.xori %lt3A_29, %ne3A_33 : vector<6256x128xi1>
    %and3A = arith.andi %ne3A_34, %ne3A_27 : vector<6256x128xi1>
    %add3A_35 = vector.broadcast %select_n3A : i32 to vector<6256x128xi32>
    %add3A_36 = arith.addi %rem3A_25, %add3A_35 : vector<6256x128xi32>
    %select_n3A_37 = arith.select %and3A, %add3A_36, %rem3A_25 : vector<6256x128xi1>, vector<6256x128xi32>
    %eq3A_38 = arith.constant 6 : i32
    %eq3A_39 = vector.broadcast %eq3A_38 : i32 to vector<6256x128xi32>
    %eq3A_40 = arith.cmpi eq, %select_n3A_37, %eq3A_39 : vector<6256x128xi32>
    %jit3A_41 = arith.constant 1.000000e+00 : f32
    %broadcast_in_dim3A = vector.broadcast %jit3A_41 : f32 to vector<6256x128xf32>
    %select_n3A_42 = arith.select %eq3A_40, %broadcast_in_dim3A, %add3A_21 : vector<6256x128xi1>, vector<6256x128xf32>
    %lt3A_43 = arith.constant 6250 : i32
    %lt3A_44 = vector.broadcast %lt3A_43 : i32 to vector<6256x128xi32>
    %lt3A_45 = arith.cmpi slt, %iota3A_22, %lt3A_44 : vector<6256x128xi32>
    %jit3A_46 = arith.constant 0.000000e+00 : f32
    %broadcast_in_dim3A_47 = vector.broadcast %jit3A_46 : f32 to vector<6256x128xf32>
    %select_n3A_48 = arith.select %lt3A_45, %select_n3A_42, %broadcast_in_dim3A_47 : vector<6256x128xi1>, vector<6256x128xf32>
    %swap3A = arith.constant 0 : index
    %swap3A_49 = arith.constant 0 : index
    %swap3A_50 = vector.load %arg4[%swap3A, %swap3A_49] : memref<6256x128xf32, #tpu.memory_space<vmem>>, vector<6256x128xf32>
    tpu.vector_store %arg4[%swap3A, %swap3A_49], %select_n3A_48 {strides = array<i32>} : memref<6256x128xf32, #tpu.memory_space<vmem>>, vector<6256x128xf32>,
    return
  }
}

module attributes {stable_mosaic.version = 14 : i64} {
  func.func @_tc_final_body(%arg0: memref<2x512x8xf32, #tpu.memory_space<vmem>>, %arg1: memref<1x8xf32, #tpu.memory_space<vmem>>, %arg2: memref<1x1xf32, #tpu.memory_space<vmem>>, %arg3: memref<512x1xf32, #tpu.memory_space<vmem>>) attributes {dimension_semantics = [], scalar_prefetch = 0 : i64, scratch_operands = 0 : i64, tpu.core_type = #tpu.core_type<tc>} {
    %get3A = arith.constant 0 : index
    %get3A_0 = arith.constant 0 : index
    %get3A_1 = arith.constant 0 : index
    %get3A_2 = vector.load %arg0[%get3A, %get3A_0, %get3A_1] : memref<2x512x8xf32, #tpu.memory_space<vmem>>, vector<1x512x8xf32>
    %get3A_3 = vector.shape_cast %get3A_2 : vector<1x512x8xf32> to vector<512x8xf32>
    %get3A_4 = arith.constant 1 : index
    %get3A_5 = arith.constant 0 : index
    %get3A_6 = arith.constant 0 : index
    %get3A_7 = vector.load %arg0[%get3A_4, %get3A_5, %get3A_6] : memref<2x512x8xf32, #tpu.memory_space<vmem>>, vector<1x512x8xf32>
    %get3A_8 = vector.shape_cast %get3A_7 : vector<1x512x8xf32> to vector<512x8xf32>
    %add3A = arith.addf %get3A_3, %get3A_8 : vector<512x8xf32>
    %slice3A = vector.extract_strided_slice %add3A {offsets = [0, 6], sizes = [512, 1], strides = [1, 1]} : vector<512x8xf32> to vector<512x1xf32>
    %max3A = arith.constant 1.000000e+00 : f32
    %max3A_9 = vector.broadcast %max3A : f32 to vector<512x1xf32>
    %max3A_10 = arith.maximumf %slice3A, %max3A_9 : vector<512x1xf32>
    %div3A = vector.broadcast %max3A_10 : vector<512x1xf32> to vector<512x8xf32>
    %div3A_11 = arith.divf %add3A, %div3A : vector<512x8xf32>
    %get3A_12 = arith.constant 0 : index
    %get3A_13 = arith.constant 0 : index
    %get3A_14 = vector.load %arg1[%get3A_12, %get3A_13] : memref<1x8xf32, #tpu.memory_space<vmem>>, vector<1x8xf32>
    %mul3A = vector.broadcast %get3A_14 : vector<1x8xf32> to vector<512x8xf32>
    %mul3A_15 = arith.mulf %div3A_11, %mul3A : vector<512x8xf32>
    %reduce_sum3A = arith.constant dense<0.000000e+00> : vector<512xf32>
    %reduce_sum3A_16 = vector.multi_reduction <add>, %mul3A_15, %reduce_sum3A [1] : vector<512x8xf32> to vector<512xf32>
    %broadcast_in_dim3A = vector.shape_cast %reduce_sum3A_16 : vector<512xf32> to vector<512x1xf32>
    %get3A_17 = arith.constant 0 : index
    %get3A_18 = arith.constant 0 : index
    %get3A_19 = vector.load %arg2[%get3A_17, %get3A_18] : memref<1x1xf32, #tpu.memory_space<vmem>>, vector<1x1xf32>
    %add3A_20 = vector.broadcast %get3A_19 : vector<1x1xf32> to vector<512x1xf32>
    %add3A_21 = arith.addf %broadcast_in_dim3A, %add3A_20 : vector<512x1xf32>
    %swap3A = arith.constant 0 : index
    %swap3A_22 = arith.constant 0 : index
    %swap3A_23 = vector.load %arg3[%swap3A, %swap3A_22] : memref<512x1xf32, #tpu.memory_space<vmem>>, vector<512x1xf32>
    tpu.vector_store %arg3[%swap3A, %swap3A_22], %add3A_21 {strides = array<i32>} : memref<512x1xf32, #tpu.memory_space<vmem>>, vector<512x1xf32>,
    return
  }
}

</mosaic_0001>

<sc_bundles>
// kernel: kernel.10.cloned.1.call-start
scs
__scs_entry_jumppad:
0x0: {  	(pc) =	sbr.rel $0x88, $3  }
0x1: {  	(tag) =	ssettag $0x0;
	lr =	simm.s32 $0x1  }
0x2: {  	[smem:$0x3F95] =	sst lr;
	_ =	strace $0xD0000000  }
0x3: {  	_ = 	snop  }
0x4: {  	_ = 	snop  }
0x5: {  	_ = 	snop  }
0x6: {  	_ = 	snop  }
0x7: {  	_ = 	snop  }
__scs_overlays_trampoline_lowered:
0x8: {  	[smem:$0x3FA4] =	sst s0  }
0x9: {  	[smem:$0x3FA5] =	sst s1  }
0xa: {  	[smem:$0x3FA6] =	sst s2  }
0xb: {  	[smem:$0x3FA7] =	sst s3  }
0xc: {  	[smem:$0x3FA8] =	sst s4  }
0xd: {  	[smem:$0x3FA9] =	sst s5  }
0xe: {  	[smem:$0x3FAA] =	sst s6  }
0xf: {  	[smem:$0x3FAB] =	sst s7  }
0x10: {  	[smem:$0x3FAC] =	sst s8  }
0x11: {  	[smem:$0x3FAD] =	sst s9;
	s0 =	simm.s32 @!p0 $0x0  }
0x12: {  	s1 =	sld [smem:$0x3F93];
	s0 =	simm.s32 @p0 $0x1  }
0x13: {  	[smem:$0x3FAE] =	sst s0;
	s0 =	simm.s32 @!p1 $0x0  }
0x14: {  	s2 =	sld [smem:$0x3F92];
	s0 =	simm.s32 @p1 $0x1  }
0x15: {  	[smem:$0x3FAF] =	sst s0;
	s0 =	simm.s32 @!p2 $0x0  }
0x16: {  	s3 =	sld [smem:$0x3FDB];
	s0 =	simm.s32 @p2 $0x1  }
0x17: {  	s4 =	simm.s32 $0x1BF5;
	[smem:$0x3FB1] =	sst s0  }
0x18: {  	s0 =	sld [smem:$0x3F94];
	_ =	swait.ge [sflag:s4], $0x0  }
0x19: {  	s7 =	sld [smem:$0x3F95]  }
0x1a: {  	s8 =	sadd.s32 $0xFFFFE003, lr  }
0x1b: {  	s9 =	sadd.s32 $0xFFFFFEF7, lr;
	s5 =	simm.s32 $0xFFFFFFFF;
	p2 =	slt.u32 s8, $0xFFFFF086  }
0x1c: {  	p1 =	slt.u32 s9, $0xF7A;
	s5 =	simm.s32 @!p2 $0x0  }
0x1d: {  	s5 =	simm.s32 @p1 $0x1;
	p0 =	seq.s32 s7, s2  }
0x1e: {  	s7 =	smul.u32 @!p0 $0xF7A, s2;
	p2 =	seq.s32 @!p0 s5, $0x0  }
0x1f: {  	s9 =	smul.u32 $0xF7A, s1;
	s8 =	simm.s32 @!p0 $0x1BF5;
	p2 =	por !p2, p0  }
0x20: {  	[sflag:s8] =	ssyncset.s32 @!p0 $0xFFFFF086;
	s6 =	sadd.s32 @!p0 s3, s7;
	s7 =	simm.s32 @!p0 $0x108  }
0x21: {  	s3 =	sadd.s32 s3, s9;
	s6 =	sadd.s32 @!p0 $0x88, s6;
	s7 =	simm.s32 @p2 $0x1082  }
0x22: {  	[simem:s7], [sflag:s8] =	dma.local @!p0 [hbm:s6], $0xF7A  }
0x23: {  	s9 =	sor.u32 $0xD0000000, s2;
	s6 =	simm.s32 $0x108;
	_ =	swait.ge @!p0 [sflag:s8], $0x0  }
0x24: {  	s3 =	sadd.s32 $0x88, s3;
	s6 =	simm.s32 @!p1 $0x1082;
	[sflag:s4] =	ssyncset.s32 $0xFFFFF086  }
0x25: {  	[simem:s6], [sflag:s4] =	dma.local [hbm:s3], $0xF7A  }
0x26: {  	[smem:$0x3F95] =	sst s1;
	(tag) =	ssettag s2;
	_ =	strace s9  }
0x27: {  	s1 =	sld [smem:$0x3FA5]  }
0x28: {  	s2 =	sld [smem:$0x3FA6]  }
0x29: {  	s4 =	sld [smem:$0x3FA8]  }
0x2a: {  	p0 =	seq.s32 s5, $0x0;
	s5 =	sld [smem:$0x3FA9]  }
0x2b: {  	s6 =	sld [smem:$0x3FAA]  }
0x2c: {  	s7 =	sld [smem:$0x3FAB]  }
0x2d: {  	s3 =	simm.s32 $0x108;
	s8 =	sld [smem:$0x3FAC]  }
0x2e: {  	s3 =	simm.s32 @!p0 $0x1082;
	s9 =	sld [smem:$0x3FAD]  }
0x2f: {  	lr =	sadd.s32 s0, s3;
	s0 =	sld [smem:$0x3FA4]  }
0x30: {  	s3 =	sld [smem:$0x3FA7]  }
0x31: {  	[smem:$0x3FB0] =	sst s10  }
0x32: {  	s10 =	sld [smem:$0x3FAE];
	_ =	sdelay $0x3  }
0x33: {  	p0 =	seq.s32 s10, $0x1;
	s10 =	sld [smem:$0x3FB0];
	_ =	sdelay $0x3  }
0x34: {  	[smem:$0x3FB0] =	sst s10  }
0x35: {  	s10 =	sld [smem:$0x3FAF];
	_ =	sdelay $0x3  }
0x36: {  	p1 =	seq.s32 s10, $0x1;
	s10 =	sld [smem:$0x3FB0];
	_ =	sdelay $0x3  }
0x37: {  	[smem:$0x3FB0] =	sst s10  }
0x38: {  	s10 =	sld [smem:$0x3FB1]  }
0x39: {  	_ = 	snop;
	(pc) =	sbr.ind lr, $3  }
0x3a: {  	_ = 	snop  }
0x3b: {  	_ = 	snop  }
0x3c: {  	p2 =	seq.s32 s10, $0x1;
	s10 =	sld [smem:$0x3FB0]  }
0x3d: {  	_ =	shalt  }
0x3e: {  	_ =	shalt  }
0x3f: {  	_ =	shalt  }
0x40: {  	_ =	shalt  }
0x41: {  	_ =	shalt  }
0x42: {  	_ =	shalt  }
0x43: {  	_ =	shalt  }
0x44: {  	_ =	shalt  }
0x45: {  	_ =	shalt  }
0x46: {  	_ =	shalt  }
0x47: {  	_ =	shalt  }
0x48: {  	_ =	shalt  }
0x49: {  	_ =	shalt  }
0x4a: {  	_ =	shalt  }
0x4b: {  	_ =	shalt  }
0x4c: {  	_ =	shalt  }
0x4d: {  	_ =	shalt  }
0x4e: {  	_ =	shalt  }
0x4f: {  	_ =	shalt  }
0x50: {  	_ =	shalt  }
0x51: {  	_ =	shalt  }
0x52: {  	_ =	shalt  }
0x53: {  	_ =	shalt  }
0x54: {  	_ =	shalt  }
0x55: {  	_ =	shalt  }
0x56: {  	_ =	shalt  }
0x57: {  	_ =	shalt  }
0x58: {  	_ =	shalt  }
0x59: {  	_ =	shalt  }
0x5a: {  	_ =	shalt  }
0x5b: {  	_ =	shalt  }
0x5c: {  	_ =	shalt  }
0x5d: {  	_ =	shalt  }
0x5e: {  	_ =	shalt  }
0x5f: {  	_ =	shalt  }
0x60: {  	_ =	shalt  }
0x61: {  	_ =	shalt  }
0x62: {  	_ =	shalt  }
0x63: {  	_ =	shalt  }
0x64: {  	_ =	shalt  }
0x65: {  	_ =	shalt  }
0x66: {  	_ =	shalt  }
0x67: {  	_ =	shalt  }
0x68: {  	_ =	shalt  }
0x69: {  	_ =	shalt  }
0x6a: {  	_ =	shalt  }
0x6b: {  	_ =	shalt  }
0x6c: {  	_ =	shalt  }
0x6d: {  	_ =	shalt  }
0x6e: {  	_ =	shalt  }
0x6f: {  	_ =	shalt  }
0x70: {  	_ =	shalt  }
0x71: {  	_ =	shalt  }
0x72: {  	_ =	shalt  }
0x73: {  	_ =	shalt  }
0x74: {  	_ =	shalt  }
0x75: {  	_ =	shalt  }
0x76: {  	_ =	shalt  }
0x77: {  	_ =	shalt  }
0x78: {  	_ =	shalt  }
0x79: {  	_ =	shalt  }
0x7a: {  	_ =	shalt  }
0x7b: {  	_ =	shalt  }
0x7c: {  	_ =	shalt  }
0x7d: {  	_ =	shalt  }
0x7e: {  	_ =	shalt  }
0x7f: {  	_ =	shalt  }
0x80: {  	_ =	shalt  }
0x81: {  	_ =	shalt  }
0x82: {  	_ =	shalt  }
0x83: {  	_ =	shalt  }
0x84: {  	_ =	shalt  }
0x85: {  	_ =	shalt  }
0x86: {  	_ =	shalt  }
0x87: {  	_ =	shalt  }
.Lfunc_end0:
.L_simem_size_0:
called_computation.2_lowered:
.L_overlay_start_0:
0x88: {  	s2 =	sld [smem:$0x3FD9]  }
0x89: {  	s3 =	sld [smem:$0x3FFE];
	_ =	sdelay $0x1  }
0x8a: {  	s1 =	srdreg.scid  }
0x8b: {  	s0 =	sand.u32 $0x1, s1  }
0x8c: {  	s16 =	sshll.u32 s0, $0xA;
	s2 =	sadd.s32 s3, s2  }
0x8d: {  	s2 =	sadd.s32 s2, s16  }
0x8e: {  	[smem:$0x3FBC] =	sst s2  }
0x8f: {  	_ = 	snop  }
0x90: {  	(tm) =	ssettm $0x1  }
0x91: {  	s17 =	sld [smem:$0x3FFB];
	_ =	sdelay $0x3  }
0x92: {  	_ =	strace s17  }
0x93: {  	s2 =	sld [smem:$0x3FFC];
	_ =	sdelay $0x3  }
0x94: {  	_ =	strace s2  }
0x95: {  	s2 =	sld [smem:$0x3FFD];
	_ =	sdelay $0x3  }
0x96: {  	_ =	strace s2  }
0x97: {  	_ =	strace $0x8FFFFFFF  }
0x98: {  	s18 =	sld [smem:$0x3FDB];
	_ =	sdelay $0x1  }
0x99: {  	s19 =	simm.s32 $_scs_section_size  }
0x9a: {  	s4 =	simm.s32 $_size__tile_overlayer_lowered;
	s5 =	simm.s32 $_tile_overlayer_lowered  }
0x9b: {  	s22 =	simm.s32 $0x1BFF;
	s21 =	sshll.u32 s5, $0x1;
	s2 =	sadd.s32 s19, s18  }
0x9c: {  	s6 =	simm.s32 $0x0;
	s20 =	sshll.u32 s4, $0x1;
	s4 =	sadd.s32 s21, s2  }
0x9d: {  	[timem:s6], [sflag:s22] =	dma.local [hbm:s4], s20  }
0x9e: {  	_ =	swait.ge [sflag:s22], s20  }
0x9f: {  	s3 =	ssub.s32 $0x0, s20;
	[sflag:s22] =	ssyncset.done $0x0  }
0xa0: {  	[sflag:s22] =	ssyncadd.s32 s3;
	_ =	sdelay $0x1  }
0xa1: {  	s23 =	simm.s32 $0x1B8B  }
0xa2: {  	_ =	swait.ge [sflag:s23], $0x1  }
0xa3: {  	[sflag:s23] =	ssyncset.done $0x0  }
0xa4: {  	s25 =	simm.s32 $0x1B8E;
	s24 =	sld [smem:$0x3FFE];
	[sflag:s23] =	ssyncadd.s32 $0xFFFFFFFF  }
0xa5: {  	s26 =	simm.s32 $execute0_lowered;
	[smem:$0x3FD2] =	sst s25  }
0xa6: {  	s4 =	sshll.u32 s26, $0x1;
	_ =	strace $0x8000004C;
	[dreg:$0x1] =	wrdreg $0xFFFFFFFF  }
0xa7: {  	s28 =	simm.s32 $_size_execute0_lowered;
	s2 =	sadd.s32 s2, s4;
	[dreg:$0x0] =	wrdreg $0x0  }
0xa8: {  	s4 =	sshll.u32 s28, $0x1;
	[dreg:$0x2] =	wrdreg s2  }
0xa9: {  	[dreg:$0x3] =	wrdreg s4  }
0xaa: {  	[dreg:$0x4] =	wrdreg $0xC0  }
0xab: {  	_ =	task [dreg:s6], $0x5FFFF  }
0xac: {  	[dreg:$0x1] =	wrdreg $0xFFFFFFFF  }
0xad: {  	[dreg:$0x0] =	wrdreg $0x60  }
0xae: {  	[dreg:$0x2] =	wrdreg s24  }
0xaf: {  	[dreg:$0x3] =	wrdreg $0x0  }
0xb0: {  	[dreg:$0x4] =	wrdreg $0x9  }
0xb1: {  	_ =	task.clear_ibuf [dreg:s6], $0x5FFFF;
	_ =	strace $0x9000004C  }
0xb2: {  	s29 =	simm.s32 $0x9;
	_ =	strace $0x8000004E  }
0xb3: {  	_ =	swait.ge [sflag:s29], $0x1  }
0xb4: {  	[sflag:s29] =	ssyncadd.s32 $0xFFFFFFFF  }
0xb5: {  	_ =	strace $0x9000004E  }
0xb6: {  	_ =	sfence  }
0xb7: {  	s30 =	sld [smem:$0x0];
	_ =	sdelay $0x2  }
0xb8: {  	s31 =	sshll.u32 s1, $0xD;
	s1 =	sshrl.u32 s1, $0x2  }
0xb9: {  	s3 =	sand.u32 $0x4000, s31;
	s1 =	sadd.s32 s1, s30  }
0xba: {  	s0 =	sor.u32 s3, s0;
	s1 =	sshll.u32 s1, $0x11  }
0xbb: {  	s0 =	sor.u32 s1, s0  }
0xbc: {  	s0 =	sadd.s32 $0x8F2B, s0  }
0xbd: {  	[sflag:s0] =	ssyncadd.remote.s32 $0x1  }
0xbe: {  	_ =	sfence.sel $0xFFFF  }
0xbf: {  	[dreg:$0x0] =	wrdreg $0xFFFFFFFF;
	(pc) =	sbr.abs _section_cstart, $3  }
0xc0: {  	[dreg:$0x1] =	wrdreg $0xFFFFFFFF  }
0xc1: {  	_ =	task.clear_ibuf [dreg:s6], $0x2FFFF;
	_ =	strace $0x9FFFFFFF  }
0xc2: {  	(tm) =	ssettm $0x7FFFFFFF  }
0xc3: {  	_ =	shalt  }
tec
execute0_lowered:
.L_overlay_start_1:
0x0: {  	(tag) =	ssettag $0x1  }
0x1: {  	s0 =	rddreg [dreg:$0x0]  }
0x2: {  	s1 =	rddreg [dreg:$0x1]  }
0x3: {  	s2 =	simm.s32 $0x0;
	s12 =	stileid.u32;
	s8 =	srdreg.scid  }
0x4: {  	s28 =	simm.s32 $0x7D0;
	s29 =	simm.s32 $0x130E0;
	s30 =	simm.s32 $0x138B0  }
0x5: {  	s31 =	simm.s32 $0x14080;
	[smem:$0x7FF] =	sst s2;
	s4 =	sadd.s32 $0x3D6800, s0  }
0x6: {  	s5 =	sadd.s32 $0x374C00, s0;
	s6 =	sadd.s32 $0x313000, s0;
	s3 =	smul.u32 $0x1870, s12  }
0x7: {  	s7 =	sadd.s32 $0x5C00, s0;
	s10 =	sand.u32 $0x1, s8;
	s14 =	smul.u32 $0x30E00, s12  }
0x8: {  	_ =	strace $0x8000004D;
	s15 =	ssub.s32 $0x2, s10;
	s9 =	sshll.u32 s10, $0x4  }
0x9: {  	s10 =	smul.u32 $0x18700, s10;
	s0 =	sadd.s32 s3, s0;
	s12 =	sor.u32 s12, s9  }
0xa: {  	s11 =	sshrl.u32 s15, $0x1;
	s8 =	sshrl.u32 s14, $0x2;
	s9 =	smul.u32 $0x186A0, s12  }
0xb: {  	s3 =	ssub.s32 s15, s11;
	s15 =	sadd.s32 s8, s1;
	s12 =	smul.u32 $0xC350, s12  }
0xc: {  	s0 =	sadd.s32 s10, s0;
	s8 =	sadd.s32 $0x3E80, s15;
	[dreg:$0x3] =	wrdreg s15  }
0xd: {  	s10 =	simm.s32 $0x2;
	s16 =	sadd.s32 $0x7D00, s15;
	[dreg:$0x4] =	wrdreg s8  }
0xe: {  	s11 =	simm.s32 $0x4;
	s17 =	sadd.s32 $0xBB80, s15;
	[dreg:$0x5] =	wrdreg s16  }
0xf: {  	s0 =	sadd.s32 $0x3EF000, s0;
	s26 =	smax.u32 s3, $0x1;
	[dreg:$0x6] =	wrdreg s17  }
0x10: {  	s3 =	simm.s32 $0x15FC0;
	s18 =	sshrl.u32 s9, $0x3;
	[dreg:$0xd] =	wrdreg s0  }
0x11: {  	s13 =	sadd.s32 $0x7D0, s9;
	s21 =	sadd.s32 s7, s12;
	[dreg:$0xe] =	wrdreg s26  }
0x12: {  	s26 =	simm.s32 $0x1;
	s19 =	sadd.s32 s5, s18;
	[dreg:$0x9] =	wrdreg s21  }
0x13: {  	s14 =	sshrl.u32 s13, $0x3;
	s20 =	sadd.s32 s6, s18;
	[dreg:$0x7] =	wrdreg s19  }
0x14: {  	v3 =	vlaneseq.u32;
	s0 =	simm.s32 $0x3;
	[dreg:$0x8] =	wrdreg s20;
	s22 =	sadd.s32 s5, s14  }
0x15: {  	v0 =	vand.u32 $0x3, v3;
	s24 =	sshrl.u32 s13, $0x1;
	s23 =	sadd.s32 s6, s14;
	[dreg:$0xa] =	wrdreg s22  }
0x16: {  	v1 =	vshrl.u32 v3, $0x3;
	v0 =	vmul.u32 $0x2, v0;
	s12 =	simm.s32 $0x0;
	s25 =	sadd.s32 s7, s24;
	[dreg:$0xb] =	wrdreg s23  }
0x17: {  	v2 =	vand.u32 $0x7, v3;
	v4 =	vshrl.u32 v3, $0x2;
	v3 =	vimm.f32 $0.0e+00;
	s21 =	simm.s32 $0xF260;
	s24 =	simm.s32 $0xCB50;
	[dreg:$0xc] =	wrdreg s25  }
0x18: {  	v1 =	vmul.u32 $0x8, v1;
	v4 =	vmul.u32 $0x8, v4;
	v5 =	vor.u32 $0x1, v0;
	s22 =	simm.s32 $0x5;
	s23 =	simm.s32 $0xC380;
	s25 =	simm.s32 $0xD320  }
.LBB2_1:
0x19: {  	v6 =	vmov s2  }
0x1a: {  	v6 =	vshll.u32 v6, $0x3  }
0x1b: {  	v6 =	vor.u32 v1, v6  }
0x1c: {  	s13 =	simm.s32 $0x2;
	v6 =	vor.u32 v2, v6  }
.LBB2_2:
0x1d: {  	p0 =	sne.s32 s13, $0x7CE  }
.Ltmp0:
0x1e: {  	_ = 	snop;
	(pc) =	sbr.rel @p0 .LBB2_2-.Ltmp0, $4  }
0x1f: {  	v7 =	vmov s13  }
0x20: {  	v7 =	vshll.u32 v7, $0x3  }
0x21: {  	v7 =	vor.u32 v1, v7  }
0x22: {  	s13 =	sadd.s32 $0x2, s13;
	[tilespmem:v6+s21+$0x0] =	vst.idx.msk $0xffff, v3;
	v6 =	vor.u32 v2, v7  }
0x23: {  	_ =	sdelay $0x3  }
0x24: {  	[tilespmem:v6+s21+$0x0] =	vst.idx.msk $0xffff, v3  }
0x25: {  	[spmem:s15] =	stream.linear.scatter [tilespmem:s21], [sflag:$0x5], $0x3E80, $0x38;
	[tilespmem:$0x19E40] =	vst v63  }
0x26: {  	_ =	swait.ge [sflag:s22], $0x3E80  }
0x27: {  	[sflag:s22] =	ssyncset.done $0x0  }
0x28: {  	s8 =	rddreg [dreg:$0x4];
	[sflag:s22] =	ssyncadd.s32 $0xFFFFC180  }
0x29: {  	[spmem:s8] =	stream.linear.scatter [tilespmem:s21], [sflag:$0x5], $0x3E80, $0x38;
	[tilespmem:$0x19E40] =	vst v63  }
0x2a: {  	_ =	swait.ge [sflag:s22], $0x3E80  }
0x2b: {  	[sflag:s22] =	ssyncset.done $0x0  }
0x2c: {  	s13 =	rddreg [dreg:$0x5];
	[sflag:s22] =	ssyncadd.s32 $0xFFFFC180  }
0x2d: {  	[spmem:s13] =	stream.linear.scatter [tilespmem:s21], [sflag:$0x5], $0x3E80, $0x38;
	[tilespmem:$0x19E40] =	vst v63  }
0x2e: {  	_ =	swait.ge [sflag:s22], $0x3E80  }
0x2f: {  	[sflag:s22] =	ssyncset.done $0x0  }
0x30: {  	s14 =	rddreg [dreg:$0x6];
	[sflag:s22] =	ssyncadd.s32 $0xFFFFC180  }
0x31: {  	[spmem:s14] =	stream.linear.scatter [tilespmem:s21], [sflag:$0x5], $0x800, $0x38;
	[tilespmem:$0x19E40] =	vst v63  }
0x32: {  	_ =	swait.ge [sflag:s22], $0x800  }
0x33: {  	[sflag:s22] =	ssyncset.done $0x0  }
0x34: {  	[sflag:s22] =	ssyncadd.s32 $0xFFFFF800  }
0x35: {  	[bflag:$0x0] =	sbarrier.arrive $0xFFFF  }
0x36: {  	s13 =	simm.s32 $0x0;
	s15 =	rddreg [dreg:$0x7]  }
0x37: {  	[tilespmem:s23], [sflag:$0x1] =	stream.linear.gather [hbm4b:s15+s13], $0x7D0, $0x38;
	[tilespmem:$0x19E40] =	vst v63  }
0x38: {  	s16 =	rddreg [dreg:$0x8]  }
0x39: {  	[tilespmem:s24], [sflag:$0x1] =	stream.linear.gather [hbm4b:s16+s13], $0x7D0, $0x38;
	[tilespmem:$0x19E40] =	vst v63  }
0x3a: {  	s17 =	rddreg [dreg:$0x9]  }
0x3b: {  	[tilespmem:s25], [sflag:$0x1] =	stream.linear.gather [hbm4b:s17+s13], $0x1F40, $0x38;
	[tilespmem:$0x19E40] =	vst v63  }
0x3c: {  	_ =	swait.ge [sflag:s26], $0x7D0  }
0x3d: {  	[sflag:s26] =	ssyncset.done $0x0  }
0x3e: {  	[sflag:s26] =	ssyncadd.s32 $0xFFFFF830  }
0x3f: {  	_ =	swait.ge [sflag:s26], $0x7D0  }
0x40: {  	[sflag:s26] =	ssyncset.done $0x0  }
0x41: {  	[sflag:s26] =	ssyncadd.s32 $0xFFFFF830  }
0x42: {  	_ =	swait.ge [sflag:s26], $0x1F40  }
0x43: {  	[sflag:s26] =	ssyncset.done $0x0  }
0x44: {  	[sflag:s26] =	ssyncadd.s32 $0xFFFFE0C0  }
0x45: {  	[tilespmem:s21], [sflag:$0x2] =	stream.indirect.gather [hbm4b:s4+s28], $0x8, s23, s28, $0xb8;
	[tilespmem:$0x19E40] =	vst v63  }
0x46: {  	s18 =	rddreg [dreg:$0xa]  }
0x47: {  	[tilespmem:s29], [sflag:$0x3] =	stream.linear.gather [hbm4b:s18+s13], $0x7D0, $0x38;
	[tilespmem:$0x19E40] =	vst v63  }
0x48: {  	s19 =	rddreg [dreg:$0xb]  }
0x49: {  	[tilespmem:s30], [sflag:$0x3] =	stream.linear.gather [hbm4b:s19+s13], $0x7D0, $0x38;
	[tilespmem:$0x19E40] =	vst v63  }
0x4a: {  	s14 =	simm.s32 $0x0;
	s20 =	rddreg [dreg:$0xc]  }
0x4b: {  	[tilespmem:s31], [sflag:$0x3] =	stream.linear.gather [hbm4b:s20+s13], $0x1F40, $0x38;
	[tilespmem:$0x19E40] =	vst v63  }
.LBB2_4:
0x4c: {  	_ =	swait.ge [sflag:s0], $0x7D0  }
0x4d: {  	[sflag:s0] =	ssyncset.done $0x0  }
0x4e: {  	[sflag:s0] =	ssyncadd.s32 $0xFFFFF830  }
0x4f: {  	_ =	swait.ge [sflag:s0], $0x7D0  }
0x50: {  	[sflag:s0] =	ssyncset.done $0x0  }
0x51: {  	s15 =	simm.s32 $0xC;
	[sflag:s0] =	ssyncadd.s32 $0xFFFFF830  }
0x52: {  	v6 =	vmov s15;
	_ =	swait.ge [sflag:s0], $0x1F40  }
0x53: {  	v6 =	vshll.u32 v6, $0x3;
	[sflag:s0] =	ssyncset.done $0x0  }
0x54: {  	v6 =	vor.u32 v4, v6;
	[sflag:s0] =	ssyncadd.s32 $0xFFFFE0C0  }
0x55: {  	v17 =	vor.u32 v0, v6;
	[tilespmem:s3], [sflag:$0x4] =	stream.indirect.gather [hbm4b:s4+s28], $0x8, s29, s28, $0xb8;
	[tilespmem:$0x19E40] =	vst v63  }
0x56: {  	_ =	swait.ge [sflag:s10], $0x3E80  }
0x57: {  	s8 =	simm.s32 $0x4;
	[sflag:s10] =	ssyncset.done $0x0  }
0x58: {  	s16 =	simm.s32 $0xD340;
	v18 =	vor.u32 v5, v6;
	v6 =	vmov s8;
	[sflag:s10] =	ssyncadd.s32 $0xFFFFC180  }
0x59: {  	s17 =	simm.s32 $0x8;
	v6 =	vshll.u32 v6, $0x3;
	v10 =	vld [tilespmem:s16+$0x10]  }
0x5a: {  	v8 =	vmov s17;
	v6 =	vor.u32 v4, v6;
	v11 =	vld.idx.msk [tilespmem:v17+s21+$0x0], $0xffff  }
0x5b: {  	v7 =	vmov s13;
	v8 =	vshll.u32 v8, $0x3;
	v21 =	vor.u32 v0, v6;
	v19 =	vld [tilespmem:s16+$0xFFFFFFE0]  }
0x5c: {  	v7 =	vshll.u32 v7, $0x3;
	v8 =	vor.u32 v4, v8;
	v31 =	vor.u32 v5, v6;
	v20 =	vld [tilespmem:s16+$0xFFFFFFF0]  }
0x5d: {  	v12 =	vor.u32 v4, v7;
	v9 =	vor.u32 v0, v8;
	v23 =	vld [tilespmem:s16+$0x0]  }
0x5e: {  	s18 =	simm.s32 $0x10;
	s17 =	simm.s32 $0x1C;
	v6 =	vor.u32 v5, v12;
	v13 =	vld.idx.msk [tilespmem:v18+s21+$0x0], $0xffff  }
0x5f: {  	v14 =	vmov s18;
	v15 =	vmov s17;
	v7 =	vor.u32 v0, v12  }
0x60: {  	v15 =	vshll.u32 v15, $0x3;
	v8 =	vor.u32 v5, v8;
	v25 =	vld.idx.msk [tilespmem:v21+s21+$0x0], $0xffff;
	v12 =	vunpack.i.l.bf16.f32 v10  }
0x61: {  	v27 =	vld.idx.msk [tilespmem:v31+s21+$0x0], $0xffff;
	v10 =	vunpack.i.u.bf16.f32 v10;
	v35 =	vunpack.i.l.bf16.f32 v20;
	v36 =	vunpack.i.u.bf16.f32 v19  }
0x62: {  	s19 =	simm.s32 $0x14;
	s20 =	simm.s32 $0x18;
	v29 =	vld.idx.msk [tilespmem:v9+s21+$0x0], $0xffff;
	v20 =	vunpack.i.u.bf16.f32 v20;
	v37 =	vunpack.i.u.bf16.f32 v23;
	v11 =	vadd.f32 v11, v12  }
0x63: {  	v34 =	vld.idx.msk [tilespmem:v6+s21+$0x0], $0xffff;
	v12 =	vmov s19;
	v10 =	vadd.f32 v13, v10;
	v13 =	vmov s20  }
0x64: {  	v28 =	vmax.f32 v11, $0.0e+00;
	v11 =	vshll.u32 v12, $0x3;
	v12 =	vor.u32 v4, v15  }
0x65: {  	v33 =	vld.idx.msk [tilespmem:v7+s21+$0x0], $0xffff;
	v30 =	vmax.f32 v10, $0.0e+00;
	v10 =	vshll.u32 v14, $0x3;
	v14 =	vor.u32 v0, v12  }
0x66: {  	v32 =	vld.idx.msk [tilespmem:v8+s21+$0x0], $0xffff;
	v19 =	vunpack.i.l.bf16.f32 v19;
	v15 =	vshll.u32 v13, $0x3;
	v13 =	vor.u32 v5, v12  }
0x67: {  	s15 =	simm.s32 $0xD380;
	v35 =	vadd.f32 v25, v35;
	v27 =	vadd.f32 v27, v20;
	v20 =	vunpack.i.l.bf16.f32 v23  }
0x68: {  	v24 =	vld [tilespmem:s15+$0x10];
	v62 =	vadd.f32 v34, v36;
	v23 =	vadd.f32 v29, v20;
	v16 =	vor.u32 v4, v11  }
0x69: {  	v20 =	vld [tilespmem:s15+$0xFFFFFFF0];
	v29 =	vmax.f32 v35, $0.0e+00;
	v63 =	vmax.f32 v27, $0.0e+00;
	[tilespmem:v17+s21+$0x0] =	vst.idx.msk $0xffff, v28;
	v11 =	vor.u32 v0, v16  }
0x6a: {  	v22 =	vor.u32 v5, v16;
	[tilespmem:v18+s21+$0x0] =	vst.idx.msk $0xffff, v30;
	v18 =	vadd.f32 v33, v19;
	v26 =	vld.idx.msk [tilespmem:v14+s21+$0x0], $0xffff  }
0x6b: {  	v15 =	vor.u32 v4, v15;
	v10 =	vor.u32 v4, v10;
	v28 =	vadd.f32 v32, v37;
	v25 =	vld.idx.msk [tilespmem:v13+s21+$0x0], $0xffff  }
0x6c: {  	v17 =	vld [tilespmem:s15+$0xFFFFFFE0];
	[tilespmem:v21+s21+$0x0] =	vst.idx.msk $0xffff, v29;
	v29 =	vmax.f32 v23, $0.0e+00;
	v23 =	vmax.f32 v62, $0.0e+00;
	v12 =	vor.u32 v0, v10  }
0x6d: {  	v16 =	vor.u32 v0, v15;
	v15 =	vor.u32 v5, v15;
	v10 =	vor.u32 v5, v10;
	v19 =	vld [tilespmem:s15+$0x0]  }
0x6e: {  	s17 =	simm.s32 $0x20;
	s16 =	simm.s32 $0x4;
	v30 =	vunpack.i.l.bf16.f32 v24;
	[tilespmem:v31+s21+$0x0] =	vst.idx.msk $0xffff, v63;
	v27 =	vmax.f32 v28, $0.0e+00;
	v28 =	vmax.f32 v18, $0.0e+00;
	v18 =	vmovc v22;
	v21 =	vld.idx.msk [tilespmem:v11+s21+$0x0], $0xffff  }
.LBB2_5:
0x6f: {  	v31 =	vmov s17;
	s18 =	sadd.s32 $0x4, s17;
	s19 =	sadd.s32 $0x8, s17;
	s20 =	sadd.s32 $0xC, s17;
	v32 =	vld.idx.msk [tilespmem:v22+s21+$0x0], $0xffff;
	v22 =	vunpack.i.u.bf16.f32 v24;
	v24 =	vadd.f32 v26, v30;
	[tilespmem:v9+s21+$0x0] =	vst.idx.msk $0xffff, v29;
	v9 =	vmovc v16  }
0x70: {  	s16 =	sadd.s32 $0x4, s16;
	v26 =	vmov s18;
	v29 =	vmov s20;
	v30 =	vld.idx.msk [tilespmem:v16+s21+$0x0], $0xffff;
	v16 =	vadd.f32 v25, v22;
	[tilespmem:v8+s21+$0x0] =	vst.idx.msk $0xffff, v27;
	v8 =	vmovc v15  }
0x71: {  	v22 =	vmov s19;
	p0 =	slt.u32 s16, $0x1F0;
	v25 =	vshll.u32 v29, $0x3;
	v27 =	vld.idx.msk [tilespmem:v15+s21+$0x0], $0xffff;
	v15 =	vmax.f32 v24, $0.0e+00;
	[tilespmem:v7+s21+$0x0] =	vst.idx.msk $0xffff, v28;
	v7 =	vmovc v12  }
0x72: {  	v24 =	vshll.u32 v26, $0x3;
	v25 =	vor.u32 v4, v25;
	v28 =	vld.idx.msk [tilespmem:v12+s21+$0x0], $0xffff;
	[tilespmem:v14+s21+$0x0] =	vst.idx.msk $0xffff, v15;
	v12 =	vmax.f32 v16, $0.0e+00  }
0x73: {  	v15 =	vshll.u32 v31, $0x3;
	v16 =	vshll.u32 v22, $0x3;
	v14 =	vor.u32 v0, v25;
	v29 =	vld.idx.msk [tilespmem:v10+s21+$0x0], $0xffff;
	[tilespmem:v13+s21+$0x0] =	vst.idx.msk $0xffff, v12  }
0x74: {  	v12 =	vor.u32 v4, v24;
	v24 =	vor.u32 v4, v16;
	v13 =	vor.u32 v5, v25  }
0x75: {  	v25 =	vor.u32 v4, v15;
	v31 =	vor.u32 v0, v12;
	v22 =	vor.u32 v5, v12  }
0x76: {  	s15 =	sadd.s32 $0x40, s15;
	v12 =	vor.u32 v0, v25;
	v16 =	vor.u32 v0, v24;
	v15 =	vor.u32 v5, v24  }
0x77: {  	v33 =	vunpack.i.u.bf16.f32 v17;
	v34 =	vunpack.i.l.bf16.f32 v17;
	v24 =	vld [tilespmem:s15+$0x10];
	[tilespmem:v6+s21+$0x0] =	vst.idx.msk $0xffff, v23;
	v6 =	vmovc v10;
	v10 =	vor.u32 v5, v25  }
0x78: {  	v17 =	vunpack.i.u.bf16.f32 v20;
	v20 =	vunpack.i.l.bf16.f32 v20;
	v23 =	vunpack.i.u.bf16.f32 v19;
	v26 =	vld.idx.msk [tilespmem:v14+s21+$0x0], $0xffff  }
.Ltmp1:
0x79: {  	v21 =	vadd.f32 v21, v20;
	v32 =	vadd.f32 v32, v17;
	v19 =	vunpack.i.l.bf16.f32 v19;
	v25 =	vld.idx.msk [tilespmem:v13+s21+$0x0], $0xffff;
	(pc) =	sbr.rel @p0 .LBB2_5-.Ltmp1, $4  }
0x7a: {  	v30 =	vadd.f32 v30, v19;
	v23 =	vadd.f32 v27, v23;
	v17 =	vld [tilespmem:s15+$0xFFFFFFE0]  }
0x7b: {  	v21 =	vmax.f32 v21, $0.0e+00;
	v28 =	vadd.f32 v28, v34;
	v33 =	vadd.f32 v29, v33;
	v20 =	vld [tilespmem:s15+$0xFFFFFFF0]  }
0x7c: {  	v32 =	vmax.f32 v32, $0.0e+00;
	v29 =	vmax.f32 v30, $0.0e+00;
	v27 =	vmax.f32 v23, $0.0e+00;
	v19 =	vld [tilespmem:s15+$0x0];
	[tilespmem:v11+s21+$0x0] =	vst.idx.msk $0xffff, v21;
	v11 =	vmovc v31  }
0x7d: {  	s17 =	sadd.s32 $0x10, s17;
	v28 =	vmax.f32 v28, $0.0e+00;
	v23 =	vmax.f32 v33, $0.0e+00;
	v30 =	vunpack.i.l.bf16.f32 v24;
	v21 =	vld.idx.msk [tilespmem:v31+s21+$0x0], $0xffff;
	[tilespmem:v18+s21+$0x0] =	vst.idx.msk $0xffff, v32;
	v18 =	vmovc v22  }
0x7e: {  	_ =	sdelay $0x3  }
0x7f: {  	v22 =	vld.idx.msk [tilespmem:v22+s21+$0x0], $0xffff  }
0x80: {  	[tilespmem:v9+s21+$0x0] =	vst.idx.msk $0xffff, v29;
	v9 =	vld.idx.msk [tilespmem:v16+s21+$0x0], $0xffff  }
0x81: {  	v24 =	vunpack.i.u.bf16.f32 v24;
	v26 =	vadd.f32 v26, v30;
	[tilespmem:v7+s21+$0x0] =	vst.idx.msk $0xffff, v28;
	v7 =	vld.idx.msk [tilespmem:v12+s21+$0x0], $0xffff  }
0x82: {  	v24 =	vadd.f32 v25, v24;
	[tilespmem:v8+s21+$0x0] =	vst.idx.msk $0xffff, v27;
	v8 =	vld.idx.msk [tilespmem:v15+s21+$0x0], $0xffff  }
0x83: {  	[tilespmem:v6+s21+$0x0] =	vst.idx.msk $0xffff, v23;
	v25 =	vmax.f32 v26, $0.0e+00;
	v26 =	vunpack.i.l.bf16.f32 v20  }
0x84: {  	v20 =	vunpack.i.u.bf16.f32 v20;
	[tilespmem:v14+s21+$0x0] =	vst.idx.msk $0xffff, v25;
	v14 =	vmax.f32 v24, $0.0e+00;
	v24 =	vld.idx.msk [tilespmem:v10+s21+$0x0], $0xffff;
	v21 =	vadd.f32 v21, v26  }
0x85: {  	v6 =	vunpack.i.u.bf16.f32 v19;
	[tilespmem:v13+s21+$0x0] =	vst.idx.msk $0xffff, v14;
	v14 =	vunpack.i.l.bf16.f32 v19;
	v13 =	vadd.f32 v22, v20  }
0x86: {  	v19 =	vunpack.i.l.bf16.f32 v17;
	v9 =	vadd.f32 v9, v14;
	v14 =	vmax.f32 v21, $0.0e+00  }
0x87: {  	v7 =	vadd.f32 v7, v19;
	v6 =	vadd.f32 v8, v6;
	[tilespmem:v11+s21+$0x0] =	vst.idx.msk $0xffff, v14;
	v8 =	vmax.f32 v13, $0.0e+00  }
0x88: {  	v11 =	vunpack.i.u.bf16.f32 v17;
	v9 =	vmax.f32 v9, $0.0e+00;
	[tilespmem:v18+s21+$0x0] =	vst.idx.msk $0xffff, v8  }
0x89: {  	s15 =	smul.u32 $0xFA0, s14;
	v7 =	vmax.f32 v7, $0.0e+00;
	v8 =	vadd.f32 v24, v11;
	[tilespmem:v16+s21+$0x0] =	vst.idx.msk $0xffff, v9  }
0x8a: {  	v6 =	vmax.f32 v6, $0.0e+00;
	[tilespmem:v12+s21+$0x0] =	vst.idx.msk $0xffff, v7  }
0x8b: {  	p0 =	seq.s32 s14, $0x18;
	s16 =	sadd.s32 $0xFA0, s15;
	[tilespmem:v15+s21+$0x0] =	vst.idx.msk $0xffff, v6;
	v6 =	vmax.f32 v8, $0.0e+00  }
0x8c: {  	s16 =	simm.s32 @p0 $0x0;
	[tilespmem:v10+s21+$0x0] =	vst.idx.msk $0xffff, v6  }
0x8d: {  	[spmem:s1] =	stream.indirect.scatter.add.f32 [tilespmem:s21], [sflag:$0x5], $0x8, s24, s28, $0xb8;
	[tilespmem:$0x19E40] =	vst v63  }
0x8e: {  	s16 =	sadd.s32 s9, s16;
	_ =	swait.ge [sflag:s22], $0x3E80  }
0x8f: {  	s19 =	simm.s32 $0x0;
	s17 =	sshrl.u32 s16, $0x3;
	[sflag:s22] =	ssyncset.done $0x0  }
0x90: {  	s16 =	sshrl.u32 s16, $0x1;
	s18 =	sadd.s32 s5, s17;
	[sflag:s22] =	ssyncadd.s32 $0xFFFFC180  }
0x91: {  	[tilespmem:s23], [sflag:$0x1] =	stream.linear.gather [hbm4b:s18+s19], $0x7D0, $0x38;
	[tilespmem:$0x19E40] =	vst v63  }
0x92: {  	s17 =	sadd.s32 s6, s17;
	s16 =	sand.u32 $0xFFFFFF0, s16  }
0x93: {  	[tilespmem:s24], [sflag:$0x1] =	stream.linear.gather [hbm4b:s17+s19], $0x7D0, $0x38;
	[tilespmem:$0x19E40] =	vst v63  }
0x94: {  	s16 =	sadd.s32 s7, s16  }
0x95: {  	[tilespmem:s25], [sflag:$0x1] =	stream.linear.gather [hbm4b:s16+s19], $0x1F40, $0x38;
	[tilespmem:$0x19E40] =	vst v63  }
0x96: {  	_ =	swait.ge [sflag:s26], $0x7D0  }
0x97: {  	[sflag:s26] =	ssyncset.done $0x0  }
0x98: {  	[sflag:s26] =	ssyncadd.s32 $0xFFFFF830  }
0x99: {  	_ =	swait.ge [sflag:s26], $0x7D0  }
0x9a: {  	[sflag:s26] =	ssyncset.done $0x0  }
0x9b: {  	s17 =	simm.s32 $0xC;
	[sflag:s26] =	ssyncadd.s32 $0xFFFFF830  }
0x9c: {  	v6 =	vmov s17;
	_ =	swait.ge [sflag:s26], $0x1F40  }
0x9d: {  	v6 =	vshll.u32 v6, $0x3;
	[sflag:s26] =	ssyncset.done $0x0  }
0x9e: {  	v6 =	vor.u32 v4, v6;
	[sflag:s26] =	ssyncadd.s32 $0xFFFFE0C0  }
0x9f: {  	v17 =	vor.u32 v0, v6;
	[tilespmem:s21], [sflag:$0x2] =	stream.indirect.gather [hbm4b:s4+s28], $0x8, s23, s28, $0xb8;
	[tilespmem:$0x19E40] =	vst v63  }
0xa0: {  	_ =	swait.ge [sflag:s11], $0x3E80  }
0xa1: {  	s18 =	simm.s32 $0x4;
	[sflag:s11] =	ssyncset.done $0x0  }
0xa2: {  	s17 =	simm.s32 $0x140A0;
	v18 =	vor.u32 v5, v6;
	v6 =	vmov s18;
	[sflag:s11] =	ssyncadd.s32 $0xFFFFC180  }
0xa3: {  	s20 =	simm.s32 $0x8;
	v6 =	vshll.u32 v6, $0x3;
	v10 =	vld [tilespmem:s17+$0x10]  }
0xa4: {  	v8 =	vmov s20;
	v6 =	vor.u32 v4, v6;
	v11 =	vld.idx.msk [tilespmem:v17+s3+$0x0], $0xffff  }
0xa5: {  	v7 =	vmov s19;
	v8 =	vshll.u32 v8, $0x3;
	v21 =	vor.u32 v0, v6;
	v19 =	vld [tilespmem:s17+$0xFFFFFFE0]  }
0xa6: {  	v7 =	vshll.u32 v7, $0x3;
	v8 =	vor.u32 v4, v8;
	v31 =	vor.u32 v5, v6;
	v20 =	vld [tilespmem:s17+$0xFFFFFFF0]  }
0xa7: {  	v12 =	vor.u32 v4, v7;
	v9 =	vor.u32 v0, v8;
	v23 =	vld [tilespmem:s17+$0x0]  }
0xa8: {  	s8 =	simm.s32 $0x10;
	s19 =	simm.s32 $0x1C;
	v6 =	vor.u32 v5, v12;
	v13 =	vld.idx.msk [tilespmem:v18+s3+$0x0], $0xffff  }
0xa9: {  	v14 =	vmov s8;
	v7 =	vor.u32 v0, v12;
	v15 =	vmov s19  }
0xaa: {  	v8 =	vor.u32 v5, v8;
	v15 =	vshll.u32 v15, $0x3;
	v25 =	vld.idx.msk [tilespmem:v21+s3+$0x0], $0xffff;
	v12 =	vunpack.i.l.bf16.f32 v10  }
0xab: {  	v27 =	vld.idx.msk [tilespmem:v31+s3+$0x0], $0xffff;
	v10 =	vunpack.i.u.bf16.f32 v10;
	v35 =	vunpack.i.l.bf16.f32 v20;
	v36 =	vunpack.i.u.bf16.f32 v19  }
0xac: {  	s20 =	simm.s32 $0x18;
	s18 =	simm.s32 $0x14;
	v29 =	vld.idx.msk [tilespmem:v9+s3+$0x0], $0xffff;
	v20 =	vunpack.i.u.bf16.f32 v20;
	v37 =	vunpack.i.u.bf16.f32 v23;
	v11 =	vadd.f32 v11, v12  }
0xad: {  	v34 =	vld.idx.msk [tilespmem:v6+s3+$0x0], $0xffff;
	v12 =	vmov s18;
	v10 =	vadd.f32 v13, v10;
	v13 =	vmov s20  }
0xae: {  	v28 =	vmax.f32 v11, $0.0e+00;
	v11 =	vshll.u32 v12, $0x3;
	v12 =	vor.u32 v4, v15  }
0xaf: {  	v33 =	vld.idx.msk [tilespmem:v7+s3+$0x0], $0xffff;
	v30 =	vmax.f32 v10, $0.0e+00;
	v10 =	vshll.u32 v14, $0x3;
	v14 =	vor.u32 v0, v12  }
0xb0: {  	v32 =	vld.idx.msk [tilespmem:v8+s3+$0x0], $0xffff;
	v19 =	vunpack.i.l.bf16.f32 v19;
	v15 =	vshll.u32 v13, $0x3;
	v13 =	vor.u32 v5, v12  }
0xb1: {  	s16 =	simm.s32 $0x140E0;
	v35 =	vadd.f32 v25, v35;
	v27 =	vadd.f32 v27, v20;
	v20 =	vunpack.i.l.bf16.f32 v23  }
0xb2: {  	v24 =	vld [tilespmem:s16+$0x10];
	v62 =	vadd.f32 v34, v36;
	v23 =	vadd.f32 v29, v20;
	v16 =	vor.u32 v4, v11  }
0xb3: {  	v20 =	vld [tilespmem:s16+$0xFFFFFFF0];
	v29 =	vmax.f32 v35, $0.0e+00;
	v63 =	vmax.f32 v27, $0.0e+00;
	[tilespmem:v17+s3+$0x0] =	vst.idx.msk $0xffff, v28;
	v11 =	vor.u32 v0, v16  }
0xb4: {  	v22 =	vor.u32 v5, v16;
	[tilespmem:v18+s3+$0x0] =	vst.idx.msk $0xffff, v30;
	v18 =	vadd.f32 v33, v19;
	v26 =	vld.idx.msk [tilespmem:v14+s3+$0x0], $0xffff  }
0xb5: {  	v15 =	vor.u32 v4, v15;
	v10 =	vor.u32 v4, v10;
	v28 =	vadd.f32 v32, v37;
	v25 =	vld.idx.msk [tilespmem:v13+s3+$0x0], $0xffff  }
0xb6: {  	v17 =	vld [tilespmem:s16+$0xFFFFFFE0];
	[tilespmem:v21+s3+$0x0] =	vst.idx.msk $0xffff, v29;
	v29 =	vmax.f32 v23, $0.0e+00;
	v23 =	vmax.f32 v62, $0.0e+00;
	v12 =	vor.u32 v0, v10  }
0xb7: {  	v16 =	vor.u32 v0, v15;
	v15 =	vor.u32 v5, v15;
	v10 =	vor.u32 v5, v10;
	v19 =	vld [tilespmem:s16+$0x0]  }
0xb8: {  	s17 =	simm.s32 $0x4;
	s18 =	simm.s32 $0x20;
	v30 =	vunpack.i.l.bf16.f32 v24;
	[tilespmem:v31+s3+$0x0] =	vst.idx.msk $0xffff, v63;
	v27 =	vmax.f32 v28, $0.0e+00;
	v28 =	vmax.f32 v18, $0.0e+00;
	v18 =	vmovc v22;
	v21 =	vld.idx.msk [tilespmem:v11+s3+$0x0], $0xffff  }
.LBB2_7:
0xb9: {  	v31 =	vmov s18;
	s19 =	sadd.s32 $0x4, s18;
	s20 =	sadd.s32 $0x8, s18;
	s8 =	sadd.s32 $0xC, s18;
	v32 =	vld.idx.msk [tilespmem:v22+s3+$0x0], $0xffff;
	v22 =	vunpack.i.u.bf16.f32 v24;
	v24 =	vadd.f32 v26, v30;
	[tilespmem:v9+s3+$0x0] =	vst.idx.msk $0xffff, v29;
	v9 =	vmovc v16  }
0xba: {  	s17 =	sadd.s32 $0x4, s17;
	v26 =	vmov s19;
	v29 =	vmov s8;
	v30 =	vld.idx.msk [tilespmem:v16+s3+$0x0], $0xffff;
	v16 =	vadd.f32 v25, v22;
	[tilespmem:v8+s3+$0x0] =	vst.idx.msk $0xffff, v27;
	v8 =	vmovc v15  }
0xbb: {  	v22 =	vmov s20;
	p1 =	slt.u32 s17, $0x1F0;
	v25 =	vshll.u32 v29, $0x3;
	v27 =	vld.idx.msk [tilespmem:v15+s3+$0x0], $0xffff;
	v15 =	vmax.f32 v24, $0.0e+00;
	[tilespmem:v7+s3+$0x0] =	vst.idx.msk $0xffff, v28;
	v7 =	vmovc v12  }
0xbc: {  	v24 =	vshll.u32 v26, $0x3;
	v25 =	vor.u32 v4, v25;
	v28 =	vld.idx.msk [tilespmem:v12+s3+$0x0], $0xffff;
	[tilespmem:v14+s3+$0x0] =	vst.idx.msk $0xffff, v15;
	v12 =	vmax.f32 v16, $0.0e+00  }
0xbd: {  	v15 =	vshll.u32 v31, $0x3;
	v16 =	vshll.u32 v22, $0x3;
	v14 =	vor.u32 v0, v25;
	v29 =	vld.idx.msk [tilespmem:v10+s3+$0x0], $0xffff;
	[tilespmem:v13+s3+$0x0] =	vst.idx.msk $0xffff, v12  }
0xbe: {  	v12 =	vor.u32 v4, v24;
	v24 =	vor.u32 v4, v16;
	v13 =	vor.u32 v5, v25  }
0xbf: {  	v25 =	vor.u32 v4, v15;
	v31 =	vor.u32 v0, v12;
	v22 =	vor.u32 v5, v12  }
0xc0: {  	s16 =	sadd.s32 $0x40, s16;
	v12 =	vor.u32 v0, v25;
	v16 =	vor.u32 v0, v24;
	v15 =	vor.u32 v5, v24  }
0xc1: {  	v33 =	vunpack.i.u.bf16.f32 v17;
	v34 =	vunpack.i.l.bf16.f32 v17;
	v24 =	vld [tilespmem:s16+$0x10];
	[tilespmem:v6+s3+$0x0] =	vst.idx.msk $0xffff, v23;
	v6 =	vmovc v10;
	v10 =	vor.u32 v5, v25  }
0xc2: {  	v17 =	vunpack.i.u.bf16.f32 v20;
	v20 =	vunpack.i.l.bf16.f32 v20;
	v23 =	vunpack.i.u.bf16.f32 v19;
	v26 =	vld.idx.msk [tilespmem:v14+s3+$0x0], $0xffff  }
.Ltmp2:
0xc3: {  	v21 =	vadd.f32 v21, v20;
	v32 =	vadd.f32 v32, v17;
	v19 =	vunpack.i.l.bf16.f32 v19;
	v25 =	vld.idx.msk [tilespmem:v13+s3+$0x0], $0xffff;
	(pc) =	sbr.rel @p1 .LBB2_7-.Ltmp2, $4  }
0xc4: {  	v30 =	vadd.f32 v30, v19;
	v23 =	vadd.f32 v27, v23;
	v17 =	vld [tilespmem:s16+$0xFFFFFFE0]  }
0xc5: {  	v21 =	vmax.f32 v21, $0.0e+00;
	v28 =	vadd.f32 v28, v34;
	v33 =	vadd.f32 v29, v33;
	v20 =	vld [tilespmem:s16+$0xFFFFFFF0]  }
0xc6: {  	v32 =	vmax.f32 v32, $0.0e+00;
	v29 =	vmax.f32 v30, $0.0e+00;
	v27 =	vmax.f32 v23, $0.0e+00;
	v19 =	vld [tilespmem:s16+$0x0];
	[tilespmem:v11+s3+$0x0] =	vst.idx.msk $0xffff, v21;
	v11 =	vmovc v31  }
0xc7: {  	s18 =	sadd.s32 $0x10, s18;
	v28 =	vmax.f32 v28, $0.0e+00;
	v23 =	vmax.f32 v33, $0.0e+00;
	v30 =	vunpack.i.l.bf16.f32 v24;
	v21 =	vld.idx.msk [tilespmem:v31+s3+$0x0], $0xffff;
	[tilespmem:v18+s3+$0x0] =	vst.idx.msk $0xffff, v32;
	v18 =	vmovc v22  }
0xc8: {  	_ =	sdelay $0x3  }
0xc9: {  	v22 =	vld.idx.msk [tilespmem:v22+s3+$0x0], $0xffff  }
0xca: {  	[tilespmem:v9+s3+$0x0] =	vst.idx.msk $0xffff, v29;
	v50 =	vld.idx.msk [tilespmem:v16+s3+$0x0], $0xffff  }
0xcb: {  	v24 =	vunpack.i.u.bf16.f32 v24;
	v26 =	vadd.f32 v26, v30;
	[tilespmem:v7+s3+$0x0] =	vst.idx.msk $0xffff, v28;
	v7 =	vld.idx.msk [tilespmem:v12+s3+$0x0], $0xffff  }
0xcc: {  	v51 =	vld.idx.msk [tilespmem:v15+s3+$0x0], $0xffff;
	v24 =	vadd.f32 v25, v24;
	[tilespmem:v8+s3+$0x0] =	vst.idx.msk $0xffff, v27;
	v53 =	vunpack.i.l.bf16.f32 v20  }
0xcd: {  	v55 =	vld.idx.msk [tilespmem:v10+s3+$0x0], $0xffff;
	[tilespmem:v6+s3+$0x0] =	vst.idx.msk $0xffff, v23;
	v52 =	vmax.f32 v26, $0.0e+00;
	v56 =	vunpack.i.u.bf16.f32 v20;
	v21 =	vadd.f32 v21, v53  }
0xce: {  	[tilespmem:v14+s3+$0x0] =	vst.idx.msk $0xffff, v52;
	v54 =	vmax.f32 v24, $0.0e+00;
	v58 =	vunpack.i.l.bf16.f32 v19;
	v57 =	vadd.f32 v22, v56  }
0xcf: {  	v60 =	vunpack.i.l.bf16.f32 v17;
	[tilespmem:v13+s3+$0x0] =	vst.idx.msk $0xffff, v54;
	v9 =	vadd.f32 v50, v58;
	v59 =	vmax.f32 v21, $0.0e+00  }
0xd0: {  	v6 =	vunpack.i.u.bf16.f32 v19;
	v7 =	vadd.f32 v7, v60;
	[tilespmem:v11+s3+$0x0] =	vst.idx.msk $0xffff, v59;
	v61 =	vmax.f32 v57, $0.0e+00  }
0xd1: {  	v62 =	vunpack.i.u.bf16.f32 v17;
	v6 =	vadd.f32 v51, v6;
	v9 =	vmax.f32 v9, $0.0e+00;
	[tilespmem:v18+s3+$0x0] =	vst.idx.msk $0xffff, v61  }
0xd2: {  	v63 =	vadd.f32 v55, v62;
	v7 =	vmax.f32 v7, $0.0e+00;
	[tilespmem:v16+s3+$0x0] =	vst.idx.msk $0xffff, v9  }
0xd3: {  	v6 =	vmax.f32 v6, $0.0e+00;
	[tilespmem:v12+s3+$0x0] =	vst.idx.msk $0xffff, v7  }
0xd4: {  	s8 =	sadd.s32 $0x1770, s15;
	[tilespmem:v15+s3+$0x0] =	vst.idx.msk $0xffff, v6;
	v6 =	vmax.f32 v63, $0.0e+00  }
0xd5: {  	s8 =	simm.s32 @p0 $0x0;
	[tilespmem:v10+s3+$0x0] =	vst.idx.msk $0xffff, v6  }
0xd6: {  	[spmem:s1] =	stream.indirect.scatter.add.f32 [tilespmem:s3], [sflag:$0x5], $0x8, s30, s28, $0xb8;
	[tilespmem:$0x19E40] =	vst v63  }
0xd7: {  	s8 =	sadd.s32 s9, s8;
	_ =	swait.ge [sflag:s22], $0x3E80  }
0xd8: {  	s14 =	sadd.s32 $0x1, s14;
	s20 =	sshrl.u32 s8, $0x3;
	[sflag:s22] =	ssyncset.done $0x0  }
0xd9: {  	p0 =	sne.s32 s14, $0x19;
	s16 =	sadd.s32 s5, s20;
	[sflag:s22] =	ssyncadd.s32 $0xFFFFC180  }
0xda: {  	[tilespmem:s29], [sflag:$0x3] =	stream.linear.gather [hbm4b:s16+s2], $0x7D0, $0x38;
	[tilespmem:$0x19E40] =	vst v63  }
.Ltmp3:
0xdb: {  	s8 =	sshrl.u32 s8, $0x1;
	(pc) =	sbr.rel @p0 .LBB2_4-.Ltmp3, $4  }
0xdc: {  	s15 =	sadd.s32 s6, s20;
	s8 =	sand.u32 $0xFFFFFF8, s8  }
0xdd: {  	[tilespmem:s30], [sflag:$0x3] =	stream.linear.gather [hbm4b:s15+s2], $0x7D0, $0x38;
	[tilespmem:$0x19E40] =	vst v63  }
0xde: {  	s8 =	sadd.s32 s7, s8  }
0xdf: {  	[tilespmem:s31], [sflag:$0x3] =	stream.linear.gather [hbm4b:s8+s2], $0x1F40, $0x38;
	[tilespmem:$0x19E40] =	vst v63  }
0xe0: {  	_ =	swait.ge [sflag:s10], $0x3E80  }
0xe1: {  	[sflag:s10] =	ssyncset.done $0x0  }
0xe2: {  	[sflag:s10] =	ssyncadd.s32 $0xFFFFC180  }
0xe3: {  	_ =	swait.ge [sflag:s0], $0x7D0  }
0xe4: {  	[sflag:s0] =	ssyncset.done $0x0  }
0xe5: {  	[sflag:s0] =	ssyncadd.s32 $0xFFFFF830  }
0xe6: {  	_ =	swait.ge [sflag:s0], $0x7D0  }
0xe7: {  	[sflag:s0] =	ssyncset.done $0x0  }
0xe8: {  	[sflag:s0] =	ssyncadd.s32 $0xFFFFF830  }
0xe9: {  	_ =	swait.ge [sflag:s0], $0x1F40  }
0xea: {  	[sflag:s0] =	ssyncset.done $0x0  }
0xeb: {  	[sflag:s0] =	ssyncadd.s32 $0xFFFFE0C0  }
0xec: {  	s8 =	stileid.u32;
	[bflag:$0x0] =	sbarrier.arrive $0xFFFF  }
0xed: {  	s8 =	sshll.u32 s8, $0x6;
	s15 =	rddreg [dreg:$0x3]  }
0xee: {  	s8 =	sor.u32 $0x1C05, s8;
	s14 =	rddreg [dreg:$0xd];
	s13 =	sshrl.u32 s15, $0x3  }
0xef: {  	[hbm:s14], [sflag:s8] =	dma.local [spmem:s13], $0x1870  }
0xf0: {  	_ =	swait.ge [sflag:s22], $0x1870  }
0xf1: {  	s12 =	sadd.s32 $0x1, s12;
	s20 =	rddreg [dreg:$0xe]  }
0xf2: {  	p0 =	sne.s32 s12, s20  }
.Ltmp4:
0xf3: {  	_ = 	snop;
	(pc) =	sbr.rel @p0 .LBB2_1-.Ltmp4, $3  }
0xf4: {  	_ =	sdelay $0x1  }
0xf5: {  	[sflag:s22] =	ssyncset.done $0x0  }
0xf6: {  	[sflag:s22] =	ssyncadd.s32 $0xFFFFE790  }
0xf7: {  	_ =	sfence.sel $0x180000  }
0xf8: {  	[bflag:$0x0] =	sbarrier.arrive $0xFFFF  }
0xf9: {  	_ =	strace $0x9000004D  }
0xfa: {  	s0 =	stileid.u32;
	[bflag:$0x2] =	sbarrier.arrive $0xFFFF  }
0xfb: {  	p0 =	sne.s32 s0, $0x0;
	s0 =	rddreg [dreg:$0x2]  }
0xfc: {  	s0 =	sadd.s32 @!p0 $0x100000, s0  }
0xfd: {  	[sflag:s0] =	ssyncadd.tile.s32 @!p0 $0x1;
	_ =	shalt  }
.Lfunc_end2:
_tile_overlayer_lowered:
.L_overlay_start_2:
0xfe: {  	(tag) =	ssettag $0x2  }
0xff: {  	s0 =	rddreg [dreg:$0x0];
	s2 =	stileid.u32  }
0x100: {  	s1 =	rddreg [dreg:$0x1];
	p0 =	sne.s32 s2, $0x0  }
0x101: {  	s3 =	rddreg [dreg:$0x2];
	[bflag:$0x3] =	sbarrier.arrive $0xFFFF;
	s2 =	simm.s32 @!p0 $0x1C05  }
0x102: {  	[timem:s3], [sflag:s2] =	dma.local @!p0 [hbm:s0], s1  }
0x103: {  	s0 =	simm.s32 @!p0 $0x5  }
0x104: {  	_ =	swait.ge @!p0 [sflag:s0], s1  }
0x105: {  	s1 =	ssub.s32 @!p0 $0x0, s1;
	[sflag:s0] =	ssyncset.done @!p0 $0x0  }
0x106: {  	[sflag:s0] =	ssyncadd.s32 @!p0 s1  }
0x107: {  	[bflag:$0x3] =	sbarrier.arrive $0xFFFF  }
0x108: {  	_ =	shalt  }

// kernel: kernel.13.cloned.1.call-start
scs
__scs_entry_jumppad:
0x0: {  	(pc) =	sbr.rel $0x88, $3  }
0x1: {  	(tag) =	ssettag $0x0;
	lr =	simm.s32 $0x1  }
0x2: {  	[smem:$0x3F95] =	sst lr;
	_ =	strace $0xD0000000  }
0x3: {  	_ = 	snop  }
0x4: {  	_ = 	snop  }
0x5: {  	_ = 	snop  }
0x6: {  	_ = 	snop  }
0x7: {  	_ = 	snop  }
__scs_overlays_trampoline_lowered:
0x8: {  	[smem:$0x3FA4] =	sst s0  }
0x9: {  	[smem:$0x3FA5] =	sst s1  }
0xa: {  	[smem:$0x3FA6] =	sst s2  }
0xb: {  	[smem:$0x3FA7] =	sst s3  }
0xc: {  	[smem:$0x3FA8] =	sst s4  }
0xd: {  	[smem:$0x3FA9] =	sst s5  }
0xe: {  	[smem:$0x3FAA] =	sst s6  }
0xf: {  	[smem:$0x3FAB] =	sst s7  }
0x10: {  	[smem:$0x3FAC] =	sst s8  }
0x11: {  	[smem:$0x3FAD] =	sst s9;
	s0 =	simm.s32 @!p0 $0x0  }
0x12: {  	s1 =	sld [smem:$0x3F93];
	s0 =	simm.s32 @p0 $0x1  }
0x13: {  	[smem:$0x3FAE] =	sst s0;
	s0 =	simm.s32 @!p1 $0x0  }
0x14: {  	s2 =	sld [smem:$0x3F92];
	s0 =	simm.s32 @p1 $0x1  }
0x15: {  	[smem:$0x3FAF] =	sst s0;
	s0 =	simm.s32 @!p2 $0x0  }
0x16: {  	s3 =	sld [smem:$0x3FDB];
	s0 =	simm.s32 @p2 $0x1  }
0x17: {  	s4 =	simm.s32 $0x1BF5;
	[smem:$0x3FB1] =	sst s0  }
0x18: {  	s0 =	sld [smem:$0x3F94];
	_ =	swait.ge [sflag:s4], $0x0  }
0x19: {  	s7 =	sld [smem:$0x3F95]  }
0x1a: {  	s8 =	sadd.s32 $0xFFFFE003, lr  }
0x1b: {  	s9 =	sadd.s32 $0xFFFFFEF7, lr;
	s5 =	simm.s32 $0xFFFFFFFF;
	p2 =	slt.u32 s8, $0xFFFFF086  }
0x1c: {  	p1 =	slt.u32 s9, $0xF7A;
	s5 =	simm.s32 @!p2 $0x0  }
0x1d: {  	s5 =	simm.s32 @p1 $0x1;
	p0 =	seq.s32 s7, s2  }
0x1e: {  	s7 =	smul.u32 @!p0 $0xF7A, s2;
	p2 =	seq.s32 @!p0 s5, $0x0  }
0x1f: {  	s9 =	smul.u32 $0xF7A, s1;
	s8 =	simm.s32 @!p0 $0x1BF5;
	p2 =	por !p2, p0  }
0x20: {  	[sflag:s8] =	ssyncset.s32 @!p0 $0xFFFFF086;
	s6 =	sadd.s32 @!p0 s3, s7;
	s7 =	simm.s32 @!p0 $0x108  }
0x21: {  	s3 =	sadd.s32 s3, s9;
	s6 =	sadd.s32 @!p0 $0x88, s6;
	s7 =	simm.s32 @p2 $0x1082  }
0x22: {  	[simem:s7], [sflag:s8] =	dma.local @!p0 [hbm:s6], $0xF7A  }
0x23: {  	s9 =	sor.u32 $0xD0000000, s2;
	s6 =	simm.s32 $0x108;
	_ =	swait.ge @!p0 [sflag:s8], $0x0  }
0x24: {  	s3 =	sadd.s32 $0x88, s3;
	s6 =	simm.s32 @!p1 $0x1082;
	[sflag:s4] =	ssyncset.s32 $0xFFFFF086  }
0x25: {  	[simem:s6], [sflag:s4] =	dma.local [hbm:s3], $0xF7A  }
0x26: {  	[smem:$0x3F95] =	sst s1;
	(tag) =	ssettag s2;
	_ =	strace s9  }
0x27: {  	s1 =	sld [smem:$0x3FA5]  }
0x28: {  	s2 =	sld [smem:$0x3FA6]  }
0x29: {  	s4 =	sld [smem:$0x3FA8]  }
0x2a: {  	p0 =	seq.s32 s5, $0x0;
	s5 =	sld [smem:$0x3FA9]  }
0x2b: {  	s6 =	sld [smem:$0x3FAA]  }
0x2c: {  	s7 =	sld [smem:$0x3FAB]  }
0x2d: {  	s3 =	simm.s32 $0x108;
	s8 =	sld [smem:$0x3FAC]  }
0x2e: {  	s3 =	simm.s32 @!p0 $0x1082;
	s9 =	sld [smem:$0x3FAD]  }
0x2f: {  	lr =	sadd.s32 s0, s3;
	s0 =	sld [smem:$0x3FA4]  }
0x30: {  	s3 =	sld [smem:$0x3FA7]  }
0x31: {  	[smem:$0x3FB0] =	sst s10  }
0x32: {  	s10 =	sld [smem:$0x3FAE];
	_ =	sdelay $0x3  }
0x33: {  	p0 =	seq.s32 s10, $0x1;
	s10 =	sld [smem:$0x3FB0];
	_ =	sdelay $0x3  }
0x34: {  	[smem:$0x3FB0] =	sst s10  }
0x35: {  	s10 =	sld [smem:$0x3FAF];
	_ =	sdelay $0x3  }
0x36: {  	p1 =	seq.s32 s10, $0x1;
	s10 =	sld [smem:$0x3FB0];
	_ =	sdelay $0x3  }
0x37: {  	[smem:$0x3FB0] =	sst s10  }
0x38: {  	s10 =	sld [smem:$0x3FB1]  }
0x39: {  	_ = 	snop;
	(pc) =	sbr.ind lr, $3  }
0x3a: {  	_ = 	snop  }
0x3b: {  	_ = 	snop  }
0x3c: {  	p2 =	seq.s32 s10, $0x1;
	s10 =	sld [smem:$0x3FB0]  }
0x3d: {  	_ =	shalt  }
0x3e: {  	_ =	shalt  }
0x3f: {  	_ =	shalt  }
0x40: {  	_ =	shalt  }
0x41: {  	_ =	shalt  }
0x42: {  	_ =	shalt  }
0x43: {  	_ =	shalt  }
0x44: {  	_ =	shalt  }
0x45: {  	_ =	shalt  }
0x46: {  	_ =	shalt  }
0x47: {  	_ =	shalt  }
0x48: {  	_ =	shalt  }
0x49: {  	_ =	shalt  }
0x4a: {  	_ =	shalt  }
0x4b: {  	_ =	shalt  }
0x4c: {  	_ =	shalt  }
0x4d: {  	_ =	shalt  }
0x4e: {  	_ =	shalt  }
0x4f: {  	_ =	shalt  }
0x50: {  	_ =	shalt  }
0x51: {  	_ =	shalt  }
0x52: {  	_ =	shalt  }
0x53: {  	_ =	shalt  }
0x54: {  	_ =	shalt  }
0x55: {  	_ =	shalt  }
0x56: {  	_ =	shalt  }
0x57: {  	_ =	shalt  }
0x58: {  	_ =	shalt  }
0x59: {  	_ =	shalt  }
0x5a: {  	_ =	shalt  }
0x5b: {  	_ =	shalt  }
0x5c: {  	_ =	shalt  }
0x5d: {  	_ =	shalt  }
0x5e: {  	_ =	shalt  }
0x5f: {  	_ =	shalt  }
0x60: {  	_ =	shalt  }
0x61: {  	_ =	shalt  }
0x62: {  	_ =	shalt  }
0x63: {  	_ =	shalt  }
0x64: {  	_ =	shalt  }
0x65: {  	_ =	shalt  }
0x66: {  	_ =	shalt  }
0x67: {  	_ =	shalt  }
0x68: {  	_ =	shalt  }
0x69: {  	_ =	shalt  }
0x6a: {  	_ =	shalt  }
0x6b: {  	_ =	shalt  }
0x6c: {  	_ =	shalt  }
0x6d: {  	_ =	shalt  }
0x6e: {  	_ =	shalt  }
0x6f: {  	_ =	shalt  }
0x70: {  	_ =	shalt  }
0x71: {  	_ =	shalt  }
0x72: {  	_ =	shalt  }
0x73: {  	_ =	shalt  }
0x74: {  	_ =	shalt  }
0x75: {  	_ =	shalt  }
0x76: {  	_ =	shalt  }
0x77: {  	_ =	shalt  }
0x78: {  	_ =	shalt  }
0x79: {  	_ =	shalt  }
0x7a: {  	_ =	shalt  }
0x7b: {  	_ =	shalt  }
0x7c: {  	_ =	shalt  }
0x7d: {  	_ =	shalt  }
0x7e: {  	_ =	shalt  }
0x7f: {  	_ =	shalt  }
0x80: {  	_ =	shalt  }
0x81: {  	_ =	shalt  }
0x82: {  	_ =	shalt  }
0x83: {  	_ =	shalt  }
0x84: {  	_ =	shalt  }
0x85: {  	_ =	shalt  }
0x86: {  	_ =	shalt  }
0x87: {  	_ =	shalt  }
.Lfunc_end0:
.L_simem_size_0:
called_computation.3_lowered:
.L_overlay_start_0:
0x88: {  	s2 =	sld [smem:$0x3FD9]  }
0x89: {  	s3 =	sld [smem:$0x3FFE];
	_ =	sdelay $0x1  }
0x8a: {  	s1 =	srdreg.scid  }
0x8b: {  	s0 =	sand.u32 $0x1, s1  }
0x8c: {  	s16 =	sshll.u32 s0, $0xA;
	s2 =	sadd.s32 s3, s2  }
0x8d: {  	s2 =	sadd.s32 s2, s16  }
0x8e: {  	[smem:$0x3FBC] =	sst s2  }
0x8f: {  	_ = 	snop  }
0x90: {  	(tm) =	ssettm $0x1  }
0x91: {  	s17 =	sld [smem:$0x3FFB];
	_ =	sdelay $0x3  }
0x92: {  	_ =	strace s17  }
0x93: {  	s2 =	sld [smem:$0x3FFC];
	_ =	sdelay $0x3  }
0x94: {  	_ =	strace s2  }
0x95: {  	s2 =	sld [smem:$0x3FFD];
	_ =	sdelay $0x3  }
0x96: {  	_ =	strace s2  }
0x97: {  	_ =	strace $0x8FFFFFFF  }
0x98: {  	s18 =	sld [smem:$0x3FDB];
	_ =	sdelay $0x1  }
0x99: {  	s19 =	simm.s32 $_scs_section_size  }
0x9a: {  	s4 =	simm.s32 $_size__tile_overlayer_lowered;
	s5 =	simm.s32 $_tile_overlayer_lowered  }
0x9b: {  	s22 =	simm.s32 $0x1BFF;
	s21 =	sshll.u32 s5, $0x1;
	s2 =	sadd.s32 s19, s18  }
0x9c: {  	s6 =	simm.s32 $0x0;
	s20 =	sshll.u32 s4, $0x1;
	s4 =	sadd.s32 s21, s2  }
0x9d: {  	[timem:s6], [sflag:s22] =	dma.local [hbm:s4], s20  }
0x9e: {  	_ =	swait.ge [sflag:s22], s20  }
0x9f: {  	s3 =	ssub.s32 $0x0, s20;
	[sflag:s22] =	ssyncset.done $0x0  }
0xa0: {  	[sflag:s22] =	ssyncadd.s32 s3;
	_ =	sdelay $0x1  }
0xa1: {  	s23 =	simm.s32 $0x1B8B  }
0xa2: {  	_ =	swait.ge [sflag:s23], $0x1  }
0xa3: {  	[sflag:s23] =	ssyncset.done $0x0  }
0xa4: {  	s25 =	simm.s32 $0x1B8E;
	s24 =	sld [smem:$0x3FFE];
	[sflag:s23] =	ssyncadd.s32 $0xFFFFFFFF  }
0xa5: {  	s26 =	simm.s32 $execute0_lowered;
	[smem:$0x3FD2] =	sst s25  }
0xa6: {  	s4 =	sshll.u32 s26, $0x1;
	_ =	strace $0x8000004F;
	[dreg:$0x1] =	wrdreg $0xFFFFFFFF  }
0xa7: {  	s28 =	simm.s32 $_size_execute0_lowered;
	s2 =	sadd.s32 s2, s4;
	[dreg:$0x0] =	wrdreg $0x0  }
0xa8: {  	s4 =	sshll.u32 s28, $0x1;
	[dreg:$0x2] =	wrdreg s2  }
0xa9: {  	[dreg:$0x3] =	wrdreg s4  }
0xaa: {  	[dreg:$0x4] =	wrdreg $0xC0  }
0xab: {  	_ =	task [dreg:s6], $0x5FFFF  }
0xac: {  	[dreg:$0x1] =	wrdreg $0xFFFFFFFF  }
0xad: {  	[dreg:$0x0] =	wrdreg $0x60  }
0xae: {  	[dreg:$0x2] =	wrdreg s24  }
0xaf: {  	[dreg:$0x3] =	wrdreg $0x0  }
0xb0: {  	[dreg:$0x4] =	wrdreg $0x9  }
0xb1: {  	_ =	task.clear_ibuf [dreg:s6], $0x5FFFF;
	_ =	strace $0x9000004F  }
0xb2: {  	s29 =	simm.s32 $0x9;
	_ =	strace $0x80000051  }
0xb3: {  	_ =	swait.ge [sflag:s29], $0x1  }
0xb4: {  	[sflag:s29] =	ssyncadd.s32 $0xFFFFFFFF  }
0xb5: {  	_ =	strace $0x90000051  }
0xb6: {  	_ =	sfence  }
0xb7: {  	s30 =	sld [smem:$0x0];
	_ =	sdelay $0x2  }
0xb8: {  	s31 =	sshll.u32 s1, $0xD;
	s1 =	sshrl.u32 s1, $0x2  }
0xb9: {  	s3 =	sand.u32 $0x4000, s31;
	s1 =	sadd.s32 s1, s30  }
0xba: {  	s0 =	sor.u32 s3, s0;
	s1 =	sshll.u32 s1, $0x11  }
0xbb: {  	s0 =	sor.u32 s1, s0  }
0xbc: {  	s0 =	sadd.s32 $0x8F2B, s0  }
0xbd: {  	[sflag:s0] =	ssyncadd.remote.s32 $0x1  }
0xbe: {  	_ =	sfence.sel $0xFFFF  }
0xbf: {  	[dreg:$0x0] =	wrdreg $0xFFFFFFFF;
	(pc) =	sbr.abs _section_cstart, $3  }
0xc0: {  	[dreg:$0x1] =	wrdreg $0xFFFFFFFF  }
0xc1: {  	_ =	task.clear_ibuf [dreg:s6], $0x2FFFF;
	_ =	strace $0x9FFFFFFF  }
0xc2: {  	(tm) =	ssettm $0x7FFFFFFF  }
0xc3: {  	_ =	shalt  }
tec
execute0_lowered:
.L_overlay_start_1:
0x0: {  	(tag) =	ssettag $0x1  }
0x1: {  	s0 =	rddreg [dreg:$0x0]  }
0x2: {  	s1 =	rddreg [dreg:$0x1]  }
0x3: {  	s2 =	simm.s32 $0x0;
	s12 =	stileid.u32;
	s8 =	srdreg.scid  }
0x4: {  	s28 =	simm.s32 $0x7D0;
	s29 =	simm.s32 $0x130E0;
	s30 =	simm.s32 $0x138B0  }
0x5: {  	s31 =	simm.s32 $0x14080;
	[smem:$0x7FF] =	sst s2;
	s4 =	sadd.s32 $0x194600, s0  }
0x6: {  	s5 =	sadd.s32 $0x374C00, s0;
	s6 =	sadd.s32 $0x313000, s0;
	s3 =	smul.u32 $0x1870, s12  }
0x7: {  	s7 =	sadd.s32 $0x5C00, s0;
	s10 =	sand.u32 $0x1, s8;
	s14 =	smul.u32 $0x30E00, s12  }
0x8: {  	_ =	strace $0x80000050;
	s15 =	ssub.s32 $0x2, s10;
	s9 =	sshll.u32 s10, $0x4  }
0x9: {  	s10 =	smul.u32 $0x18700, s10;
	s0 =	sadd.s32 s3, s0;
	s12 =	sor.u32 s12, s9  }
0xa: {  	s11 =	sshrl.u32 s15, $0x1;
	s8 =	sshrl.u32 s14, $0x2;
	s9 =	smul.u32 $0x186A0, s12  }
0xb: {  	s3 =	ssub.s32 s15, s11;
	s15 =	sadd.s32 s8, s1;
	s12 =	smul.u32 $0xC350, s12  }
0xc: {  	s0 =	sadd.s32 s10, s0;
	s8 =	sadd.s32 $0x3E80, s15;
	[dreg:$0x3] =	wrdreg s15  }
0xd: {  	s10 =	simm.s32 $0x2;
	s16 =	sadd.s32 $0x7D00, s15;
	[dreg:$0x4] =	wrdreg s8  }
0xe: {  	s11 =	simm.s32 $0x4;
	s17 =	sadd.s32 $0xBB80, s15;
	[dreg:$0x5] =	wrdreg s16  }
0xf: {  	s0 =	sadd.s32 $0x1ACE00, s0;
	s26 =	smax.u32 s3, $0x1;
	[dreg:$0x6] =	wrdreg s17  }
0x10: {  	s3 =	simm.s32 $0x15FC0;
	s18 =	sshrl.u32 s9, $0x3;
	[dreg:$0xd] =	wrdreg s0  }
0x11: {  	s13 =	sadd.s32 $0x7D0, s9;
	s21 =	sadd.s32 s7, s12;
	[dreg:$0xe] =	wrdreg s26  }
0x12: {  	s26 =	simm.s32 $0x1;
	s19 =	sadd.s32 s5, s18;
	[dreg:$0x9] =	wrdreg s21  }
0x13: {  	s14 =	sshrl.u32 s13, $0x3;
	s20 =	sadd.s32 s6, s18;
	[dreg:$0x7] =	wrdreg s19  }
0x14: {  	v3 =	vlaneseq.u32;
	s0 =	simm.s32 $0x3;
	[dreg:$0x8] =	wrdreg s20;
	s22 =	sadd.s32 s5, s14  }
0x15: {  	v0 =	vand.u32 $0x3, v3;
	s24 =	sshrl.u32 s13, $0x1;
	s23 =	sadd.s32 s6, s14;
	[dreg:$0xa] =	wrdreg s22  }
0x16: {  	v1 =	vshrl.u32 v3, $0x3;
	v0 =	vmul.u32 $0x2, v0;
	s12 =	simm.s32 $0x0;
	s25 =	sadd.s32 s7, s24;
	[dreg:$0xb] =	wrdreg s23  }
0x17: {  	v2 =	vand.u32 $0x7, v3;
	v4 =	vshrl.u32 v3, $0x2;
	v3 =	vimm.f32 $0.0e+00;
	s21 =	simm.s32 $0xF260;
	s24 =	simm.s32 $0xCB50;
	[dreg:$0xc] =	wrdreg s25  }
0x18: {  	v1 =	vmul.u32 $0x8, v1;
	v4 =	vmul.u32 $0x8, v4;
	v5 =	vor.u32 $0x1, v0;
	s22 =	simm.s32 $0x5;
	s23 =	simm.s32 $0xC380;
	s25 =	simm.s32 $0xD320  }
.LBB2_1:
0x19: {  	v6 =	vmov s2  }
0x1a: {  	v6 =	vshll.u32 v6, $0x3  }
0x1b: {  	v6 =	vor.u32 v1, v6  }
0x1c: {  	s13 =	simm.s32 $0x2;
	v6 =	vor.u32 v2, v6  }
.LBB2_2:
0x1d: {  	p0 =	sne.s32 s13, $0x7CE  }
.Ltmp0:
0x1e: {  	_ = 	snop;
	(pc) =	sbr.rel @p0 .LBB2_2-.Ltmp0, $4  }
0x1f: {  	v7 =	vmov s13  }
0x20: {  	v7 =	vshll.u32 v7, $0x3  }
0x21: {  	v7 =	vor.u32 v1, v7  }
0x22: {  	s13 =	sadd.s32 $0x2, s13;
	[tilespmem:v6+s21+$0x0] =	vst.idx.msk $0xffff, v3;
	v6 =	vor.u32 v2, v7  }
0x23: {  	_ =	sdelay $0x3  }
0x24: {  	[tilespmem:v6+s21+$0x0] =	vst.idx.msk $0xffff, v3  }
0x25: {  	[spmem:s15] =	stream.linear.scatter [tilespmem:s21], [sflag:$0x5], $0x3E80, $0x38;
	[tilespmem:$0x19E40] =	vst v63  }
0x26: {  	_ =	swait.ge [sflag:s22], $0x3E80  }
0x27: {  	[sflag:s22] =	ssyncset.done $0x0  }
0x28: {  	s8 =	rddreg [dreg:$0x4];
	[sflag:s22] =	ssyncadd.s32 $0xFFFFC180  }
0x29: {  	[spmem:s8] =	stream.linear.scatter [tilespmem:s21], [sflag:$0x5], $0x3E80, $0x38;
	[tilespmem:$0x19E40] =	vst v63  }
0x2a: {  	_ =	swait.ge [sflag:s22], $0x3E80  }
0x2b: {  	[sflag:s22] =	ssyncset.done $0x0  }
0x2c: {  	s13 =	rddreg [dreg:$0x5];
	[sflag:s22] =	ssyncadd.s32 $0xFFFFC180  }
0x2d: {  	[spmem:s13] =	stream.linear.scatter [tilespmem:s21], [sflag:$0x5], $0x3E80, $0x38;
	[tilespmem:$0x19E40] =	vst v63  }
0x2e: {  	_ =	swait.ge [sflag:s22], $0x3E80  }
0x2f: {  	[sflag:s22] =	ssyncset.done $0x0  }
0x30: {  	s14 =	rddreg [dreg:$0x6];
	[sflag:s22] =	ssyncadd.s32 $0xFFFFC180  }
0x31: {  	[spmem:s14] =	stream.linear.scatter [tilespmem:s21], [sflag:$0x5], $0x800, $0x38;
	[tilespmem:$0x19E40] =	vst v63  }
0x32: {  	_ =	swait.ge [sflag:s22], $0x800  }
0x33: {  	[sflag:s22] =	ssyncset.done $0x0  }
0x34: {  	[sflag:s22] =	ssyncadd.s32 $0xFFFFF800  }
0x35: {  	[bflag:$0x0] =	sbarrier.arrive $0xFFFF  }
0x36: {  	s13 =	simm.s32 $0x0;
	s15 =	rddreg [dreg:$0x7]  }
0x37: {  	[tilespmem:s23], [sflag:$0x1] =	stream.linear.gather [hbm4b:s15+s13], $0x7D0, $0x38;
	[tilespmem:$0x19E40] =	vst v63  }
0x38: {  	s16 =	rddreg [dreg:$0x8]  }
0x39: {  	[tilespmem:s24], [sflag:$0x1] =	stream.linear.gather [hbm4b:s16+s13], $0x7D0, $0x38;
	[tilespmem:$0x19E40] =	vst v63  }
0x3a: {  	s17 =	rddreg [dreg:$0x9]  }
0x3b: {  	[tilespmem:s25], [sflag:$0x1] =	stream.linear.gather [hbm4b:s17+s13], $0x1F40, $0x38;
	[tilespmem:$0x19E40] =	vst v63  }
0x3c: {  	_ =	swait.ge [sflag:s26], $0x7D0  }
0x3d: {  	[sflag:s26] =	ssyncset.done $0x0  }
0x3e: {  	[sflag:s26] =	ssyncadd.s32 $0xFFFFF830  }
0x3f: {  	_ =	swait.ge [sflag:s26], $0x7D0  }
0x40: {  	[sflag:s26] =	ssyncset.done $0x0  }
0x41: {  	[sflag:s26] =	ssyncadd.s32 $0xFFFFF830  }
0x42: {  	_ =	swait.ge [sflag:s26], $0x1F40  }
0x43: {  	[sflag:s26] =	ssyncset.done $0x0  }
0x44: {  	[sflag:s26] =	ssyncadd.s32 $0xFFFFE0C0  }
0x45: {  	[tilespmem:s21], [sflag:$0x2] =	stream.indirect.gather [hbm4b:s4+s28], $0x8, s23, s28, $0xb8;
	[tilespmem:$0x19E40] =	vst v63  }
0x46: {  	s18 =	rddreg [dreg:$0xa]  }
0x47: {  	[tilespmem:s29], [sflag:$0x3] =	stream.linear.gather [hbm4b:s18+s13], $0x7D0, $0x38;
	[tilespmem:$0x19E40] =	vst v63  }
0x48: {  	s19 =	rddreg [dreg:$0xb]  }
0x49: {  	[tilespmem:s30], [sflag:$0x3] =	stream.linear.gather [hbm4b:s19+s13], $0x7D0, $0x38;
	[tilespmem:$0x19E40] =	vst v63  }
0x4a: {  	s14 =	simm.s32 $0x0;
	s20 =	rddreg [dreg:$0xc]  }
0x4b: {  	[tilespmem:s31], [sflag:$0x3] =	stream.linear.gather [hbm4b:s20+s13], $0x1F40, $0x38;
	[tilespmem:$0x19E40] =	vst v63  }
.LBB2_4:
0x4c: {  	_ =	swait.ge [sflag:s0], $0x7D0  }
0x4d: {  	[sflag:s0] =	ssyncset.done $0x0  }
0x4e: {  	[sflag:s0] =	ssyncadd.s32 $0xFFFFF830  }
0x4f: {  	_ =	swait.ge [sflag:s0], $0x7D0  }
0x50: {  	[sflag:s0] =	ssyncset.done $0x0  }
0x51: {  	s15 =	simm.s32 $0xC;
	[sflag:s0] =	ssyncadd.s32 $0xFFFFF830  }
0x52: {  	v6 =	vmov s15;
	_ =	swait.ge [sflag:s0], $0x1F40  }
0x53: {  	v6 =	vshll.u32 v6, $0x3;
	[sflag:s0] =	ssyncset.done $0x0  }
0x54: {  	v6 =	vor.u32 v4, v6;
	[sflag:s0] =	ssyncadd.s32 $0xFFFFE0C0  }
0x55: {  	v17 =	vor.u32 v0, v6;
	[tilespmem:s3], [sflag:$0x4] =	stream.indirect.gather [hbm4b:s4+s28], $0x8, s29, s28, $0xb8;
	[tilespmem:$0x19E40] =	vst v63  }
0x56: {  	_ =	swait.ge [sflag:s10], $0x3E80  }
0x57: {  	s8 =	simm.s32 $0x4;
	[sflag:s10] =	ssyncset.done $0x0  }
0x58: {  	s16 =	simm.s32 $0xD340;
	v18 =	vor.u32 v5, v6;
	v6 =	vmov s8;
	[sflag:s10] =	ssyncadd.s32 $0xFFFFC180  }
0x59: {  	s17 =	simm.s32 $0x8;
	v6 =	vshll.u32 v6, $0x3;
	v10 =	vld [tilespmem:s16+$0x10]  }
0x5a: {  	v8 =	vmov s17;
	v6 =	vor.u32 v4, v6;
	v11 =	vld.idx.msk [tilespmem:v17+s21+$0x0], $0xffff  }
0x5b: {  	v7 =	vmov s13;
	v8 =	vshll.u32 v8, $0x3;
	v21 =	vor.u32 v0, v6;
	v19 =	vld [tilespmem:s16+$0xFFFFFFE0]  }
0x5c: {  	v7 =	vshll.u32 v7, $0x3;
	v8 =	vor.u32 v4, v8;
	v31 =	vor.u32 v5, v6;
	v20 =	vld [tilespmem:s16+$0xFFFFFFF0]  }
0x5d: {  	v12 =	vor.u32 v4, v7;
	v9 =	vor.u32 v0, v8;
	v23 =	vld [tilespmem:s16+$0x0]  }
0x5e: {  	s18 =	simm.s32 $0x10;
	s17 =	simm.s32 $0x1C;
	v6 =	vor.u32 v5, v12;
	v13 =	vld.idx.msk [tilespmem:v18+s21+$0x0], $0xffff  }
0x5f: {  	v14 =	vmov s18;
	v15 =	vmov s17;
	v7 =	vor.u32 v0, v12  }
0x60: {  	v15 =	vshll.u32 v15, $0x3;
	v8 =	vor.u32 v5, v8;
	v25 =	vld.idx.msk [tilespmem:v21+s21+$0x0], $0xffff;
	v12 =	vunpack.i.l.bf16.f32 v10  }
0x61: {  	v27 =	vld.idx.msk [tilespmem:v31+s21+$0x0], $0xffff;
	v10 =	vunpack.i.u.bf16.f32 v10;
	v35 =	vunpack.i.l.bf16.f32 v20;
	v36 =	vunpack.i.u.bf16.f32 v19  }
0x62: {  	s19 =	simm.s32 $0x14;
	s20 =	simm.s32 $0x18;
	v29 =	vld.idx.msk [tilespmem:v9+s21+$0x0], $0xffff;
	v20 =	vunpack.i.u.bf16.f32 v20;
	v37 =	vunpack.i.u.bf16.f32 v23;
	v11 =	vadd.f32 v11, v12  }
0x63: {  	v34 =	vld.idx.msk [tilespmem:v6+s21+$0x0], $0xffff;
	v12 =	vmov s19;
	v10 =	vadd.f32 v13, v10;
	v13 =	vmov s20  }
0x64: {  	v28 =	vmax.f32 v11, $0.0e+00;
	v11 =	vshll.u32 v12, $0x3;
	v12 =	vor.u32 v4, v15  }
0x65: {  	v33 =	vld.idx.msk [tilespmem:v7+s21+$0x0], $0xffff;
	v30 =	vmax.f32 v10, $0.0e+00;
	v10 =	vshll.u32 v14, $0x3;
	v14 =	vor.u32 v0, v12  }
0x66: {  	v32 =	vld.idx.msk [tilespmem:v8+s21+$0x0], $0xffff;
	v19 =	vunpack.i.l.bf16.f32 v19;
	v15 =	vshll.u32 v13, $0x3;
	v13 =	vor.u32 v5, v12  }
0x67: {  	s15 =	simm.s32 $0xD380;
	v35 =	vadd.f32 v25, v35;
	v27 =	vadd.f32 v27, v20;
	v20 =	vunpack.i.l.bf16.f32 v23  }
0x68: {  	v24 =	vld [tilespmem:s15+$0x10];
	v62 =	vadd.f32 v34, v36;
	v23 =	vadd.f32 v29, v20;
	v16 =	vor.u32 v4, v11  }
0x69: {  	v20 =	vld [tilespmem:s15+$0xFFFFFFF0];
	v29 =	vmax.f32 v35, $0.0e+00;
	v63 =	vmax.f32 v27, $0.0e+00;
	[tilespmem:v17+s21+$0x0] =	vst.idx.msk $0xffff, v28;
	v11 =	vor.u32 v0, v16  }
0x6a: {  	v22 =	vor.u32 v5, v16;
	[tilespmem:v18+s21+$0x0] =	vst.idx.msk $0xffff, v30;
	v18 =	vadd.f32 v33, v19;
	v26 =	vld.idx.msk [tilespmem:v14+s21+$0x0], $0xffff  }
0x6b: {  	v15 =	vor.u32 v4, v15;
	v10 =	vor.u32 v4, v10;
	v28 =	vadd.f32 v32, v37;
	v25 =	vld.idx.msk [tilespmem:v13+s21+$0x0], $0xffff  }
0x6c: {  	v17 =	vld [tilespmem:s15+$0xFFFFFFE0];
	[tilespmem:v21+s21+$0x0] =	vst.idx.msk $0xffff, v29;
	v29 =	vmax.f32 v23, $0.0e+00;
	v23 =	vmax.f32 v62, $0.0e+00;
	v12 =	vor.u32 v0, v10  }
0x6d: {  	v16 =	vor.u32 v0, v15;
	v15 =	vor.u32 v5, v15;
	v10 =	vor.u32 v5, v10;
	v19 =	vld [tilespmem:s15+$0x0]  }
0x6e: {  	s17 =	simm.s32 $0x20;
	s16 =	simm.s32 $0x4;
	v30 =	vunpack.i.l.bf16.f32 v24;
	[tilespmem:v31+s21+$0x0] =	vst.idx.msk $0xffff, v63;
	v27 =	vmax.f32 v28, $0.0e+00;
	v28 =	vmax.f32 v18, $0.0e+00;
	v18 =	vmovc v22;
	v21 =	vld.idx.msk [tilespmem:v11+s21+$0x0], $0xffff  }
.LBB2_5:
0x6f: {  	v31 =	vmov s17;
	s18 =	sadd.s32 $0x4, s17;
	s19 =	sadd.s32 $0x8, s17;
	s20 =	sadd.s32 $0xC, s17;
	v32 =	vld.idx.msk [tilespmem:v22+s21+$0x0], $0xffff;
	v22 =	vunpack.i.u.bf16.f32 v24;
	v24 =	vadd.f32 v26, v30;
	[tilespmem:v9+s21+$0x0] =	vst.idx.msk $0xffff, v29;
	v9 =	vmovc v16  }
0x70: {  	s16 =	sadd.s32 $0x4, s16;
	v26 =	vmov s18;
	v29 =	vmov s20;
	v30 =	vld.idx.msk [tilespmem:v16+s21+$0x0], $0xffff;
	v16 =	vadd.f32 v25, v22;
	[tilespmem:v8+s21+$0x0] =	vst.idx.msk $0xffff, v27;
	v8 =	vmovc v15  }
0x71: {  	v22 =	vmov s19;
	p0 =	slt.u32 s16, $0x1F0;
	v25 =	vshll.u32 v29, $0x3;
	v27 =	vld.idx.msk [tilespmem:v15+s21+$0x0], $0xffff;
	v15 =	vmax.f32 v24, $0.0e+00;
	[tilespmem:v7+s21+$0x0] =	vst.idx.msk $0xffff, v28;
	v7 =	vmovc v12  }
0x72: {  	v24 =	vshll.u32 v26, $0x3;
	v25 =	vor.u32 v4, v25;
	v28 =	vld.idx.msk [tilespmem:v12+s21+$0x0], $0xffff;
	[tilespmem:v14+s21+$0x0] =	vst.idx.msk $0xffff, v15;
	v12 =	vmax.f32 v16, $0.0e+00  }
0x73: {  	v15 =	vshll.u32 v31, $0x3;
	v16 =	vshll.u32 v22, $0x3;
	v14 =	vor.u32 v0, v25;
	v29 =	vld.idx.msk [tilespmem:v10+s21+$0x0], $0xffff;
	[tilespmem:v13+s21+$0x0] =	vst.idx.msk $0xffff, v12  }
0x74: {  	v12 =	vor.u32 v4, v24;
	v24 =	vor.u32 v4, v16;
	v13 =	vor.u32 v5, v25  }
0x75: {  	v25 =	vor.u32 v4, v15;
	v31 =	vor.u32 v0, v12;
	v22 =	vor.u32 v5, v12  }
0x76: {  	s15 =	sadd.s32 $0x40, s15;
	v12 =	vor.u32 v0, v25;
	v16 =	vor.u32 v0, v24;
	v15 =	vor.u32 v5, v24  }
0x77: {  	v33 =	vunpack.i.u.bf16.f32 v17;
	v34 =	vunpack.i.l.bf16.f32 v17;
	v24 =	vld [tilespmem:s15+$0x10];
	[tilespmem:v6+s21+$0x0] =	vst.idx.msk $0xffff, v23;
	v6 =	vmovc v10;
	v10 =	vor.u32 v5, v25  }
0x78: {  	v17 =	vunpack.i.u.bf16.f32 v20;
	v20 =	vunpack.i.l.bf16.f32 v20;
	v23 =	vunpack.i.u.bf16.f32 v19;
	v26 =	vld.idx.msk [tilespmem:v14+s21+$0x0], $0xffff  }
.Ltmp1:
0x79: {  	v21 =	vadd.f32 v21, v20;
	v32 =	vadd.f32 v32, v17;
	v19 =	vunpack.i.l.bf16.f32 v19;
	v25 =	vld.idx.msk [tilespmem:v13+s21+$0x0], $0xffff;
	(pc) =	sbr.rel @p0 .LBB2_5-.Ltmp1, $4  }
0x7a: {  	v30 =	vadd.f32 v30, v19;
	v23 =	vadd.f32 v27, v23;
	v17 =	vld [tilespmem:s15+$0xFFFFFFE0]  }
0x7b: {  	v21 =	vmax.f32 v21, $0.0e+00;
	v28 =	vadd.f32 v28, v34;
	v33 =	vadd.f32 v29, v33;
	v20 =	vld [tilespmem:s15+$0xFFFFFFF0]  }
0x7c: {  	v32 =	vmax.f32 v32, $0.0e+00;
	v29 =	vmax.f32 v30, $0.0e+00;
	v27 =	vmax.f32 v23, $0.0e+00;
	v19 =	vld [tilespmem:s15+$0x0];
	[tilespmem:v11+s21+$0x0] =	vst.idx.msk $0xffff, v21;
	v11 =	vmovc v31  }
0x7d: {  	s17 =	sadd.s32 $0x10, s17;
	v28 =	vmax.f32 v28, $0.0e+00;
	v23 =	vmax.f32 v33, $0.0e+00;
	v30 =	vunpack.i.l.bf16.f32 v24;
	v21 =	vld.idx.msk [tilespmem:v31+s21+$0x0], $0xffff;
	[tilespmem:v18+s21+$0x0] =	vst.idx.msk $0xffff, v32;
	v18 =	vmovc v22  }
0x7e: {  	_ =	sdelay $0x3  }
0x7f: {  	v22 =	vld.idx.msk [tilespmem:v22+s21+$0x0], $0xffff  }
0x80: {  	[tilespmem:v9+s21+$0x0] =	vst.idx.msk $0xffff, v29;
	v9 =	vld.idx.msk [tilespmem:v16+s21+$0x0], $0xffff  }
0x81: {  	v24 =	vunpack.i.u.bf16.f32 v24;
	v26 =	vadd.f32 v26, v30;
	[tilespmem:v7+s21+$0x0] =	vst.idx.msk $0xffff, v28;
	v7 =	vld.idx.msk [tilespmem:v12+s21+$0x0], $0xffff  }
0x82: {  	v24 =	vadd.f32 v25, v24;
	[tilespmem:v8+s21+$0x0] =	vst.idx.msk $0xffff, v27;
	v8 =	vld.idx.msk [tilespmem:v15+s21+$0x0], $0xffff  }
0x83: {  	[tilespmem:v6+s21+$0x0] =	vst.idx.msk $0xffff, v23;
	v25 =	vmax.f32 v26, $0.0e+00;
	v26 =	vunpack.i.l.bf16.f32 v20  }
0x84: {  	v20 =	vunpack.i.u.bf16.f32 v20;
	[tilespmem:v14+s21+$0x0] =	vst.idx.msk $0xffff, v25;
	v14 =	vmax.f32 v24, $0.0e+00;
	v24 =	vld.idx.msk [tilespmem:v10+s21+$0x0], $0xffff;
	v21 =	vadd.f32 v21, v26  }
0x85: {  	v6 =	vunpack.i.u.bf16.f32 v19;
	[tilespmem:v13+s21+$0x0] =	vst.idx.msk $0xffff, v14;
	v14 =	vunpack.i.l.bf16.f32 v19;
	v13 =	vadd.f32 v22, v20  }
0x86: {  	v19 =	vunpack.i.l.bf16.f32 v17;
	v9 =	vadd.f32 v9, v14;
	v14 =	vmax.f32 v21, $0.0e+00  }
0x87: {  	v7 =	vadd.f32 v7, v19;
	v6 =	vadd.f32 v8, v6;
	[tilespmem:v11+s21+$0x0] =	vst.idx.msk $0xffff, v14;
	v8 =	vmax.f32 v13, $0.0e+00  }
0x88: {  	v11 =	vunpack.i.u.bf16.f32 v17;
	v9 =	vmax.f32 v9, $0.0e+00;
	[tilespmem:v18+s21+$0x0] =	vst.idx.msk $0xffff, v8  }
0x89: {  	s15 =	smul.u32 $0xFA0, s14;
	v7 =	vmax.f32 v7, $0.0e+00;
	v8 =	vadd.f32 v24, v11;
	[tilespmem:v16+s21+$0x0] =	vst.idx.msk $0xffff, v9  }
0x8a: {  	v6 =	vmax.f32 v6, $0.0e+00;
	[tilespmem:v12+s21+$0x0] =	vst.idx.msk $0xffff, v7  }
0x8b: {  	p0 =	seq.s32 s14, $0x18;
	s16 =	sadd.s32 $0xFA0, s15;
	[tilespmem:v15+s21+$0x0] =	vst.idx.msk $0xffff, v6;
	v6 =	vmax.f32 v8, $0.0e+00  }
0x8c: {  	s16 =	simm.s32 @p0 $0x0;
	[tilespmem:v10+s21+$0x0] =	vst.idx.msk $0xffff, v6  }
0x8d: {  	[spmem:s1] =	stream.indirect.scatter.add.f32 [tilespmem:s21], [sflag:$0x5], $0x8, s24, s28, $0xb8;
	[tilespmem:$0x19E40] =	vst v63  }
0x8e: {  	s16 =	sadd.s32 s9, s16;
	_ =	swait.ge [sflag:s22], $0x3E80  }
0x8f: {  	s19 =	simm.s32 $0x0;
	s17 =	sshrl.u32 s16, $0x3;
	[sflag:s22] =	ssyncset.done $0x0  }
0x90: {  	s16 =	sshrl.u32 s16, $0x1;
	s18 =	sadd.s32 s5, s17;
	[sflag:s22] =	ssyncadd.s32 $0xFFFFC180  }
0x91: {  	[tilespmem:s23], [sflag:$0x1] =	stream.linear.gather [hbm4b:s18+s19], $0x7D0, $0x38;
	[tilespmem:$0x19E40] =	vst v63  }
0x92: {  	s17 =	sadd.s32 s6, s17;
	s16 =	sand.u32 $0xFFFFFF0, s16  }
0x93: {  	[tilespmem:s24], [sflag:$0x1] =	stream.linear.gather [hbm4b:s17+s19], $0x7D0, $0x38;
	[tilespmem:$0x19E40] =	vst v63  }
0x94: {  	s16 =	sadd.s32 s7, s16  }
0x95: {  	[tilespmem:s25], [sflag:$0x1] =	stream.linear.gather [hbm4b:s16+s19], $0x1F40, $0x38;
	[tilespmem:$0x19E40] =	vst v63  }
0x96: {  	_ =	swait.ge [sflag:s26], $0x7D0  }
0x97: {  	[sflag:s26] =	ssyncset.done $0x0  }
0x98: {  	[sflag:s26] =	ssyncadd.s32 $0xFFFFF830  }
0x99: {  	_ =	swait.ge [sflag:s26], $0x7D0  }
0x9a: {  	[sflag:s26] =	ssyncset.done $0x0  }
0x9b: {  	s17 =	simm.s32 $0xC;
	[sflag:s26] =	ssyncadd.s32 $0xFFFFF830  }
0x9c: {  	v6 =	vmov s17;
	_ =	swait.ge [sflag:s26], $0x1F40  }
0x9d: {  	v6 =	vshll.u32 v6, $0x3;
	[sflag:s26] =	ssyncset.done $0x0  }
0x9e: {  	v6 =	vor.u32 v4, v6;
	[sflag:s26] =	ssyncadd.s32 $0xFFFFE0C0  }
0x9f: {  	v17 =	vor.u32 v0, v6;
	[tilespmem:s21], [sflag:$0x2] =	stream.indirect.gather [hbm4b:s4+s28], $0x8, s23, s28, $0xb8;
	[tilespmem:$0x19E40] =	vst v63  }
0xa0: {  	_ =	swait.ge [sflag:s11], $0x3E80  }
0xa1: {  	s18 =	simm.s32 $0x4;
	[sflag:s11] =	ssyncset.done $0x0  }
0xa2: {  	s17 =	simm.s32 $0x140A0;
	v18 =	vor.u32 v5, v6;
	v6 =	vmov s18;
	[sflag:s11] =	ssyncadd.s32 $0xFFFFC180  }
0xa3: {  	s20 =	simm.s32 $0x8;
	v6 =	vshll.u32 v6, $0x3;
	v10 =	vld [tilespmem:s17+$0x10]  }
0xa4: {  	v8 =	vmov s20;
	v6 =	vor.u32 v4, v6;
	v11 =	vld.idx.msk [tilespmem:v17+s3+$0x0], $0xffff  }
0xa5: {  	v7 =	vmov s19;
	v8 =	vshll.u32 v8, $0x3;
	v21 =	vor.u32 v0, v6;
	v19 =	vld [tilespmem:s17+$0xFFFFFFE0]  }
0xa6: {  	v7 =	vshll.u32 v7, $0x3;
	v8 =	vor.u32 v4, v8;
	v31 =	vor.u32 v5, v6;
	v20 =	vld [tilespmem:s17+$0xFFFFFFF0]  }
0xa7: {  	v12 =	vor.u32 v4, v7;
	v9 =	vor.u32 v0, v8;
	v23 =	vld [tilespmem:s17+$0x0]  }
0xa8: {  	s8 =	simm.s32 $0x10;
	s19 =	simm.s32 $0x1C;
	v6 =	vor.u32 v5, v12;
	v13 =	vld.idx.msk [tilespmem:v18+s3+$0x0], $0xffff  }
0xa9: {  	v14 =	vmov s8;
	v7 =	vor.u32 v0, v12;
	v15 =	vmov s19  }
0xaa: {  	v8 =	vor.u32 v5, v8;
	v15 =	vshll.u32 v15, $0x3;
	v25 =	vld.idx.msk [tilespmem:v21+s3+$0x0], $0xffff;
	v12 =	vunpack.i.l.bf16.f32 v10  }
0xab: {  	v27 =	vld.idx.msk [tilespmem:v31+s3+$0x0], $0xffff;
	v10 =	vunpack.i.u.bf16.f32 v10;
	v35 =	vunpack.i.l.bf16.f32 v20;
	v36 =	vunpack.i.u.bf16.f32 v19  }
0xac: {  	s20 =	simm.s32 $0x18;
	s18 =	simm.s32 $0x14;
	v29 =	vld.idx.msk [tilespmem:v9+s3+$0x0], $0xffff;
	v20 =	vunpack.i.u.bf16.f32 v20;
	v37 =	vunpack.i.u.bf16.f32 v23;
	v11 =	vadd.f32 v11, v12  }
0xad: {  	v34 =	vld.idx.msk [tilespmem:v6+s3+$0x0], $0xffff;
	v12 =	vmov s18;
	v10 =	vadd.f32 v13, v10;
	v13 =	vmov s20  }
0xae: {  	v28 =	vmax.f32 v11, $0.0e+00;
	v11 =	vshll.u32 v12, $0x3;
	v12 =	vor.u32 v4, v15  }
0xaf: {  	v33 =	vld.idx.msk [tilespmem:v7+s3+$0x0], $0xffff;
	v30 =	vmax.f32 v10, $0.0e+00;
	v10 =	vshll.u32 v14, $0x3;
	v14 =	vor.u32 v0, v12  }
0xb0: {  	v32 =	vld.idx.msk [tilespmem:v8+s3+$0x0], $0xffff;
	v19 =	vunpack.i.l.bf16.f32 v19;
	v15 =	vshll.u32 v13, $0x3;
	v13 =	vor.u32 v5, v12  }
0xb1: {  	s16 =	simm.s32 $0x140E0;
	v35 =	vadd.f32 v25, v35;
	v27 =	vadd.f32 v27, v20;
	v20 =	vunpack.i.l.bf16.f32 v23  }
0xb2: {  	v24 =	vld [tilespmem:s16+$0x10];
	v62 =	vadd.f32 v34, v36;
	v23 =	vadd.f32 v29, v20;
	v16 =	vor.u32 v4, v11  }
0xb3: {  	v20 =	vld [tilespmem:s16+$0xFFFFFFF0];
	v29 =	vmax.f32 v35, $0.0e+00;
	v63 =	vmax.f32 v27, $0.0e+00;
	[tilespmem:v17+s3+$0x0] =	vst.idx.msk $0xffff, v28;
	v11 =	vor.u32 v0, v16  }
0xb4: {  	v22 =	vor.u32 v5, v16;
	[tilespmem:v18+s3+$0x0] =	vst.idx.msk $0xffff, v30;
	v18 =	vadd.f32 v33, v19;
	v26 =	vld.idx.msk [tilespmem:v14+s3+$0x0], $0xffff  }
0xb5: {  	v15 =	vor.u32 v4, v15;
	v10 =	vor.u32 v4, v10;
	v28 =	vadd.f32 v32, v37;
	v25 =	vld.idx.msk [tilespmem:v13+s3+$0x0], $0xffff  }
0xb6: {  	v17 =	vld [tilespmem:s16+$0xFFFFFFE0];
	[tilespmem:v21+s3+$0x0] =	vst.idx.msk $0xffff, v29;
	v29 =	vmax.f32 v23, $0.0e+00;
	v23 =	vmax.f32 v62, $0.0e+00;
	v12 =	vor.u32 v0, v10  }
0xb7: {  	v16 =	vor.u32 v0, v15;
	v15 =	vor.u32 v5, v15;
	v10 =	vor.u32 v5, v10;
	v19 =	vld [tilespmem:s16+$0x0]  }
0xb8: {  	s17 =	simm.s32 $0x4;
	s18 =	simm.s32 $0x20;
	v30 =	vunpack.i.l.bf16.f32 v24;
	[tilespmem:v31+s3+$0x0] =	vst.idx.msk $0xffff, v63;
	v27 =	vmax.f32 v28, $0.0e+00;
	v28 =	vmax.f32 v18, $0.0e+00;
	v18 =	vmovc v22;
	v21 =	vld.idx.msk [tilespmem:v11+s3+$0x0], $0xffff  }
.LBB2_7:
0xb9: {  	v31 =	vmov s18;
	s19 =	sadd.s32 $0x4, s18;
	s20 =	sadd.s32 $0x8, s18;
	s8 =	sadd.s32 $0xC, s18;
	v32 =	vld.idx.msk [tilespmem:v22+s3+$0x0], $0xffff;
	v22 =	vunpack.i.u.bf16.f32 v24;
	v24 =	vadd.f32 v26, v30;
	[tilespmem:v9+s3+$0x0] =	vst.idx.msk $0xffff, v29;
	v9 =	vmovc v16  }
0xba: {  	s17 =	sadd.s32 $0x4, s17;
	v26 =	vmov s19;
	v29 =	vmov s8;
	v30 =	vld.idx.msk [tilespmem:v16+s3+$0x0], $0xffff;
	v16 =	vadd.f32 v25, v22;
	[tilespmem:v8+s3+$0x0] =	vst.idx.msk $0xffff, v27;
	v8 =	vmovc v15  }
0xbb: {  	v22 =	vmov s20;
	p1 =	slt.u32 s17, $0x1F0;
	v25 =	vshll.u32 v29, $0x3;
	v27 =	vld.idx.msk [tilespmem:v15+s3+$0x0], $0xffff;
	v15 =	vmax.f32 v24, $0.0e+00;
	[tilespmem:v7+s3+$0x0] =	vst.idx.msk $0xffff, v28;
	v7 =	vmovc v12  }
0xbc: {  	v24 =	vshll.u32 v26, $0x3;
	v25 =	vor.u32 v4, v25;
	v28 =	vld.idx.msk [tilespmem:v12+s3+$0x0], $0xffff;
	[tilespmem:v14+s3+$0x0] =	vst.idx.msk $0xffff, v15;
	v12 =	vmax.f32 v16, $0.0e+00  }
0xbd: {  	v15 =	vshll.u32 v31, $0x3;
	v16 =	vshll.u32 v22, $0x3;
	v14 =	vor.u32 v0, v25;
	v29 =	vld.idx.msk [tilespmem:v10+s3+$0x0], $0xffff;
	[tilespmem:v13+s3+$0x0] =	vst.idx.msk $0xffff, v12  }
0xbe: {  	v12 =	vor.u32 v4, v24;
	v24 =	vor.u32 v4, v16;
	v13 =	vor.u32 v5, v25  }
0xbf: {  	v25 =	vor.u32 v4, v15;
	v31 =	vor.u32 v0, v12;
	v22 =	vor.u32 v5, v12  }
0xc0: {  	s16 =	sadd.s32 $0x40, s16;
	v12 =	vor.u32 v0, v25;
	v16 =	vor.u32 v0, v24;
	v15 =	vor.u32 v5, v24  }
0xc1: {  	v33 =	vunpack.i.u.bf16.f32 v17;
	v34 =	vunpack.i.l.bf16.f32 v17;
	v24 =	vld [tilespmem:s16+$0x10];
	[tilespmem:v6+s3+$0x0] =	vst.idx.msk $0xffff, v23;
	v6 =	vmovc v10;
	v10 =	vor.u32 v5, v25  }
0xc2: {  	v17 =	vunpack.i.u.bf16.f32 v20;
	v20 =	vunpack.i.l.bf16.f32 v20;
	v23 =	vunpack.i.u.bf16.f32 v19;
	v26 =	vld.idx.msk [tilespmem:v14+s3+$0x0], $0xffff  }
.Ltmp2:
0xc3: {  	v21 =	vadd.f32 v21, v20;
	v32 =	vadd.f32 v32, v17;
	v19 =	vunpack.i.l.bf16.f32 v19;
	v25 =	vld.idx.msk [tilespmem:v13+s3+$0x0], $0xffff;
	(pc) =	sbr.rel @p1 .LBB2_7-.Ltmp2, $4  }
0xc4: {  	v30 =	vadd.f32 v30, v19;
	v23 =	vadd.f32 v27, v23;
	v17 =	vld [tilespmem:s16+$0xFFFFFFE0]  }
0xc5: {  	v21 =	vmax.f32 v21, $0.0e+00;
	v28 =	vadd.f32 v28, v34;
	v33 =	vadd.f32 v29, v33;
	v20 =	vld [tilespmem:s16+$0xFFFFFFF0]  }
0xc6: {  	v32 =	vmax.f32 v32, $0.0e+00;
	v29 =	vmax.f32 v30, $0.0e+00;
	v27 =	vmax.f32 v23, $0.0e+00;
	v19 =	vld [tilespmem:s16+$0x0];
	[tilespmem:v11+s3+$0x0] =	vst.idx.msk $0xffff, v21;
	v11 =	vmovc v31  }
0xc7: {  	s18 =	sadd.s32 $0x10, s18;
	v28 =	vmax.f32 v28, $0.0e+00;
	v23 =	vmax.f32 v33, $0.0e+00;
	v30 =	vunpack.i.l.bf16.f32 v24;
	v21 =	vld.idx.msk [tilespmem:v31+s3+$0x0], $0xffff;
	[tilespmem:v18+s3+$0x0] =	vst.idx.msk $0xffff, v32;
	v18 =	vmovc v22  }
0xc8: {  	_ =	sdelay $0x3  }
0xc9: {  	v22 =	vld.idx.msk [tilespmem:v22+s3+$0x0], $0xffff  }
0xca: {  	[tilespmem:v9+s3+$0x0] =	vst.idx.msk $0xffff, v29;
	v50 =	vld.idx.msk [tilespmem:v16+s3+$0x0], $0xffff  }
0xcb: {  	v24 =	vunpack.i.u.bf16.f32 v24;
	v26 =	vadd.f32 v26, v30;
	[tilespmem:v7+s3+$0x0] =	vst.idx.msk $0xffff, v28;
	v7 =	vld.idx.msk [tilespmem:v12+s3+$0x0], $0xffff  }
0xcc: {  	v51 =	vld.idx.msk [tilespmem:v15+s3+$0x0], $0xffff;
	v24 =	vadd.f32 v25, v24;
	[tilespmem:v8+s3+$0x0] =	vst.idx.msk $0xffff, v27;
	v53 =	vunpack.i.l.bf16.f32 v20  }
0xcd: {  	v55 =	vld.idx.msk [tilespmem:v10+s3+$0x0], $0xffff;
	[tilespmem:v6+s3+$0x0] =	vst.idx.msk $0xffff, v23;
	v52 =	vmax.f32 v26, $0.0e+00;
	v56 =	vunpack.i.u.bf16.f32 v20;
	v21 =	vadd.f32 v21, v53  }
0xce: {  	[tilespmem:v14+s3+$0x0] =	vst.idx.msk $0xffff, v52;
	v54 =	vmax.f32 v24, $0.0e+00;
	v58 =	vunpack.i.l.bf16.f32 v19;
	v57 =	vadd.f32 v22, v56  }
0xcf: {  	v60 =	vunpack.i.l.bf16.f32 v17;
	[tilespmem:v13+s3+$0x0] =	vst.idx.msk $0xffff, v54;
	v9 =	vadd.f32 v50, v58;
	v59 =	vmax.f32 v21, $0.0e+00  }
0xd0: {  	v6 =	vunpack.i.u.bf16.f32 v19;
	v7 =	vadd.f32 v7, v60;
	[tilespmem:v11+s3+$0x0] =	vst.idx.msk $0xffff, v59;
	v61 =	vmax.f32 v57, $0.0e+00  }
0xd1: {  	v62 =	vunpack.i.u.bf16.f32 v17;
	v6 =	vadd.f32 v51, v6;
	v9 =	vmax.f32 v9, $0.0e+00;
	[tilespmem:v18+s3+$0x0] =	vst.idx.msk $0xffff, v61  }
0xd2: {  	v63 =	vadd.f32 v55, v62;
	v7 =	vmax.f32 v7, $0.0e+00;
	[tilespmem:v16+s3+$0x0] =	vst.idx.msk $0xffff, v9  }
0xd3: {  	v6 =	vmax.f32 v6, $0.0e+00;
	[tilespmem:v12+s3+$0x0] =	vst.idx.msk $0xffff, v7  }
0xd4: {  	s8 =	sadd.s32 $0x1770, s15;
	[tilespmem:v15+s3+$0x0] =	vst.idx.msk $0xffff, v6;
	v6 =	vmax.f32 v63, $0.0e+00  }
0xd5: {  	s8 =	simm.s32 @p0 $0x0;
	[tilespmem:v10+s3+$0x0] =	vst.idx.msk $0xffff, v6  }
0xd6: {  	[spmem:s1] =	stream.indirect.scatter.add.f32 [tilespmem:s3], [sflag:$0x5], $0x8, s30, s28, $0xb8;
	[tilespmem:$0x19E40] =	vst v63  }
0xd7: {  	s8 =	sadd.s32 s9, s8;
	_ =	swait.ge [sflag:s22], $0x3E80  }
0xd8: {  	s14 =	sadd.s32 $0x1, s14;
	s20 =	sshrl.u32 s8, $0x3;
	[sflag:s22] =	ssyncset.done $0x0  }
0xd9: {  	p0 =	sne.s32 s14, $0x19;
	s16 =	sadd.s32 s5, s20;
	[sflag:s22] =	ssyncadd.s32 $0xFFFFC180  }
0xda: {  	[tilespmem:s29], [sflag:$0x3] =	stream.linear.gather [hbm4b:s16+s2], $0x7D0, $0x38;
	[tilespmem:$0x19E40] =	vst v63  }
.Ltmp3:
0xdb: {  	s8 =	sshrl.u32 s8, $0x1;
	(pc) =	sbr.rel @p0 .LBB2_4-.Ltmp3, $4  }
0xdc: {  	s15 =	sadd.s32 s6, s20;
	s8 =	sand.u32 $0xFFFFFF8, s8  }
0xdd: {  	[tilespmem:s30], [sflag:$0x3] =	stream.linear.gather [hbm4b:s15+s2], $0x7D0, $0x38;
	[tilespmem:$0x19E40] =	vst v63  }
0xde: {  	s8 =	sadd.s32 s7, s8  }
0xdf: {  	[tilespmem:s31], [sflag:$0x3] =	stream.linear.gather [hbm4b:s8+s2], $0x1F40, $0x38;
	[tilespmem:$0x19E40] =	vst v63  }
0xe0: {  	_ =	swait.ge [sflag:s10], $0x3E80  }
0xe1: {  	[sflag:s10] =	ssyncset.done $0x0  }
0xe2: {  	[sflag:s10] =	ssyncadd.s32 $0xFFFFC180  }
0xe3: {  	_ =	swait.ge [sflag:s0], $0x7D0  }
0xe4: {  	[sflag:s0] =	ssyncset.done $0x0  }
0xe5: {  	[sflag:s0] =	ssyncadd.s32 $0xFFFFF830  }
0xe6: {  	_ =	swait.ge [sflag:s0], $0x7D0  }
0xe7: {  	[sflag:s0] =	ssyncset.done $0x0  }
0xe8: {  	[sflag:s0] =	ssyncadd.s32 $0xFFFFF830  }
0xe9: {  	_ =	swait.ge [sflag:s0], $0x1F40  }
0xea: {  	[sflag:s0] =	ssyncset.done $0x0  }
0xeb: {  	[sflag:s0] =	ssyncadd.s32 $0xFFFFE0C0  }
0xec: {  	s8 =	stileid.u32;
	[bflag:$0x0] =	sbarrier.arrive $0xFFFF  }
0xed: {  	s8 =	sshll.u32 s8, $0x6;
	s15 =	rddreg [dreg:$0x3]  }
0xee: {  	s8 =	sor.u32 $0x1C05, s8;
	s14 =	rddreg [dreg:$0xd];
	s13 =	sshrl.u32 s15, $0x3  }
0xef: {  	[hbm:s14], [sflag:s8] =	dma.local [spmem:s13], $0x1870  }
0xf0: {  	_ =	swait.ge [sflag:s22], $0x1870  }
0xf1: {  	s12 =	sadd.s32 $0x1, s12;
	s20 =	rddreg [dreg:$0xe]  }
0xf2: {  	p0 =	sne.s32 s12, s20  }
.Ltmp4:
0xf3: {  	_ = 	snop;
	(pc) =	sbr.rel @p0 .LBB2_1-.Ltmp4, $3  }
0xf4: {  	_ =	sdelay $0x1  }
0xf5: {  	[sflag:s22] =	ssyncset.done $0x0  }
0xf6: {  	[sflag:s22] =	ssyncadd.s32 $0xFFFFE790  }
0xf7: {  	_ =	sfence.sel $0x180000  }
0xf8: {  	[bflag:$0x0] =	sbarrier.arrive $0xFFFF  }
0xf9: {  	_ =	strace $0x90000050  }
0xfa: {  	s0 =	stileid.u32;
	[bflag:$0x2] =	sbarrier.arrive $0xFFFF  }
0xfb: {  	p0 =	sne.s32 s0, $0x0;
	s0 =	rddreg [dreg:$0x2]  }
0xfc: {  	s0 =	sadd.s32 @!p0 $0x100000, s0  }
0xfd: {  	[sflag:s0] =	ssyncadd.tile.s32 @!p0 $0x1;
	_ =	shalt  }
.Lfunc_end2:
_tile_overlayer_lowered:
.L_overlay_start_2:
0xfe: {  	(tag) =	ssettag $0x2  }
0xff: {  	s0 =	rddreg [dreg:$0x0];
	s2 =	stileid.u32  }
0x100: {  	s1 =	rddreg [dreg:$0x1];
	p0 =	sne.s32 s2, $0x0  }
0x101: {  	s3 =	rddreg [dreg:$0x2];
	[bflag:$0x3] =	sbarrier.arrive $0xFFFF;
	s2 =	simm.s32 @!p0 $0x1C05  }
0x102: {  	[timem:s3], [sflag:s2] =	dma.local @!p0 [hbm:s0], s1  }
0x103: {  	s0 =	simm.s32 @!p0 $0x5  }
0x104: {  	_ =	swait.ge @!p0 [sflag:s0], s1  }
0x105: {  	s1 =	ssub.s32 @!p0 $0x0, s1;
	[sflag:s0] =	ssyncset.done @!p0 $0x0  }
0x106: {  	[sflag:s0] =	ssyncadd.s32 @!p0 s1  }
0x107: {  	[bflag:$0x3] =	sbarrier.arrive $0xFFFF  }
0x108: {  	_ =	shalt  }

// kernel: kernel.16.cloned.1.call-start
scs
__scs_entry_jumppad:
0x0: {  	(pc) =	sbr.rel $0x88, $3  }
0x1: {  	(tag) =	ssettag $0x0;
	lr =	simm.s32 $0x1  }
0x2: {  	[smem:$0x3F95] =	sst lr;
	_ =	strace $0xD0000000  }
0x3: {  	_ = 	snop  }
0x4: {  	_ = 	snop  }
0x5: {  	_ = 	snop  }
0x6: {  	_ = 	snop  }
0x7: {  	_ = 	snop  }
__scs_overlays_trampoline_lowered:
0x8: {  	[smem:$0x3FA4] =	sst s0  }
0x9: {  	[smem:$0x3FA5] =	sst s1  }
0xa: {  	[smem:$0x3FA6] =	sst s2  }
0xb: {  	[smem:$0x3FA7] =	sst s3  }
0xc: {  	[smem:$0x3FA8] =	sst s4  }
0xd: {  	[smem:$0x3FA9] =	sst s5  }
0xe: {  	[smem:$0x3FAA] =	sst s6  }
0xf: {  	[smem:$0x3FAB] =	sst s7  }
0x10: {  	[smem:$0x3FAC] =	sst s8  }
0x11: {  	[smem:$0x3FAD] =	sst s9;
	s0 =	simm.s32 @!p0 $0x0  }
0x12: {  	s1 =	sld [smem:$0x3F93];
	s0 =	simm.s32 @p0 $0x1  }
0x13: {  	[smem:$0x3FAE] =	sst s0;
	s0 =	simm.s32 @!p1 $0x0  }
0x14: {  	s2 =	sld [smem:$0x3F92];
	s0 =	simm.s32 @p1 $0x1  }
0x15: {  	[smem:$0x3FAF] =	sst s0;
	s0 =	simm.s32 @!p2 $0x0  }
0x16: {  	s3 =	sld [smem:$0x3FDB];
	s0 =	simm.s32 @p2 $0x1  }
0x17: {  	s4 =	simm.s32 $0x1BF5;
	[smem:$0x3FB1] =	sst s0  }
0x18: {  	s0 =	sld [smem:$0x3F94];
	_ =	swait.ge [sflag:s4], $0x0  }
0x19: {  	s7 =	sld [smem:$0x3F95]  }
0x1a: {  	s8 =	sadd.s32 $0xFFFFE003, lr  }
0x1b: {  	s9 =	sadd.s32 $0xFFFFFEF7, lr;
	s5 =	simm.s32 $0xFFFFFFFF;
	p2 =	slt.u32 s8, $0xFFFFF086  }
0x1c: {  	p1 =	slt.u32 s9, $0xF7A;
	s5 =	simm.s32 @!p2 $0x0  }
0x1d: {  	s5 =	simm.s32 @p1 $0x1;
	p0 =	seq.s32 s7, s2  }
0x1e: {  	s7 =	smul.u32 @!p0 $0xF7A, s2;
	p2 =	seq.s32 @!p0 s5, $0x0  }
0x1f: {  	s9 =	smul.u32 $0xF7A, s1;
	s8 =	simm.s32 @!p0 $0x1BF5;
	p2 =	por !p2, p0  }
0x20: {  	[sflag:s8] =	ssyncset.s32 @!p0 $0xFFFFF086;
	s6 =	sadd.s32 @!p0 s3, s7;
	s7 =	simm.s32 @!p0 $0x108  }
0x21: {  	s3 =	sadd.s32 s3, s9;
	s6 =	sadd.s32 @!p0 $0x88, s6;
	s7 =	simm.s32 @p2 $0x1082  }
0x22: {  	[simem:s7], [sflag:s8] =	dma.local @!p0 [hbm:s6], $0xF7A  }
0x23: {  	s9 =	sor.u32 $0xD0000000, s2;
	s6 =	simm.s32 $0x108;
	_ =	swait.ge @!p0 [sflag:s8], $0x0  }
0x24: {  	s3 =	sadd.s32 $0x88, s3;
	s6 =	simm.s32 @!p1 $0x1082;
	[sflag:s4] =	ssyncset.s32 $0xFFFFF086  }
0x25: {  	[simem:s6], [sflag:s4] =	dma.local [hbm:s3], $0xF7A  }
0x26: {  	[smem:$0x3F95] =	sst s1;
	(tag) =	ssettag s2;
	_ =	strace s9  }
0x27: {  	s1 =	sld [smem:$0x3FA5]  }
0x28: {  	s2 =	sld [smem:$0x3FA6]  }
0x29: {  	s4 =	sld [smem:$0x3FA8]  }
0x2a: {  	p0 =	seq.s32 s5, $0x0;
	s5 =	sld [smem:$0x3FA9]  }
0x2b: {  	s6 =	sld [smem:$0x3FAA]  }
0x2c: {  	s7 =	sld [smem:$0x3FAB]  }
0x2d: {  	s3 =	simm.s32 $0x108;
	s8 =	sld [smem:$0x3FAC]  }
0x2e: {  	s3 =	simm.s32 @!p0 $0x1082;
	s9 =	sld [smem:$0x3FAD]  }
0x2f: {  	lr =	sadd.s32 s0, s3;
	s0 =	sld [smem:$0x3FA4]  }
0x30: {  	s3 =	sld [smem:$0x3FA7]  }
0x31: {  	[smem:$0x3FB0] =	sst s10  }
0x32: {  	s10 =	sld [smem:$0x3FAE];
	_ =	sdelay $0x3  }
0x33: {  	p0 =	seq.s32 s10, $0x1;
	s10 =	sld [smem:$0x3FB0];
	_ =	sdelay $0x3  }
0x34: {  	[smem:$0x3FB0] =	sst s10  }
0x35: {  	s10 =	sld [smem:$0x3FAF];
	_ =	sdelay $0x3  }
0x36: {  	p1 =	seq.s32 s10, $0x1;
	s10 =	sld [smem:$0x3FB0];
	_ =	sdelay $0x3  }
0x37: {  	[smem:$0x3FB0] =	sst s10  }
0x38: {  	s10 =	sld [smem:$0x3FB1]  }
0x39: {  	_ = 	snop;
	(pc) =	sbr.ind lr, $3  }
0x3a: {  	_ = 	snop  }
0x3b: {  	_ = 	snop  }
0x3c: {  	p2 =	seq.s32 s10, $0x1;
	s10 =	sld [smem:$0x3FB0]  }
0x3d: {  	_ =	shalt  }
0x3e: {  	_ =	shalt  }
0x3f: {  	_ =	shalt  }
0x40: {  	_ =	shalt  }
0x41: {  	_ =	shalt  }
0x42: {  	_ =	shalt  }
0x43: {  	_ =	shalt  }
0x44: {  	_ =	shalt  }
0x45: {  	_ =	shalt  }
0x46: {  	_ =	shalt  }
0x47: {  	_ =	shalt  }
0x48: {  	_ =	shalt  }
0x49: {  	_ =	shalt  }
0x4a: {  	_ =	shalt  }
0x4b: {  	_ =	shalt  }
0x4c: {  	_ =	shalt  }
0x4d: {  	_ =	shalt  }
0x4e: {  	_ =	shalt  }
0x4f: {  	_ =	shalt  }
0x50: {  	_ =	shalt  }
0x51: {  	_ =	shalt  }
0x52: {  	_ =	shalt  }
0x53: {  	_ =	shalt  }
0x54: {  	_ =	shalt  }
0x55: {  	_ =	shalt  }
0x56: {  	_ =	shalt  }
0x57: {  	_ =	shalt  }
0x58: {  	_ =	shalt  }
0x59: {  	_ =	shalt  }
0x5a: {  	_ =	shalt  }
0x5b: {  	_ =	shalt  }
0x5c: {  	_ =	shalt  }
0x5d: {  	_ =	shalt  }
0x5e: {  	_ =	shalt  }
0x5f: {  	_ =	shalt  }
0x60: {  	_ =	shalt  }
0x61: {  	_ =	shalt  }
0x62: {  	_ =	shalt  }
0x63: {  	_ =	shalt  }
0x64: {  	_ =	shalt  }
0x65: {  	_ =	shalt  }
0x66: {  	_ =	shalt  }
0x67: {  	_ =	shalt  }
0x68: {  	_ =	shalt  }
0x69: {  	_ =	shalt  }
0x6a: {  	_ =	shalt  }
0x6b: {  	_ =	shalt  }
0x6c: {  	_ =	shalt  }
0x6d: {  	_ =	shalt  }
0x6e: {  	_ =	shalt  }
0x6f: {  	_ =	shalt  }
0x70: {  	_ =	shalt  }
0x71: {  	_ =	shalt  }
0x72: {  	_ =	shalt  }
0x73: {  	_ =	shalt  }
0x74: {  	_ =	shalt  }
0x75: {  	_ =	shalt  }
0x76: {  	_ =	shalt  }
0x77: {  	_ =	shalt  }
0x78: {  	_ =	shalt  }
0x79: {  	_ =	shalt  }
0x7a: {  	_ =	shalt  }
0x7b: {  	_ =	shalt  }
0x7c: {  	_ =	shalt  }
0x7d: {  	_ =	shalt  }
0x7e: {  	_ =	shalt  }
0x7f: {  	_ =	shalt  }
0x80: {  	_ =	shalt  }
0x81: {  	_ =	shalt  }
0x82: {  	_ =	shalt  }
0x83: {  	_ =	shalt  }
0x84: {  	_ =	shalt  }
0x85: {  	_ =	shalt  }
0x86: {  	_ =	shalt  }
0x87: {  	_ =	shalt  }
.Lfunc_end0:
.L_simem_size_0:
called_computation.4_lowered:
.L_overlay_start_0:
0x88: {  	s2 =	sld [smem:$0x3FD9]  }
0x89: {  	s3 =	sld [smem:$0x3FFE];
	_ =	sdelay $0x1  }
0x8a: {  	s1 =	srdreg.scid  }
0x8b: {  	s0 =	sand.u32 $0x1, s1  }
0x8c: {  	s16 =	sshll.u32 s0, $0xA;
	s2 =	sadd.s32 s3, s2  }
0x8d: {  	s2 =	sadd.s32 s2, s16  }
0x8e: {  	[smem:$0x3FBC] =	sst s2  }
0x8f: {  	_ = 	snop  }
0x90: {  	(tm) =	ssettm $0x1  }
0x91: {  	s17 =	sld [smem:$0x3FFB];
	_ =	sdelay $0x3  }
0x92: {  	_ =	strace s17  }
0x93: {  	s2 =	sld [smem:$0x3FFC];
	_ =	sdelay $0x3  }
0x94: {  	_ =	strace s2  }
0x95: {  	s2 =	sld [smem:$0x3FFD];
	_ =	sdelay $0x3  }
0x96: {  	_ =	strace s2  }
0x97: {  	_ =	strace $0x8FFFFFFF  }
0x98: {  	s18 =	sld [smem:$0x3FDB];
	_ =	sdelay $0x1  }
0x99: {  	s19 =	simm.s32 $_scs_section_size  }
0x9a: {  	s4 =	simm.s32 $_size__tile_overlayer_lowered;
	s5 =	simm.s32 $_tile_overlayer_lowered  }
0x9b: {  	s22 =	simm.s32 $0x1BFF;
	s21 =	sshll.u32 s5, $0x1;
	s2 =	sadd.s32 s19, s18  }
0x9c: {  	s6 =	simm.s32 $0x0;
	s20 =	sshll.u32 s4, $0x1;
	s4 =	sadd.s32 s21, s2  }
0x9d: {  	[timem:s6], [sflag:s22] =	dma.local [hbm:s4], s20  }
0x9e: {  	_ =	swait.ge [sflag:s22], s20  }
0x9f: {  	s3 =	ssub.s32 $0x0, s20;
	[sflag:s22] =	ssyncset.done $0x0  }
0xa0: {  	[sflag:s22] =	ssyncadd.s32 s3;
	_ =	sdelay $0x1  }
0xa1: {  	s23 =	simm.s32 $0x1B8B  }
0xa2: {  	_ =	swait.ge [sflag:s23], $0x1  }
0xa3: {  	[sflag:s23] =	ssyncset.done $0x0  }
0xa4: {  	s25 =	simm.s32 $0x1B8E;
	s24 =	sld [smem:$0x3FFE];
	[sflag:s23] =	ssyncadd.s32 $0xFFFFFFFF  }
0xa5: {  	s26 =	simm.s32 $execute0_lowered;
	[smem:$0x3FD2] =	sst s25  }
0xa6: {  	s4 =	sshll.u32 s26, $0x1;
	_ =	strace $0x80000052;
	[dreg:$0x1] =	wrdreg $0xFFFFFFFF  }
0xa7: {  	s28 =	simm.s32 $_size_execute0_lowered;
	s2 =	sadd.s32 s2, s4;
	[dreg:$0x0] =	wrdreg $0x0  }
0xa8: {  	s4 =	sshll.u32 s28, $0x1;
	[dreg:$0x2] =	wrdreg s2  }
0xa9: {  	[dreg:$0x3] =	wrdreg s4  }
0xaa: {  	[dreg:$0x4] =	wrdreg $0xC0  }
0xab: {  	_ =	task [dreg:s6], $0x5FFFF  }
0xac: {  	[dreg:$0x1] =	wrdreg $0xFFFFFFFF  }
0xad: {  	[dreg:$0x0] =	wrdreg $0x60  }
0xae: {  	[dreg:$0x2] =	wrdreg s24  }
0xaf: {  	[dreg:$0x3] =	wrdreg $0x0  }
0xb0: {  	[dreg:$0x4] =	wrdreg $0x9  }
0xb1: {  	_ =	task.clear_ibuf [dreg:s6], $0x5FFFF;
	_ =	strace $0x90000052  }
0xb2: {  	s29 =	simm.s32 $0x9;
	_ =	strace $0x80000054  }
0xb3: {  	_ =	swait.ge [sflag:s29], $0x1  }
0xb4: {  	[sflag:s29] =	ssyncadd.s32 $0xFFFFFFFF  }
0xb5: {  	_ =	strace $0x90000054  }
0xb6: {  	_ =	sfence  }
0xb7: {  	s30 =	sld [smem:$0x0];
	_ =	sdelay $0x2  }
0xb8: {  	s31 =	sshll.u32 s1, $0xD;
	s1 =	sshrl.u32 s1, $0x2  }
0xb9: {  	s3 =	sand.u32 $0x4000, s31;
	s1 =	sadd.s32 s1, s30  }
0xba: {  	s0 =	sor.u32 s3, s0;
	s1 =	sshll.u32 s1, $0x11  }
0xbb: {  	s0 =	sor.u32 s1, s0  }
0xbc: {  	s0 =	sadd.s32 $0x8F2B, s0  }
0xbd: {  	[sflag:s0] =	ssyncadd.remote.s32 $0x1  }
0xbe: {  	_ =	sfence.sel $0xFFFF  }
0xbf: {  	[dreg:$0x0] =	wrdreg $0xFFFFFFFF;
	(pc) =	sbr.abs _section_cstart, $3  }
0xc0: {  	[dreg:$0x1] =	wrdreg $0xFFFFFFFF  }
0xc1: {  	_ =	task.clear_ibuf [dreg:s6], $0x2FFFF;
	_ =	strace $0x9FFFFFFF  }
0xc2: {  	(tm) =	ssettm $0x7FFFFFFF  }
0xc3: {  	_ =	shalt  }
tec
execute0_lowered:
.L_overlay_start_1:
0x0: {  	(tag) =	ssettag $0x1  }
0x1: {  	s0 =	rddreg [dreg:$0x0]  }
0x2: {  	s1 =	rddreg [dreg:$0x1]  }
0x3: {  	s2 =	simm.s32 $0x0;
	s12 =	stileid.u32;
	s8 =	srdreg.scid  }
0x4: {  	s28 =	simm.s32 $0x7D0;
	s29 =	simm.s32 $0x130E0;
	s30 =	simm.s32 $0x138B0  }
0x5: {  	s31 =	simm.s32 $0x14080;
	[smem:$0x7FF] =	sst s2;
	s4 =	sadd.s32 $0x194600, s0  }
0x6: {  	s5 =	sadd.s32 $0x374C00, s0;
	s6 =	sadd.s32 $0x313000, s0;
	s3 =	smul.u32 $0x1870, s12  }
0x7: {  	s7 =	sadd.s32 $0x5C00, s0;
	s10 =	sand.u32 $0x1, s8;
	s14 =	smul.u32 $0x30E00, s12  }
0x8: {  	_ =	strace $0x80000053;
	s15 =	ssub.s32 $0x2, s10;
	s9 =	sshll.u32 s10, $0x4  }
0x9: {  	s10 =	smul.u32 $0x18700, s10;
	s0 =	sadd.s32 s3, s0;
	s12 =	sor.u32 s12, s9  }
0xa: {  	s11 =	sshrl.u32 s15, $0x1;
	s8 =	sshrl.u32 s14, $0x2;
	s9 =	smul.u32 $0x186A0, s12  }
0xb: {  	s3 =	ssub.s32 s15, s11;
	s15 =	sadd.s32 s8, s1;
	s12 =	smul.u32 $0xC350, s12  }
0xc: {  	s0 =	sadd.s32 s10, s0;
	s8 =	sadd.s32 $0x3E80, s15;
	[dreg:$0x3] =	wrdreg s15  }
0xd: {  	s10 =	simm.s32 $0x2;
	s16 =	sadd.s32 $0x7D00, s15;
	[dreg:$0x4] =	wrdreg s8  }
0xe: {  	s11 =	simm.s32 $0x4;
	s17 =	sadd.s32 $0xBB80, s15;
	[dreg:$0x5] =	wrdreg s16  }
0xf: {  	s0 =	sadd.s32 $0x1ACE00, s0;
	s26 =	smax.u32 s3, $0x1;
	[dreg:$0x6] =	wrdreg s17  }
0x10: {  	s3 =	simm.s32 $0x15FC0;
	s18 =	sshrl.u32 s9, $0x3;
	[dreg:$0xd] =	wrdreg s0  }
0x11: {  	s13 =	sadd.s32 $0x7D0, s9;
	s21 =	sadd.s32 s7, s12;
	[dreg:$0xe] =	wrdreg s26  }
0x12: {  	s26 =	simm.s32 $0x1;
	s19 =	sadd.s32 s5, s18;
	[dreg:$0x9] =	wrdreg s21  }
0x13: {  	s14 =	sshrl.u32 s13, $0x3;
	s20 =	sadd.s32 s6, s18;
	[dreg:$0x7] =	wrdreg s19  }
0x14: {  	v3 =	vlaneseq.u32;
	s0 =	simm.s32 $0x3;
	[dreg:$0x8] =	wrdreg s20;
	s22 =	sadd.s32 s5, s14  }
0x15: {  	v0 =	vand.u32 $0x3, v3;
	s24 =	sshrl.u32 s13, $0x1;
	s23 =	sadd.s32 s6, s14;
	[dreg:$0xa] =	wrdreg s22  }
0x16: {  	v1 =	vshrl.u32 v3, $0x3;
	v0 =	vmul.u32 $0x2, v0;
	s12 =	simm.s32 $0x0;
	s25 =	sadd.s32 s7, s24;
	[dreg:$0xb] =	wrdreg s23  }
0x17: {  	v2 =	vand.u32 $0x7, v3;
	v4 =	vshrl.u32 v3, $0x2;
	v3 =	vimm.f32 $0.0e+00;
	s21 =	simm.s32 $0xF260;
	s24 =	simm.s32 $0xCB50;
	[dreg:$0xc] =	wrdreg s25  }
0x18: {  	v1 =	vmul.u32 $0x8, v1;
	v4 =	vmul.u32 $0x8, v4;
	v5 =	vor.u32 $0x1, v0;
	s22 =	simm.s32 $0x5;
	s23 =	simm.s32 $0xC380;
	s25 =	simm.s32 $0xD320  }
.LBB2_1:
0x19: {  	v6 =	vmov s2  }
0x1a: {  	v6 =	vshll.u32 v6, $0x3  }
0x1b: {  	v6 =	vor.u32 v1, v6  }
0x1c: {  	s13 =	simm.s32 $0x2;
	v6 =	vor.u32 v2, v6  }
.LBB2_2:
0x1d: {  	p0 =	sne.s32 s13, $0x7CE  }
.Ltmp0:
0x1e: {  	_ = 	snop;
	(pc) =	sbr.rel @p0 .LBB2_2-.Ltmp0, $4  }
0x1f: {  	v7 =	vmov s13  }
0x20: {  	v7 =	vshll.u32 v7, $0x3  }
0x21: {  	v7 =	vor.u32 v1, v7  }
0x22: {  	s13 =	sadd.s32 $0x2, s13;
	[tilespmem:v6+s21+$0x0] =	vst.idx.msk $0xffff, v3;
	v6 =	vor.u32 v2, v7  }
0x23: {  	_ =	sdelay $0x3  }
0x24: {  	[tilespmem:v6+s21+$0x0] =	vst.idx.msk $0xffff, v3  }
0x25: {  	[spmem:s15] =	stream.linear.scatter [tilespmem:s21], [sflag:$0x5], $0x3E80, $0x38;
	[tilespmem:$0x19E40] =	vst v63  }
0x26: {  	_ =	swait.ge [sflag:s22], $0x3E80  }
0x27: {  	[sflag:s22] =	ssyncset.done $0x0  }
0x28: {  	s8 =	rddreg [dreg:$0x4];
	[sflag:s22] =	ssyncadd.s32 $0xFFFFC180  }
0x29: {  	[spmem:s8] =	stream.linear.scatter [tilespmem:s21], [sflag:$0x5], $0x3E80, $0x38;
	[tilespmem:$0x19E40] =	vst v63  }
0x2a: {  	_ =	swait.ge [sflag:s22], $0x3E80  }
0x2b: {  	[sflag:s22] =	ssyncset.done $0x0  }
0x2c: {  	s13 =	rddreg [dreg:$0x5];
	[sflag:s22] =	ssyncadd.s32 $0xFFFFC180  }
0x2d: {  	[spmem:s13] =	stream.linear.scatter [tilespmem:s21], [sflag:$0x5], $0x3E80, $0x38;
	[tilespmem:$0x19E40] =	vst v63  }
0x2e: {  	_ =	swait.ge [sflag:s22], $0x3E80  }
0x2f: {  	[sflag:s22] =	ssyncset.done $0x0  }
0x30: {  	s14 =	rddreg [dreg:$0x6];
	[sflag:s22] =	ssyncadd.s32 $0xFFFFC180  }
0x31: {  	[spmem:s14] =	stream.linear.scatter [tilespmem:s21], [sflag:$0x5], $0x800, $0x38;
	[tilespmem:$0x19E40] =	vst v63  }
0x32: {  	_ =	swait.ge [sflag:s22], $0x800  }
0x33: {  	[sflag:s22] =	ssyncset.done $0x0  }
0x34: {  	[sflag:s22] =	ssyncadd.s32 $0xFFFFF800  }
0x35: {  	[bflag:$0x0] =	sbarrier.arrive $0xFFFF  }
0x36: {  	s13 =	simm.s32 $0x0;
	s15 =	rddreg [dreg:$0x7]  }
0x37: {  	[tilespmem:s23], [sflag:$0x1] =	stream.linear.gather [hbm4b:s15+s13], $0x7D0, $0x38;
	[tilespmem:$0x19E40] =	vst v63  }
0x38: {  	s16 =	rddreg [dreg:$0x8]  }
0x39: {  	[tilespmem:s24], [sflag:$0x1] =	stream.linear.gather [hbm4b:s16+s13], $0x7D0, $0x38;
	[tilespmem:$0x19E40] =	vst v63  }
0x3a: {  	s17 =	rddreg [dreg:$0x9]  }
0x3b: {  	[tilespmem:s25], [sflag:$0x1] =	stream.linear.gather [hbm4b:s17+s13], $0x1F40, $0x38;
	[tilespmem:$0x19E40] =	vst v63  }
0x3c: {  	_ =	swait.ge [sflag:s26], $0x7D0  }
0x3d: {  	[sflag:s26] =	ssyncset.done $0x0  }
0x3e: {  	[sflag:s26] =	ssyncadd.s32 $0xFFFFF830  }
0x3f: {  	_ =	swait.ge [sflag:s26], $0x7D0  }
0x40: {  	[sflag:s26] =	ssyncset.done $0x0  }
0x41: {  	[sflag:s26] =	ssyncadd.s32 $0xFFFFF830  }
0x42: {  	_ =	swait.ge [sflag:s26], $0x1F40  }
0x43: {  	[sflag:s26] =	ssyncset.done $0x0  }
0x44: {  	[sflag:s26] =	ssyncadd.s32 $0xFFFFE0C0  }
0x45: {  	[tilespmem:s21], [sflag:$0x2] =	stream.indirect.gather [hbm4b:s4+s28], $0x8, s23, s28, $0xb8;
	[tilespmem:$0x19E40] =	vst v63  }
0x46: {  	s18 =	rddreg [dreg:$0xa]  }
0x47: {  	[tilespmem:s29], [sflag:$0x3] =	stream.linear.gather [hbm4b:s18+s13], $0x7D0, $0x38;
	[tilespmem:$0x19E40] =	vst v63  }
0x48: {  	s19 =	rddreg [dreg:$0xb]  }
0x49: {  	[tilespmem:s30], [sflag:$0x3] =	stream.linear.gather [hbm4b:s19+s13], $0x7D0, $0x38;
	[tilespmem:$0x19E40] =	vst v63  }
0x4a: {  	s14 =	simm.s32 $0x0;
	s20 =	rddreg [dreg:$0xc]  }
0x4b: {  	[tilespmem:s31], [sflag:$0x3] =	stream.linear.gather [hbm4b:s20+s13], $0x1F40, $0x38;
	[tilespmem:$0x19E40] =	vst v63  }
.LBB2_4:
0x4c: {  	_ =	swait.ge [sflag:s0], $0x7D0  }
0x4d: {  	[sflag:s0] =	ssyncset.done $0x0  }
0x4e: {  	[sflag:s0] =	ssyncadd.s32 $0xFFFFF830  }
0x4f: {  	_ =	swait.ge [sflag:s0], $0x7D0  }
0x50: {  	[sflag:s0] =	ssyncset.done $0x0  }
0x51: {  	s15 =	simm.s32 $0xC;
	[sflag:s0] =	ssyncadd.s32 $0xFFFFF830  }
0x52: {  	v6 =	vmov s15;
	_ =	swait.ge [sflag:s0], $0x1F40  }
0x53: {  	v6 =	vshll.u32 v6, $0x3;
	[sflag:s0] =	ssyncset.done $0x0  }
0x54: {  	v6 =	vor.u32 v4, v6;
	[sflag:s0] =	ssyncadd.s32 $0xFFFFE0C0  }
0x55: {  	v17 =	vor.u32 v0, v6;
	[tilespmem:s3], [sflag:$0x4] =	stream.indirect.gather [hbm4b:s4+s28], $0x8, s29, s28, $0xb8;
	[tilespmem:$0x19E40] =	vst v63  }
0x56: {  	_ =	swait.ge [sflag:s10], $0x3E80  }
0x57: {  	s8 =	simm.s32 $0x4;
	[sflag:s10] =	ssyncset.done $0x0  }
0x58: {  	s16 =	simm.s32 $0xD340;
	v18 =	vor.u32 v5, v6;
	v6 =	vmov s8;
	[sflag:s10] =	ssyncadd.s32 $0xFFFFC180  }
0x59: {  	s17 =	simm.s32 $0x8;
	v6 =	vshll.u32 v6, $0x3;
	v10 =	vld [tilespmem:s16+$0x10]  }
0x5a: {  	v8 =	vmov s17;
	v6 =	vor.u32 v4, v6;
	v11 =	vld.idx.msk [tilespmem:v17+s21+$0x0], $0xffff  }
0x5b: {  	v7 =	vmov s13;
	v8 =	vshll.u32 v8, $0x3;
	v21 =	vor.u32 v0, v6;
	v19 =	vld [tilespmem:s16+$0xFFFFFFE0]  }
0x5c: {  	v7 =	vshll.u32 v7, $0x3;
	v8 =	vor.u32 v4, v8;
	v31 =	vor.u32 v5, v6;
	v20 =	vld [tilespmem:s16+$0xFFFFFFF0]  }
0x5d: {  	v12 =	vor.u32 v4, v7;
	v9 =	vor.u32 v0, v8;
	v23 =	vld [tilespmem:s16+$0x0]  }
0x5e: {  	s18 =	simm.s32 $0x10;
	s17 =	simm.s32 $0x1C;
	v6 =	vor.u32 v5, v12;
	v13 =	vld.idx.msk [tilespmem:v18+s21+$0x0], $0xffff  }
0x5f: {  	v14 =	vmov s18;
	v15 =	vmov s17;
	v7 =	vor.u32 v0, v12  }
0x60: {  	v15 =	vshll.u32 v15, $0x3;
	v8 =	vor.u32 v5, v8;
	v25 =	vld.idx.msk [tilespmem:v21+s21+$0x0], $0xffff;
	v12 =	vunpack.i.l.bf16.f32 v10  }
0x61: {  	v27 =	vld.idx.msk [tilespmem:v31+s21+$0x0], $0xffff;
	v10 =	vunpack.i.u.bf16.f32 v10;
	v35 =	vunpack.i.l.bf16.f32 v20;
	v36 =	vunpack.i.u.bf16.f32 v19  }
0x62: {  	s19 =	simm.s32 $0x14;
	s20 =	simm.s32 $0x18;
	v29 =	vld.idx.msk [tilespmem:v9+s21+$0x0], $0xffff;
	v20 =	vunpack.i.u.bf16.f32 v20;
	v37 =	vunpack.i.u.bf16.f32 v23;
	v11 =	vadd.f32 v11, v12  }
0x63: {  	v34 =	vld.idx.msk [tilespmem:v6+s21+$0x0], $0xffff;
	v12 =	vmov s19;
	v10 =	vadd.f32 v13, v10;
	v13 =	vmov s20  }
0x64: {  	v28 =	vmax.f32 v11, $0.0e+00;
	v11 =	vshll.u32 v12, $0x3;
	v12 =	vor.u32 v4, v15  }
0x65: {  	v33 =	vld.idx.msk [tilespmem:v7+s21+$0x0], $0xffff;
	v30 =	vmax.f32 v10, $0.0e+00;
	v10 =	vshll.u32 v14, $0x3;
	v14 =	vor.u32 v0, v12  }
0x66: {  	v32 =	vld.idx.msk [tilespmem:v8+s21+$0x0], $0xffff;
	v19 =	vunpack.i.l.bf16.f32 v19;
	v15 =	vshll.u32 v13, $0x3;
	v13 =	vor.u32 v5, v12  }
0x67: {  	s15 =	simm.s32 $0xD380;
	v35 =	vadd.f32 v25, v35;
	v27 =	vadd.f32 v27, v20;
	v20 =	vunpack.i.l.bf16.f32 v23  }
0x68: {  	v24 =	vld [tilespmem:s15+$0x10];
	v62 =	vadd.f32 v34, v36;
	v23 =	vadd.f32 v29, v20;
	v16 =	vor.u32 v4, v11  }
0x69: {  	v20 =	vld [tilespmem:s15+$0xFFFFFFF0];
	v29 =	vmax.f32 v35, $0.0e+00;
	v63 =	vmax.f32 v27, $0.0e+00;
	[tilespmem:v17+s21+$0x0] =	vst.idx.msk $0xffff, v28;
	v11 =	vor.u32 v0, v16  }
0x6a: {  	v22 =	vor.u32 v5, v16;
	[tilespmem:v18+s21+$0x0] =	vst.idx.msk $0xffff, v30;
	v18 =	vadd.f32 v33, v19;
	v26 =	vld.idx.msk [tilespmem:v14+s21+$0x0], $0xffff  }
0x6b: {  	v15 =	vor.u32 v4, v15;
	v10 =	vor.u32 v4, v10;
	v28 =	vadd.f32 v32, v37;
	v25 =	vld.idx.msk [tilespmem:v13+s21+$0x0], $0xffff  }
0x6c: {  	v17 =	vld [tilespmem:s15+$0xFFFFFFE0];
	[tilespmem:v21+s21+$0x0] =	vst.idx.msk $0xffff, v29;
	v29 =	vmax.f32 v23, $0.0e+00;
	v23 =	vmax.f32 v62, $0.0e+00;
	v12 =	vor.u32 v0, v10  }
0x6d: {  	v16 =	vor.u32 v0, v15;
	v15 =	vor.u32 v5, v15;
	v10 =	vor.u32 v5, v10;
	v19 =	vld [tilespmem:s15+$0x0]  }
0x6e: {  	s17 =	simm.s32 $0x20;
	s16 =	simm.s32 $0x4;
	v30 =	vunpack.i.l.bf16.f32 v24;
	[tilespmem:v31+s21+$0x0] =	vst.idx.msk $0xffff, v63;
	v27 =	vmax.f32 v28, $0.0e+00;
	v28 =	vmax.f32 v18, $0.0e+00;
	v18 =	vmovc v22;
	v21 =	vld.idx.msk [tilespmem:v11+s21+$0x0], $0xffff  }
.LBB2_5:
0x6f: {  	v31 =	vmov s17;
	s18 =	sadd.s32 $0x4, s17;
	s19 =	sadd.s32 $0x8, s17;
	s20 =	sadd.s32 $0xC, s17;
	v32 =	vld.idx.msk [tilespmem:v22+s21+$0x0], $0xffff;
	v22 =	vunpack.i.u.bf16.f32 v24;
	v24 =	vadd.f32 v26, v30;
	[tilespmem:v9+s21+$0x0] =	vst.idx.msk $0xffff, v29;
	v9 =	vmovc v16  }
0x70: {  	s16 =	sadd.s32 $0x4, s16;
	v26 =	vmov s18;
	v29 =	vmov s20;
	v30 =	vld.idx.msk [tilespmem:v16+s21+$0x0], $0xffff;
	v16 =	vadd.f32 v25, v22;
	[tilespmem:v8+s21+$0x0] =	vst.idx.msk $0xffff, v27;
	v8 =	vmovc v15  }
0x71: {  	v22 =	vmov s19;
	p0 =	slt.u32 s16, $0x1F0;
	v25 =	vshll.u32 v29, $0x3;
	v27 =	vld.idx.msk [tilespmem:v15+s21+$0x0], $0xffff;
	v15 =	vmax.f32 v24, $0.0e+00;
	[tilespmem:v7+s21+$0x0] =	vst.idx.msk $0xffff, v28;
	v7 =	vmovc v12  }
0x72: {  	v24 =	vshll.u32 v26, $0x3;
	v25 =	vor.u32 v4, v25;
	v28 =	vld.idx.msk [tilespmem:v12+s21+$0x0], $0xffff;
	[tilespmem:v14+s21+$0x0] =	vst.idx.msk $0xffff, v15;
	v12 =	vmax.f32 v16, $0.0e+00  }
0x73: {  	v15 =	vshll.u32 v31, $0x3;
	v16 =	vshll.u32 v22, $0x3;
	v14 =	vor.u32 v0, v25;
	v29 =	vld.idx.msk [tilespmem:v10+s21+$0x0], $0xffff;
	[tilespmem:v13+s21+$0x0] =	vst.idx.msk $0xffff, v12  }
0x74: {  	v12 =	vor.u32 v4, v24;
	v24 =	vor.u32 v4, v16;
	v13 =	vor.u32 v5, v25  }
0x75: {  	v25 =	vor.u32 v4, v15;
	v31 =	vor.u32 v0, v12;
	v22 =	vor.u32 v5, v12  }
0x76: {  	s15 =	sadd.s32 $0x40, s15;
	v12 =	vor.u32 v0, v25;
	v16 =	vor.u32 v0, v24;
	v15 =	vor.u32 v5, v24  }
0x77: {  	v33 =	vunpack.i.u.bf16.f32 v17;
	v34 =	vunpack.i.l.bf16.f32 v17;
	v24 =	vld [tilespmem:s15+$0x10];
	[tilespmem:v6+s21+$0x0] =	vst.idx.msk $0xffff, v23;
	v6 =	vmovc v10;
	v10 =	vor.u32 v5, v25  }
0x78: {  	v17 =	vunpack.i.u.bf16.f32 v20;
	v20 =	vunpack.i.l.bf16.f32 v20;
	v23 =	vunpack.i.u.bf16.f32 v19;
	v26 =	vld.idx.msk [tilespmem:v14+s21+$0x0], $0xffff  }
.Ltmp1:
0x79: {  	v21 =	vadd.f32 v21, v20;
	v32 =	vadd.f32 v32, v17;
	v19 =	vunpack.i.l.bf16.f32 v19;
	v25 =	vld.idx.msk [tilespmem:v13+s21+$0x0], $0xffff;
	(pc) =	sbr.rel @p0 .LBB2_5-.Ltmp1, $4  }
0x7a: {  	v30 =	vadd.f32 v30, v19;
	v23 =	vadd.f32 v27, v23;
	v17 =	vld [tilespmem:s15+$0xFFFFFFE0]  }
0x7b: {  	v21 =	vmax.f32 v21, $0.0e+00;
	v28 =	vadd.f32 v28, v34;
	v33 =	vadd.f32 v29, v33;
	v20 =	vld [tilespmem:s15+$0xFFFFFFF0]  }
0x7c: {  	v32 =	vmax.f32 v32, $0.0e+00;
	v29 =	vmax.f32 v30, $0.0e+00;
	v27 =	vmax.f32 v23, $0.0e+00;
	v19 =	vld [tilespmem:s15+$0x0];
	[tilespmem:v11+s21+$0x0] =	vst.idx.msk $0xffff, v21;
	v11 =	vmovc v31  }
0x7d: {  	s17 =	sadd.s32 $0x10, s17;
	v28 =	vmax.f32 v28, $0.0e+00;
	v23 =	vmax.f32 v33, $0.0e+00;
	v30 =	vunpack.i.l.bf16.f32 v24;
	v21 =	vld.idx.msk [tilespmem:v31+s21+$0x0], $0xffff;
	[tilespmem:v18+s21+$0x0] =	vst.idx.msk $0xffff, v32;
	v18 =	vmovc v22  }
0x7e: {  	_ =	sdelay $0x3  }
0x7f: {  	v22 =	vld.idx.msk [tilespmem:v22+s21+$0x0], $0xffff  }
0x80: {  	[tilespmem:v9+s21+$0x0] =	vst.idx.msk $0xffff, v29;
	v9 =	vld.idx.msk [tilespmem:v16+s21+$0x0], $0xffff  }
0x81: {  	v24 =	vunpack.i.u.bf16.f32 v24;
	v26 =	vadd.f32 v26, v30;
	[tilespmem:v7+s21+$0x0] =	vst.idx.msk $0xffff, v28;
	v7 =	vld.idx.msk [tilespmem:v12+s21+$0x0], $0xffff  }
0x82: {  	v24 =	vadd.f32 v25, v24;
	[tilespmem:v8+s21+$0x0] =	vst.idx.msk $0xffff, v27;
	v8 =	vld.idx.msk [tilespmem:v15+s21+$0x0], $0xffff  }
0x83: {  	[tilespmem:v6+s21+$0x0] =	vst.idx.msk $0xffff, v23;
	v25 =	vmax.f32 v26, $0.0e+00;
	v26 =	vunpack.i.l.bf16.f32 v20  }
0x84: {  	v20 =	vunpack.i.u.bf16.f32 v20;
	[tilespmem:v14+s21+$0x0] =	vst.idx.msk $0xffff, v25;
	v14 =	vmax.f32 v24, $0.0e+00;
	v24 =	vld.idx.msk [tilespmem:v10+s21+$0x0], $0xffff;
	v21 =	vadd.f32 v21, v26  }
0x85: {  	v6 =	vunpack.i.u.bf16.f32 v19;
	[tilespmem:v13+s21+$0x0] =	vst.idx.msk $0xffff, v14;
	v14 =	vunpack.i.l.bf16.f32 v19;
	v13 =	vadd.f32 v22, v20  }
0x86: {  	v19 =	vunpack.i.l.bf16.f32 v17;
	v9 =	vadd.f32 v9, v14;
	v14 =	vmax.f32 v21, $0.0e+00  }
0x87: {  	v7 =	vadd.f32 v7, v19;
	v6 =	vadd.f32 v8, v6;
	[tilespmem:v11+s21+$0x0] =	vst.idx.msk $0xffff, v14;
	v8 =	vmax.f32 v13, $0.0e+00  }
0x88: {  	v11 =	vunpack.i.u.bf16.f32 v17;
	v9 =	vmax.f32 v9, $0.0e+00;
	[tilespmem:v18+s21+$0x0] =	vst.idx.msk $0xffff, v8  }
0x89: {  	s15 =	smul.u32 $0xFA0, s14;
	v7 =	vmax.f32 v7, $0.0e+00;
	v8 =	vadd.f32 v24, v11;
	[tilespmem:v16+s21+$0x0] =	vst.idx.msk $0xffff, v9  }
0x8a: {  	v6 =	vmax.f32 v6, $0.0e+00;
	[tilespmem:v12+s21+$0x0] =	vst.idx.msk $0xffff, v7  }
0x8b: {  	p0 =	seq.s32 s14, $0x18;
	s16 =	sadd.s32 $0xFA0, s15;
	[tilespmem:v15+s21+$0x0] =	vst.idx.msk $0xffff, v6;
	v6 =	vmax.f32 v8, $0.0e+00  }
0x8c: {  	s16 =	simm.s32 @p0 $0x0;
	[tilespmem:v10+s21+$0x0] =	vst.idx.msk $0xffff, v6  }
0x8d: {  	[spmem:s1] =	stream.indirect.scatter.add.f32 [tilespmem:s21], [sflag:$0x5], $0x8, s24, s28, $0xb8;
	[tilespmem:$0x19E40] =	vst v63  }
0x8e: {  	s16 =	sadd.s32 s9, s16;
	_ =	swait.ge [sflag:s22], $0x3E80  }
0x8f: {  	s19 =	simm.s32 $0x0;
	s17 =	sshrl.u32 s16, $0x3;
	[sflag:s22] =	ssyncset.done $0x0  }
0x90: {  	s16 =	sshrl.u32 s16, $0x1;
	s18 =	sadd.s32 s5, s17;
	[sflag:s22] =	ssyncadd.s32 $0xFFFFC180  }
0x91: {  	[tilespmem:s23], [sflag:$0x1] =	stream.linear.gather [hbm4b:s18+s19], $0x7D0, $0x38;
	[tilespmem:$0x19E40] =	vst v63  }
0x92: {  	s17 =	sadd.s32 s6, s17;
	s16 =	sand.u32 $0xFFFFFF0, s16  }
0x93: {  	[tilespmem:s24], [sflag:$0x1] =	stream.linear.gather [hbm4b:s17+s19], $0x7D0, $0x38;
	[tilespmem:$0x19E40] =	vst v63  }
0x94: {  	s16 =	sadd.s32 s7, s16  }
0x95: {  	[tilespmem:s25], [sflag:$0x1] =	stream.linear.gather [hbm4b:s16+s19], $0x1F40, $0x38;
	[tilespmem:$0x19E40] =	vst v63  }
0x96: {  	_ =	swait.ge [sflag:s26], $0x7D0  }
0x97: {  	[sflag:s26] =	ssyncset.done $0x0  }
0x98: {  	[sflag:s26] =	ssyncadd.s32 $0xFFFFF830  }
0x99: {  	_ =	swait.ge [sflag:s26], $0x7D0  }
0x9a: {  	[sflag:s26] =	ssyncset.done $0x0  }
0x9b: {  	s17 =	simm.s32 $0xC;
	[sflag:s26] =	ssyncadd.s32 $0xFFFFF830  }
0x9c: {  	v6 =	vmov s17;
	_ =	swait.ge [sflag:s26], $0x1F40  }
0x9d: {  	v6 =	vshll.u32 v6, $0x3;
	[sflag:s26] =	ssyncset.done $0x0  }
0x9e: {  	v6 =	vor.u32 v4, v6;
	[sflag:s26] =	ssyncadd.s32 $0xFFFFE0C0  }
0x9f: {  	v17 =	vor.u32 v0, v6;
	[tilespmem:s21], [sflag:$0x2] =	stream.indirect.gather [hbm4b:s4+s28], $0x8, s23, s28, $0xb8;
	[tilespmem:$0x19E40] =	vst v63  }
0xa0: {  	_ =	swait.ge [sflag:s11], $0x3E80  }
0xa1: {  	s18 =	simm.s32 $0x4;
	[sflag:s11] =	ssyncset.done $0x0  }
0xa2: {  	s17 =	simm.s32 $0x140A0;
	v18 =	vor.u32 v5, v6;
	v6 =	vmov s18;
	[sflag:s11] =	ssyncadd.s32 $0xFFFFC180  }
0xa3: {  	s20 =	simm.s32 $0x8;
	v6 =	vshll.u32 v6, $0x3;
	v10 =	vld [tilespmem:s17+$0x10]  }
0xa4: {  	v8 =	vmov s20;
	v6 =	vor.u32 v4, v6;
	v11 =	vld.idx.msk [tilespmem:v17+s3+$0x0], $0xffff  }
0xa5: {  	v7 =	vmov s19;
	v8 =	vshll.u32 v8, $0x3;
	v21 =	vor.u32 v0, v6;
	v19 =	vld [tilespmem:s17+$0xFFFFFFE0]  }
0xa6: {  	v7 =	vshll.u32 v7, $0x3;
	v8 =	vor.u32 v4, v8;
	v31 =	vor.u32 v5, v6;
	v20 =	vld [tilespmem:s17+$0xFFFFFFF0]  }
0xa7: {  	v12 =	vor.u32 v4, v7;
	v9 =	vor.u32 v0, v8;
	v23 =	vld [tilespmem:s17+$0x0]  }
0xa8: {  	s8 =	simm.s32 $0x10;
	s19 =	simm.s32 $0x1C;
	v6 =	vor.u32 v5, v12;
	v13 =	vld.idx.msk [tilespmem:v18+s3+$0x0], $0xffff  }
0xa9: {  	v14 =	vmov s8;
	v7 =	vor.u32 v0, v12;
	v15 =	vmov s19  }
0xaa: {  	v8 =	vor.u32 v5, v8;
	v15 =	vshll.u32 v15, $0x3;
	v25 =	vld.idx.msk [tilespmem:v21+s3+$0x0], $0xffff;
	v12 =	vunpack.i.l.bf16.f32 v10  }
0xab: {  	v27 =	vld.idx.msk [tilespmem:v31+s3+$0x0], $0xffff;
	v10 =	vunpack.i.u.bf16.f32 v10;
	v35 =	vunpack.i.l.bf16.f32 v20;
	v36 =	vunpack.i.u.bf16.f32 v19  }
0xac: {  	s20 =	simm.s32 $0x18;
	s18 =	simm.s32 $0x14;
	v29 =	vld.idx.msk [tilespmem:v9+s3+$0x0], $0xffff;
	v20 =	vunpack.i.u.bf16.f32 v20;
	v37 =	vunpack.i.u.bf16.f32 v23;
	v11 =	vadd.f32 v11, v12  }
0xad: {  	v34 =	vld.idx.msk [tilespmem:v6+s3+$0x0], $0xffff;
	v12 =	vmov s18;
	v10 =	vadd.f32 v13, v10;
	v13 =	vmov s20  }
0xae: {  	v28 =	vmax.f32 v11, $0.0e+00;
	v11 =	vshll.u32 v12, $0x3;
	v12 =	vor.u32 v4, v15  }
0xaf: {  	v33 =	vld.idx.msk [tilespmem:v7+s3+$0x0], $0xffff;
	v30 =	vmax.f32 v10, $0.0e+00;
	v10 =	vshll.u32 v14, $0x3;
	v14 =	vor.u32 v0, v12  }
0xb0: {  	v32 =	vld.idx.msk [tilespmem:v8+s3+$0x0], $0xffff;
	v19 =	vunpack.i.l.bf16.f32 v19;
	v15 =	vshll.u32 v13, $0x3;
	v13 =	vor.u32 v5, v12  }
0xb1: {  	s16 =	simm.s32 $0x140E0;
	v35 =	vadd.f32 v25, v35;
	v27 =	vadd.f32 v27, v20;
	v20 =	vunpack.i.l.bf16.f32 v23  }
0xb2: {  	v24 =	vld [tilespmem:s16+$0x10];
	v62 =	vadd.f32 v34, v36;
	v23 =	vadd.f32 v29, v20;
	v16 =	vor.u32 v4, v11  }
0xb3: {  	v20 =	vld [tilespmem:s16+$0xFFFFFFF0];
	v29 =	vmax.f32 v35, $0.0e+00;
	v63 =	vmax.f32 v27, $0.0e+00;
	[tilespmem:v17+s3+$0x0] =	vst.idx.msk $0xffff, v28;
	v11 =	vor.u32 v0, v16  }
0xb4: {  	v22 =	vor.u32 v5, v16;
	[tilespmem:v18+s3+$0x0] =	vst.idx.msk $0xffff, v30;
	v18 =	vadd.f32 v33, v19;
	v26 =	vld.idx.msk [tilespmem:v14+s3+$0x0], $0xffff  }
0xb5: {  	v15 =	vor.u32 v4, v15;
	v10 =	vor.u32 v4, v10;
	v28 =	vadd.f32 v32, v37;
	v25 =	vld.idx.msk [tilespmem:v13+s3+$0x0], $0xffff  }
0xb6: {  	v17 =	vld [tilespmem:s16+$0xFFFFFFE0];
	[tilespmem:v21+s3+$0x0] =	vst.idx.msk $0xffff, v29;
	v29 =	vmax.f32 v23, $0.0e+00;
	v23 =	vmax.f32 v62, $0.0e+00;
	v12 =	vor.u32 v0, v10  }
0xb7: {  	v16 =	vor.u32 v0, v15;
	v15 =	vor.u32 v5, v15;
	v10 =	vor.u32 v5, v10;
	v19 =	vld [tilespmem:s16+$0x0]  }
0xb8: {  	s17 =	simm.s32 $0x4;
	s18 =	simm.s32 $0x20;
	v30 =	vunpack.i.l.bf16.f32 v24;
	[tilespmem:v31+s3+$0x0] =	vst.idx.msk $0xffff, v63;
	v27 =	vmax.f32 v28, $0.0e+00;
	v28 =	vmax.f32 v18, $0.0e+00;
	v18 =	vmovc v22;
	v21 =	vld.idx.msk [tilespmem:v11+s3+$0x0], $0xffff  }
.LBB2_7:
0xb9: {  	v31 =	vmov s18;
	s19 =	sadd.s32 $0x4, s18;
	s20 =	sadd.s32 $0x8, s18;
	s8 =	sadd.s32 $0xC, s18;
	v32 =	vld.idx.msk [tilespmem:v22+s3+$0x0], $0xffff;
	v22 =	vunpack.i.u.bf16.f32 v24;
	v24 =	vadd.f32 v26, v30;
	[tilespmem:v9+s3+$0x0] =	vst.idx.msk $0xffff, v29;
	v9 =	vmovc v16  }
0xba: {  	s17 =	sadd.s32 $0x4, s17;
	v26 =	vmov s19;
	v29 =	vmov s8;
	v30 =	vld.idx.msk [tilespmem:v16+s3+$0x0], $0xffff;
	v16 =	vadd.f32 v25, v22;
	[tilespmem:v8+s3+$0x0] =	vst.idx.msk $0xffff, v27;
	v8 =	vmovc v15  }
0xbb: {  	v22 =	vmov s20;
	p1 =	slt.u32 s17, $0x1F0;
	v25 =	vshll.u32 v29, $0x3;
	v27 =	vld.idx.msk [tilespmem:v15+s3+$0x0], $0xffff;
	v15 =	vmax.f32 v24, $0.0e+00;
	[tilespmem:v7+s3+$0x0] =	vst.idx.msk $0xffff, v28;
	v7 =	vmovc v12  }
0xbc: {  	v24 =	vshll.u32 v26, $0x3;
	v25 =	vor.u32 v4, v25;
	v28 =	vld.idx.msk [tilespmem:v12+s3+$0x0], $0xffff;
	[tilespmem:v14+s3+$0x0] =	vst.idx.msk $0xffff, v15;
	v12 =	vmax.f32 v16, $0.0e+00  }
0xbd: {  	v15 =	vshll.u32 v31, $0x3;
	v16 =	vshll.u32 v22, $0x3;
	v14 =	vor.u32 v0, v25;
	v29 =	vld.idx.msk [tilespmem:v10+s3+$0x0], $0xffff;
	[tilespmem:v13+s3+$0x0] =	vst.idx.msk $0xffff, v12  }
0xbe: {  	v12 =	vor.u32 v4, v24;
	v24 =	vor.u32 v4, v16;
	v13 =	vor.u32 v5, v25  }
0xbf: {  	v25 =	vor.u32 v4, v15;
	v31 =	vor.u32 v0, v12;
	v22 =	vor.u32 v5, v12  }
0xc0: {  	s16 =	sadd.s32 $0x40, s16;
	v12 =	vor.u32 v0, v25;
	v16 =	vor.u32 v0, v24;
	v15 =	vor.u32 v5, v24  }
0xc1: {  	v33 =	vunpack.i.u.bf16.f32 v17;
	v34 =	vunpack.i.l.bf16.f32 v17;
	v24 =	vld [tilespmem:s16+$0x10];
	[tilespmem:v6+s3+$0x0] =	vst.idx.msk $0xffff, v23;
	v6 =	vmovc v10;
	v10 =	vor.u32 v5, v25  }
0xc2: {  	v17 =	vunpack.i.u.bf16.f32 v20;
	v20 =	vunpack.i.l.bf16.f32 v20;
	v23 =	vunpack.i.u.bf16.f32 v19;
	v26 =	vld.idx.msk [tilespmem:v14+s3+$0x0], $0xffff  }
.Ltmp2:
0xc3: {  	v21 =	vadd.f32 v21, v20;
	v32 =	vadd.f32 v32, v17;
	v19 =	vunpack.i.l.bf16.f32 v19;
	v25 =	vld.idx.msk [tilespmem:v13+s3+$0x0], $0xffff;
	(pc) =	sbr.rel @p1 .LBB2_7-.Ltmp2, $4  }
0xc4: {  	v30 =	vadd.f32 v30, v19;
	v23 =	vadd.f32 v27, v23;
	v17 =	vld [tilespmem:s16+$0xFFFFFFE0]  }
0xc5: {  	v21 =	vmax.f32 v21, $0.0e+00;
	v28 =	vadd.f32 v28, v34;
	v33 =	vadd.f32 v29, v33;
	v20 =	vld [tilespmem:s16+$0xFFFFFFF0]  }
0xc6: {  	v32 =	vmax.f32 v32, $0.0e+00;
	v29 =	vmax.f32 v30, $0.0e+00;
	v27 =	vmax.f32 v23, $0.0e+00;
	v19 =	vld [tilespmem:s16+$0x0];
	[tilespmem:v11+s3+$0x0] =	vst.idx.msk $0xffff, v21;
	v11 =	vmovc v31  }
0xc7: {  	s18 =	sadd.s32 $0x10, s18;
	v28 =	vmax.f32 v28, $0.0e+00;
	v23 =	vmax.f32 v33, $0.0e+00;
	v30 =	vunpack.i.l.bf16.f32 v24;
	v21 =	vld.idx.msk [tilespmem:v31+s3+$0x0], $0xffff;
	[tilespmem:v18+s3+$0x0] =	vst.idx.msk $0xffff, v32;
	v18 =	vmovc v22  }
0xc8: {  	_ =	sdelay $0x3  }
0xc9: {  	v22 =	vld.idx.msk [tilespmem:v22+s3+$0x0], $0xffff  }
0xca: {  	[tilespmem:v9+s3+$0x0] =	vst.idx.msk $0xffff, v29;
	v50 =	vld.idx.msk [tilespmem:v16+s3+$0x0], $0xffff  }
0xcb: {  	v24 =	vunpack.i.u.bf16.f32 v24;
	v26 =	vadd.f32 v26, v30;
	[tilespmem:v7+s3+$0x0] =	vst.idx.msk $0xffff, v28;
	v7 =	vld.idx.msk [tilespmem:v12+s3+$0x0], $0xffff  }
0xcc: {  	v51 =	vld.idx.msk [tilespmem:v15+s3+$0x0], $0xffff;
	v24 =	vadd.f32 v25, v24;
	[tilespmem:v8+s3+$0x0] =	vst.idx.msk $0xffff, v27;
	v53 =	vunpack.i.l.bf16.f32 v20  }
0xcd: {  	v55 =	vld.idx.msk [tilespmem:v10+s3+$0x0], $0xffff;
	[tilespmem:v6+s3+$0x0] =	vst.idx.msk $0xffff, v23;
	v52 =	vmax.f32 v26, $0.0e+00;
	v56 =	vunpack.i.u.bf16.f32 v20;
	v21 =	vadd.f32 v21, v53  }
0xce: {  	[tilespmem:v14+s3+$0x0] =	vst.idx.msk $0xffff, v52;
	v54 =	vmax.f32 v24, $0.0e+00;
	v58 =	vunpack.i.l.bf16.f32 v19;
	v57 =	vadd.f32 v22, v56  }
0xcf: {  	v60 =	vunpack.i.l.bf16.f32 v17;
	[tilespmem:v13+s3+$0x0] =	vst.idx.msk $0xffff, v54;
	v9 =	vadd.f32 v50, v58;
	v59 =	vmax.f32 v21, $0.0e+00  }
0xd0: {  	v6 =	vunpack.i.u.bf16.f32 v19;
	v7 =	vadd.f32 v7, v60;
	[tilespmem:v11+s3+$0x0] =	vst.idx.msk $0xffff, v59;
	v61 =	vmax.f32 v57, $0.0e+00  }
0xd1: {  	v62 =	vunpack.i.u.bf16.f32 v17;
	v6 =	vadd.f32 v51, v6;
	v9 =	vmax.f32 v9, $0.0e+00;
	[tilespmem:v18+s3+$0x0] =	vst.idx.msk $0xffff, v61  }
0xd2: {  	v63 =	vadd.f32 v55, v62;
	v7 =	vmax.f32 v7, $0.0e+00;
	[tilespmem:v16+s3+$0x0] =	vst.idx.msk $0xffff, v9  }
0xd3: {  	v6 =	vmax.f32 v6, $0.0e+00;
	[tilespmem:v12+s3+$0x0] =	vst.idx.msk $0xffff, v7  }
0xd4: {  	s8 =	sadd.s32 $0x1770, s15;
	[tilespmem:v15+s3+$0x0] =	vst.idx.msk $0xffff, v6;
	v6 =	vmax.f32 v63, $0.0e+00  }
0xd5: {  	s8 =	simm.s32 @p0 $0x0;
	[tilespmem:v10+s3+$0x0] =	vst.idx.msk $0xffff, v6  }
0xd6: {  	[spmem:s1] =	stream.indirect.scatter.add.f32 [tilespmem:s3], [sflag:$0x5], $0x8, s30, s28, $0xb8;
	[tilespmem:$0x19E40] =	vst v63  }
0xd7: {  	s8 =	sadd.s32 s9, s8;
	_ =	swait.ge [sflag:s22], $0x3E80  }
0xd8: {  	s14 =	sadd.s32 $0x1, s14;
	s20 =	sshrl.u32 s8, $0x3;
	[sflag:s22] =	ssyncset.done $0x0  }
0xd9: {  	p0 =	sne.s32 s14, $0x19;
	s16 =	sadd.s32 s5, s20;
	[sflag:s22] =	ssyncadd.s32 $0xFFFFC180  }
0xda: {  	[tilespmem:s29], [sflag:$0x3] =	stream.linear.gather [hbm4b:s16+s2], $0x7D0, $0x38;
	[tilespmem:$0x19E40] =	vst v63  }
.Ltmp3:
0xdb: {  	s8 =	sshrl.u32 s8, $0x1;
	(pc) =	sbr.rel @p0 .LBB2_4-.Ltmp3, $4  }
0xdc: {  	s15 =	sadd.s32 s6, s20;
	s8 =	sand.u32 $0xFFFFFF8, s8  }
0xdd: {  	[tilespmem:s30], [sflag:$0x3] =	stream.linear.gather [hbm4b:s15+s2], $0x7D0, $0x38;
	[tilespmem:$0x19E40] =	vst v63  }
0xde: {  	s8 =	sadd.s32 s7, s8  }
0xdf: {  	[tilespmem:s31], [sflag:$0x3] =	stream.linear.gather [hbm4b:s8+s2], $0x1F40, $0x38;
	[tilespmem:$0x19E40] =	vst v63  }
0xe0: {  	_ =	swait.ge [sflag:s10], $0x3E80  }
0xe1: {  	[sflag:s10] =	ssyncset.done $0x0  }
0xe2: {  	[sflag:s10] =	ssyncadd.s32 $0xFFFFC180  }
0xe3: {  	_ =	swait.ge [sflag:s0], $0x7D0  }
0xe4: {  	[sflag:s0] =	ssyncset.done $0x0  }
0xe5: {  	[sflag:s0] =	ssyncadd.s32 $0xFFFFF830  }
0xe6: {  	_ =	swait.ge [sflag:s0], $0x7D0  }
0xe7: {  	[sflag:s0] =	ssyncset.done $0x0  }
0xe8: {  	[sflag:s0] =	ssyncadd.s32 $0xFFFFF830  }
0xe9: {  	_ =	swait.ge [sflag:s0], $0x1F40  }
0xea: {  	[sflag:s0] =	ssyncset.done $0x0  }
0xeb: {  	[sflag:s0] =	ssyncadd.s32 $0xFFFFE0C0  }
0xec: {  	s8 =	stileid.u32;
	[bflag:$0x0] =	sbarrier.arrive $0xFFFF  }
0xed: {  	s8 =	sshll.u32 s8, $0x6;
	s15 =	rddreg [dreg:$0x3]  }
0xee: {  	s8 =	sor.u32 $0x1C05, s8;
	s14 =	rddreg [dreg:$0xd];
	s13 =	sshrl.u32 s15, $0x3  }
0xef: {  	[hbm:s14], [sflag:s8] =	dma.local [spmem:s13], $0x1870  }
0xf0: {  	_ =	swait.ge [sflag:s22], $0x1870  }
0xf1: {  	s12 =	sadd.s32 $0x1, s12;
	s20 =	rddreg [dreg:$0xe]  }
0xf2: {  	p0 =	sne.s32 s12, s20  }
.Ltmp4:
0xf3: {  	_ = 	snop;
	(pc) =	sbr.rel @p0 .LBB2_1-.Ltmp4, $3  }
0xf4: {  	_ =	sdelay $0x1  }
0xf5: {  	[sflag:s22] =	ssyncset.done $0x0  }
0xf6: {  	[sflag:s22] =	ssyncadd.s32 $0xFFFFE790  }
0xf7: {  	_ =	sfence.sel $0x180000  }
0xf8: {  	[bflag:$0x0] =	sbarrier.arrive $0xFFFF  }
0xf9: {  	_ =	strace $0x90000053  }
0xfa: {  	s0 =	stileid.u32;
	[bflag:$0x2] =	sbarrier.arrive $0xFFFF  }
0xfb: {  	p0 =	sne.s32 s0, $0x0;
	s0 =	rddreg [dreg:$0x2]  }
0xfc: {  	s0 =	sadd.s32 @!p0 $0x100000, s0  }
0xfd: {  	[sflag:s0] =	ssyncadd.tile.s32 @!p0 $0x1;
	_ =	shalt  }
.Lfunc_end2:
_tile_overlayer_lowered:
.L_overlay_start_2:
0xfe: {  	(tag) =	ssettag $0x2  }
0xff: {  	s0 =	rddreg [dreg:$0x0];
	s2 =	stileid.u32  }
0x100: {  	s1 =	rddreg [dreg:$0x1];
	p0 =	sne.s32 s2, $0x0  }
0x101: {  	s3 =	rddreg [dreg:$0x2];
	[bflag:$0x3] =	sbarrier.arrive $0xFFFF;
	s2 =	simm.s32 @!p0 $0x1C05  }
0x102: {  	[timem:s3], [sflag:s2] =	dma.local @!p0 [hbm:s0], s1  }
0x103: {  	s0 =	simm.s32 @!p0 $0x5  }
0x104: {  	_ =	swait.ge @!p0 [sflag:s0], s1  }
0x105: {  	s1 =	ssub.s32 @!p0 $0x0, s1;
	[sflag:s0] =	ssyncset.done @!p0 $0x0  }
0x106: {  	[sflag:s0] =	ssyncadd.s32 @!p0 s1  }
0x107: {  	[bflag:$0x3] =	sbarrier.arrive $0xFFFF  }
0x108: {  	_ =	shalt  }

// kernel: kernel.19.cloned.1.call-start
scs
__scs_entry_jumppad:
0x0: {  	(pc) =	sbr.rel $0x88, $3  }
0x1: {  	(tag) =	ssettag $0x0;
	lr =	simm.s32 $0x1  }
0x2: {  	[smem:$0x3F95] =	sst lr;
	_ =	strace $0xD0000000  }
0x3: {  	_ = 	snop  }
0x4: {  	_ = 	snop  }
0x5: {  	_ = 	snop  }
0x6: {  	_ = 	snop  }
0x7: {  	_ = 	snop  }
__scs_overlays_trampoline_lowered:
0x8: {  	[smem:$0x3FA4] =	sst s0  }
0x9: {  	[smem:$0x3FA5] =	sst s1  }
0xa: {  	[smem:$0x3FA6] =	sst s2  }
0xb: {  	[smem:$0x3FA7] =	sst s3  }
0xc: {  	[smem:$0x3FA8] =	sst s4  }
0xd: {  	[smem:$0x3FA9] =	sst s5  }
0xe: {  	[smem:$0x3FAA] =	sst s6  }
0xf: {  	[smem:$0x3FAB] =	sst s7  }
0x10: {  	[smem:$0x3FAC] =	sst s8  }
0x11: {  	[smem:$0x3FAD] =	sst s9;
	s0 =	simm.s32 @!p0 $0x0  }
0x12: {  	s1 =	sld [smem:$0x3F93];
	s0 =	simm.s32 @p0 $0x1  }
0x13: {  	[smem:$0x3FAE] =	sst s0;
	s0 =	simm.s32 @!p1 $0x0  }
0x14: {  	s2 =	sld [smem:$0x3F92];
	s0 =	simm.s32 @p1 $0x1  }
0x15: {  	[smem:$0x3FAF] =	sst s0;
	s0 =	simm.s32 @!p2 $0x0  }
0x16: {  	s3 =	sld [smem:$0x3FDB];
	s0 =	simm.s32 @p2 $0x1  }
0x17: {  	s4 =	simm.s32 $0x1BF5;
	[smem:$0x3FB1] =	sst s0  }
0x18: {  	s0 =	sld [smem:$0x3F94];
	_ =	swait.ge [sflag:s4], $0x0  }
0x19: {  	s7 =	sld [smem:$0x3F95]  }
0x1a: {  	s8 =	sadd.s32 $0xFFFFE003, lr  }
0x1b: {  	s9 =	sadd.s32 $0xFFFFFEF7, lr;
	s5 =	simm.s32 $0xFFFFFFFF;
	p2 =	slt.u32 s8, $0xFFFFF086  }
0x1c: {  	p1 =	slt.u32 s9, $0xF7A;
	s5 =	simm.s32 @!p2 $0x0  }
0x1d: {  	s5 =	simm.s32 @p1 $0x1;
	p0 =	seq.s32 s7, s2  }
0x1e: {  	s7 =	smul.u32 @!p0 $0xF7A, s2;
	p2 =	seq.s32 @!p0 s5, $0x0  }
0x1f: {  	s9 =	smul.u32 $0xF7A, s1;
	s8 =	simm.s32 @!p0 $0x1BF5;
	p2 =	por !p2, p0  }
0x20: {  	[sflag:s8] =	ssyncset.s32 @!p0 $0xFFFFF086;
	s6 =	sadd.s32 @!p0 s3, s7;
	s7 =	simm.s32 @!p0 $0x108  }
0x21: {  	s3 =	sadd.s32 s3, s9;
	s6 =	sadd.s32 @!p0 $0x88, s6;
	s7 =	simm.s32 @p2 $0x1082  }
0x22: {  	[simem:s7], [sflag:s8] =	dma.local @!p0 [hbm:s6], $0xF7A  }
0x23: {  	s9 =	sor.u32 $0xD0000000, s2;
	s6 =	simm.s32 $0x108;
	_ =	swait.ge @!p0 [sflag:s8], $0x0  }
0x24: {  	s3 =	sadd.s32 $0x88, s3;
	s6 =	simm.s32 @!p1 $0x1082;
	[sflag:s4] =	ssyncset.s32 $0xFFFFF086  }
0x25: {  	[simem:s6], [sflag:s4] =	dma.local [hbm:s3], $0xF7A  }
0x26: {  	[smem:$0x3F95] =	sst s1;
	(tag) =	ssettag s2;
	_ =	strace s9  }
0x27: {  	s1 =	sld [smem:$0x3FA5]  }
0x28: {  	s2 =	sld [smem:$0x3FA6]  }
0x29: {  	s4 =	sld [smem:$0x3FA8]  }
0x2a: {  	p0 =	seq.s32 s5, $0x0;
	s5 =	sld [smem:$0x3FA9]  }
0x2b: {  	s6 =	sld [smem:$0x3FAA]  }
0x2c: {  	s7 =	sld [smem:$0x3FAB]  }
0x2d: {  	s3 =	simm.s32 $0x108;
	s8 =	sld [smem:$0x3FAC]  }
0x2e: {  	s3 =	simm.s32 @!p0 $0x1082;
	s9 =	sld [smem:$0x3FAD]  }
0x2f: {  	lr =	sadd.s32 s0, s3;
	s0 =	sld [smem:$0x3FA4]  }
0x30: {  	s3 =	sld [smem:$0x3FA7]  }
0x31: {  	[smem:$0x3FB0] =	sst s10  }
0x32: {  	s10 =	sld [smem:$0x3FAE];
	_ =	sdelay $0x3  }
0x33: {  	p0 =	seq.s32 s10, $0x1;
	s10 =	sld [smem:$0x3FB0];
	_ =	sdelay $0x3  }
0x34: {  	[smem:$0x3FB0] =	sst s10  }
0x35: {  	s10 =	sld [smem:$0x3FAF];
	_ =	sdelay $0x3  }
0x36: {  	p1 =	seq.s32 s10, $0x1;
	s10 =	sld [smem:$0x3FB0];
	_ =	sdelay $0x3  }
0x37: {  	[smem:$0x3FB0] =	sst s10  }
0x38: {  	s10 =	sld [smem:$0x3FB1]  }
0x39: {  	_ = 	snop;
	(pc) =	sbr.ind lr, $3  }
0x3a: {  	_ = 	snop  }
0x3b: {  	_ = 	snop  }
0x3c: {  	p2 =	seq.s32 s10, $0x1;
	s10 =	sld [smem:$0x3FB0]  }
0x3d: {  	_ =	shalt  }
0x3e: {  	_ =	shalt  }
0x3f: {  	_ =	shalt  }
0x40: {  	_ =	shalt  }
0x41: {  	_ =	shalt  }
0x42: {  	_ =	shalt  }
0x43: {  	_ =	shalt  }
0x44: {  	_ =	shalt  }
0x45: {  	_ =	shalt  }
0x46: {  	_ =	shalt  }
0x47: {  	_ =	shalt  }
0x48: {  	_ =	shalt  }
0x49: {  	_ =	shalt  }
0x4a: {  	_ =	shalt  }
0x4b: {  	_ =	shalt  }
0x4c: {  	_ =	shalt  }
0x4d: {  	_ =	shalt  }
0x4e: {  	_ =	shalt  }
0x4f: {  	_ =	shalt  }
0x50: {  	_ =	shalt  }
0x51: {  	_ =	shalt  }
0x52: {  	_ =	shalt  }
0x53: {  	_ =	shalt  }
0x54: {  	_ =	shalt  }
0x55: {  	_ =	shalt  }
0x56: {  	_ =	shalt  }
0x57: {  	_ =	shalt  }
0x58: {  	_ =	shalt  }
0x59: {  	_ =	shalt  }
0x5a: {  	_ =	shalt  }
0x5b: {  	_ =	shalt  }
0x5c: {  	_ =	shalt  }
0x5d: {  	_ =	shalt  }
0x5e: {  	_ =	shalt  }
0x5f: {  	_ =	shalt  }
0x60: {  	_ =	shalt  }
0x61: {  	_ =	shalt  }
0x62: {  	_ =	shalt  }
0x63: {  	_ =	shalt  }
0x64: {  	_ =	shalt  }
0x65: {  	_ =	shalt  }
0x66: {  	_ =	shalt  }
0x67: {  	_ =	shalt  }
0x68: {  	_ =	shalt  }
0x69: {  	_ =	shalt  }
0x6a: {  	_ =	shalt  }
0x6b: {  	_ =	shalt  }
0x6c: {  	_ =	shalt  }
0x6d: {  	_ =	shalt  }
0x6e: {  	_ =	shalt  }
0x6f: {  	_ =	shalt  }
0x70: {  	_ =	shalt  }
0x71: {  	_ =	shalt  }
0x72: {  	_ =	shalt  }
0x73: {  	_ =	shalt  }
0x74: {  	_ =	shalt  }
0x75: {  	_ =	shalt  }
0x76: {  	_ =	shalt  }
0x77: {  	_ =	shalt  }
0x78: {  	_ =	shalt  }
0x79: {  	_ =	shalt  }
0x7a: {  	_ =	shalt  }
0x7b: {  	_ =	shalt  }
0x7c: {  	_ =	shalt  }
0x7d: {  	_ =	shalt  }
0x7e: {  	_ =	shalt  }
0x7f: {  	_ =	shalt  }
0x80: {  	_ =	shalt  }
0x81: {  	_ =	shalt  }
0x82: {  	_ =	shalt  }
0x83: {  	_ =	shalt  }
0x84: {  	_ =	shalt  }
0x85: {  	_ =	shalt  }
0x86: {  	_ =	shalt  }
0x87: {  	_ =	shalt  }
.Lfunc_end0:
.L_simem_size_0:
called_computation.5_lowered:
.L_overlay_start_0:
0x88: {  	s2 =	sld [smem:$0x3FD9]  }
0x89: {  	s3 =	sld [smem:$0x3FFE];
	_ =	sdelay $0x1  }
0x8a: {  	s1 =	srdreg.scid  }
0x8b: {  	s0 =	sand.u32 $0x1, s1  }
0x8c: {  	s16 =	sshll.u32 s0, $0xA;
	s2 =	sadd.s32 s3, s2  }
0x8d: {  	s2 =	sadd.s32 s2, s16  }
0x8e: {  	[smem:$0x3FBC] =	sst s2  }
0x8f: {  	_ = 	snop  }
0x90: {  	(tm) =	ssettm $0x1  }
0x91: {  	s17 =	sld [smem:$0x3FFB];
	_ =	sdelay $0x3  }
0x92: {  	_ =	strace s17  }
0x93: {  	s2 =	sld [smem:$0x3FFC];
	_ =	sdelay $0x3  }
0x94: {  	_ =	strace s2  }
0x95: {  	s2 =	sld [smem:$0x3FFD];
	_ =	sdelay $0x3  }
0x96: {  	_ =	strace s2  }
0x97: {  	_ =	strace $0x8FFFFFFF  }
0x98: {  	s18 =	sld [smem:$0x3FDB];
	_ =	sdelay $0x1  }
0x99: {  	s19 =	simm.s32 $_scs_section_size  }
0x9a: {  	s4 =	simm.s32 $_size__tile_overlayer_lowered;
	s5 =	simm.s32 $_tile_overlayer_lowered  }
0x9b: {  	s22 =	simm.s32 $0x1BFF;
	s21 =	sshll.u32 s5, $0x1;
	s2 =	sadd.s32 s19, s18  }
0x9c: {  	s6 =	simm.s32 $0x0;
	s20 =	sshll.u32 s4, $0x1;
	s4 =	sadd.s32 s21, s2  }
0x9d: {  	[timem:s6], [sflag:s22] =	dma.local [hbm:s4], s20  }
0x9e: {  	_ =	swait.ge [sflag:s22], s20  }
0x9f: {  	s3 =	ssub.s32 $0x0, s20;
	[sflag:s22] =	ssyncset.done $0x0  }
0xa0: {  	[sflag:s22] =	ssyncadd.s32 s3;
	_ =	sdelay $0x1  }
0xa1: {  	s23 =	simm.s32 $0x1B8B  }
0xa2: {  	_ =	swait.ge [sflag:s23], $0x1  }
0xa3: {  	[sflag:s23] =	ssyncset.done $0x0  }
0xa4: {  	s25 =	simm.s32 $0x1B8E;
	s24 =	sld [smem:$0x3FFE];
	[sflag:s23] =	ssyncadd.s32 $0xFFFFFFFF  }
0xa5: {  	s26 =	simm.s32 $execute0_lowered;
	[smem:$0x3FD2] =	sst s25  }
0xa6: {  	s4 =	sshll.u32 s26, $0x1;
	_ =	strace $0x80000055;
	[dreg:$0x1] =	wrdreg $0xFFFFFFFF  }
0xa7: {  	s28 =	simm.s32 $_size_execute0_lowered;
	s2 =	sadd.s32 s2, s4;
	[dreg:$0x0] =	wrdreg $0x0  }
0xa8: {  	s4 =	sshll.u32 s28, $0x1;
	[dreg:$0x2] =	wrdreg s2  }
0xa9: {  	[dreg:$0x3] =	wrdreg s4  }
0xaa: {  	[dreg:$0x4] =	wrdreg $0xC0  }
0xab: {  	_ =	task [dreg:s6], $0x5FFFF  }
0xac: {  	[dreg:$0x1] =	wrdreg $0xFFFFFFFF  }
0xad: {  	[dreg:$0x0] =	wrdreg $0x60  }
0xae: {  	[dreg:$0x2] =	wrdreg s24  }
0xaf: {  	[dreg:$0x3] =	wrdreg $0x0  }
0xb0: {  	[dreg:$0x4] =	wrdreg $0x9  }
0xb1: {  	_ =	task.clear_ibuf [dreg:s6], $0x5FFFF;
	_ =	strace $0x90000055  }
0xb2: {  	s29 =	simm.s32 $0x9;
	_ =	strace $0x80000057  }
0xb3: {  	_ =	swait.ge [sflag:s29], $0x1  }
0xb4: {  	[sflag:s29] =	ssyncadd.s32 $0xFFFFFFFF  }
0xb5: {  	_ =	strace $0x90000057  }
0xb6: {  	_ =	sfence  }
0xb7: {  	s30 =	sld [smem:$0x0];
	_ =	sdelay $0x2  }
0xb8: {  	s31 =	sshll.u32 s1, $0xD;
	s1 =	sshrl.u32 s1, $0x2  }
0xb9: {  	s3 =	sand.u32 $0x4000, s31;
	s1 =	sadd.s32 s1, s30  }
0xba: {  	s0 =	sor.u32 s3, s0;
	s1 =	sshll.u32 s1, $0x11  }
0xbb: {  	s0 =	sor.u32 s1, s0  }
0xbc: {  	s0 =	sadd.s32 $0x8F2B, s0  }
0xbd: {  	[sflag:s0] =	ssyncadd.remote.s32 $0x1  }
0xbe: {  	_ =	sfence.sel $0xFFFF  }
0xbf: {  	[dreg:$0x0] =	wrdreg $0xFFFFFFFF;
	(pc) =	sbr.abs _section_cstart, $3  }
0xc0: {  	[dreg:$0x1] =	wrdreg $0xFFFFFFFF  }
0xc1: {  	_ =	task.clear_ibuf [dreg:s6], $0x2FFFF;
	_ =	strace $0x9FFFFFFF  }
0xc2: {  	(tm) =	ssettm $0x7FFFFFFF  }
0xc3: {  	_ =	shalt  }
tec
execute0_lowered:
.L_overlay_start_1:
0x0: {  	(tag) =	ssettag $0x1  }
0x1: {  	s3 =	rddreg [dreg:$0x0]  }
0x2: {  	s0 =	srdreg.scid;
	s1 =	rddreg [dreg:$0x1]  }
0x3: {  	s7 =	stileid.u32;
	s2 =	simm.s32 $0x0;
	s4 =	sand.u32 $0x1, s0  }
0x4: {  	s11 =	simm.s32 $0xC38;
	s0 =	rddreg [dreg:$0x2];
	s5 =	sshll.u32 s4, $0x4  }
0x5: {  	s13 =	simm.s32 $0x0;
	[smem:$0x7FF] =	sst s2;
	s5 =	sor.u32 s7, s5  }
0x6: {  	p0 =	sne.s32 s7, $0x0;
	_ =	strace $0x80000056;
	s6 =	smul.u32 $0xC38, s5  }
0x7: {  	s8 =	ssub.s32 $0x2, s4;
	s4 =	sshll.u32 s4, $0x9;
	s5 =	smul.u32 $0x187, s5  }
.Ltmp0:
0x8: {  	s12 =	sshrl.u32 @!p0 s1, $0x3;
	s9 =	sshrl.u32 s8, $0x1;
	(pc) =	sbr.rel .LBB2_1-.Ltmp0, $4  }
0x9: {  	s10 =	sadd.s32 s4, s3;
	s7 =	simm.s32 $0x6EF8;
	s8 =	ssub.s32 s8, s9  }
0xa: {  	v1 =	vlaneseq.u32;
	s9 =	simm.s32 $0x100;
	s6 =	sadd.s32 s6, s3;
	s5 =	sadd.s32 s5, s3  }
0xb: {  	v0 =	vshrl.u32 v1, $0x3;
	s3 =	sadd.s32 $0x18C600, s5;
	s4 =	sadd.s32 $0x5C00, s6;
	s5 =	sadd.s32 $0x1E400, s10  }
0xc: {  	v2 =	vimm.f32 $0.0e+00;
	v1 =	vand.u32 $0x7, v1;
	v0 =	vmul.u32 $0x8, v0;
	s6 =	smax.u32 s8, $0x1;
	s8 =	simm.s32 $0x1;
	s10 =	simm.s32 $0xD38  }
.LBB2_5:
0xd: {  	[bflag:$0x0] =	sbarrier.arrive $0xFFFF  }
0xe: {  	[tilespmem:s9], [sflag:$0x1] =	stream.linear.gather [hbm4b:s3+s2], $0xC38, $0x38;
	[tilespmem:$0x7EF8] =	vst v63  }
0xf: {  	_ =	swait.ge [sflag:s8], $0xC38  }
0x10: {  	[sflag:s8] =	ssyncset.done $0x0  }
0x11: {  	[sflag:s8] =	ssyncadd.s32 $0xFFFFF3C8  }
0x12: {  	[tilespmem:s10], [sflag:$0x1] =	stream.linear.gather [hbm4b:s4+s2], $0x61C0, $0x38;
	[tilespmem:$0x7EF8] =	vst v63  }
0x13: {  	_ =	swait.ge [sflag:s8], $0x61C0  }
0x14: {  	[sflag:s8] =	ssyncset.done $0x0  }
0x15: {  	[sflag:s8] =	ssyncadd.s32 $0xFFFF9E40  }
0x16: {  	[spmem:s1] =	stream.indirect.scatter.add.f32 [tilespmem:s10], [sflag:$0x1], $0x8, s9, s11, $0xb8;
	[tilespmem:$0x7EF8] =	vst v63  }
0x17: {  	_ =	swait.ge [sflag:s8], $0x61C0  }
0x18: {  	[sflag:s8] =	ssyncset.done $0x0  }
0x19: {  	s13 =	sadd.s32 $0x1, s13;
	[sflag:s8] =	ssyncadd.s32 $0xFFFF9E40  }
0x1a: {  	s14 =	simm.s32 @!p0 $0x1C01;
	p1 =	sne.s32 s13, s6;
	[bflag:$0x0] =	sbarrier.arrive $0xFFFF  }
0x1b: {  	[hbm:s5], [sflag:s14] =	dma.local @!p0 [spmem:s12], $0x200  }
.Ltmp1:
0x1c: {  	_ = 	snop;
	(pc) =	sbr.rel @!p1 .LBB2_6-.Ltmp1, $4  }
0x1d: {  	s14 =	simm.s32 @!p0 $0x1  }
0x1e: {  	_ =	swait.ge @!p0 [sflag:s14], $0x200  }
0x1f: {  	[sflag:s14] =	ssyncset.done @!p0 $0x0  }
0x20: {  	[sflag:s14] =	ssyncadd.s32 @!p0 $0xFFFFFE00  }
.LBB2_1:
.Ltmp2:
0x21: {  	(pc) =	sbr.rel @p0 .LBB2_5-.Ltmp2, $1  }
0x22: {  	_ =	sdelay $0x3  }
0x23: {  	v3 =	vmov s2  }
0x24: {  	v3 =	vshll.u32 v3, $0x3  }
0x25: {  	v3 =	vor.u32 v0, v3  }
0x26: {  	s14 =	sadd.s32 $0x2, s2;
	v3 =	vor.u32 v1, v3  }
.LBB2_3:
0x27: {  	p1 =	sne.s32 s14, $0x1FE  }
.Ltmp3:
0x28: {  	_ = 	snop;
	(pc) =	sbr.rel @p1 .LBB2_3-.Ltmp3, $4  }
0x29: {  	v4 =	vmov s14  }
0x2a: {  	v4 =	vshll.u32 v4, $0x3  }
0x2b: {  	v4 =	vor.u32 v0, v4  }
0x2c: {  	s14 =	sadd.s32 $0x2, s14;
	[tilespmem:v3+s7+$0x0] =	vst.idx.msk $0xffff, v2;
	v3 =	vor.u32 v1, v4  }
0x2d: {  	_ =	sdelay $0x3  }
.Ltmp4:
0x2e: {  	[tilespmem:v3+s7+$0x0] =	vst.idx.msk $0xffff, v2;
	(pc) =	sbr.rel .LBB2_5-.Ltmp4, $4  }
0x2f: {  	[spmem:s1] =	stream.linear.scatter [tilespmem:s7], [sflag:$0x1], $0x1000, $0x38;
	[tilespmem:$0x7EF8] =	vst v63  }
0x30: {  	_ =	swait.ge [sflag:s8], $0x1000  }
0x31: {  	[sflag:s8] =	ssyncset.done $0x0  }
0x32: {  	[sflag:s8] =	ssyncadd.s32 $0xFFFFF000  }
.LBB2_6:
0x33: {  	_ =	sfence.sel $0x180000  }
0x34: {  	[bflag:$0x0] =	sbarrier.arrive $0xFFFF  }
0x35: {  	_ =	strace $0x90000056  }
0x36: {  	s0 =	sadd.s32 @!p0 $0x100000, s0;
	[bflag:$0x2] =	sbarrier.arrive $0xFFFF  }
0x37: {  	[sflag:s0] =	ssyncadd.tile.s32 @!p0 $0x1;
	_ =	shalt  }
.Lfunc_end2:
_tile_overlayer_lowered:
.L_overlay_start_2:
0x38: {  	(tag) =	ssettag $0x2  }
0x39: {  	s0 =	rddreg [dreg:$0x0];
	s2 =	stileid.u32  }
0x3a: {  	s1 =	rddreg [dreg:$0x1];
	p0 =	sne.s32 s2, $0x0  }
0x3b: {  	s3 =	rddreg [dreg:$0x2];
	[bflag:$0x3] =	sbarrier.arrive $0xFFFF;
	s2 =	simm.s32 @!p0 $0x1C01  }
0x3c: {  	[timem:s3], [sflag:s2] =	dma.local @!p0 [hbm:s0], s1  }
0x3d: {  	s0 =	simm.s32 @!p0 $0x1  }
0x3e: {  	_ =	swait.ge @!p0 [sflag:s0], s1  }
0x3f: {  	s1 =	ssub.s32 @!p0 $0x0, s1;
	[sflag:s0] =	ssyncset.done @!p0 $0x0  }
0x40: {  	[sflag:s0] =	ssyncadd.s32 @!p0 s1  }
0x41: {  	[bflag:$0x3] =	sbarrier.arrive $0xFFFF  }
0x42: {  	_ =	shalt  }

// kernel: sparse-core-data-format-call.1.cloned.1.call-start
scs
called_computation.1_lowered:
.L_overlay_start_0:
0x0: {  	s1 =	sld [smem:$0x3FD9]  }
0x1: {  	s2 =	sld [smem:$0x3FFE];
	_ =	sdelay $0x1  }
0x2: {  	s3 =	srdreg.scid  }
0x3: {  	s0 =	sand.u32 $0x1, s3  }
0x4: {  	s17 =	sshll.u32 s0, $0xA;
	s1 =	sadd.s32 s2, s1  }
0x5: {  	s1 =	sadd.s32 s1, s17  }
0x6: {  	[smem:$0x3FBC] =	sst s1  }
0x7: {  	_ = 	snop  }
0x8: {  	(tm) =	ssettm $0x1  }
0x9: {  	s18 =	sld [smem:$0x3FFB];
	_ =	sdelay $0x3  }
0xa: {  	_ =	strace s18  }
0xb: {  	s1 =	sld [smem:$0x3FFC];
	_ =	sdelay $0x3  }
0xc: {  	_ =	strace s1  }
0xd: {  	s1 =	sld [smem:$0x3FFD];
	_ =	sdelay $0x3  }
0xe: {  	_ =	strace s1  }
0xf: {  	_ =	strace $0x8FFFFFFF  }
0x10: {  	s19 =	sld [smem:$0x3FDB];
	_ =	sdelay $0x1  }
0x11: {  	s20 =	simm.s32 $_scs_section_size  }
0x12: {  	s4 =	simm.s32 $_size__tile_overlayer_lowered;
	s5 =	simm.s32 $_tile_overlayer_lowered  }
0x13: {  	s23 =	simm.s32 $0x1BFF;
	s22 =	sshll.u32 s5, $0x1;
	s1 =	sadd.s32 s20, s19  }
0x14: {  	s6 =	simm.s32 $0x0;
	s21 =	sshll.u32 s4, $0x1;
	s4 =	sadd.s32 s22, s1  }
0x15: {  	[timem:s6], [sflag:s23] =	dma.local [hbm:s4], s21  }
0x16: {  	_ =	swait.ge [sflag:s23], s21  }
0x17: {  	s2 =	ssub.s32 $0x0, s21;
	[sflag:s23] =	ssyncset.done $0x0  }
0x18: {  	[sflag:s23] =	ssyncadd.s32 s2;
	_ =	sdelay $0x1  }
0x19: {  	s24 =	simm.s32 $0x1B8B  }
0x1a: {  	_ =	swait.ge [sflag:s24], $0x1  }
0x1b: {  	[sflag:s24] =	ssyncset.done $0x0  }
0x1c: {  	s26 =	simm.s32 $0x1B8E;
	s25 =	sld [smem:$0x3FFE];
	[sflag:s24] =	ssyncadd.s32 $0xFFFFFFFF  }
0x1d: {  	s27 =	simm.s32 $execute0_lowered;
	[smem:$0x3FD2] =	sst s26  }
0x1e: {  	s4 =	sshll.u32 s27, $0x1;
	_ =	strace $0x80000046;
	[dreg:$0x1] =	wrdreg $0xFFFFFFFF  }
0x1f: {  	s28 =	simm.s32 $_size_execute0_lowered;
	s1 =	sadd.s32 s1, s4;
	[dreg:$0x0] =	wrdreg $0x0  }
0x20: {  	s4 =	sshll.u32 s28, $0x1;
	[dreg:$0x2] =	wrdreg s1  }
0x21: {  	[dreg:$0x3] =	wrdreg s4  }
0x22: {  	[dreg:$0x4] =	wrdreg $0xC0  }
0x23: {  	_ =	task [dreg:s6], $0x5FFFF  }
0x24: {  	[dreg:$0x1] =	wrdreg $0xFFFFFFFF  }
0x25: {  	[dreg:$0x0] =	wrdreg $0x60  }
0x26: {  	[dreg:$0x2] =	wrdreg s25  }
0x27: {  	[dreg:$0x3] =	wrdreg $0x9  }
0x28: {  	_ =	task.clear_ibuf [dreg:s6], $0x4FFFF;
	_ =	strace $0x90000046  }
0x29: {  	s29 =	simm.s32 $0x9;
	_ =	strace $0x80000048  }
0x2a: {  	_ =	swait.ge [sflag:s29], $0x1  }
0x2b: {  	[sflag:s29] =	ssyncadd.s32 $0xFFFFFFFF  }
0x2c: {  	_ =	strace $0x90000048  }
0x2d: {  	_ =	sfence  }
0x2e: {  	s30 =	sld [smem:$0x0];
	_ =	sdelay $0x2  }
0x2f: {  	s31 =	sshll.u32 s3, $0xD;
	s3 =	sshrl.u32 s3, $0x2  }
0x30: {  	s2 =	sand.u32 $0x4000, s31;
	s1 =	sadd.s32 s3, s30  }
0x31: {  	s0 =	sor.u32 s2, s0;
	s1 =	sshll.u32 s1, $0x11  }
0x32: {  	s0 =	sor.u32 s1, s0  }
0x33: {  	s0 =	sadd.s32 $0x8F2B, s0  }
0x34: {  	[sflag:s0] =	ssyncadd.remote.s32 $0x1  }
0x35: {  	_ =	sfence.sel $0xFFFF  }
0x36: {  	[dreg:$0x0] =	wrdreg $0xFFFFFFFF;
	(pc) =	sbr.abs _section_cstart, $3  }
0x37: {  	[dreg:$0x1] =	wrdreg $0xFFFFFFFF  }
0x38: {  	_ =	task.clear_ibuf [dreg:s6], $0x2FFFF;
	_ =	strace $0x9FFFFFFF  }
0x39: {  	(tm) =	ssettm $0x7FFFFFFF  }
tec
execute0_lowered:
.L_overlay_start_1:
0x0: {  	(tag) =	ssettag $0x1  }
0x1: {  	s0 =	srdreg.scid  }
0x2: {  	s6 =	rddreg [dreg:$0x0];
	s7 =	simm.s32 $0x1;
	s1 =	sshll.u32 s0, $0x4  }
0x3: {  	s8 =	simm.s32 $0x2;
	s0 =	stileid.u32;
	s1 =	sand.u32 $0x10, s1  }
0x4: {  	s13 =	simm.s32 $0x0;
	s12 =	simm.s32 $0x0;
	s1 =	sor.u32 s0, s1  }
0x5: {  	s10 =	simm.s32 $0x0;
	s3 =	sadd.s32 $0x5C00, s6;
	s2 =	sshll.u32 s1, $0xA  }
0x6: {  	s11 =	simm.s32 $0x0;
	s6 =	sadd.s32 $0x18C600, s6;
	s5 =	ssub.s32 $0x30D400, s2  }
.Ltmp0:
0x7: {  	s1 =	rddreg [dreg:$0x1];
	s4 =	sand.u32 $0x7C00, s5;
	(pc) =	sbr.rel .LBB1_1-.Ltmp0, $4  }
0x8: {  	_ =	strace $0x80000047;
	s9 =	smov.u32 s2;
	p0 =	sne.s32 s4, $0x0  }
0x9: {  	s5 =	sshrl.u32 s5, $0xF;
	s4 =	simm.s32 $0x1;
	s7 =	simm.s32 @!p0 $0x0  }
0xa: {  	[sflag:s4] =	ssyncpa.u1 $0x0;
	p0 =	por $0x0, $0x0;
	s5 =	sadd.s32 s7, s5  }
0xb: {  	[sflag:s8] =	ssyncpa.u1 $0x0;
	s8 =	simm.s32 $0x80;
	s7 =	sadd.s32 $0x1, s5  }
.LBB1_7:
0xc: {  	s14 =	sadd.s32 $0x8000, s9  }
0xd: {  	s12 =	sadd.s32 $0x8, s10;
	s16 =	smov.u32 s10;
	p2 =	sgt.s32 s14, $0x30D3FF  }
0xe: {  	s16 =	smov.u32 @p2 s12  }
0xf: {  	s14 =	smov.u32 @p2 s2;
	p2 =	sgt.s32 s16, $0x7  }
0x10: {  	s16 =	simm.s32 @p2 $0x0;
	p2 =	sne.s32 s11, s7  }
.Ltmp1:
0x11: {  	p1 =	slt.u32 s11, $0x2;
	(pc) =	sbr.rel @!p2 .LBB1_8-.Ltmp1, $4  }
0x12: {  	s15 =	simm.s32 @!p1 $0x2  }
0x13: {  	s13 =	smov.u32 s9;
	p0 =	por !p0, !p0;
	_ =	swait.ge @!p1 [sflag:s15], $0x1000  }
0x14: {  	s12 =	smov.u32 s10;
	[sflag:s15] =	ssyncset.done @!p1 $0x0;
	s9 =	smov.u32 s14  }
0x15: {  	s11 =	sadd.s32 $0x1, s11;
	[sflag:s15] =	ssyncadd.s32 @!p1 $0xFFFFF000;
	s10 =	smov.u32 s16  }
.LBB1_1:
0x16: {  	p1 =	sge.u32 s11, s5  }
0x17: {  	s14 =	sshrl.u32 @!p1 s10, $0x3  }
0x18: {  	s15 =	sshll.u32 @!p1 s9, $0x3;
	s14 =	smul.u32 @!p1 $0x186A000, s14  }
0x19: {  	s15 =	sand.u32 @!p1 $0xFFFFFC00, s15  }
0x1a: {  	s14 =	sadd.s32 @!p1 s14, s15  }
0x1b: {  	s15 =	sshrl.u32 @!p1 s14, $0xA  }
0x1c: {  	s16 =	sshll.u32 @!p1 s10, $0x7;
	s15 =	smulhi.u32 @!p1 $0x53E2D7, s15  }
0x1d: {  	s17 =	sand.u32 @!p1 $0x1, s10;
	s18 =	sshll.u32 @!p1 s9, $0x1;
	s16 =	sand.u32 @!p1 $0x300, s16  }
0x1e: {  	s18 =	sand.u32 @!p1 $0xFE, s18;
	s16 =	sor.u32 @!p1 s17, s16;
	s15 =	sshrl.u32 @!p1 s15, $0x2  }
0x1f: {  	s16 =	sor.u32 @!p1 s18, s16;
	s17 =	smul.u32 @!p1 $0x30D400, s15  }
0x20: {  	s14 =	sor.u32 @!p1 s14, s16  }
0x21: {  	s31 =	sadd.s32 $0xFFFFFFFF, s11;
	s15 =	sand.u32 @!p1 $0x7, s15;
	s14 =	ssub.s32 @!p1 s14, s17  }
0x22: {  	s16 =	sxor.u32 @!p1 $0xFFFFFFFF, s11;
	s15 =	smul.u32 @!p1 $0x30D40, s15;
	s17 =	sshrl.u32 @!p1 s14, $0x4  }
0x23: {  	s16 =	sshll.u32 @!p1 s16, $0xC;
	s14 =	sshrl.u32 @!p1 s14, $0x1;
	s17 =	sadd.s32 @!p1 s3, s17  }
0x24: {  	s16 =	sand.u32 @!p1 $0x1000, s16;
	s14 =	sand.u32 @!p1 $0x7, s14;
	s15 =	sadd.s32 @!p1 s15, s17  }
0x25: {  	[tilespmem:s16], [sflag:$0x1] =	stream.linear.gather @!p1 [hbm4b:s15+s14], $0x1000, $0x38;
	[tilespmem:$0x4400] =	vst v63  }
0x26: {  	p1 =	sge.u32 s31, s5  }
.Ltmp2:
0x27: {  	_ = 	snop;
	(pc) =	sbr.rel @p1 .LBB1_7-.Ltmp2, $1  }
0x28: {  	_ =	sdelay $0x3  }
0x29: {  	s14 =	simm.s32 $0x1;
	s16 =	sand.u32 $0x1, s11  }
0x2a: {  	_ =	swait.ge [sflag:s4], $0x1000;
	s14 =	simm.s32 @!p0 $0x0;
	s17 =	smul.u32 $0x4800, s16  }
0x2b: {  	[sflag:s4] =	ssyncset.done $0x0;
	s15 =	smul.u32 $0x4800, s14  }
0x2c: {  	s18 =	simm.s32 $0x0;
	s14 =	sshll.u32 s14, $0xC;
	[sflag:s4] =	ssyncadd.s32 $0xFFFFF000  }
0x2d: {  	s16 =	sor.u32 $0x200, s14;
	s31 =	sshrl.u32 s17, $0x2;
	s15 =	sshrl.u32 s15, $0x2  }
0x2e: {  	s17 =	simm.s32 $0x0;
	s14 =	sor.u32 $0x2000, s31;
	s15 =	sadd.s32 $0x23F1, s15  }
.LBB1_3:
0x2f: {  	v0 =	vld [tilespmem:s16+$0xFFFFFE70]  }
0x30: {  	v1 =	vld [tilespmem:s16+$0xFFFFFE00]  }
0x31: {  	v2 =	vld [tilespmem:s16+$0x70]  }
0x32: {  	v3 =	vld [tilespmem:s16+$0xFFFFFE60]  }
0x33: {  	v4 =	vld [tilespmem:s16+$0x60]  }
0x34: {  	v5 =	vld [tilespmem:s16+$0xFFFFFE40]  }
0x35: {  	v6 =	vld [tilespmem:s16+$0x50]  }
0x36: {  	v7 =	vld [tilespmem:s16+$0xFFFFFE50]  }
0x37: {  	v8 =	vld [tilespmem:s16+$0x40]  }
0x38: {  	v9 =	vld [tilespmem:s16+$0xFFFFFE10]  }
0x39: {  	v10 =	vld [tilespmem:s16+$0x0]  }
0x3a: {  	v13 =	vld [tilespmem:s16+$0xFFFFFE30];
	v0 =	vperm.xlane.i2c.b16 v0  }
0x3b: {  	v15 =	vld [tilespmem:s16+$0x30];
	v3 =	vperm.xlane.i2c.b16 v3;
	v2 =	vperm.xlane.i2c.b16 v2  }
0x3c: {  	s19 =	sshrl.u32 s18, $0x2;
	v14 =	vld [tilespmem:s16+$0x20];
	v11 =	vperm.xlane.i2c.b16 v1;
	v6 =	vperm.xlane.i2c.b16 v6  }
0x3d: {  	s19 =	sxor.u32 $0xFFFFFFFF, s19;
	v8 =	vperm.xlane.i2c.b16 v8;
	v4 =	vperm.xlane.i2c.b16 v4  }
0x3e: {  	s20 =	sand.u32 s19, s17;
	v9 =	vperm.xlane.i2c.b16 v9;
	v7 =	vperm.xlane.i2c.b16 v7  }
0x3f: {  	v12 =	vld [tilespmem:s16+$0x10];
	s21 =	sand.u32 $0x2, s18;
	s22 =	sadd.s32 $0x400, s16;
	s23 =	smul.u32 $0x12, s20;
	v10 =	vperm.xlane.i2c.b16 v10;
	v5 =	vperm.xlane.i2c.b16 v5  }
0x40: {  	s29 =	sand.u32 $0x3FFFFFFC, s18;
	s28 =	sadd.s32 s21, s14;
	v19 =	vld [tilespmem:s22+$0xFFFFFE60];
	v13 =	vperm.xlane.i2c.b16 v13;
	v15 =	vperm.xlane.i2c.b16 v15  }
0x41: {  	v18 =	vld [tilespmem:s22+$0x70];
	s20 =	sadd.s32 s29, s28;
	s30 =	sshra.s32 s23, $0x2;
	v23 =	vperm.xlane.i2c.b16 v14;
	v1 =	vcombine.low v3, v0  }
0x42: {  	s25 =	sadd.s32 s30, s20;
	v0 =	vcombine.high v3, v0;
	v3 =	vld [tilespmem:s16+$0xFFFFFE20];
	v16 =	vcombine.low v8, v6  }
0x43: {  	v14 =	vld [tilespmem:s22+$0x50];
	v6 =	vcombine.high v8, v6;
	v20 =	vcombine.low v5, v7;
	[tilespmem:s25+$0x1B0 ss:$0x9] =	vst.msk $0xffff, v1  }
0x44: {  	v8 =	vld [tilespmem:s22+$0xFFFFFE70];
	v21 =	vcombine.high v5, v7;
	v1 =	vcombine.low v4, v2;
	[tilespmem:s15+$0xFFFFFF6F ss:$0x9] =	vst.msk $0xffff, v16  }
0x45: {  	v17 =	vld [tilespmem:s22+$0xFFFFFE00];
	v16 =	vperm.xlane.i2c.b16 v19;
	[tilespmem:s25+$0x1B1 ss:$0x9] =	vst.msk $0xffff, v0;
	v0 =	vcombine.high v4, v2  }
0x46: {  	v22 =	vld [tilespmem:s22+$0x60];
	[tilespmem:s15+$0xFFFFFF70 ss:$0x9] =	vst.msk $0xffff, v6;
	v2 =	vperm.xlane.i2c.b16 v18;
	v6 =	vcombine.high v11, v9  }
0x47: {  	s31 =	simm.s32 $0x100;
	v5 =	vld [tilespmem:s22+$0xFFFFFE50];
	[tilespmem:s25+$0x120 ss:$0x9] =	vst.msk $0xffff, v20;
	v9 =	vcombine.low v11, v9;
	v3 =	vperm.xlane.i2c.b16 v3  }
0x48: {  	s21 =	sand.u32 s19, s31;
	v19 =	vld [tilespmem:s22+$0xFFFFFE10];
	v11 =	vperm.xlane.i2c.b16 v12;
	v63 =	vperm.xlane.i2c.b16 v14;
	[tilespmem:s15+$0xFFFFFFFF ss:$0x9] =	vst.msk $0xffff, v1  }
0x49: {  	s21 =	smul.u32 $0x12, s21;
	v18 =	vld [tilespmem:s22+$0x40];
	v4 =	vperm.xlane.i2c.b16 v8;
	[tilespmem:s15+$0x0 ss:$0x9] =	vst.msk $0xffff, v0;
	v7 =	vcombine.low v3, v13  }
0x4a: {  	v12 =	vld [tilespmem:s22+$0xFFFFFE20];
	[tilespmem:s15+$0xFFFFFC0F ss:$0x9] =	vst.msk $0xffff, v9;
	v13 =	vcombine.high v3, v13;
	v3 =	vcombine.low v23, v15  }
0x4b: {  	s21 =	sshra.s32 s21, $0x2;
	v14 =	vld [tilespmem:s22+$0xFFFFFE30];
	v0 =	vperm.xlane.i2c.b16 v17;
	v17 =	vcombine.low v16, v4;
	[tilespmem:s25+$0x90 ss:$0x9] =	vst.msk $0xffff, v7  }
0x4c: {  	s21 =	sadd.s32 s21, s20;
	v1 =	vld [tilespmem:s22+$0xFFFFFE40];
	v9 =	vperm.xlane.i2c.b16 v22;
	[tilespmem:s15+$0xFFFFFEDF ss:$0x9] =	vst.msk $0xffff, v3  }
0x4d: {  	v8 =	vld [tilespmem:s22+$0x0];
	v7 =	vcombine.high v16, v4;
	v4 =	vcombine.low v10, v11;
	[tilespmem:s21+$0x1B0 ss:$0x9] =	vst.msk $0xffff, v17  }
0x4e: {  	v3 =	vld [tilespmem:s22+$0x10];
	[tilespmem:s25+$0x91 ss:$0x9] =	vst.msk $0xffff, v13;
	v13 =	vcombine.high v10, v11;
	v11 =	vperm.xlane.i2c.b16 v18  }
0x4f: {  	s24 =	simm.s32 $0x200;
	s23 =	sadd.s32 $0x480, s15;
	v17 =	vcombine.high v23, v15;
	v16 =	vld [tilespmem:s22+$0x30];
	[tilespmem:s15+$0xFFFFFE4F ss:$0x9] =	vst.msk $0xffff, v4;
	v4 =	vperm.xlane.i2c.b16 v19  }
0x50: {  	s26 =	sadd.s32 $0x400, s22;
	[tilespmem:s25+$0x121 ss:$0x9] =	vst.msk $0xffff, v21;
	v10 =	vld [tilespmem:s22+$0x20];
	s25 =	smov.u32 s15;
	s22 =	smov.u32 s23;
	v15 =	vcombine.low v11, v63;
	v11 =	vcombine.high v11, v63  }
.LBB1_4:
0x51: {  	p1 =	slt.u32 s24, $0x300  }
0x52: {  	v18 =	vld [tilespmem:s26+$0xFFFFFE70];
	v5 =	vperm.xlane.i2c.b16 v5;
	v19 =	vperm.xlane.i2c.b16 v8;
	s23 =	sadd.s32 $0x480, s23;
	[tilespmem:s25+$0xFFFFFC10 ss:$0x9] =	vst.msk $0xffff, v6;
	s27 =	smov.u32 s24;
	s24 =	sadd.s32 $0x100, s24  }
0x53: {  	v1 =	vperm.xlane.i2c.b16 v1;
	v8 =	vld [tilespmem:s26+$0xFFFFFE00];
	v6 =	vperm.xlane.i2c.b16 v12;
	[tilespmem:s25+$0xFFFFFEE0 ss:$0x9] =	vst.msk $0xffff, v17  }
0x54: {  	v17 =	vcombine.low v9, v2;
	v12 =	vld [tilespmem:s26+$0x70];
	v14 =	vperm.xlane.i2c.b16 v14;
	[tilespmem:s25+$0xFFFFFE50 ss:$0x9] =	vst.msk $0xffff, v13;
	s25 =	smov.u32 s22;
	s22 =	smov.u32 s23  }
0x55: {  	v20 =	vcombine.low v1, v5;
	v21 =	vcombine.high v1, v5;
	v13 =	vld [tilespmem:s26+$0xFFFFFE60];
	[tilespmem:s21+$0x1B1 ss:$0x9] =	vst.msk $0xffff, v7  }
0x56: {  	v7 =	vcombine.high v9, v2;
	v22 =	vld [tilespmem:s26+$0x60];
	v16 =	vperm.xlane.i2c.b16 v16;
	[tilespmem:s25+$0xFFFFFFFF ss:$0x9] =	vst.msk $0xffff, v17  }
0x57: {  	v17 =	vperm.xlane.i2c.b16 v10;
	v1 =	vld [tilespmem:s26+$0xFFFFFE40];
	v9 =	vperm.xlane.i2c.b16 v18;
	[tilespmem:s25+$0xFFFFFF6F ss:$0x9] =	vst.msk $0xffff, v15  }
0x58: {  	v15 =	vcombine.low v6, v14;
	v14 =	vcombine.high v6, v14;
	v10 =	vld [tilespmem:s26+$0x50];
	[tilespmem:s25+$0xFFFFFF70 ss:$0x9] =	vst.msk $0xffff, v11  }
0x59: {  	v11 =	vcombine.low v17, v16;
	v5 =	vld [tilespmem:s26+$0xFFFFFE50];
	v2 =	vperm.xlane.i2c.b16 v12;
	[tilespmem:s25+$0x0 ss:$0x9] =	vst.msk $0xffff, v7  }
0x5a: {  	v6 =	vcombine.high v0, v4;
	v7 =	vperm.xlane.i2c.b16 v13;
	v18 =	vld [tilespmem:s26+$0x40];
	[tilespmem:s21+$0x90 ss:$0x9] =	vst.msk $0xffff, v15  }
0x5b: {  	s27 =	sand.u32 s19, s27;
	v4 =	vcombine.low v0, v4;
	v13 =	vperm.xlane.i2c.b16 v3;
	v15 =	vld [tilespmem:s26+$0xFFFFFE10];
	[tilespmem:s25+$0xFFFFFEDF ss:$0x9] =	vst.msk $0xffff, v11  }
0x5c: {  	s27 =	smul.u32 $0x12, s27;
	v0 =	vperm.xlane.i2c.b16 v8;
	v11 =	vcombine.low v7, v9;
	v8 =	vld [tilespmem:s26+$0x0];
	[tilespmem:s21+$0x120 ss:$0x9] =	vst.msk $0xffff, v20  }
.Ltmp3:
0x5d: {  	v7 =	vcombine.high v7, v9;
	v3 =	vld [tilespmem:s26+$0x10];
	[tilespmem:s25+$0xFFFFFC0F ss:$0x9] =	vst.msk $0xffff, v4;
	v4 =	vcombine.low v19, v13;
	(pc) =	sbr.rel @p1 .LBB1_4-.Ltmp3, $4  }
0x5e: {  	s27 =	sshra.s32 s27, $0x2;
	v20 =	vperm.xlane.i2c.b16 v10;
	v13 =	vcombine.high v19, v13;
	v12 =	vld [tilespmem:s26+$0xFFFFFE20];
	[tilespmem:s21+$0x91 ss:$0x9] =	vst.msk $0xffff, v14  }
0x5f: {  	s27 =	sadd.s32 s27, s20;
	v9 =	vperm.xlane.i2c.b16 v22;
	v14 =	vld [tilespmem:s26+$0xFFFFFE30];
	v18 =	vperm.xlane.i2c.b16 v18;
	[tilespmem:s25+$0xFFFFFE4F ss:$0x9] =	vst.msk $0xffff, v4  }
0x60: {  	v17 =	vcombine.high v17, v16;
	v4 =	vperm.xlane.i2c.b16 v15;
	[tilespmem:s27+$0x1B0 ss:$0x9] =	vst.msk $0xffff, v11;
	v10 =	vld [tilespmem:s26+$0x20]  }
0x61: {  	v16 =	vld [tilespmem:s26+$0x30];
	v15 =	vcombine.low v18, v20;
	v11 =	vcombine.high v18, v20;
	s26 =	sadd.s32 $0x400, s26;
	[tilespmem:s21+$0x121 ss:$0x9] =	vst.msk $0xffff, v21;
	s21 =	smov.u32 s27  }
0x62: {  	[tilespmem:s25+$0xFFFFFC10 ss:$0x9] =	vst.msk $0xffff, v6  }
0x63: {  	[tilespmem:s25+$0xFFFFFEE0 ss:$0x9] =	vst.msk $0xffff, v17  }
0x64: {  	[tilespmem:s25+$0xFFFFFE50 ss:$0x9] =	vst.msk $0xffff, v13  }
0x65: {  	v51 =	vcombine.low v9, v2;
	[tilespmem:s21+$0x1B1 ss:$0x9] =	vst.msk $0xffff, v7  }
0x66: {  	v5 =	vperm.xlane.i2c.b16 v5;
	[tilespmem:s22+$0xFFFFFF6F ss:$0x9] =	vst.msk $0xffff, v15  }
0x67: {  	v54 =	vcombine.high v9, v2;
	v59 =	vcombine.low v0, v4;
	[tilespmem:s22+$0xFFFFFFFF ss:$0x9] =	vst.msk $0xffff, v51  }
0x68: {  	v1 =	vperm.xlane.i2c.b16 v1;
	v57 =	vperm.xlane.i2c.b16 v8;
	[tilespmem:s22+$0xFFFFFF70 ss:$0x9] =	vst.msk $0xffff, v11  }
0x69: {  	v3 =	vperm.xlane.i2c.b16 v3;
	v61 =	vcombine.high v0, v4;
	[tilespmem:s22+$0xFFFFFC0F ss:$0x9] =	vst.msk $0xffff, v59  }
0x6a: {  	v58 =	vcombine.low v1, v5;
	[tilespmem:s22+$0x0 ss:$0x9] =	vst.msk $0xffff, v54  }
0x6b: {  	v12 =	vperm.xlane.i2c.b16 v12;
	v60 =	vcombine.low v57, v3;
	[tilespmem:s22+$0xFFFFFC10 ss:$0x9] =	vst.msk $0xffff, v61  }
0x6c: {  	v52 =	vperm.xlane.i2c.b16 v14;
	v1 =	vcombine.high v1, v5;
	[tilespmem:s21+$0x120 ss:$0x9] =	vst.msk $0xffff, v58  }
0x6d: {  	v63 =	vcombine.high v57, v3;
	v55 =	vperm.xlane.i2c.b16 v10;
	[tilespmem:s22+$0xFFFFFE4F ss:$0x9] =	vst.msk $0xffff, v60  }
0x6e: {  	p1 =	slt.u32 s18, $0x6;
	v53 =	vperm.xlane.i2c.b16 v16;
	v56 =	vcombine.low v12, v52;
	[tilespmem:s21+$0x121 ss:$0x9] =	vst.msk $0xffff, v1  }
.Ltmp4:
0x6f: {  	v7 =	vcombine.high v12, v52;
	[tilespmem:s22+$0xFFFFFE50 ss:$0x9] =	vst.msk $0xffff, v63;
	(pc) =	sbr.rel @p1 .LBB1_3-.Ltmp4, $4  }
0x70: {  	v10 =	vcombine.low v55, v53;
	[tilespmem:s21+$0x90 ss:$0x9] =	vst.msk $0xffff, v56  }
0x71: {  	v62 =	vcombine.high v55, v53;
	[tilespmem:s21+$0x91 ss:$0x9] =	vst.msk $0xffff, v7  }
0x72: {  	s19 =	sadd.s32 $0x2, s18;
	[tilespmem:s22+$0xFFFFFEDF ss:$0x9] =	vst.msk $0xffff, v10  }
0x73: {  	s15 =	sadd.s32 $0x2, s15;
	s16 =	sadd.s32 $0x80, s16;
	s18 =	smov.u32 s19;
	[tilespmem:s22+$0xFFFFFEE0 ss:$0x9] =	vst.msk $0xffff, v62  }
0x74: {  	s13 =	sshll.u32 s13, $0x7;
	s15 =	sshll.u32 s12, $0x3  }
0x75: {  	s16 =	sand.u32 $0xFFFFFC00, s13;
	s15 =	sand.u32 $0xFFFFFC00, s15  }
0x76: {  	s26 =	sshll.u32 s12, $0x1;
	s13 =	sand.u32 $0x300, s13;
	s15 =	sadd.s32 s15, s16  }
0x77: {  	s27 =	sand.u32 $0x80, s26;
	s13 =	sor.u32 s13, s15  }
0x78: {  	s13 =	sor.u32 s27, s13  }
0x79: {  	s13 =	sshrl.u32 s13, $0x7  }
0x7a: {  	s28 =	smulhi.u32 $0x14F8B59, s13;
	_ =	sdelay $0x1  }
0x7b: {  	s15 =	sshrl.u32 s28, $0xE  }
0x7c: {  	s15 =	smul.u32 $0x30D400, s15  }
.Ltmp5:
0x7d: {  	s29 =	sshrl.u32 s12, $0x3;
	(pc) =	sbr.rel .LBB1_7-.Ltmp5, $4  }
0x7e: {  	s31 =	sand.u32 $0x7, s12;
	s30 =	sand.u32 $0x7, s29;
	s13 =	ssub.s32 s13, s15  }
0x7f: {  	s12 =	sshll.u32 s31, $0x12;
	s15 =	sadd.s32 s6, s30;
	s13 =	sshll.u32 s13, $0x3  }
0x80: {  	s12 =	sor.u32 $0x8, s12;
	s13 =	sadd.s32 s13, s15  }
0x81: {  	[hbm4b:s13+s12] =	stream.strided.scatter [tilespmem:s14], [sflag:$0x2], $0x1000, s8, s12, $0x0;
	[tilespmem:$0x4400] =	vst v63  }
.LBB1_8:
0x82: {  	_ =	sfence.sel $0x180000  }
0x83: {  	s2 =	simm.s32 $0x1;
	[bflag:$0x0] =	sbarrier.arrive $0xFFFF  }
0x84: {  	s31 =	simm.s32 $0x2;
	[sflag:s2] =	ssyncpa.u1 $0x1  }
0x85: {  	[sflag:s31] =	ssyncpa.u1 $0x1  }
0x86: {  	p0 =	sne.s32 s0, $0x0;
	_ =	strace $0x90000047  }
0x87: {  	s0 =	sadd.s32 @!p0 $0x100000, s1;
	[bflag:$0x2] =	sbarrier.arrive $0xFFFF  }
0x88: {  	[sflag:s0] =	ssyncadd.tile.s32 @!p0 $0x1;
	_ =	shalt  }
.Lfunc_end1:
_tile_overlayer_lowered:
.L_overlay_start_2:
0x89: {  	(tag) =	ssettag $0x2  }
0x8a: {  	s0 =	rddreg [dreg:$0x0];
	s2 =	stileid.u32  }
0x8b: {  	s1 =	rddreg [dreg:$0x1];
	p0 =	sne.s32 s2, $0x0  }
0x8c: {  	s3 =	rddreg [dreg:$0x2];
	[bflag:$0x3] =	sbarrier.arrive $0xFFFF;
	s2 =	simm.s32 @!p0 $0x1C01  }
0x8d: {  	[timem:s3], [sflag:s2] =	dma.local @!p0 [hbm:s0], s1  }
0x8e: {  	s0 =	simm.s32 @!p0 $0x1  }
0x8f: {  	_ =	swait.ge @!p0 [sflag:s0], s1  }
0x90: {  	s1 =	ssub.s32 @!p0 $0x0, s1;
	[sflag:s0] =	ssyncset.done @!p0 $0x0  }
0x91: {  	[sflag:s0] =	ssyncadd.s32 @!p0 s1  }
0x92: {  	[bflag:$0x3] =	sbarrier.arrive $0xFFFF  }
0x93: {  	_ =	shalt  }

// kernel: sparse-core-data-format-call.cloned.1.call-start
scs
called_computation_lowered:
.L_overlay_start_0:
0x0: {  	s1 =	sld [smem:$0x3FD9]  }
0x1: {  	s2 =	sld [smem:$0x3FFE];
	_ =	sdelay $0x1  }
0x2: {  	s3 =	srdreg.scid  }
0x3: {  	s0 =	sand.u32 $0x1, s3  }
0x4: {  	s17 =	sshll.u32 s0, $0xA;
	s1 =	sadd.s32 s2, s1  }
0x5: {  	s1 =	sadd.s32 s1, s17  }
0x6: {  	[smem:$0x3FBC] =	sst s1  }
0x7: {  	_ = 	snop  }
0x8: {  	(tm) =	ssettm $0x1  }
0x9: {  	s18 =	sld [smem:$0x3FFB];
	_ =	sdelay $0x3  }
0xa: {  	_ =	strace s18  }
0xb: {  	s1 =	sld [smem:$0x3FFC];
	_ =	sdelay $0x3  }
0xc: {  	_ =	strace s1  }
0xd: {  	s1 =	sld [smem:$0x3FFD];
	_ =	sdelay $0x3  }
0xe: {  	_ =	strace s1  }
0xf: {  	_ =	strace $0x8FFFFFFF  }
0x10: {  	s19 =	sld [smem:$0x3FDB];
	_ =	sdelay $0x1  }
0x11: {  	s20 =	simm.s32 $_scs_section_size  }
0x12: {  	s4 =	simm.s32 $_size__tile_overlayer_lowered;
	s5 =	simm.s32 $_tile_overlayer_lowered  }
0x13: {  	s23 =	simm.s32 $0x1BFF;
	s22 =	sshll.u32 s5, $0x1;
	s1 =	sadd.s32 s20, s19  }
0x14: {  	s6 =	simm.s32 $0x0;
	s21 =	sshll.u32 s4, $0x1;
	s4 =	sadd.s32 s22, s1  }
0x15: {  	[timem:s6], [sflag:s23] =	dma.local [hbm:s4], s21  }
0x16: {  	_ =	swait.ge [sflag:s23], s21  }
0x17: {  	s2 =	ssub.s32 $0x0, s21;
	[sflag:s23] =	ssyncset.done $0x0  }
0x18: {  	[sflag:s23] =	ssyncadd.s32 s2;
	_ =	sdelay $0x1  }
0x19: {  	s24 =	simm.s32 $0x1B8B  }
0x1a: {  	_ =	swait.ge [sflag:s24], $0x1  }
0x1b: {  	[sflag:s24] =	ssyncset.done $0x0  }
0x1c: {  	s26 =	simm.s32 $0x1B8E;
	s25 =	sld [smem:$0x3FFE];
	[sflag:s24] =	ssyncadd.s32 $0xFFFFFFFF  }
0x1d: {  	s27 =	simm.s32 $execute0_lowered;
	[smem:$0x3FD2] =	sst s26  }
0x1e: {  	s4 =	sshll.u32 s27, $0x1;
	_ =	strace $0x80000049;
	[dreg:$0x1] =	wrdreg $0xFFFFFFFF  }
0x1f: {  	s28 =	simm.s32 $_size_execute0_lowered;
	s1 =	sadd.s32 s1, s4;
	[dreg:$0x0] =	wrdreg $0x0  }
0x20: {  	s4 =	sshll.u32 s28, $0x1;
	[dreg:$0x2] =	wrdreg s1  }
0x21: {  	[dreg:$0x3] =	wrdreg s4  }
0x22: {  	[dreg:$0x4] =	wrdreg $0xC0  }
0x23: {  	_ =	task [dreg:s6], $0x5FFFF  }
0x24: {  	[dreg:$0x1] =	wrdreg $0xFFFFFFFF  }
0x25: {  	[dreg:$0x0] =	wrdreg $0x60  }
0x26: {  	[dreg:$0x2] =	wrdreg s25  }
0x27: {  	[dreg:$0x3] =	wrdreg $0x9  }
0x28: {  	_ =	task.clear_ibuf [dreg:s6], $0x4FFFF;
	_ =	strace $0x90000049  }
0x29: {  	s29 =	simm.s32 $0x9;
	_ =	strace $0x8000004B  }
0x2a: {  	_ =	swait.ge [sflag:s29], $0x1  }
0x2b: {  	[sflag:s29] =	ssyncadd.s32 $0xFFFFFFFF  }
0x2c: {  	_ =	strace $0x9000004B  }
0x2d: {  	_ =	sfence  }
0x2e: {  	s30 =	sld [smem:$0x0];
	_ =	sdelay $0x2  }
0x2f: {  	s31 =	sshll.u32 s3, $0xD;
	s3 =	sshrl.u32 s3, $0x2  }
0x30: {  	s2 =	sand.u32 $0x4000, s31;
	s1 =	sadd.s32 s3, s30  }
0x31: {  	s0 =	sor.u32 s2, s0;
	s1 =	sshll.u32 s1, $0x11  }
0x32: {  	s0 =	sor.u32 s1, s0  }
0x33: {  	s0 =	sadd.s32 $0x8F2B, s0  }
0x34: {  	[sflag:s0] =	ssyncadd.remote.s32 $0x1  }
0x35: {  	_ =	sfence.sel $0xFFFF  }
0x36: {  	[dreg:$0x0] =	wrdreg $0xFFFFFFFF;
	(pc) =	sbr.abs _section_cstart, $3  }
0x37: {  	[dreg:$0x1] =	wrdreg $0xFFFFFFFF  }
0x38: {  	_ =	task.clear_ibuf [dreg:s6], $0x2FFFF;
	_ =	strace $0x9FFFFFFF  }
0x39: {  	(tm) =	ssettm $0x7FFFFFFF  }
tec
execute0_lowered:
.L_overlay_start_1:
0x0: {  	(tag) =	ssettag $0x1  }
0x1: {  	s0 =	srdreg.scid  }
0x2: {  	s5 =	rddreg [dreg:$0x0];
	s1 =	stileid.u32;
	s4 =	simm.s32 $0x1  }
0x3: {  	s6 =	simm.s32 $0x2;
	s8 =	simm.s32 $0x0;
	s2 =	sshll.u32 s0, $0x4  }
0x4: {  	s9 =	simm.s32 $0x0;
	s13 =	simm.s32 $0x0;
	s2 =	sand.u32 $0x10, s2  }
.Ltmp0:
0x5: {  	s10 =	simm.s32 $0x0;
	s3 =	sor.u32 s1, s2;
	(pc) =	sbr.rel .LBB1_1-.Ltmp0, $4  }
0x6: {  	s0 =	rddreg [dreg:$0x1];
	_ =	strace $0x8000004A;
	s3 =	sshll.u32 s3, $0x4  }
0x7: {  	s12 =	simm.s32 $0x0;
	[sflag:s4] =	ssyncpa.u1 $0x0;
	s7 =	ssub.s32 $0x30D0, s3  }
0x8: {  	s2 =	sadd.s32 $0x18C600, s5;
	[sflag:s6] =	ssyncpa.u1 $0x0;
	s6 =	sshrl.u32 s7, $0x9  }
0x9: {  	s5 =	sadd.s32 $0x5C00, s5;
	s11 =	smov.u32 s3;
	s7 =	sadd.s32 $0x2, s6  }
.LBB1_7:
0xa: {  	s15 =	sshll.u32 s12, $0xF  }
0xb: {  	s15 =	sand.u32 $0x8000, s15  }
0xc: {  	s16 =	sshll.u32 s10, $0x7;
	s15 =	sshrl.u32 s15, $0x1  }
0xd: {  	s16 =	sadd.s32 s5, s16;
	s15 =	sor.u32 $0x8000, s15  }
0xe: {  	[hbm4b:s16+s8] =	stream.linear.scatter [tilespmem:s15], [sflag:$0x2], s14, $0x38;
	[tilespmem:$0x10000] =	vst v63  }
.LBB1_8:
0xf: {  	p0 =	slt.u32 s12, $0x2  }
0x10: {  	p1 =	sgt.s32 @!p0 s13, $0x30C4  }
0x11: {  	s14 =	smov.u32 s13;
	s15 =	sshra.s32 @!p0 s13, $0x1F;
	p1 =	por !p1, p0  }
0x12: {  	s13 =	sand.u32 @!p0 s15, s13;
	s14 =	simm.s32 @p1 $0x30C4  }
0x13: {  	s13 =	ssub.s32 @!p0 s14, s13  }
0x14: {  	s13 =	sadd.s32 @!p0 $0xFFFFCF3C, s13  }
0x15: {  	s14 =	sshll.u32 @!p0 s13, $0xC  }
0x16: {  	p1 =	sgt.s32 @!p0 s13, $0xF;
	s13 =	ssub.s32 @!p0 $0x10000, s14  }
0x17: {  	s15 =	sadd.s32 $0x200, s11;
	p1 =	por !p1, p0;
	s13 =	sshrl.u32 @!p0 s13, $0x2  }
0x18: {  	s13 =	simm.s32 @!p1 $0x0;
	p1 =	sgt.s32 s15, $0x30D3  }
0x19: {  	s15 =	smov.u32 @p1 s3;
	p1 =	sne.s32 s12, s7  }
.Ltmp1:
0x1a: {  	_ = 	snop;
	(pc) =	sbr.rel @!p1 .LBB1_9-.Ltmp1, $4  }
0x1b: {  	s14 =	simm.s32 @!p0 $0x2  }
0x1c: {  	s9 =	sadd.s32 $0x8000, s9;
	_ =	swait.ge @!p0 [sflag:s14], s13;
	s16 =	ssub.s32 @!p0 $0x0, s13  }
0x1d: {  	s13 =	smov.u32 s10;
	s12 =	sadd.s32 $0x1, s12;
	[sflag:s14] =	ssyncset.done @!p0 $0x0  }
0x1e: {  	s10 =	smov.u32 s11;
	s11 =	smov.u32 s15;
	[sflag:s14] =	ssyncadd.s32 @!p0 s16  }
.LBB1_1:
0x1f: {  	p0 =	sgt.u32 s12, s6  }
0x20: {  	p1 =	sgt.s32 @!p0 s11, $0x30C4  }
0x21: {  	s14 =	smov.u32 s11;
	s15 =	sshra.s32 @!p0 s11, $0x1F;
	p1 =	por !p1, p0  }
0x22: {  	s15 =	sand.u32 @!p0 s15, s11;
	s14 =	simm.s32 @p1 $0x30C4  }
0x23: {  	s14 =	ssub.s32 @!p0 s14, s15  }
0x24: {  	s14 =	sadd.s32 @!p0 $0xFFFFCF3C, s14  }
0x25: {  	s16 =	sshll.u32 @!p0 s11, $0x7;
	s17 =	simm.s32 @!p0 $0x0;
	s15 =	sshll.u32 @!p0 s14, $0xC  }
0x26: {  	p1 =	sgt.s32 @!p0 s14, $0xF;
	s14 =	ssub.s32 @!p0 $0x10000, s15;
	s15 =	sxor.u32 @!p0 $0xFFFFFFFF, s12  }
0x27: {  	p1 =	por !p1, p0;
	s14 =	sshrl.u32 @!p0 s14, $0x2;
	s15 =	sshll.u32 @!p0 s15, $0xE  }
0x28: {  	s16 =	sadd.s32 @!p0 s2, s16;
	s14 =	simm.s32 @!p1 $0x0;
	s15 =	sand.u32 @!p0 $0x4000, s15  }
0x29: {  	[tilespmem:s15], [sflag:$0x1] =	stream.linear.gather @!p0 [hbm4b:s16+s17], s14, $0x38;
	[tilespmem:$0x10000] =	vst v63  }
0x2a: {  	p0 =	seq.s32 s12, $0x0  }
0x2b: {  	p1 =	sge.u32 @!p0 s12, s7  }
0x2c: {  	p0 =	por p0, p1  }
.Ltmp2:
0x2d: {  	_ = 	snop;
	(pc) =	sbr.rel @p0 .LBB1_8-.Ltmp2, $1  }
0x2e: {  	_ =	sdelay $0x3  }
0x2f: {  	p0 =	sgt.s32 s10, $0x30C4;
	s14 =	smov.u32 s10;
	s15 =	sshra.s32 s10, $0x1F  }
0x30: {  	s14 =	simm.s32 @!p0 $0x30C4;
	s15 =	sand.u32 s15, s10  }
0x31: {  	s14 =	ssub.s32 s14, s15  }
0x32: {  	s16 =	sadd.s32 $0x10, s10;
	s14 =	sadd.s32 $0xFFFFCF3C, s14  }
0x33: {  	p1 =	slt.s32 s16, $0x30D4;
	s30 =	sshll.u32 s14, $0xC  }
0x34: {  	s16 =	simm.s32 @!p1 $0x30D4;
	s15 =	ssub.s32 $0x10000, s30  }
0x35: {  	p0 =	sgt.s32 s14, $0xF;
	s14 =	sshrl.u32 s15, $0x2;
	s15 =	ssub.s32 s16, s10  }
0x36: {  	s14 =	simm.s32 @p0 $0x0;
	p0 =	slt.s32 s15, $0x1  }
.Ltmp3:
0x37: {  	_ = 	snop;
	(pc) =	sbr.rel @p0 .LBB1_7-.Ltmp3, $4  }
0x38: {  	_ = 	snop  }
0x39: {  	_ =	swait.ge [sflag:s4], s14  }
0x3a: {  	s31 =	ssub.s32 $0x0, s14;
	[sflag:s4] =	ssyncset.done $0x0  }
0x3b: {  	[sflag:s4] =	ssyncadd.s32 s31  }
0x3c: {  	s16 =	sshrl.u32 s9, $0x1  }
0x3d: {  	s17 =	sand.u32 $0x4000, s16  }
0x3e: {  	s18 =	simm.s32 $0x0;
	s16 =	sor.u32 $0x200, s17;
	s17 =	sor.u32 $0x8080, s17  }
.LBB1_4:
0x3f: {  	v0 =	vld [tilespmem:s16+$0xFFFFFE70]  }
0x40: {  	v1 =	vld [tilespmem:s16+$0x70]  }
0x41: {  	v2 =	vld [tilespmem:s16+$0x0]  }
0x42: {  	v3 =	vld [tilespmem:s16+$0xFFFFFE10]  }
0x43: {  	v4 =	vld [tilespmem:s16+$0x10]  }
0x44: {  	v5 =	vld [tilespmem:s16+$0xFFFFFE20]  }
0x45: {  	v7 =	vld [tilespmem:s16+$0x20]  }
0x46: {  	v11 =	vld [tilespmem:s16+$0x30];
	v6 =	vunpack.i.l.s16.s32 v0;
	v8 =	vunpack.i.u.s16.s32 v0;
	v9 =	vunpack.i.u.s16.s32 v1  }
0x47: {  	v10 =	vunpack.i.l.s16.s32 v1;
	v0 =	vunpack.i.u.s16.s32 v2;
	v1 =	vunpack.i.l.s16.s32 v2;
	v2 =	vld [tilespmem:s16+$0xFFFFFE30]  }
0x48: {  	v8 =	vpack.i.b32.b16 v9, v8;
	v9 =	vunpack.i.u.s16.s32 v3;
	v3 =	vunpack.i.l.s16.s32 v3  }
0x49: {  	v12 =	vld [tilespmem:s16+$0xFFFFFE40];
	v6 =	vpack.i.b32.b16 v10, v6;
	[tilespmem:s17+$0x70] =	vst v8;
	v8 =	vunpack.i.u.s16.s32 v4;
	v4 =	vunpack.i.l.s16.s32 v4  }
0x4a: {  	v13 =	vld [tilespmem:s16+$0x40];
	v10 =	vunpack.i.u.s16.s32 v5;
	v5 =	vunpack.i.l.s16.s32 v5;
	[tilespmem:s17+$0xFFFFFFF0] =	vst v6;
	v3 =	vpack.i.b32.b16 v4, v3  }
0x4b: {  	v6 =	vunpack.i.l.s16.s32 v7;
	v4 =	vld [tilespmem:s16+$0xFFFFFE50];
	[tilespmem:s17+$0xFFFFFF90] =	vst v3;
	v3 =	vpack.i.b32.b16 v8, v9;
	v8 =	vunpack.i.u.s16.s32 v7  }
0x4c: {  	v7 =	vunpack.i.l.s16.s32 v11;
	[tilespmem:s17+$0x10] =	vst v3;
	v3 =	vpack.i.b32.b16 v6, v5;
	v9 =	vunpack.i.u.s16.s32 v2;
	v6 =	vld [tilespmem:s16+$0x50]  }
0x4d: {  	v5 =	vunpack.i.l.s16.s32 v2;
	v2 =	vld [tilespmem:s16+$0xFFFFFE60];
	[tilespmem:s17+$0xFFFFFFA0] =	vst v3;
	v3 =	vpack.i.b32.b16 v8, v10;
	v10 =	vunpack.i.u.s16.s32 v11  }
0x4e: {  	s21 =	simm.s32 $0x0;
	v11 =	vpack.i.b32.b16 v7, v5;
	v7 =	vunpack.i.u.s16.s32 v12;
	v8 =	vunpack.i.l.s16.s32 v12;
	[tilespmem:s17+$0x20] =	vst v3;
	v3 =	vld [tilespmem:s16+$0x60]  }
0x4f: {  	s22 =	sadd.s32 $0x80, s16;
	s20 =	smov.u32 s17;
	s19 =	smov.u32 s17;
	v5 =	vld [tilespmem:s16+$0xFFFFFE00];
	[tilespmem:s17+$0xFFFFFFB0] =	vst v11;
	v10 =	vpack.i.b32.b16 v10, v9;
	v9 =	vunpack.i.u.s16.s32 v13;
	v11 =	vunpack.i.l.s16.s32 v13  }
.LBB1_5:
0x50: {  	v12 =	vld [tilespmem:s22+$0xFFFFFE70];
	[tilespmem:s20+$0x30] =	vst v10;
	v8 =	vpack.i.b32.b16 v11, v8;
	v10 =	vunpack.i.u.s16.s32 v4;
	v4 =	vunpack.i.l.s16.s32 v4  }
0x51: {  	s21 =	sadd.s32 $0x2, s21;
	v7 =	vpack.i.b32.b16 v9, v7;
	v11 =	vld [tilespmem:s22+$0x70];
	[tilespmem:s20+$0xFFFFFFC0] =	vst v8;
	v8 =	vunpack.i.u.s16.s32 v6;
	v6 =	vunpack.i.l.s16.s32 v6  }
0x52: {  	p0 =	slt.u32 s21, $0x6;
	v9 =	vld [tilespmem:s22+$0x0];
	[tilespmem:s20+$0x40] =	vst v7;
	v4 =	vpack.i.b32.b16 v6, v4;
	v6 =	vunpack.i.u.s16.s32 v2;
	v2 =	vunpack.i.l.s16.s32 v2  }
0x53: {  	v7 =	vld [tilespmem:s22+$0xFFFFFE10];
	[tilespmem:s20+$0xFFFFFFD0] =	vst v4;
	v4 =	vpack.i.b32.b16 v8, v10;
	v8 =	vunpack.i.u.s16.s32 v3;
	v3 =	vunpack.i.l.s16.s32 v3  }
0x54: {  	v10 =	vld [tilespmem:s22+$0x10];
	v13 =	vunpack.i.u.s16.s32 v5;
	v5 =	vunpack.i.l.s16.s32 v5;
	[tilespmem:s20+$0x50] =	vst v4;
	v2 =	vpack.i.b32.b16 v3, v2  }
0x55: {  	v3 =	vld [tilespmem:s22+$0xFFFFFE20];
	v4 =	vunpack.i.l.s16.s32 v12;
	v1 =	vpack.i.b32.b16 v1, v5;
	v5 =	vpack.i.b32.b16 v0, v13;
	[tilespmem:s20+$0xFFFFFFE0] =	vst v2  }
0x56: {  	v12 =	vunpack.i.u.s16.s32 v12;
	v2 =	vld [tilespmem:s22+$0x20];
	v13 =	vunpack.i.u.s16.s32 v11;
	v11 =	vunpack.i.l.s16.s32 v11;
	[tilespmem:s20+$0xFFFFFF80] =	vst v1  }
0x57: {  	s20 =	sadd.s32 $0x100, s20;
	v0 =	vunpack.i.u.s16.s32 v9;
	v1 =	vunpack.i.l.s16.s32 v9;
	v9 =	vld [tilespmem:s22+$0xFFFFFE30];
	v12 =	vpack.i.b32.b16 v13, v12;
	[tilespmem:s19+$0x0] =	vst v5  }
0x58: {  	v6 =	vpack.i.b32.b16 v8, v6;
	v5 =	vunpack.i.u.s16.s32 v7;
	v7 =	vunpack.i.l.s16.s32 v7;
	v13 =	vld [tilespmem:s22+$0x30];
	[tilespmem:s20+$0x70] =	vst v12  }
0x59: {  	v4 =	vpack.i.b32.b16 v11, v4;
	v8 =	vunpack.i.u.s16.s32 v10;
	v10 =	vunpack.i.l.s16.s32 v10;
	v12 =	vld [tilespmem:s22+$0xFFFFFE40];
	[tilespmem:s19+$0x60] =	vst v6;
	s19 =	smov.u32 s20  }
0x5a: {  	v6 =	vpack.i.b32.b16 v10, v7;
	v7 =	vunpack.i.u.s16.s32 v3;
	v3 =	vunpack.i.l.s16.s32 v3;
	v11 =	vld [tilespmem:s22+$0x40];
	[tilespmem:s20+$0xFFFFFFF0] =	vst v4  }
.Ltmp4:
0x5b: {  	v5 =	vpack.i.b32.b16 v8, v5;
	[tilespmem:s20+$0xFFFFFF90] =	vst v6;
	v8 =	vunpack.i.u.s16.s32 v2;
	v2 =	vunpack.i.l.s16.s32 v2;
	v4 =	vld [tilespmem:s22+$0xFFFFFE50];
	(pc) =	sbr.rel @p0 .LBB1_5-.Ltmp4, $4  }
0x5c: {  	[tilespmem:s20+$0x10] =	vst v5;
	v2 =	vpack.i.b32.b16 v2, v3;
	v10 =	vunpack.i.u.s16.s32 v9;
	v3 =	vunpack.i.l.s16.s32 v9;
	v6 =	vld [tilespmem:s22+$0x50]  }
0x5d: {  	v5 =	vpack.i.b32.b16 v8, v7;
	[tilespmem:s20+$0xFFFFFFA0] =	vst v2;
	v9 =	vunpack.i.u.s16.s32 v13;
	v7 =	vunpack.i.l.s16.s32 v13;
	v2 =	vld [tilespmem:s22+$0xFFFFFE60]  }
0x5e: {  	[tilespmem:s20+$0x20] =	vst v5;
	v13 =	vpack.i.b32.b16 v7, v3;
	v7 =	vunpack.i.u.s16.s32 v12;
	v8 =	vunpack.i.l.s16.s32 v12;
	v3 =	vld [tilespmem:s22+$0x60]  }
0x5f: {  	v10 =	vpack.i.b32.b16 v9, v10;
	v5 =	vld [tilespmem:s22+$0xFFFFFE00];
	[tilespmem:s20+$0xFFFFFFB0] =	vst v13;
	v9 =	vunpack.i.u.s16.s32 v11;
	v11 =	vunpack.i.l.s16.s32 v11;
	s22 =	sadd.s32 $0x80, s22  }
0x60: {  	[tilespmem:s20+$0x30] =	vst v10;
	v8 =	vpack.i.b32.b16 v11, v8  }
0x61: {  	v51 =	vunpack.i.l.s16.s32 v4;
	v7 =	vpack.i.b32.b16 v9, v7;
	[tilespmem:s20+$0xFFFFFFC0] =	vst v8;
	v52 =	vunpack.i.l.s16.s32 v6  }
0x62: {  	v53 =	vunpack.i.u.s16.s32 v4;
	s18 =	sadd.s32 $0x1, s18;
	v54 =	vunpack.i.u.s16.s32 v6;
	[tilespmem:s20+$0x40] =	vst v7;
	v55 =	vpack.i.b32.b16 v52, v51  }
0x63: {  	p0 =	sne.s32 s18, s15;
	v56 =	vunpack.i.l.s16.s32 v2;
	v4 =	vpack.i.b32.b16 v54, v53;
	[tilespmem:s20+$0xFFFFFFD0] =	vst v55;
	v57 =	vunpack.i.l.s16.s32 v3  }
.Ltmp5:
0x64: {  	[tilespmem:s20+$0x50] =	vst v4;
	v58 =	vunpack.i.l.s16.s32 v5;
	v59 =	vpack.i.b32.b16 v57, v56;
	(pc) =	sbr.rel @p0 .LBB1_4-.Ltmp5, $4  }
.Ltmp6:
0x65: {  	v61 =	vunpack.i.u.s16.s32 v2;
	v62 =	vunpack.i.u.s16.s32 v3;
	v1 =	vpack.i.b32.b16 v1, v58;
	[tilespmem:s20+$0xFFFFFFE0] =	vst v59;
	(pc) =	sbr.rel @!p0 .LBB1_7-.Ltmp6, $4  }
0x66: {  	v60 =	vunpack.i.u.s16.s32 v5;
	v63 =	vpack.i.b32.b16 v62, v61;
	[tilespmem:s20+$0xFFFFFF80] =	vst v1  }
0x67: {  	v0 =	vpack.i.b32.b16 v0, v60;
	[tilespmem:s19+$0x60] =	vst v63  }
0x68: {  	s16 =	sadd.s32 $0x400, s16;
	s17 =	sadd.s32 $0x400, s17;
	[tilespmem:s19+$0x0] =	vst v0  }
0x69: {  	_ = 	snop  }
.LBB1_9:
0x6a: {  	_ =	sfence.sel $0x180000  }
0x6b: {  	s2 =	simm.s32 $0x1;
	[bflag:$0x0] =	sbarrier.arrive $0xFFFF  }
0x6c: {  	s31 =	simm.s32 $0x2;
	[sflag:s2] =	ssyncpa.u1 $0x1  }
0x6d: {  	[sflag:s31] =	ssyncpa.u1 $0x1  }
0x6e: {  	p0 =	sne.s32 s1, $0x0;
	_ =	strace $0x9000004A  }
0x6f: {  	s0 =	sadd.s32 @!p0 $0x100000, s0;
	[bflag:$0x2] =	sbarrier.arrive $0xFFFF  }
0x70: {  	[sflag:s0] =	ssyncadd.tile.s32 @!p0 $0x1;
	_ =	shalt  }
.Lfunc_end1:
_tile_overlayer_lowered:
.L_overlay_start_2:
0x71: {  	(tag) =	ssettag $0x2  }
0x72: {  	s0 =	rddreg [dreg:$0x0];
	s2 =	stileid.u32  }
0x73: {  	s1 =	rddreg [dreg:$0x1];
	p0 =	sne.s32 s2, $0x0  }
0x74: {  	s3 =	rddreg [dreg:$0x2];
	[bflag:$0x3] =	sbarrier.arrive $0xFFFF;
	s2 =	simm.s32 @!p0 $0x1C01  }
0x75: {  	[timem:s3], [sflag:s2] =	dma.local @!p0 [hbm:s0], s1  }
0x76: {  	s0 =	simm.s32 @!p0 $0x1  }
0x77: {  	_ =	swait.ge @!p0 [sflag:s0], s1  }
0x78: {  	s1 =	ssub.s32 @!p0 $0x0, s1;
	[sflag:s0] =	ssyncset.done @!p0 $0x0  }
0x79: {  	[sflag:s0] =	ssyncadd.s32 @!p0 s1  }
0x7a: {  	[bflag:$0x3] =	sbarrier.arrive $0xFFFF  }
0x7b: {  	_ =	shalt  }

</sc_bundles>
